<compile_context>
chip_gen: v7x
topology: tpu7x:2x2x1
jax: 0.10.2.dev20260603
libtpu: 0.0.44.dev20260713+nightly
codegen_flags: <defaults>
</compile_context>

<pallas_src>
import functools

import jax
import jax.numpy as jnp
from jax import lax
from jax.experimental import pallas as pl
from jax.experimental.pallas import tpu as pltpu
from jax.experimental.pallas import tpu_sc as plsc

_NC = 2
_NS = 16
_NW = _NC * _NS
_L = 16
_TW = 128


def _make_sc_gather(B, N, H):
  b_per_w = B // _NW
  n_tc = (N + _TW - 1) // _TW
  n_chunks = b_per_w // _L
  mesh = plsc.VectorSubcoreMesh(core_axis_name="c", subcore_axis_name="s")

  @functools.partial(
      pl.kernel,
      mesh=mesh,
      out_type=jax.ShapeDtypeStruct((B, 4 * H), jnp.float32),
      compiler_params=pltpu.CompilerParams(
          use_tc_tiling_on_sc=True,
          disable_bounds_checks=True,
          needs_layout_passes=False,
      ),
      scratch_types=[
          pltpu.VMEM((b_per_w + _L,), jnp.int32),
          pltpu.VMEM((2, 2, H, _TW), jnp.float32),
          pltpu.VMEM((2, 2, H, _TW), jnp.float32),
          pltpu.VMEM((2 * _L, 4 * H), jnp.float32),
          pltpu.SemaphoreType.DMA,
          pltpu.SemaphoreType.DMA,
          pltpu.SemaphoreType.DMA,
      ],
  )
  def sc_gather(idx_hbm, mu_hbm, sp_hbm, fused_out,
                idx_v, blk_mu, blk_sp, rowbuf, semf0, semf1, semo):
    wid = lax.axis_index("s") * _NC + lax.axis_index("c")
    base = wid * b_per_w
    iotas = [
        lax.broadcasted_iota(jnp.int32, (_L,), 0) + j * _L
        for j in range(H // _L)
    ]
    zeros16 = jnp.zeros((_L,), jnp.int32)
    fsems = (semf0, semf1)

    pltpu.sync_copy(idx_hbm.at[pl.ds(base, b_per_w)],
                    idx_v.at[pl.ds(0, b_per_w)])

    def fire(ph, pp, s):
      tc = jnp.minimum(lax.shift_right_logical(s, 7), n_tc - 1)
      off = pl.multiple_of(tc * _TW, _TW)
      pltpu.async_copy(mu_hbm.at[:, pl.ds(off, _TW)], blk_mu.at[ph, pp],
                       fsems[ph])
      pltpu.async_copy(sp_hbm.at[:, pl.ds(off, _TW)], blk_sp.at[ph, pp],
                       fsems[ph])

    def extract(ph, pp, s, rowpos):
      rr = jnp.bitwise_and(s, _TW - 1)
      ri = zeros16 + rr
      for j in range(H // _L):
        m = plsc.load_gather(blk_mu.at[ph, pp], [iotas[j], ri])
        p = plsc.load_gather(blk_sp.at[ph, pp], [iotas[j], ri])
        rowbuf[rowpos, pl.ds(j * _L, _L)] = m
        rowbuf[rowpos, pl.ds(H + j * _L, _L)] = p
        rowbuf[rowpos, pl.ds(2 * H + j * _L, _L)] = p * p

    v0 = idx_v[pl.ds(0, _L)]
    fire(0, 0, v0[0])
    fire(0, 1, v0[1])

    def body(c, carry):
      v = idx_v[pl.ds(c * _L, _L)]
      vn = idx_v[pl.ds(c * _L + _L, _L)]
      rbase = jnp.bitwise_and(c, 1) * _L
      for g in range(8):
        ph = g & 1
        nph = (g + 1) & 1
        if g < 7:
          fire(nph, 0, v[2 * g + 2])
          fire(nph, 1, v[2 * g + 3])
        else:
          @pl.when(c < n_chunks - 1)
          def _():
            fire(nph, 0, vn[0])
            fire(nph, 1, vn[1])
        pltpu.make_async_copy(
            mu_hbm.at[:, pl.ds(0, _TW)], blk_mu.at[ph, 0], fsems[ph]).wait()
        pltpu.make_async_copy(
            mu_hbm.at[:, pl.ds(0, _TW)], blk_mu.at[ph, 1], fsems[ph]).wait()
        pltpu.make_async_copy(
            mu_hbm.at[:, pl.ds(0, _TW)], blk_sp.at[ph, 0], fsems[ph]).wait()
        pltpu.make_async_copy(
            mu_hbm.at[:, pl.ds(0, _TW)], blk_sp.at[ph, 1], fsems[ph]).wait()
        extract(ph, 0, v[2 * g], rbase + 2 * g)
        extract(ph, 1, v[2 * g + 1], rbase + 2 * g + 1)

      @pl.when(jnp.bitwise_and(c, 1) == 1)
      def _():
        off = pl.multiple_of(base + (c - 1) * _L, 2 * _L)
        cp = pltpu.async_copy(rowbuf, fused_out.at[pl.ds(off, 2 * _L)], semo)
        cp.wait()

      return carry

    lax.fori_loop(0, n_chunks, body, 0)

  return sc_gather


def kernel(X, indexes, mu, Sigma_param):
  del X
  B = indexes.shape[0]
  N, H = mu.shape
  idx = indexes.astype(jnp.int32)
  fused = _make_sc_gather(B, N, H)(idx, mu.T, Sigma_param.T)
  return (fused[:, :H], fused[:, H:2 * H], fused[:, 2 * H:3 * H])

# --- scband reference (transcript-rebuilt; emitter-appended) ---
"""Pipeline reference for scband-diag-covar-gaussian-variational-params-32968168964110 (READ-ONLY COPY).

The authoritative reference and input builder live on the scoring server;
editing this copy changes nothing except your own understanding.
"""

import jax, jax.numpy as jnp
import numpy as np

N = 1000000
D = 128
H = 64
B = 16384

def setup_inputs(seed: int = 0) -> dict:
    key = jax.random.key(seed)
    k1, k2 = jax.random.split(key, 2)
    X = jax.random.normal(k1, (B, D), dtype=jnp.float32)
    indexes = jax.random.randint(k2, (B,), 0, N, dtype=jnp.int64)
    mu = jnp.zeros((N, H), dtype=jnp.float32)
    Sigma_param = jnp.ones((N, H), dtype=jnp.float32)
    return {"X": X, "indexes": indexes, "mu": mu, "Sigma_param": Sigma_param}

def reference(X, indexes, mu, Sigma_param):
    # DiagCovarGaussianVariationalParams.forward with indexes provided
    L = jnp.take(Sigma_param, indexes, axis=0)
    Sigma = L ** 2
    mu_g = jnp.take(mu, indexes, axis=0)
    return (mu_g, L, Sigma)

if __name__ == "__main__":
    import jax
    _d = setup_inputs()
    print(jax.jit(kernel)(*tuple(_d.values())))

</pallas_src>

<mosaic_0001>
#map = affine_map<(d0, d1) -> (0)>
#map1 = affine_map<(d0, d1) -> (0, 0)>
module attributes {stable_mosaic.version = 14 : i64} {
  func.func @sc_gather(%arg0: i32, %arg1: i32, %arg2: memref<16384xi32, #tpu.memory_space<hbm>>, %arg3: memref<64x1000000xf32, #tpu.memory_space<hbm>>, %arg4: memref<64x1000000xf32, #tpu.memory_space<hbm>>, %arg5: memref<16384x256xf32, #tpu.memory_space<hbm>>, %arg6: memref<528xi32, #tpu.memory_space<vmem>>, %arg7: memref<2x2x64x128xf32, #tpu.memory_space<vmem>>, %arg8: memref<2x2x64x128xf32, #tpu.memory_space<vmem>>, %arg9: memref<32x256xf32, #tpu.memory_space<vmem>>, %arg10: memref<!tpu.dma_semaphore, #tpu.memory_space<semaphore_mem>>, %arg11: memref<!tpu.dma_semaphore, #tpu.memory_space<semaphore_mem>>, %arg12: memref<!tpu.dma_semaphore, #tpu.memory_space<semaphore_mem>>) attributes {dimension_semantics = [#tpu.dimension_semantics<core_parallel>, #tpu.dimension_semantics<subcore_parallel>], iteration_bounds = array<i64: 2, 16>, scalar_prefetch = 0 : i64, scratch_operands = 7 : i64, tpu.core_type = #tpu.core_type<sc_vector_subcore>, window_params = [{transform_indices = #map}, {transform_indices = #map1}, {transform_indices = #map1}, {transform_indices = #map1}]} {
    %mul3A = arith.constant 2 : i32
    %mul3A_0 = arith.muli %arg1, %mul3A : i32
    %add3A = arith.addi %mul3A_0, %arg0 : i32
    %mul3A_1 = arith.constant 512 : i32
    %mul3A_2 = arith.muli %add3A, %mul3A_1 : i32
    %iota3A = tpu.iota {dimensions = array<i32: 0>} : vector<16xi32>
    %add3A_3 = arith.constant 0 : i32
    %add3A_4 = vector.broadcast %add3A_3 : i32 to vector<16xi32>
    %add3A_5 = arith.addi %iota3A, %add3A_4 : vector<16xi32>
    %iota3A_6 = tpu.iota {dimensions = array<i32: 0>} : vector<16xi32>
    %add3A_7 = arith.constant 16 : i32
    %add3A_8 = vector.broadcast %add3A_7 : i32 to vector<16xi32>
    %add3A_9 = arith.addi %iota3A_6, %add3A_8 : vector<16xi32>
    %iota3A_10 = tpu.iota {dimensions = array<i32: 0>} : vector<16xi32>
    %add3A_11 = arith.constant 32 : i32
    %add3A_12 = vector.broadcast %add3A_11 : i32 to vector<16xi32>
    %add3A_13 = arith.addi %iota3A_10, %add3A_12 : vector<16xi32>
    %iota3A_14 = tpu.iota {dimensions = array<i32: 0>} : vector<16xi32>
    %add3A_15 = arith.constant 48 : i32
    %add3A_16 = vector.broadcast %add3A_15 : i32 to vector<16xi32>
    %add3A_17 = arith.addi %iota3A_14, %add3A_16 : vector<16xi32>
    %broadcast_in_dim3A = arith.constant 0 : i32
    %broadcast_in_dim3A_18 = vector.broadcast %broadcast_in_dim3A : i32 to vector<16xi32>
    "tpu.region"() ({
      %run_scoped3A = tpu.sem_alloc : memref<!tpu.dma_semaphore, #tpu.memory_space<semaphore_mem>>
      %dma_start3A_93 = arith.constant 0 : i32
      %dma_start3A_94 = tpu.memref_slice %arg6[%dma_start3A_93] : memref<528xi32, #tpu.memory_space<vmem>> -> memref<512xi32, #tpu.memory_space<vmem>>
      %dma_start3A_95 = tpu.memref_slice %arg2[%mul3A_2] : memref<16384xi32, #tpu.memory_space<hbm>> -> memref<512xi32, #tpu.memory_space<hbm>>
      %dma_start3A_96 = arith.constant 0 : i32
      %dma_start3A_97 = tpu.memref_slice %arg6[%dma_start3A_96] : memref<528xi32, #tpu.memory_space<vmem>> -> memref<512xi32, #tpu.memory_space<vmem>>
      %dma_start3A_98 = tpu.memref_slice %arg2[%mul3A_2] : memref<16384xi32, #tpu.memory_space<hbm>> -> memref<512xi32, #tpu.memory_space<hbm>>
      tpu.enqueue_dma source(%dma_start3A_98 : memref<512xi32, #tpu.memory_space<hbm>>) target(%dma_start3A_97 : memref<512xi32, #tpu.memory_space<vmem>>) target_semaphore(%run_scoped3A : memref<!tpu.dma_semaphore, #tpu.memory_space<semaphore_mem>>)
      %dma_wait3A = arith.constant 0 : i32
      %dma_wait3A_99 = tpu.memref_slice %arg6[%dma_wait3A] : memref<528xi32, #tpu.memory_space<vmem>> -> memref<512xi32, #tpu.memory_space<vmem>>
      %dma_wait3A_100 = tpu.memref_slice %arg2[%mul3A_2] : memref<16384xi32, #tpu.memory_space<hbm>> -> memref<512xi32, #tpu.memory_space<hbm>>
      %dma_wait3A_101 = arith.constant 0 : i32
      %dma_wait3A_102 = tpu.memref_slice %arg6[%dma_wait3A_101] : memref<528xi32, #tpu.memory_space<vmem>> -> memref<512xi32, #tpu.memory_space<vmem>>
      %dma_wait3A_103 = tpu.memref_slice %arg2[%mul3A_2] : memref<16384xi32, #tpu.memory_space<hbm>> -> memref<512xi32, #tpu.memory_space<hbm>>
      tpu.wait_dma2 semaphore(%run_scoped3A : memref<!tpu.dma_semaphore, #tpu.memory_space<semaphore_mem>>) src(%dma_wait3A_103 : memref<512xi32, #tpu.memory_space<hbm>>) dst(%dma_wait3A_102 : memref<512xi32, #tpu.memory_space<vmem>>)
      tpu.yield
    }) : () -> ()
    %get3A = arith.constant 0 : index
    %get3A_19 = tpu.vector_load %arg6[%get3A] {strides = array<i32>} : memref<528xi32, #tpu.memory_space<vmem>>, vector<16xi32>,
    %slice3A = vector.extract_strided_slice %get3A_19 {offsets = [0], sizes = [1], strides = [1]} : vector<16xi32> to vector<1xi32>
    %squeeze3A = vector.extract %slice3A[0] : i32 from vector<1xi32>
    %shift_right_logical3A = arith.constant 7 : i32
    %shift_right_logical3A_20 = arith.shrui %squeeze3A, %shift_right_logical3A : i32
    %min3A = arith.constant 7812 : i32
    %min3A_21 = arith.minsi %shift_right_logical3A_20, %min3A : i32
    %mul3A_22 = arith.constant 128 : i32
    %mul3A_23 = arith.muli %min3A_21, %mul3A_22 : i32
    %multiple_of3A = tpu.assume_multiple %mul3A_23, 128 : i32
    %dma_start3A = arith.constant 0 : i32
    %dma_start3A_24 = arith.constant 0 : i32
    %dma_start3A_25 = arith.constant 0 : i32
    %dma_start3A_26 = arith.constant 0 : i32
    %dma_start3A_27 = tpu.memref_slice %arg7[%dma_start3A, %dma_start3A_24, %dma_start3A_25, %dma_start3A_26] : memref<2x2x64x128xf32, #tpu.memory_space<vmem>> -> memref<1x1x64x128xf32, #tpu.memory_space<vmem>>
    %dma_start3A_28 = tpu.memref_squeeze %dma_start3A_27 : memref<1x1x64x128xf32, #tpu.memory_space<vmem>> -> memref<64x128xf32, #tpu.memory_space<vmem>>
    %dma_start3A_29 = arith.constant 0 : i32
    %dma_start3A_30 = tpu.memref_slice %arg3[%dma_start3A_29, %multiple_of3A] : memref<64x1000000xf32, #tpu.memory_space<hbm>> -> memref<64x128xf32, #tpu.memory_space<hbm>>
    %dma_start3A_31 = arith.constant 0 : i32
    %dma_start3A_32 = arith.constant 0 : i32
    %dma_start3A_33 = tpu.memref_slice %arg7[%dma_start3A, %dma_start3A_24, %dma_start3A_31, %dma_start3A_32] : memref<2x2x64x128xf32, #tpu.memory_space<vmem>> -> memref<1x1x64x128xf32, #tpu.memory_space<vmem>>
    %dma_start3A_34 = tpu.memref_squeeze %dma_start3A_33 : memref<1x1x64x128xf32, #tpu.memory_space<vmem>> -> memref<64x128xf32, #tpu.memory_space<vmem>>
    %dma_start3A_35 = arith.constant 0 : i32
    %dma_start3A_36 = tpu.memref_slice %arg3[%dma_start3A_35, %multiple_of3A] : memref<64x1000000xf32, #tpu.memory_space<hbm>> -> memref<64x128xf32, #tpu.memory_space<hbm>>
    tpu.enqueue_dma source(%dma_start3A_36 : memref<64x128xf32, #tpu.memory_space<hbm>>) target(%dma_start3A_34 : memref<64x128xf32, #tpu.memory_space<vmem>>) target_semaphore(%arg10 : memref<!tpu.dma_semaphore, #tpu.memory_space<semaphore_mem>>)
    %dma_start3A_37 = arith.constant 0 : i32
    %dma_start3A_38 = arith.constant 0 : i32
    %dma_start3A_39 = arith.constant 0 : i32
    %dma_start3A_40 = arith.constant 0 : i32
    %dma_start3A_41 = tpu.memref_slice %arg8[%dma_start3A_37, %dma_start3A_38, %dma_start3A_39, %dma_start3A_40] : memref<2x2x64x128xf32, #tpu.memory_space<vmem>> -> memref<1x1x64x128xf32, #tpu.memory_space<vmem>>
    %dma_start3A_42 = tpu.memref_squeeze %dma_start3A_41 : memref<1x1x64x128xf32, #tpu.memory_space<vmem>> -> memref<64x128xf32, #tpu.memory_space<vmem>>
    %dma_start3A_43 = arith.constant 0 : i32
    %dma_start3A_44 = tpu.memref_slice %arg4[%dma_start3A_43, %multiple_of3A] : memref<64x1000000xf32, #tpu.memory_space<hbm>> -> memref<64x128xf32, #tpu.memory_space<hbm>>
    %dma_start3A_45 = arith.constant 0 : i32
    %dma_start3A_46 = arith.constant 0 : i32
    %dma_start3A_47 = tpu.memref_slice %arg8[%dma_start3A_37, %dma_start3A_38, %dma_start3A_45, %dma_start3A_46] : memref<2x2x64x128xf32, #tpu.memory_space<vmem>> -> memref<1x1x64x128xf32, #tpu.memory_space<vmem>>
    %dma_start3A_48 = tpu.memref_squeeze %dma_start3A_47 : memref<1x1x64x128xf32, #tpu.memory_space<vmem>> -> memref<64x128xf32, #tpu.memory_space<vmem>>
    %dma_start3A_49 = arith.constant 0 : i32
    %dma_start3A_50 = tpu.memref_slice %arg4[%dma_start3A_49, %multiple_of3A] : memref<64x1000000xf32, #tpu.memory_space<hbm>> -> memref<64x128xf32, #tpu.memory_space<hbm>>
    tpu.enqueue_dma source(%dma_start3A_50 : memref<64x128xf32, #tpu.memory_space<hbm>>) target(%dma_start3A_48 : memref<64x128xf32, #tpu.memory_space<vmem>>) target_semaphore(%arg10 : memref<!tpu.dma_semaphore, #tpu.memory_space<semaphore_mem>>)
    %slice3A_51 = vector.extract_strided_slice %get3A_19 {offsets = [1], sizes = [1], strides = [1]} : vector<16xi32> to vector<1xi32>
    %squeeze3A_52 = vector.extract %slice3A_51[0] : i32 from vector<1xi32>
    %shift_right_logical3A_53 = arith.constant 7 : i32
    %shift_right_logical3A_54 = arith.shrui %squeeze3A_52, %shift_right_logical3A_53 : i32
    %min3A_55 = arith.constant 7812 : i32
    %min3A_56 = arith.minsi %shift_right_logical3A_54, %min3A_55 : i32
    %mul3A_57 = arith.constant 128 : i32
    %mul3A_58 = arith.muli %min3A_56, %mul3A_57 : i32
    %multiple_of3A_59 = tpu.assume_multiple %mul3A_58, 128 : i32
    %dma_start3A_60 = arith.constant 0 : i32
    %dma_start3A_61 = arith.constant 1 : i32
    %dma_start3A_62 = arith.constant 0 : i32
    %dma_start3A_63 = arith.constant 0 : i32
    %dma_start3A_64 = tpu.memref_slice %arg7[%dma_start3A_60, %dma_start3A_61, %dma_start3A_62, %dma_start3A_63] : memref<2x2x64x128xf32, #tpu.memory_space<vmem>> -> memref<1x1x64x128xf32, #tpu.memory_space<vmem>>
    %dma_start3A_65 = tpu.memref_squeeze %dma_start3A_64 : memref<1x1x64x128xf32, #tpu.memory_space<vmem>> -> memref<64x128xf32, #tpu.memory_space<vmem>>
    %dma_start3A_66 = arith.constant 0 : i32
    %dma_start3A_67 = tpu.memref_slice %arg3[%dma_start3A_66, %multiple_of3A_59] : memref<64x1000000xf32, #tpu.memory_space<hbm>> -> memref<64x128xf32, #tpu.memory_space<hbm>>
    %dma_start3A_68 = arith.constant 0 : i32
    %dma_start3A_69 = arith.constant 0 : i32
    %dma_start3A_70 = tpu.memref_slice %arg7[%dma_start3A_60, %dma_start3A_61, %dma_start3A_68, %dma_start3A_69] : memref<2x2x64x128xf32, #tpu.memory_space<vmem>> -> memref<1x1x64x128xf32, #tpu.memory_space<vmem>>
    %dma_start3A_71 = tpu.memref_squeeze %dma_start3A_70 : memref<1x1x64x128xf32, #tpu.memory_space<vmem>> -> memref<64x128xf32, #tpu.memory_space<vmem>>
    %dma_start3A_72 = arith.constant 0 : i32
    %dma_start3A_73 = tpu.memref_slice %arg3[%dma_start3A_72, %multiple_of3A_59] : memref<64x1000000xf32, #tpu.memory_space<hbm>> -> memref<64x128xf32, #tpu.memory_space<hbm>>
    tpu.enqueue_dma source(%dma_start3A_73 : memref<64x128xf32, #tpu.memory_space<hbm>>) target(%dma_start3A_71 : memref<64x128xf32, #tpu.memory_space<vmem>>) target_semaphore(%arg10 : memref<!tpu.dma_semaphore, #tpu.memory_space<semaphore_mem>>)
    %dma_start3A_74 = arith.constant 0 : i32
    %dma_start3A_75 = arith.constant 1 : i32
    %dma_start3A_76 = arith.constant 0 : i32
    %dma_start3A_77 = arith.constant 0 : i32
    %dma_start3A_78 = tpu.memref_slice %arg8[%dma_start3A_74, %dma_start3A_75, %dma_start3A_76, %dma_start3A_77] : memref<2x2x64x128xf32, #tpu.memory_space<vmem>> -> memref<1x1x64x128xf32, #tpu.memory_space<vmem>>
    %dma_start3A_79 = tpu.memref_squeeze %dma_start3A_78 : memref<1x1x64x128xf32, #tpu.memory_space<vmem>> -> memref<64x128xf32, #tpu.memory_space<vmem>>
    %dma_start3A_80 = arith.constant 0 : i32
    %dma_start3A_81 = tpu.memref_slice %arg4[%dma_start3A_80, %multiple_of3A_59] : memref<64x1000000xf32, #tpu.memory_space<hbm>> -> memref<64x128xf32, #tpu.memory_space<hbm>>
    %dma_start3A_82 = arith.constant 0 : i32
    %dma_start3A_83 = arith.constant 0 : i32
    %dma_start3A_84 = tpu.memref_slice %arg8[%dma_start3A_74, %dma_start3A_75, %dma_start3A_82, %dma_start3A_83] : memref<2x2x64x128xf32, #tpu.memory_space<vmem>> -> memref<1x1x64x128xf32, #tpu.memory_space<vmem>>
    %dma_start3A_85 = tpu.memref_squeeze %dma_start3A_84 : memref<1x1x64x128xf32, #tpu.memory_space<vmem>> -> memref<64x128xf32, #tpu.memory_space<vmem>>
    %dma_start3A_86 = arith.constant 0 : i32
    %dma_start3A_87 = tpu.memref_slice %arg4[%dma_start3A_86, %multiple_of3A_59] : memref<64x1000000xf32, #tpu.memory_space<hbm>> -> memref<64x128xf32, #tpu.memory_space<hbm>>
    tpu.enqueue_dma source(%dma_start3A_87 : memref<64x128xf32, #tpu.memory_space<hbm>>) target(%dma_start3A_85 : memref<64x128xf32, #tpu.memory_space<vmem>>) target_semaphore(%arg10 : memref<!tpu.dma_semaphore, #tpu.memory_space<semaphore_mem>>)
    %scan3A = arith.constant 0 : i32
    %scan3A_88 = arith.constant 0 : i32
    %scan3A_89 = arith.constant 32 : i32
    %scan3A_90 = arith.addi %scan3A_88, %scan3A_89 : i32
    %scan3A_91 = arith.constant 1 : i32
    scf.for %scan3A_93 = %scan3A_88 to %scan3A_90 step %scan3A_91  : i32 {
      %mul3A_94 = arith.constant 16 : i32
      %mul3A_95 = arith.muli %scan3A_93, %mul3A_94 : i32
      %get3A_96 = arith.index_cast %mul3A_95 : i32 to index
      %get3A_97 = tpu.vector_load %arg6[%get3A_96] {strides = array<i32>} : memref<528xi32, #tpu.memory_space<vmem>>, vector<16xi32>,
      %mul3A_98 = arith.constant 16 : i32
      %mul3A_99 = arith.muli %scan3A_93, %mul3A_98 : i32
      %add3A_100 = arith.constant 16 : i32
      %add3A_101 = arith.addi %mul3A_99, %add3A_100 : i32
      %get3A_102 = arith.index_cast %add3A_101 : i32 to index
      %get3A_103 = tpu.vector_load %arg6[%get3A_102] {strides = array<i32>} : memref<528xi32, #tpu.memory_space<vmem>>, vector<16xi32>,
      %and3A = arith.constant 1 : i32
      %and3A_104 = arith.andi %scan3A_93, %and3A : i32
      %mul3A_105 = arith.constant 16 : i32
      %mul3A_106 = arith.muli %and3A_104, %mul3A_105 : i32
      %slice3A_107 = vector.extract_strided_slice %get3A_97 {offsets = [2], sizes = [1], strides = [1]} : vector<16xi32> to vector<1xi32>
      %squeeze3A_108 = vector.extract %slice3A_107[0] : i32 from vector<1xi32>
      %shift_right_logical3A_109 = arith.constant 7 : i32
      %shift_right_logical3A_110 = arith.shrui %squeeze3A_108, %shift_right_logical3A_109 : i32
      %min3A_111 = arith.constant 7812 : i32
      %min3A_112 = arith.minsi %shift_right_logical3A_110, %min3A_111 : i32
      %mul3A_113 = arith.constant 128 : i32
      %mul3A_114 = arith.muli %min3A_112, %mul3A_113 : i32
      %multiple_of3A_115 = tpu.assume_multiple %mul3A_114, 128 : i32
      %dma_start3A_116 = arith.constant 1 : i32
      %dma_start3A_117 = arith.constant 0 : i32
      %dma_start3A_118 = arith.constant 0 : i32
      %dma_start3A_119 = arith.constant 0 : i32
      %dma_start3A_120 = tpu.memref_slice %arg7[%dma_start3A_116, %dma_start3A_117, %dma_start3A_118, %dma_start3A_119] : memref<2x2x64x128xf32, #tpu.memory_space<vmem>> -> memref<1x1x64x128xf32, #tpu.memory_space<vmem>>
      %dma_start3A_121 = tpu.memref_squeeze %dma_start3A_120 : memref<1x1x64x128xf32, #tpu.memory_space<vmem>> -> memref<64x128xf32, #tpu.memory_space<vmem>>
      %dma_start3A_122 = arith.constant 0 : i32
      %dma_start3A_123 = tpu.memref_slice %arg3[%dma_start3A_122, %multiple_of3A_115] : memref<64x1000000xf32, #tpu.memory_space<hbm>> -> memref<64x128xf32, #tpu.memory_space<hbm>>
      %dma_start3A_124 = arith.constant 0 : i32
      %dma_start3A_125 = arith.constant 0 : i32
      %dma_start3A_126 = tpu.memref_slice %arg7[%dma_start3A_116, %dma_start3A_117, %dma_start3A_124, %dma_start3A_125] : memref<2x2x64x128xf32, #tpu.memory_space<vmem>> -> memref<1x1x64x128xf32, #tpu.memory_space<vmem>>
      %dma_start3A_127 = tpu.memref_squeeze %dma_start3A_126 : memref<1x1x64x128xf32, #tpu.memory_space<vmem>> -> memref<64x128xf32, #tpu.memory_space<vmem>>
      %dma_start3A_128 = arith.constant 0 : i32
      %dma_start3A_129 = tpu.memref_slice %arg3[%dma_start3A_128, %multiple_of3A_115] : memref<64x1000000xf32, #tpu.memory_space<hbm>> -> memref<64x128xf32, #tpu.memory_space<hbm>>
      tpu.enqueue_dma source(%dma_start3A_129 : memref<64x128xf32, #tpu.memory_space<hbm>>) target(%dma_start3A_127 : memref<64x128xf32, #tpu.memory_space<vmem>>) target_semaphore(%arg11 : memref<!tpu.dma_semaphore, #tpu.memory_space<semaphore_mem>>)
      %dma_start3A_130 = arith.constant 1 : i32
      %dma_start3A_131 = arith.constant 0 : i32
      %dma_start3A_132 = arith.constant 0 : i32
      %dma_start3A_133 = arith.constant 0 : i32
      %dma_start3A_134 = tpu.memref_slice %arg8[%dma_start3A_130, %dma_start3A_131, %dma_start3A_132, %dma_start3A_133] : memref<2x2x64x128xf32, #tpu.memory_space<vmem>> -> memref<1x1x64x128xf32, #tpu.memory_space<vmem>>
      %dma_start3A_135 = tpu.memref_squeeze %dma_start3A_134 : memref<1x1x64x128xf32, #tpu.memory_space<vmem>> -> memref<64x128xf32, #tpu.memory_space<vmem>>
      %dma_start3A_136 = arith.constant 0 : i32
      %dma_start3A_137 = tpu.memref_slice %arg4[%dma_start3A_136, %multiple_of3A_115] : memref<64x1000000xf32, #tpu.memory_space<hbm>> -> memref<64x128xf32, #tpu.memory_space<hbm>>
      %dma_start3A_138 = arith.constant 0 : i32
      %dma_start3A_139 = arith.constant 0 : i32
      %dma_start3A_140 = tpu.memref_slice %arg8[%dma_start3A_130, %dma_start3A_131, %dma_start3A_138, %dma_start3A_139] : memref<2x2x64x128xf32, #tpu.memory_space<vmem>> -> memref<1x1x64x128xf32, #tpu.memory_space<vmem>>
      %dma_start3A_141 = tpu.memref_squeeze %dma_start3A_140 : memref<1x1x64x128xf32, #tpu.memory_space<vmem>> -> memref<64x128xf32, #tpu.memory_space<vmem>>
      %dma_start3A_142 = arith.constant 0 : i32
      %dma_start3A_143 = tpu.memref_slice %arg4[%dma_start3A_142, %multiple_of3A_115] : memref<64x1000000xf32, #tpu.memory_space<hbm>> -> memref<64x128xf32, #tpu.memory_space<hbm>>
      tpu.enqueue_dma source(%dma_start3A_143 : memref<64x128xf32, #tpu.memory_space<hbm>>) target(%dma_start3A_141 : memref<64x128xf32, #tpu.memory_space<vmem>>) target_semaphore(%arg11 : memref<!tpu.dma_semaphore, #tpu.memory_space<semaphore_mem>>)
      %slice3A_144 = vector.extract_strided_slice %get3A_97 {offsets = [3], sizes = [1], strides = [1]} : vector<16xi32> to vector<1xi32>
      %squeeze3A_145 = vector.extract %slice3A_144[0] : i32 from vector<1xi32>
      %shift_right_logical3A_146 = arith.constant 7 : i32
      %shift_right_logical3A_147 = arith.shrui %squeeze3A_145, %shift_right_logical3A_146 : i32
      %min3A_148 = arith.constant 7812 : i32
      %min3A_149 = arith.minsi %shift_right_logical3A_147, %min3A_148 : i32
      %mul3A_150 = arith.constant 128 : i32
      %mul3A_151 = arith.muli %min3A_149, %mul3A_150 : i32
      %multiple_of3A_152 = tpu.assume_multiple %mul3A_151, 128 : i32
      %dma_start3A_153 = arith.constant 1 : i32
      %dma_start3A_154 = arith.constant 1 : i32
      %dma_start3A_155 = arith.constant 0 : i32
      %dma_start3A_156 = arith.constant 0 : i32
      %dma_start3A_157 = tpu.memref_slice %arg7[%dma_start3A_153, %dma_start3A_154, %dma_start3A_155, %dma_start3A_156] : memref<2x2x64x128xf32, #tpu.memory_space<vmem>> -> memref<1x1x64x128xf32, #tpu.memory_space<vmem>>
      %dma_start3A_158 = tpu.memref_squeeze %dma_start3A_157 : memref<1x1x64x128xf32, #tpu.memory_space<vmem>> -> memref<64x128xf32, #tpu.memory_space<vmem>>
      %dma_start3A_159 = arith.constant 0 : i32
      %dma_start3A_160 = tpu.memref_slice %arg3[%dma_start3A_159, %multiple_of3A_152] : memref<64x1000000xf32, #tpu.memory_space<hbm>> -> memref<64x128xf32, #tpu.memory_space<hbm>>
      %dma_start3A_161 = arith.constant 0 : i32
      %dma_start3A_162 = arith.constant 0 : i32
      %dma_start3A_163 = tpu.memref_slice %arg7[%dma_start3A_153, %dma_start3A_154, %dma_start3A_161, %dma_start3A_162] : memref<2x2x64x128xf32, #tpu.memory_space<vmem>> -> memref<1x1x64x128xf32, #tpu.memory_space<vmem>>
      %dma_start3A_164 = tpu.memref_squeeze %dma_start3A_163 : memref<1x1x64x128xf32, #tpu.memory_space<vmem>> -> memref<64x128xf32, #tpu.memory_space<vmem>>
      %dma_start3A_165 = arith.constant 0 : i32
      %dma_start3A_166 = tpu.memref_slice %arg3[%dma_start3A_165, %multiple_of3A_152] : memref<64x1000000xf32, #tpu.memory_space<hbm>> -> memref<64x128xf32, #tpu.memory_space<hbm>>
      tpu.enqueue_dma source(%dma_start3A_166 : memref<64x128xf32, #tpu.memory_space<hbm>>) target(%dma_start3A_164 : memref<64x128xf32, #tpu.memory_space<vmem>>) target_semaphore(%arg11 : memref<!tpu.dma_semaphore, #tpu.memory_space<semaphore_mem>>)
      %dma_start3A_167 = arith.constant 1 : i32
      %dma_start3A_168 = arith.constant 1 : i32
      %dma_start3A_169 = arith.constant 0 : i32
      %dma_start3A_170 = arith.constant 0 : i32
      %dma_start3A_171 = tpu.memref_slice %arg8[%dma_start3A_167, %dma_start3A_168, %dma_start3A_169, %dma_start3A_170] : memref<2x2x64x128xf32, #tpu.memory_space<vmem>> -> memref<1x1x64x128xf32, #tpu.memory_space<vmem>>
      %dma_start3A_172 = tpu.memref_squeeze %dma_start3A_171 : memref<1x1x64x128xf32, #tpu.memory_space<vmem>> -> memref<64x128xf32, #tpu.memory_space<vmem>>
      %dma_start3A_173 = arith.constant 0 : i32
      %dma_start3A_174 = tpu.memref_slice %arg4[%dma_start3A_173, %multiple_of3A_152] : memref<64x1000000xf32, #tpu.memory_space<hbm>> -> memref<64x128xf32, #tpu.memory_space<hbm>>
      %dma_start3A_175 = arith.constant 0 : i32
      %dma_start3A_176 = arith.constant 0 : i32
      %dma_start3A_177 = tpu.memref_slice %arg8[%dma_start3A_167, %dma_start3A_168, %dma_start3A_175, %dma_start3A_176] : memref<2x2x64x128xf32, #tpu.memory_space<vmem>> -> memref<1x1x64x128xf32, #tpu.memory_space<vmem>>
      %dma_start3A_178 = tpu.memref_squeeze %dma_start3A_177 : memref<1x1x64x128xf32, #tpu.memory_space<vmem>> -> memref<64x128xf32, #tpu.memory_space<vmem>>
      %dma_start3A_179 = arith.constant 0 : i32
      %dma_start3A_180 = tpu.memref_slice %arg4[%dma_start3A_179, %multiple_of3A_152] : memref<64x1000000xf32, #tpu.memory_space<hbm>> -> memref<64x128xf32, #tpu.memory_space<hbm>>
      tpu.enqueue_dma source(%dma_start3A_180 : memref<64x128xf32, #tpu.memory_space<hbm>>) target(%dma_start3A_178 : memref<64x128xf32, #tpu.memory_space<vmem>>) target_semaphore(%arg11 : memref<!tpu.dma_semaphore, #tpu.memory_space<semaphore_mem>>)
      %dma_wait3A = arith.constant 0 : i32
      %dma_wait3A_181 = arith.constant 0 : i32
      %dma_wait3A_182 = arith.constant 0 : i32
      %dma_wait3A_183 = arith.constant 0 : i32
      %dma_wait3A_184 = tpu.memref_slice %arg7[%dma_wait3A, %dma_wait3A_181, %dma_wait3A_182, %dma_wait3A_183] : memref<2x2x64x128xf32, #tpu.memory_space<vmem>> -> memref<1x1x64x128xf32, #tpu.memory_space<vmem>>
      %dma_wait3A_185 = tpu.memref_squeeze %dma_wait3A_184 : memref<1x1x64x128xf32, #tpu.memory_space<vmem>> -> memref<64x128xf32, #tpu.memory_space<vmem>>
      %dma_wait3A_186 = arith.constant 0 : i32
      %dma_wait3A_187 = arith.constant 0 : i32
      %dma_wait3A_188 = tpu.memref_slice %arg3[%dma_wait3A_186, %dma_wait3A_187] : memref<64x1000000xf32, #tpu.memory_space<hbm>> -> memref<64x128xf32, #tpu.memory_space<hbm>>
      %dma_wait3A_189 = arith.constant 0 : i32
      %dma_wait3A_190 = arith.constant 0 : i32
      %dma_wait3A_191 = tpu.memref_slice %arg7[%dma_wait3A, %dma_wait3A_181, %dma_wait3A_189, %dma_wait3A_190] : memref<2x2x64x128xf32, #tpu.memory_space<vmem>> -> memref<1x1x64x128xf32, #tpu.memory_space<vmem>>
      %dma_wait3A_192 = tpu.memref_squeeze %dma_wait3A_191 : memref<1x1x64x128xf32, #tpu.memory_space<vmem>> -> memref<64x128xf32, #tpu.memory_space<vmem>>
      %dma_wait3A_193 = arith.constant 0 : i32
      %dma_wait3A_194 = arith.constant 0 : i32
      %dma_wait3A_195 = tpu.memref_slice %arg3[%dma_wait3A_193, %dma_wait3A_194] : memref<64x1000000xf32, #tpu.memory_space<hbm>> -> memref<64x128xf32, #tpu.memory_space<hbm>>
      tpu.wait_dma2 semaphore(%arg10 : memref<!tpu.dma_semaphore, #tpu.memory_space<semaphore_mem>>) src(%dma_wait3A_195 : memref<64x128xf32, #tpu.memory_space<hbm>>) dst(%dma_wait3A_192 : memref<64x128xf32, #tpu.memory_space<vmem>>)
      %dma_wait3A_196 = arith.constant 0 : i32
      %dma_wait3A_197 = arith.constant 1 : i32
      %dma_wait3A_198 = arith.constant 0 : i32
      %dma_wait3A_199 = arith.constant 0 : i32
      %dma_wait3A_200 = tpu.memref_slice %arg7[%dma_wait3A_196, %dma_wait3A_197, %dma_wait3A_198, %dma_wait3A_199] : memref<2x2x64x128xf32, #tpu.memory_space<vmem>> -> memref<1x1x64x128xf32, #tpu.memory_space<vmem>>
      %dma_wait3A_201 = tpu.memref_squeeze %dma_wait3A_200 : memref<1x1x64x128xf32, #tpu.memory_space<vmem>> -> memref<64x128xf32, #tpu.memory_space<vmem>>
      %dma_wait3A_202 = arith.constant 0 : i32
      %dma_wait3A_203 = arith.constant 0 : i32
      %dma_wait3A_204 = tpu.memref_slice %arg3[%dma_wait3A_202, %dma_wait3A_203] : memref<64x1000000xf32, #tpu.memory_space<hbm>> -> memref<64x128xf32, #tpu.memory_space<hbm>>
      %dma_wait3A_205 = arith.constant 0 : i32
      %dma_wait3A_206 = arith.constant 0 : i32
      %dma_wait3A_207 = tpu.memref_slice %arg7[%dma_wait3A_196, %dma_wait3A_197, %dma_wait3A_205, %dma_wait3A_206] : memref<2x2x64x128xf32, #tpu.memory_space<vmem>> -> memref<1x1x64x128xf32, #tpu.memory_space<vmem>>
      %dma_wait3A_208 = tpu.memref_squeeze %dma_wait3A_207 : memref<1x1x64x128xf32, #tpu.memory_space<vmem>> -> memref<64x128xf32, #tpu.memory_space<vmem>>
      %dma_wait3A_209 = arith.constant 0 : i32
      %dma_wait3A_210 = arith.constant 0 : i32
      %dma_wait3A_211 = tpu.memref_slice %arg3[%dma_wait3A_209, %dma_wait3A_210] : memref<64x1000000xf32, #tpu.memory_space<hbm>> -> memref<64x128xf32, #tpu.memory_space<hbm>>
      tpu.wait_dma2 semaphore(%arg10 : memref<!tpu.dma_semaphore, #tpu.memory_space<semaphore_mem>>) src(%dma_wait3A_211 : memref<64x128xf32, #tpu.memory_space<hbm>>) dst(%dma_wait3A_208 : memref<64x128xf32, #tpu.memory_space<vmem>>)
      %dma_wait3A_212 = arith.constant 0 : i32
      %dma_wait3A_213 = arith.constant 0 : i32
      %dma_wait3A_214 = arith.constant 0 : i32
      %dma_wait3A_215 = arith.constant 0 : i32
      %dma_wait3A_216 = tpu.memref_slice %arg8[%dma_wait3A_212, %dma_wait3A_213, %dma_wait3A_214, %dma_wait3A_215] : memref<2x2x64x128xf32, #tpu.memory_space<vmem>> -> memref<1x1x64x128xf32, #tpu.memory_space<vmem>>
      %dma_wait3A_217 = tpu.memref_squeeze %dma_wait3A_216 : memref<1x1x64x128xf32, #tpu.memory_space<vmem>> -> memref<64x128xf32, #tpu.memory_space<vmem>>
      %dma_wait3A_218 = arith.constant 0 : i32
      %dma_wait3A_219 = arith.constant 0 : i32
      %dma_wait3A_220 = tpu.memref_slice %arg3[%dma_wait3A_218, %dma_wait3A_219] : memref<64x1000000xf32, #tpu.memory_space<hbm>> -> memref<64x128xf32, #tpu.memory_space<hbm>>
      %dma_wait3A_221 = arith.constant 0 : i32
      %dma_wait3A_222 = arith.constant 0 : i32
      %dma_wait3A_223 = tpu.memref_slice %arg8[%dma_wait3A_212, %dma_wait3A_213, %dma_wait3A_221, %dma_wait3A_222] : memref<2x2x64x128xf32, #tpu.memory_space<vmem>> -> memref<1x1x64x128xf32, #tpu.memory_space<vmem>>
      %dma_wait3A_224 = tpu.memref_squeeze %dma_wait3A_223 : memref<1x1x64x128xf32, #tpu.memory_space<vmem>> -> memref<64x128xf32, #tpu.memory_space<vmem>>
      %dma_wait3A_225 = arith.constant 0 : i32
      %dma_wait3A_226 = arith.constant 0 : i32
      %dma_wait3A_227 = tpu.memref_slice %arg3[%dma_wait3A_225, %dma_wait3A_226] : memref<64x1000000xf32, #tpu.memory_space<hbm>> -> memref<64x128xf32, #tpu.memory_space<hbm>>
      tpu.wait_dma2 semaphore(%arg10 : memref<!tpu.dma_semaphore, #tpu.memory_space<semaphore_mem>>) src(%dma_wait3A_227 : memref<64x128xf32, #tpu.memory_space<hbm>>) dst(%dma_wait3A_224 : memref<64x128xf32, #tpu.memory_space<vmem>>)
      %dma_wait3A_228 = arith.constant 0 : i32
      %dma_wait3A_229 = arith.constant 1 : i32
      %dma_wait3A_230 = arith.constant 0 : i32
      %dma_wait3A_231 = arith.constant 0 : i32
      %dma_wait3A_232 = tpu.memref_slice %arg8[%dma_wait3A_228, %dma_wait3A_229, %dma_wait3A_230, %dma_wait3A_231] : memref<2x2x64x128xf32, #tpu.memory_space<vmem>> -> memref<1x1x64x128xf32, #tpu.memory_space<vmem>>
      %dma_wait3A_233 = tpu.memref_squeeze %dma_wait3A_232 : memref<1x1x64x128xf32, #tpu.memory_space<vmem>> -> memref<64x128xf32, #tpu.memory_space<vmem>>
      %dma_wait3A_234 = arith.constant 0 : i32
      %dma_wait3A_235 = arith.constant 0 : i32
      %dma_wait3A_236 = tpu.memref_slice %arg3[%dma_wait3A_234, %dma_wait3A_235] : memref<64x1000000xf32, #tpu.memory_space<hbm>> -> memref<64x128xf32, #tpu.memory_space<hbm>>
      %dma_wait3A_237 = arith.constant 0 : i32
      %dma_wait3A_238 = arith.constant 0 : i32
      %dma_wait3A_239 = tpu.memref_slice %arg8[%dma_wait3A_228, %dma_wait3A_229, %dma_wait3A_237, %dma_wait3A_238] : memref<2x2x64x128xf32, #tpu.memory_space<vmem>> -> memref<1x1x64x128xf32, #tpu.memory_space<vmem>>
      %dma_wait3A_240 = tpu.memref_squeeze %dma_wait3A_239 : memref<1x1x64x128xf32, #tpu.memory_space<vmem>> -> memref<64x128xf32, #tpu.memory_space<vmem>>
      %dma_wait3A_241 = arith.constant 0 : i32
      %dma_wait3A_242 = arith.constant 0 : i32
      %dma_wait3A_243 = tpu.memref_slice %arg3[%dma_wait3A_241, %dma_wait3A_242] : memref<64x1000000xf32, #tpu.memory_space<hbm>> -> memref<64x128xf32, #tpu.memory_space<hbm>>
      tpu.wait_dma2 semaphore(%arg10 : memref<!tpu.dma_semaphore, #tpu.memory_space<semaphore_mem>>) src(%dma_wait3A_243 : memref<64x128xf32, #tpu.memory_space<hbm>>) dst(%dma_wait3A_240 : memref<64x128xf32, #tpu.memory_space<vmem>>)
      %slice3A_244 = vector.extract_strided_slice %get3A_97 {offsets = [0], sizes = [1], strides = [1]} : vector<16xi32> to vector<1xi32>
      %squeeze3A_245 = vector.extract %slice3A_244[0] : i32 from vector<1xi32>
      %add3A_246 = arith.constant 0 : i32
      %add3A_247 = arith.addi %mul3A_106, %add3A_246 : i32
      %and3A_248 = arith.constant 127 : i32
      %and3A_249 = arith.andi %squeeze3A_245, %and3A_248 : i32
      %add3A_250 = vector.broadcast %and3A_249 : i32 to vector<16xi32>
      %add3A_251 = arith.addi %broadcast_in_dim3A_18, %add3A_250 : vector<16xi32>
      %gather3A = arith.constant 0 : i32
      %gather3A_252 = arith.constant 0 : i32
      %gather3A_253 = arith.constant 0 : i32
      %gather3A_254 = arith.constant 0 : i32
      %gather3A_255 = tpu.memref_slice %arg7[%gather3A, %gather3A_252, %gather3A_253, %gather3A_254] : memref<2x2x64x128xf32, #tpu.memory_space<vmem>> -> memref<1x1x64x128xf32, #tpu.memory_space<vmem>>
      %gather3A_256 = tpu.memref_squeeze %gather3A_255 : memref<1x1x64x128xf32, #tpu.memory_space<vmem>> -> memref<64x128xf32, #tpu.memory_space<vmem>>
      %gather3A_257 = tpu.vector_load_idx %gather3A_256[%add3A_5, %add3A_251] : memref<64x128xf32, #tpu.memory_space<vmem>>[vector<16xi32>, vector<16xi32>], vector<16xf32>,
      %gather3A_258 = arith.constant 0 : i32
      %gather3A_259 = arith.constant 0 : i32
      %gather3A_260 = arith.constant 0 : i32
      %gather3A_261 = arith.constant 0 : i32
      %gather3A_262 = tpu.memref_slice %arg8[%gather3A_258, %gather3A_259, %gather3A_260, %gather3A_261] : memref<2x2x64x128xf32, #tpu.memory_space<vmem>> -> memref<1x1x64x128xf32, #tpu.memory_space<vmem>>
      %gather3A_263 = tpu.memref_squeeze %gather3A_262 : memref<1x1x64x128xf32, #tpu.memory_space<vmem>> -> memref<64x128xf32, #tpu.memory_space<vmem>>
      %gather3A_264 = tpu.vector_load_idx %gather3A_263[%add3A_5, %add3A_251] : memref<64x128xf32, #tpu.memory_space<vmem>>[vector<16xi32>, vector<16xi32>], vector<16xf32>,
      %swap3A = arith.index_cast %add3A_247 : i32 to index
      %swap3A_265 = arith.constant 0 : index
      %swap3A_266 = tpu.vector_load %arg9[%swap3A, %swap3A_265] {strides = array<i32>} : memref<32x256xf32, #tpu.memory_space<vmem>>, vector<16xf32>,
      tpu.vector_store %arg9[%swap3A, %swap3A_265], %gather3A_257 {strides = array<i32>} : memref<32x256xf32, #tpu.memory_space<vmem>>, vector<16xf32>,
      %swap3A_267 = arith.index_cast %add3A_247 : i32 to index
      %swap3A_268 = arith.constant 64 : index
      %swap3A_269 = tpu.vector_load %arg9[%swap3A_267, %swap3A_268] {strides = array<i32>} : memref<32x256xf32, #tpu.memory_space<vmem>>, vector<16xf32>,
      tpu.vector_store %arg9[%swap3A_267, %swap3A_268], %gather3A_264 {strides = array<i32>} : memref<32x256xf32, #tpu.memory_space<vmem>>, vector<16xf32>,
      %mul3A_270 = arith.mulf %gather3A_264, %gather3A_264 : vector<16xf32>
      %swap3A_271 = arith.index_cast %add3A_247 : i32 to index
      %swap3A_272 = arith.constant 128 : index
      %swap3A_273 = tpu.vector_load %arg9[%swap3A_271, %swap3A_272] {strides = array<i32>} : memref<32x256xf32, #tpu.memory_space<vmem>>, vector<16xf32>,
      tpu.vector_store %arg9[%swap3A_271, %swap3A_272], %mul3A_270 {strides = array<i32>} : memref<32x256xf32, #tpu.memory_space<vmem>>, vector<16xf32>,
      %gather3A_274 = arith.constant 0 : i32
      %gather3A_275 = arith.constant 0 : i32
      %gather3A_276 = arith.constant 0 : i32
      %gather3A_277 = arith.constant 0 : i32
      %gather3A_278 = tpu.memref_slice %arg7[%gather3A_274, %gather3A_275, %gather3A_276, %gather3A_277] : memref<2x2x64x128xf32, #tpu.memory_space<vmem>> -> memref<1x1x64x128xf32, #tpu.memory_space<vmem>>
      %gather3A_279 = tpu.memref_squeeze %gather3A_278 : memref<1x1x64x128xf32, #tpu.memory_space<vmem>> -> memref<64x128xf32, #tpu.memory_space<vmem>>
      %gather3A_280 = tpu.vector_load_idx %gather3A_279[%add3A_9, %add3A_251] : memref<64x128xf32, #tpu.memory_space<vmem>>[vector<16xi32>, vector<16xi32>], vector<16xf32>,
      %gather3A_281 = arith.constant 0 : i32
      %gather3A_282 = arith.constant 0 : i32
      %gather3A_283 = arith.constant 0 : i32
      %gather3A_284 = arith.constant 0 : i32
      %gather3A_285 = tpu.memref_slice %arg8[%gather3A_281, %gather3A_282, %gather3A_283, %gather3A_284] : memref<2x2x64x128xf32, #tpu.memory_space<vmem>> -> memref<1x1x64x128xf32, #tpu.memory_space<vmem>>
      %gather3A_286 = tpu.memref_squeeze %gather3A_285 : memref<1x1x64x128xf32, #tpu.memory_space<vmem>> -> memref<64x128xf32, #tpu.memory_space<vmem>>
      %gather3A_287 = tpu.vector_load_idx %gather3A_286[%add3A_9, %add3A_251] : memref<64x128xf32, #tpu.memory_space<vmem>>[vector<16xi32>, vector<16xi32>], vector<16xf32>,
      %swap3A_288 = arith.index_cast %add3A_247 : i32 to index
      %swap3A_289 = arith.constant 16 : index
      %swap3A_290 = tpu.vector_load %arg9[%swap3A_288, %swap3A_289] {strides = array<i32>} : memref<32x256xf32, #tpu.memory_space<vmem>>, vector<16xf32>,
      tpu.vector_store %arg9[%swap3A_288, %swap3A_289], %gather3A_280 {strides = array<i32>} : memref<32x256xf32, #tpu.memory_space<vmem>>, vector<16xf32>,
      %swap3A_291 = arith.index_cast %add3A_247 : i32 to index
      %swap3A_292 = arith.constant 80 : index
      %swap3A_293 = tpu.vector_load %arg9[%swap3A_291, %swap3A_292] {strides = array<i32>} : memref<32x256xf32, #tpu.memory_space<vmem>>, vector<16xf32>,
      tpu.vector_store %arg9[%swap3A_291, %swap3A_292], %gather3A_287 {strides = array<i32>} : memref<32x256xf32, #tpu.memory_space<vmem>>, vector<16xf32>,
      %mul3A_294 = arith.mulf %gather3A_287, %gather3A_287 : vector<16xf32>
      %swap3A_295 = arith.index_cast %add3A_247 : i32 to index
      %swap3A_296 = arith.constant 144 : index
      %swap3A_297 = tpu.vector_load %arg9[%swap3A_295, %swap3A_296] {strides = array<i32>} : memref<32x256xf32, #tpu.memory_space<vmem>>, vector<16xf32>,
      tpu.vector_store %arg9[%swap3A_295, %swap3A_296], %mul3A_294 {strides = array<i32>} : memref<32x256xf32, #tpu.memory_space<vmem>>, vector<16xf32>,
      %gather3A_298 = arith.constant 0 : i32
      %gather3A_299 = arith.constant 0 : i32
      %gather3A_300 = arith.constant 0 : i32
      %gather3A_301 = arith.constant 0 : i32
      %gather3A_302 = tpu.memref_slice %arg7[%gather3A_298, %gather3A_299, %gather3A_300, %gather3A_301] : memref<2x2x64x128xf32, #tpu.memory_space<vmem>> -> memref<1x1x64x128xf32, #tpu.memory_space<vmem>>
      %gather3A_303 = tpu.memref_squeeze %gather3A_302 : memref<1x1x64x128xf32, #tpu.memory_space<vmem>> -> memref<64x128xf32, #tpu.memory_space<vmem>>
      %gather3A_304 = tpu.vector_load_idx %gather3A_303[%add3A_13, %add3A_251] : memref<64x128xf32, #tpu.memory_space<vmem>>[vector<16xi32>, vector<16xi32>], vector<16xf32>,
      %gather3A_305 = arith.constant 0 : i32
      %gather3A_306 = arith.constant 0 : i32
      %gather3A_307 = arith.constant 0 : i32
      %gather3A_308 = arith.constant 0 : i32
      %gather3A_309 = tpu.memref_slice %arg8[%gather3A_305, %gather3A_306, %gather3A_307, %gather3A_308] : memref<2x2x64x128xf32, #tpu.memory_space<vmem>> -> memref<1x1x64x128xf32, #tpu.memory_space<vmem>>
      %gather3A_310 = tpu.memref_squeeze %gather3A_309 : memref<1x1x64x128xf32, #tpu.memory_space<vmem>> -> memref<64x128xf32, #tpu.memory_space<vmem>>
      %gather3A_311 = tpu.vector_load_idx %gather3A_310[%add3A_13, %add3A_251] : memref<64x128xf32, #tpu.memory_space<vmem>>[vector<16xi32>, vector<16xi32>], vector<16xf32>,
      %swap3A_312 = arith.index_cast %add3A_247 : i32 to index
      %swap3A_313 = arith.constant 32 : index
      %swap3A_314 = tpu.vector_load %arg9[%swap3A_312, %swap3A_313] {strides = array<i32>} : memref<32x256xf32, #tpu.memory_space<vmem>>, vector<16xf32>,
      tpu.vector_store %arg9[%swap3A_312, %swap3A_313], %gather3A_304 {strides = array<i32>} : memref<32x256xf32, #tpu.memory_space<vmem>>, vector<16xf32>,
      %swap3A_315 = arith.index_cast %add3A_247 : i32 to index
      %swap3A_316 = arith.constant 96 : index
      %swap3A_317 = tpu.vector_load %arg9[%swap3A_315, %swap3A_316] {strides = array<i32>} : memref<32x256xf32, #tpu.memory_space<vmem>>, vector<16xf32>,
      tpu.vector_store %arg9[%swap3A_315, %swap3A_316], %gather3A_311 {strides = array<i32>} : memref<32x256xf32, #tpu.memory_space<vmem>>, vector<16xf32>,
      %mul3A_318 = arith.mulf %gather3A_311, %gather3A_311 : vector<16xf32>
      %swap3A_319 = arith.index_cast %add3A_247 : i32 to index
      %swap3A_320 = arith.constant 160 : index
      %swap3A_321 = tpu.vector_load %arg9[%swap3A_319, %swap3A_320] {strides = array<i32>} : memref<32x256xf32, #tpu.memory_space<vmem>>, vector<16xf32>,
      tpu.vector_store %arg9[%swap3A_319, %swap3A_320], %mul3A_318 {strides = array<i32>} : memref<32x256xf32, #tpu.memory_space<vmem>>, vector<16xf32>,
      %gather3A_322 = arith.constant 0 : i32
      %gather3A_323 = arith.constant 0 : i32
      %gather3A_324 = arith.constant 0 : i32
      %gather3A_325 = arith.constant 0 : i32
      %gather3A_326 = tpu.memref_slice %arg7[%gather3A_322, %gather3A_323, %gather3A_324, %gather3A_325] : memref<2x2x64x128xf32, #tpu.memory_space<vmem>> -> memref<1x1x64x128xf32, #tpu.memory_space<vmem>>
      %gather3A_327 = tpu.memref_squeeze %gather3A_326 : memref<1x1x64x128xf32, #tpu.memory_space<vmem>> -> memref<64x128xf32, #tpu.memory_space<vmem>>
      %gather3A_328 = tpu.vector_load_idx %gather3A_327[%add3A_17, %add3A_251] : memref<64x128xf32, #tpu.memory_space<vmem>>[vector<16xi32>, vector<16xi32>], vector<16xf32>,
      %gather3A_329 = arith.constant 0 : i32
      %gather3A_330 = arith.constant 0 : i32
      %gather3A_331 = arith.constant 0 : i32
      %gather3A_332 = arith.constant 0 : i32
      %gather3A_333 = tpu.memref_slice %arg8[%gather3A_329, %gather3A_330, %gather3A_331, %gather3A_332] : memref<2x2x64x128xf32, #tpu.memory_space<vmem>> -> memref<1x1x64x128xf32, #tpu.memory_space<vmem>>
      %gather3A_334 = tpu.memref_squeeze %gather3A_333 : memref<1x1x64x128xf32, #tpu.memory_space<vmem>> -> memref<64x128xf32, #tpu.memory_space<vmem>>
      %gather3A_335 = tpu.vector_load_idx %gather3A_334[%add3A_17, %add3A_251] : memref<64x128xf32, #tpu.memory_space<vmem>>[vector<16xi32>, vector<16xi32>], vector<16xf32>,
      %swap3A_336 = arith.index_cast %add3A_247 : i32 to index
      %swap3A_337 = arith.constant 48 : index
      %swap3A_338 = tpu.vector_load %arg9[%swap3A_336, %swap3A_337] {strides = array<i32>} : memref<32x256xf32, #tpu.memory_space<vmem>>, vector<16xf32>,
      tpu.vector_store %arg9[%swap3A_336, %swap3A_337], %gather3A_328 {strides = array<i32>} : memref<32x256xf32, #tpu.memory_space<vmem>>, vector<16xf32>,
      %swap3A_339 = arith.index_cast %add3A_247 : i32 to index
      %swap3A_340 = arith.constant 112 : index
      %swap3A_341 = tpu.vector_load %arg9[%swap3A_339, %swap3A_340] {strides = array<i32>} : memref<32x256xf32, #tpu.memory_space<vmem>>, vector<16xf32>,
      tpu.vector_store %arg9[%swap3A_339, %swap3A_340], %gather3A_335 {strides = array<i32>} : memref<32x256xf32, #tpu.memory_space<vmem>>, vector<16xf32>,
      %mul3A_342 = arith.mulf %gather3A_335, %gather3A_335 : vector<16xf32>
      %swap3A_343 = arith.index_cast %add3A_247 : i32 to index
      %swap3A_344 = arith.constant 176 : index
      %swap3A_345 = tpu.vector_load %arg9[%swap3A_343, %swap3A_344] {strides = array<i32>} : memref<32x256xf32, #tpu.memory_space<vmem>>, vector<16xf32>,
      tpu.vector_store %arg9[%swap3A_343, %swap3A_344], %mul3A_342 {strides = array<i32>} : memref<32x256xf32, #tpu.memory_space<vmem>>, vector<16xf32>,
      %slice3A_346 = vector.extract_strided_slice %get3A_97 {offsets = [1], sizes = [1], strides = [1]} : vector<16xi32> to vector<1xi32>
      %squeeze3A_347 = vector.extract %slice3A_346[0] : i32 from vector<1xi32>
      %add3A_348 = arith.constant 0 : i32
      %add3A_349 = arith.addi %mul3A_106, %add3A_348 : i32
      %add3A_350 = arith.constant 1 : i32
      %add3A_351 = arith.addi %add3A_349, %add3A_350 : i32
      %and3A_352 = arith.constant 127 : i32
      %and3A_353 = arith.andi %squeeze3A_347, %and3A_352 : i32
      %add3A_354 = vector.broadcast %and3A_353 : i32 to vector<16xi32>
      %add3A_355 = arith.addi %broadcast_in_dim3A_18, %add3A_354 : vector<16xi32>
      %gather3A_356 = arith.constant 0 : i32
      %gather3A_357 = arith.constant 1 : i32
      %gather3A_358 = arith.constant 0 : i32
      %gather3A_359 = arith.constant 0 : i32
      %gather3A_360 = tpu.memref_slice %arg7[%gather3A_356, %gather3A_357, %gather3A_358, %gather3A_359] : memref<2x2x64x128xf32, #tpu.memory_space<vmem>> -> memref<1x1x64x128xf32, #tpu.memory_space<vmem>>
      %gather3A_361 = tpu.memref_squeeze %gather3A_360 : memref<1x1x64x128xf32, #tpu.memory_space<vmem>> -> memref<64x128xf32, #tpu.memory_space<vmem>>
      %gather3A_362 = tpu.vector_load_idx %gather3A_361[%add3A_5, %add3A_355] : memref<64x128xf32, #tpu.memory_space<vmem>>[vector<16xi32>, vector<16xi32>], vector<16xf32>,
      %gather3A_363 = arith.constant 0 : i32
      %gather3A_364 = arith.constant 1 : i32
      %gather3A_365 = arith.constant 0 : i32
      %gather3A_366 = arith.constant 0 : i32
      %gather3A_367 = tpu.memref_slice %arg8[%gather3A_363, %gather3A_364, %gather3A_365, %gather3A_366] : memref<2x2x64x128xf32, #tpu.memory_space<vmem>> -> memref<1x1x64x128xf32, #tpu.memory_space<vmem>>
      %gather3A_368 = tpu.memref_squeeze %gather3A_367 : memref<1x1x64x128xf32, #tpu.memory_space<vmem>> -> memref<64x128xf32, #tpu.memory_space<vmem>>
      %gather3A_369 = tpu.vector_load_idx %gather3A_368[%add3A_5, %add3A_355] : memref<64x128xf32, #tpu.memory_space<vmem>>[vector<16xi32>, vector<16xi32>], vector<16xf32>,
      %swap3A_370 = arith.index_cast %add3A_351 : i32 to index
      %swap3A_371 = arith.constant 0 : index
      %swap3A_372 = tpu.vector_load %arg9[%swap3A_370, %swap3A_371] {strides = array<i32>} : memref<32x256xf32, #tpu.memory_space<vmem>>, vector<16xf32>,
      tpu.vector_store %arg9[%swap3A_370, %swap3A_371], %gather3A_362 {strides = array<i32>} : memref<32x256xf32, #tpu.memory_space<vmem>>, vector<16xf32>,
      %swap3A_373 = arith.index_cast %add3A_351 : i32 to index
      %swap3A_374 = arith.constant 64 : index
      %swap3A_375 = tpu.vector_load %arg9[%swap3A_373, %swap3A_374] {strides = array<i32>} : memref<32x256xf32, #tpu.memory_space<vmem>>, vector<16xf32>,
      tpu.vector_store %arg9[%swap3A_373, %swap3A_374], %gather3A_369 {strides = array<i32>} : memref<32x256xf32, #tpu.memory_space<vmem>>, vector<16xf32>,
      %mul3A_376 = arith.mulf %gather3A_369, %gather3A_369 : vector<16xf32>
      %swap3A_377 = arith.index_cast %add3A_351 : i32 to index
      %swap3A_378 = arith.constant 128 : index
      %swap3A_379 = tpu.vector_load %arg9[%swap3A_377, %swap3A_378] {strides = array<i32>} : memref<32x256xf32, #tpu.memory_space<vmem>>, vector<16xf32>,
      tpu.vector_store %arg9[%swap3A_377, %swap3A_378], %mul3A_376 {strides = array<i32>} : memref<32x256xf32, #tpu.memory_space<vmem>>, vector<16xf32>,
      %gather3A_380 = arith.constant 0 : i32
      %gather3A_381 = arith.constant 1 : i32
      %gather3A_382 = arith.constant 0 : i32
      %gather3A_383 = arith.constant 0 : i32
      %gather3A_384 = tpu.memref_slice %arg7[%gather3A_380, %gather3A_381, %gather3A_382, %gather3A_383] : memref<2x2x64x128xf32, #tpu.memory_space<vmem>> -> memref<1x1x64x128xf32, #tpu.memory_space<vmem>>
      %gather3A_385 = tpu.memref_squeeze %gather3A_384 : memref<1x1x64x128xf32, #tpu.memory_space<vmem>> -> memref<64x128xf32, #tpu.memory_space<vmem>>
      %gather3A_386 = tpu.vector_load_idx %gather3A_385[%add3A_9, %add3A_355] : memref<64x128xf32, #tpu.memory_space<vmem>>[vector<16xi32>, vector<16xi32>], vector<16xf32>,
      %gather3A_387 = arith.constant 0 : i32
      %gather3A_388 = arith.constant 1 : i32
      %gather3A_389 = arith.constant 0 : i32
      %gather3A_390 = arith.constant 0 : i32
      %gather3A_391 = tpu.memref_slice %arg8[%gather3A_387, %gather3A_388, %gather3A_389, %gather3A_390] : memref<2x2x64x128xf32, #tpu.memory_space<vmem>> -> memref<1x1x64x128xf32, #tpu.memory_space<vmem>>
      %gather3A_392 = tpu.memref_squeeze %gather3A_391 : memref<1x1x64x128xf32, #tpu.memory_space<vmem>> -> memref<64x128xf32, #tpu.memory_space<vmem>>
      %gather3A_393 = tpu.vector_load_idx %gather3A_392[%add3A_9, %add3A_355] : memref<64x128xf32, #tpu.memory_space<vmem>>[vector<16xi32>, vector<16xi32>], vector<16xf32>,
      %swap3A_394 = arith.index_cast %add3A_351 : i32 to index
      %swap3A_395 = arith.constant 16 : index
      %swap3A_396 = tpu.vector_load %arg9[%swap3A_394, %swap3A_395] {strides = array<i32>} : memref<32x256xf32, #tpu.memory_space<vmem>>, vector<16xf32>,
      tpu.vector_store %arg9[%swap3A_394, %swap3A_395], %gather3A_386 {strides = array<i32>} : memref<32x256xf32, #tpu.memory_space<vmem>>, vector<16xf32>,
      %swap3A_397 = arith.index_cast %add3A_351 : i32 to index
      %swap3A_398 = arith.constant 80 : index
      %swap3A_399 = tpu.vector_load %arg9[%swap3A_397, %swap3A_398] {strides = array<i32>} : memref<32x256xf32, #tpu.memory_space<vmem>>, vector<16xf32>,
      tpu.vector_store %arg9[%swap3A_397, %swap3A_398], %gather3A_393 {strides = array<i32>} : memref<32x256xf32, #tpu.memory_space<vmem>>, vector<16xf32>,
      %mul3A_400 = arith.mulf %gather3A_393, %gather3A_393 : vector<16xf32>
      %swap3A_401 = arith.index_cast %add3A_351 : i32 to index
      %swap3A_402 = arith.constant 144 : index
      %swap3A_403 = tpu.vector_load %arg9[%swap3A_401, %swap3A_402] {strides = array<i32>} : memref<32x256xf32, #tpu.memory_space<vmem>>, vector<16xf32>,
      tpu.vector_store %arg9[%swap3A_401, %swap3A_402], %mul3A_400 {strides = array<i32>} : memref<32x256xf32, #tpu.memory_space<vmem>>, vector<16xf32>,
      %gather3A_404 = arith.constant 0 : i32
      %gather3A_405 = arith.constant 1 : i32
      %gather3A_406 = arith.constant 0 : i32
      %gather3A_407 = arith.constant 0 : i32
      %gather3A_408 = tpu.memref_slice %arg7[%gather3A_404, %gather3A_405, %gather3A_406, %gather3A_407] : memref<2x2x64x128xf32, #tpu.memory_space<vmem>> -> memref<1x1x64x128xf32, #tpu.memory_space<vmem>>
      %gather3A_409 = tpu.memref_squeeze %gather3A_408 : memref<1x1x64x128xf32, #tpu.memory_space<vmem>> -> memref<64x128xf32, #tpu.memory_space<vmem>>
      %gather3A_410 = tpu.vector_load_idx %gather3A_409[%add3A_13, %add3A_355] : memref<64x128xf32, #tpu.memory_space<vmem>>[vector<16xi32>, vector<16xi32>], vector<16xf32>,
      %gather3A_411 = arith.constant 0 : i32
      %gather3A_412 = arith.constant 1 : i32
      %gather3A_413 = arith.constant 0 : i32
      %gather3A_414 = arith.constant 0 : i32
      %gather3A_415 = tpu.memref_slice %arg8[%gather3A_411, %gather3A_412, %gather3A_413, %gather3A_414] : memref<2x2x64x128xf32, #tpu.memory_space<vmem>> -> memref<1x1x64x128xf32, #tpu.memory_space<vmem>>
      %gather3A_416 = tpu.memref_squeeze %gather3A_415 : memref<1x1x64x128xf32, #tpu.memory_space<vmem>> -> memref<64x128xf32, #tpu.memory_space<vmem>>
      %gather3A_417 = tpu.vector_load_idx %gather3A_416[%add3A_13, %add3A_355] : memref<64x128xf32, #tpu.memory_space<vmem>>[vector<16xi32>, vector<16xi32>], vector<16xf32>,
      %swap3A_418 = arith.index_cast %add3A_351 : i32 to index
      %swap3A_419 = arith.constant 32 : index
      %swap3A_420 = tpu.vector_load %arg9[%swap3A_418, %swap3A_419] {strides = array<i32>} : memref<32x256xf32, #tpu.memory_space<vmem>>, vector<16xf32>,
      tpu.vector_store %arg9[%swap3A_418, %swap3A_419], %gather3A_410 {strides = array<i32>} : memref<32x256xf32, #tpu.memory_space<vmem>>, vector<16xf32>,
      %swap3A_421 = arith.index_cast %add3A_351 : i32 to index
      %swap3A_422 = arith.constant 96 : index
      %swap3A_423 = tpu.vector_load %arg9[%swap3A_421, %swap3A_422] {strides = array<i32>} : memref<32x256xf32, #tpu.memory_space<vmem>>, vector<16xf32>,
      tpu.vector_store %arg9[%swap3A_421, %swap3A_422], %gather3A_417 {strides = array<i32>} : memref<32x256xf32, #tpu.memory_space<vmem>>, vector<16xf32>,
      %mul3A_424 = arith.mulf %gather3A_417, %gather3A_417 : vector<16xf32>
      %swap3A_425 = arith.index_cast %add3A_351 : i32 to index
      %swap3A_426 = arith.constant 160 : index
      %swap3A_427 = tpu.vector_load %arg9[%swap3A_425, %swap3A_426] {strides = array<i32>} : memref<32x256xf32, #tpu.memory_space<vmem>>, vector<16xf32>,
      tpu.vector_store %arg9[%swap3A_425, %swap3A_426], %mul3A_424 {strides = array<i32>} : memref<32x256xf32, #tpu.memory_space<vmem>>, vector<16xf32>,
      %gather3A_428 = arith.constant 0 : i32
      %gather3A_429 = arith.constant 1 : i32
      %gather3A_430 = arith.constant 0 : i32
      %gather3A_431 = arith.constant 0 : i32
      %gather3A_432 = tpu.memref_slice %arg7[%gather3A_428, %gather3A_429, %gather3A_430, %gather3A_431] : memref<2x2x64x128xf32, #tpu.memory_space<vmem>> -> memref<1x1x64x128xf32, #tpu.memory_space<vmem>>
      %gather3A_433 = tpu.memref_squeeze %gather3A_432 : memref<1x1x64x128xf32, #tpu.memory_space<vmem>> -> memref<64x128xf32, #tpu.memory_space<vmem>>
      %gather3A_434 = tpu.vector_load_idx %gather3A_433[%add3A_17, %add3A_355] : memref<64x128xf32, #tpu.memory_space<vmem>>[vector<16xi32>, vector<16xi32>], vector<16xf32>,
      %gather3A_435 = arith.constant 0 : i32
      %gather3A_436 = arith.constant 1 : i32
      %gather3A_437 = arith.constant 0 : i32
      %gather3A_438 = arith.constant 0 : i32
      %gather3A_439 = tpu.memref_slice %arg8[%gather3A_435, %gather3A_436, %gather3A_437, %gather3A_438] : memref<2x2x64x128xf32, #tpu.memory_space<vmem>> -> memref<1x1x64x128xf32, #tpu.memory_space<vmem>>
      %gather3A_440 = tpu.memref_squeeze %gather3A_439 : memref<1x1x64x128xf32, #tpu.memory_space<vmem>> -> memref<64x128xf32, #tpu.memory_space<vmem>>
      %gather3A_441 = tpu.vector_load_idx %gather3A_440[%add3A_17, %add3A_355] : memref<64x128xf32, #tpu.memory_space<vmem>>[vector<16xi32>, vector<16xi32>], vector<16xf32>,
      %swap3A_442 = arith.index_cast %add3A_351 : i32 to index
      %swap3A_443 = arith.constant 48 : index
      %swap3A_444 = tpu.vector_load %arg9[%swap3A_442, %swap3A_443] {strides = array<i32>} : memref<32x256xf32, #tpu.memory_space<vmem>>, vector<16xf32>,
      tpu.vector_store %arg9[%swap3A_442, %swap3A_443], %gather3A_434 {strides = array<i32>} : memref<32x256xf32, #tpu.memory_space<vmem>>, vector<16xf32>,
      %swap3A_445 = arith.index_cast %add3A_351 : i32 to index
      %swap3A_446 = arith.constant 112 : index
      %swap3A_447 = tpu.vector_load %arg9[%swap3A_445, %swap3A_446] {strides = array<i32>} : memref<32x256xf32, #tpu.memory_space<vmem>>, vector<16xf32>,
      tpu.vector_store %arg9[%swap3A_445, %swap3A_446], %gather3A_441 {strides = array<i32>} : memref<32x256xf32, #tpu.memory_space<vmem>>, vector<16xf32>,
      %mul3A_448 = arith.mulf %gather3A_441, %gather3A_441 : vector<16xf32>
      %swap3A_449 = arith.index_cast %add3A_351 : i32 to index
      %swap3A_450 = arith.constant 176 : index
      %swap3A_451 = tpu.vector_load %arg9[%swap3A_449, %swap3A_450] {strides = array<i32>} : memref<32x256xf32, #tpu.memory_space<vmem>>, vector<16xf32>,
      tpu.vector_store %arg9[%swap3A_449, %swap3A_450], %mul3A_448 {strides = array<i32>} : memref<32x256xf32, #tpu.memory_space<vmem>>, vector<16xf32>,
      %slice3A_452 = vector.extract_strided_slice %get3A_97 {offsets = [4], sizes = [1], strides = [1]} : vector<16xi32> to vector<1xi32>
      %squeeze3A_453 = vector.extract %slice3A_452[0] : i32 from vector<1xi32>
      %shift_right_logical3A_454 = arith.constant 7 : i32
      %shift_right_logical3A_455 = arith.shrui %squeeze3A_453, %shift_right_logical3A_454 : i32
      %min3A_456 = arith.constant 7812 : i32
      %min3A_457 = arith.minsi %shift_right_logical3A_455, %min3A_456 : i32
      %mul3A_458 = arith.constant 128 : i32
      %mul3A_459 = arith.muli %min3A_457, %mul3A_458 : i32
      %multiple_of3A_460 = tpu.assume_multiple %mul3A_459, 128 : i32
      %dma_start3A_461 = arith.constant 0 : i32
      %dma_start3A_462 = arith.constant 0 : i32
      %dma_start3A_463 = arith.constant 0 : i32
      %dma_start3A_464 = arith.constant 0 : i32
      %dma_start3A_465 = tpu.memref_slice %arg7[%dma_start3A_461, %dma_start3A_462, %dma_start3A_463, %dma_start3A_464] : memref<2x2x64x128xf32, #tpu.memory_space<vmem>> -> memref<1x1x64x128xf32, #tpu.memory_space<vmem>>
      %dma_start3A_466 = tpu.memref_squeeze %dma_start3A_465 : memref<1x1x64x128xf32, #tpu.memory_space<vmem>> -> memref<64x128xf32, #tpu.memory_space<vmem>>
      %dma_start3A_467 = arith.constant 0 : i32
      %dma_start3A_468 = tpu.memref_slice %arg3[%dma_start3A_467, %multiple_of3A_460] : memref<64x1000000xf32, #tpu.memory_space<hbm>> -> memref<64x128xf32, #tpu.memory_space<hbm>>
      %dma_start3A_469 = arith.constant 0 : i32
      %dma_start3A_470 = arith.constant 0 : i32
      %dma_start3A_471 = tpu.memref_slice %arg7[%dma_start3A_461, %dma_start3A_462, %dma_start3A_469, %dma_start3A_470] : memref<2x2x64x128xf32, #tpu.memory_space<vmem>> -> memref<1x1x64x128xf32, #tpu.memory_space<vmem>>
      %dma_start3A_472 = tpu.memref_squeeze %dma_start3A_471 : memref<1x1x64x128xf32, #tpu.memory_space<vmem>> -> memref<64x128xf32, #tpu.memory_space<vmem>>
      %dma_start3A_473 = arith.constant 0 : i32
      %dma_start3A_474 = tpu.memref_slice %arg3[%dma_start3A_473, %multiple_of3A_460] : memref<64x1000000xf32, #tpu.memory_space<hbm>> -> memref<64x128xf32, #tpu.memory_space<hbm>>
      tpu.enqueue_dma source(%dma_start3A_474 : memref<64x128xf32, #tpu.memory_space<hbm>>) target(%dma_start3A_472 : memref<64x128xf32, #tpu.memory_space<vmem>>) target_semaphore(%arg10 : memref<!tpu.dma_semaphore, #tpu.memory_space<semaphore_mem>>)
      %dma_start3A_475 = arith.constant 0 : i32
      %dma_start3A_476 = arith.constant 0 : i32
      %dma_start3A_477 = arith.constant 0 : i32
      %dma_start3A_478 = arith.constant 0 : i32
      %dma_start3A_479 = tpu.memref_slice %arg8[%dma_start3A_475, %dma_start3A_476, %dma_start3A_477, %dma_start3A_478] : memref<2x2x64x128xf32, #tpu.memory_space<vmem>> -> memref<1x1x64x128xf32, #tpu.memory_space<vmem>>
      %dma_start3A_480 = tpu.memref_squeeze %dma_start3A_479 : memref<1x1x64x128xf32, #tpu.memory_space<vmem>> -> memref<64x128xf32, #tpu.memory_space<vmem>>
      %dma_start3A_481 = arith.constant 0 : i32
      %dma_start3A_482 = tpu.memref_slice %arg4[%dma_start3A_481, %multiple_of3A_460] : memref<64x1000000xf32, #tpu.memory_space<hbm>> -> memref<64x128xf32, #tpu.memory_space<hbm>>
      %dma_start3A_483 = arith.constant 0 : i32
      %dma_start3A_484 = arith.constant 0 : i32
      %dma_start3A_485 = tpu.memref_slice %arg8[%dma_start3A_475, %dma_start3A_476, %dma_start3A_483, %dma_start3A_484] : memref<2x2x64x128xf32, #tpu.memory_space<vmem>> -> memref<1x1x64x128xf32, #tpu.memory_space<vmem>>
      %dma_start3A_486 = tpu.memref_squeeze %dma_start3A_485 : memref<1x1x64x128xf32, #tpu.memory_space<vmem>> -> memref<64x128xf32, #tpu.memory_space<vmem>>
      %dma_start3A_487 = arith.constant 0 : i32
      %dma_start3A_488 = tpu.memref_slice %arg4[%dma_start3A_487, %multiple_of3A_460] : memref<64x1000000xf32, #tpu.memory_space<hbm>> -> memref<64x128xf32, #tpu.memory_space<hbm>>
      tpu.enqueue_dma source(%dma_start3A_488 : memref<64x128xf32, #tpu.memory_space<hbm>>) target(%dma_start3A_486 : memref<64x128xf32, #tpu.memory_space<vmem>>) target_semaphore(%arg10 : memref<!tpu.dma_semaphore, #tpu.memory_space<semaphore_mem>>)
      %slice3A_489 = vector.extract_strided_slice %get3A_97 {offsets = [5], sizes = [1], strides = [1]} : vector<16xi32> to vector<1xi32>
      %squeeze3A_490 = vector.extract %slice3A_489[0] : i32 from vector<1xi32>
      %shift_right_logical3A_491 = arith.constant 7 : i32
      %shift_right_logical3A_492 = arith.shrui %squeeze3A_490, %shift_right_logical3A_491 : i32
      %min3A_493 = arith.constant 7812 : i32
      %min3A_494 = arith.minsi %shift_right_logical3A_492, %min3A_493 : i32
      %mul3A_495 = arith.constant 128 : i32
      %mul3A_496 = arith.muli %min3A_494, %mul3A_495 : i32
      %multiple_of3A_497 = tpu.assume_multiple %mul3A_496, 128 : i32
      %dma_start3A_498 = arith.constant 0 : i32
      %dma_start3A_499 = arith.constant 1 : i32
      %dma_start3A_500 = arith.constant 0 : i32
      %dma_start3A_501 = arith.constant 0 : i32
      %dma_start3A_502 = tpu.memref_slice %arg7[%dma_start3A_498, %dma_start3A_499, %dma_start3A_500, %dma_start3A_501] : memref<2x2x64x128xf32, #tpu.memory_space<vmem>> -> memref<1x1x64x128xf32, #tpu.memory_space<vmem>>
      %dma_start3A_503 = tpu.memref_squeeze %dma_start3A_502 : memref<1x1x64x128xf32, #tpu.memory_space<vmem>> -> memref<64x128xf32, #tpu.memory_space<vmem>>
      %dma_start3A_504 = arith.constant 0 : i32
      %dma_start3A_505 = tpu.memref_slice %arg3[%dma_start3A_504, %multiple_of3A_497] : memref<64x1000000xf32, #tpu.memory_space<hbm>> -> memref<64x128xf32, #tpu.memory_space<hbm>>
      %dma_start3A_506 = arith.constant 0 : i32
      %dma_start3A_507 = arith.constant 0 : i32
      %dma_start3A_508 = tpu.memref_slice %arg7[%dma_start3A_498, %dma_start3A_499, %dma_start3A_506, %dma_start3A_507] : memref<2x2x64x128xf32, #tpu.memory_space<vmem>> -> memref<1x1x64x128xf32, #tpu.memory_space<vmem>>
      %dma_start3A_509 = tpu.memref_squeeze %dma_start3A_508 : memref<1x1x64x128xf32, #tpu.memory_space<vmem>> -> memref<64x128xf32, #tpu.memory_space<vmem>>
      %dma_start3A_510 = arith.constant 0 : i32
      %dma_start3A_511 = tpu.memref_slice %arg3[%dma_start3A_510, %multiple_of3A_497] : memref<64x1000000xf32, #tpu.memory_space<hbm>> -> memref<64x128xf32, #tpu.memory_space<hbm>>
      tpu.enqueue_dma source(%dma_start3A_511 : memref<64x128xf32, #tpu.memory_space<hbm>>) target(%dma_start3A_509 : memref<64x128xf32, #tpu.memory_space<vmem>>) target_semaphore(%arg10 : memref<!tpu.dma_semaphore, #tpu.memory_space<semaphore_mem>>)
      %dma_start3A_512 = arith.constant 0 : i32
      %dma_start3A_513 = arith.constant 1 : i32
      %dma_start3A_514 = arith.constant 0 : i32
      %dma_start3A_515 = arith.constant 0 : i32
      %dma_start3A_516 = tpu.memref_slice %arg8[%dma_start3A_512, %dma_start3A_513, %dma_start3A_514, %dma_start3A_515] : memref<2x2x64x128xf32, #tpu.memory_space<vmem>> -> memref<1x1x64x128xf32, #tpu.memory_space<vmem>>
      %dma_start3A_517 = tpu.memref_squeeze %dma_start3A_516 : memref<1x1x64x128xf32, #tpu.memory_space<vmem>> -> memref<64x128xf32, #tpu.memory_space<vmem>>
      %dma_start3A_518 = arith.constant 0 : i32
      %dma_start3A_519 = tpu.memref_slice %arg4[%dma_start3A_518, %multiple_of3A_497] : memref<64x1000000xf32, #tpu.memory_space<hbm>> -> memref<64x128xf32, #tpu.memory_space<hbm>>
      %dma_start3A_520 = arith.constant 0 : i32
      %dma_start3A_521 = arith.constant 0 : i32
      %dma_start3A_522 = tpu.memref_slice %arg8[%dma_start3A_512, %dma_start3A_513, %dma_start3A_520, %dma_start3A_521] : memref<2x2x64x128xf32, #tpu.memory_space<vmem>> -> memref<1x1x64x128xf32, #tpu.memory_space<vmem>>
      %dma_start3A_523 = tpu.memref_squeeze %dma_start3A_522 : memref<1x1x64x128xf32, #tpu.memory_space<vmem>> -> memref<64x128xf32, #tpu.memory_space<vmem>>
      %dma_start3A_524 = arith.constant 0 : i32
      %dma_start3A_525 = tpu.memref_slice %arg4[%dma_start3A_524, %multiple_of3A_497] : memref<64x1000000xf32, #tpu.memory_space<hbm>> -> memref<64x128xf32, #tpu.memory_space<hbm>>
      tpu.enqueue_dma source(%dma_start3A_525 : memref<64x128xf32, #tpu.memory_space<hbm>>) target(%dma_start3A_523 : memref<64x128xf32, #tpu.memory_space<vmem>>) target_semaphore(%arg10 : memref<!tpu.dma_semaphore, #tpu.memory_space<semaphore_mem>>)
      %dma_wait3A_526 = arith.constant 1 : i32
      %dma_wait3A_527 = arith.constant 0 : i32
      %dma_wait3A_528 = arith.constant 0 : i32
      %dma_wait3A_529 = arith.constant 0 : i32
      %dma_wait3A_530 = tpu.memref_slice %arg7[%dma_wait3A_526, %dma_wait3A_527, %dma_wait3A_528, %dma_wait3A_529] : memref<2x2x64x128xf32, #tpu.memory_space<vmem>> -> memref<1x1x64x128xf32, #tpu.memory_space<vmem>>
      %dma_wait3A_531 = tpu.memref_squeeze %dma_wait3A_530 : memref<1x1x64x128xf32, #tpu.memory_space<vmem>> -> memref<64x128xf32, #tpu.memory_space<vmem>>
      %dma_wait3A_532 = arith.constant 0 : i32
      %dma_wait3A_533 = arith.constant 0 : i32
      %dma_wait3A_534 = tpu.memref_slice %arg3[%dma_wait3A_532, %dma_wait3A_533] : memref<64x1000000xf32, #tpu.memory_space<hbm>> -> memref<64x128xf32, #tpu.memory_space<hbm>>
      %dma_wait3A_535 = arith.constant 0 : i32
      %dma_wait3A_536 = arith.constant 0 : i32
      %dma_wait3A_537 = tpu.memref_slice %arg7[%dma_wait3A_526, %dma_wait3A_527, %dma_wait3A_535, %dma_wait3A_536] : memref<2x2x64x128xf32, #tpu.memory_space<vmem>> -> memref<1x1x64x128xf32, #tpu.memory_space<vmem>>
      %dma_wait3A_538 = tpu.memref_squeeze %dma_wait3A_537 : memref<1x1x64x128xf32, #tpu.memory_space<vmem>> -> memref<64x128xf32, #tpu.memory_space<vmem>>
      %dma_wait3A_539 = arith.constant 0 : i32
      %dma_wait3A_540 = arith.constant 0 : i32
      %dma_wait3A_541 = tpu.memref_slice %arg3[%dma_wait3A_539, %dma_wait3A_540] : memref<64x1000000xf32, #tpu.memory_space<hbm>> -> memref<64x128xf32, #tpu.memory_space<hbm>>
      tpu.wait_dma2 semaphore(%arg11 : memref<!tpu.dma_semaphore, #tpu.memory_space<semaphore_mem>>) src(%dma_wait3A_541 : memref<64x128xf32, #tpu.memory_space<hbm>>) dst(%dma_wait3A_538 : memref<64x128xf32, #tpu.memory_space<vmem>>)
      %dma_wait3A_542 = arith.constant 1 : i32
      %dma_wait3A_543 = arith.constant 1 : i32
      %dma_wait3A_544 = arith.constant 0 : i32
      %dma_wait3A_545 = arith.constant 0 : i32
      %dma_wait3A_546 = tpu.memref_slice %arg7[%dma_wait3A_542, %dma_wait3A_543, %dma_wait3A_544, %dma_wait3A_545] : memref<2x2x64x128xf32, #tpu.memory_space<vmem>> -> memref<1x1x64x128xf32, #tpu.memory_space<vmem>>
      %dma_wait3A_547 = tpu.memref_squeeze %dma_wait3A_546 : memref<1x1x64x128xf32, #tpu.memory_space<vmem>> -> memref<64x128xf32, #tpu.memory_space<vmem>>
      %dma_wait3A_548 = arith.constant 0 : i32
      %dma_wait3A_549 = arith.constant 0 : i32
      %dma_wait3A_550 = tpu.memref_slice %arg3[%dma_wait3A_548, %dma_wait3A_549] : memref<64x1000000xf32, #tpu.memory_space<hbm>> -> memref<64x128xf32, #tpu.memory_space<hbm>>
      %dma_wait3A_551 = arith.constant 0 : i32
      %dma_wait3A_552 = arith.constant 0 : i32
      %dma_wait3A_553 = tpu.memref_slice %arg7[%dma_wait3A_542, %dma_wait3A_543, %dma_wait3A_551, %dma_wait3A_552] : memref<2x2x64x128xf32, #tpu.memory_space<vmem>> -> memref<1x1x64x128xf32, #tpu.memory_space<vmem>>
      %dma_wait3A_554 = tpu.memref_squeeze %dma_wait3A_553 : memref<1x1x64x128xf32, #tpu.memory_space<vmem>> -> memref<64x128xf32, #tpu.memory_space<vmem>>
      %dma_wait3A_555 = arith.constant 0 : i32
      %dma_wait3A_556 = arith.constant 0 : i32
      %dma_wait3A_557 = tpu.memref_slice %arg3[%dma_wait3A_555, %dma_wait3A_556] : memref<64x1000000xf32, #tpu.memory_space<hbm>> -> memref<64x128xf32, #tpu.memory_space<hbm>>
      tpu.wait_dma2 semaphore(%arg11 : memref<!tpu.dma_semaphore, #tpu.memory_space<semaphore_mem>>) src(%dma_wait3A_557 : memref<64x128xf32, #tpu.memory_space<hbm>>) dst(%dma_wait3A_554 : memref<64x128xf32, #tpu.memory_space<vmem>>)
      %dma_wait3A_558 = arith.constant 1 : i32
      %dma_wait3A_559 = arith.constant 0 : i32
      %dma_wait3A_560 = arith.constant 0 : i32
      %dma_wait3A_561 = arith.constant 0 : i32
      %dma_wait3A_562 = tpu.memref_slice %arg8[%dma_wait3A_558, %dma_wait3A_559, %dma_wait3A_560, %dma_wait3A_561] : memref<2x2x64x128xf32, #tpu.memory_space<vmem>> -> memref<1x1x64x128xf32, #tpu.memory_space<vmem>>
      %dma_wait3A_563 = tpu.memref_squeeze %dma_wait3A_562 : memref<1x1x64x128xf32, #tpu.memory_space<vmem>> -> memref<64x128xf32, #tpu.memory_space<vmem>>
      %dma_wait3A_564 = arith.constant 0 : i32
      %dma_wait3A_565 = arith.constant 0 : i32
      %dma_wait3A_566 = tpu.memref_slice %arg3[%dma_wait3A_564, %dma_wait3A_565] : memref<64x1000000xf32, #tpu.memory_space<hbm>> -> memref<64x128xf32, #tpu.memory_space<hbm>>
      %dma_wait3A_567 = arith.constant 0 : i32
      %dma_wait3A_568 = arith.constant 0 : i32
      %dma_wait3A_569 = tpu.memref_slice %arg8[%dma_wait3A_558, %dma_wait3A_559, %dma_wait3A_567, %dma_wait3A_568] : memref<2x2x64x128xf32, #tpu.memory_space<vmem>> -> memref<1x1x64x128xf32, #tpu.memory_space<vmem>>
      %dma_wait3A_570 = tpu.memref_squeeze %dma_wait3A_569 : memref<1x1x64x128xf32, #tpu.memory_space<vmem>> -> memref<64x128xf32, #tpu.memory_space<vmem>>
      %dma_wait3A_571 = arith.constant 0 : i32
      %dma_wait3A_572 = arith.constant 0 : i32
      %dma_wait3A_573 = tpu.memref_slice %arg3[%dma_wait3A_571, %dma_wait3A_572] : memref<64x1000000xf32, #tpu.memory_space<hbm>> -> memref<64x128xf32, #tpu.memory_space<hbm>>
      tpu.wait_dma2 semaphore(%arg11 : memref<!tpu.dma_semaphore, #tpu.memory_space<semaphore_mem>>) src(%dma_wait3A_573 : memref<64x128xf32, #tpu.memory_space<hbm>>) dst(%dma_wait3A_570 : memref<64x128xf32, #tpu.memory_space<vmem>>)
      %dma_wait3A_574 = arith.constant 1 : i32
      %dma_wait3A_575 = arith.constant 1 : i32
      %dma_wait3A_576 = arith.constant 0 : i32
      %dma_wait3A_577 = arith.constant 0 : i32
      %dma_wait3A_578 = tpu.memref_slice %arg8[%dma_wait3A_574, %dma_wait3A_575, %dma_wait3A_576, %dma_wait3A_577] : memref<2x2x64x128xf32, #tpu.memory_space<vmem>> -> memref<1x1x64x128xf32, #tpu.memory_space<vmem>>
      %dma_wait3A_579 = tpu.memref_squeeze %dma_wait3A_578 : memref<1x1x64x128xf32, #tpu.memory_space<vmem>> -> memref<64x128xf32, #tpu.memory_space<vmem>>
      %dma_wait3A_580 = arith.constant 0 : i32
      %dma_wait3A_581 = arith.constant 0 : i32
      %dma_wait3A_582 = tpu.memref_slice %arg3[%dma_wait3A_580, %dma_wait3A_581] : memref<64x1000000xf32, #tpu.memory_space<hbm>> -> memref<64x128xf32, #tpu.memory_space<hbm>>
      %dma_wait3A_583 = arith.constant 0 : i32
      %dma_wait3A_584 = arith.constant 0 : i32
      %dma_wait3A_585 = tpu.memref_slice %arg8[%dma_wait3A_574, %dma_wait3A_575, %dma_wait3A_583, %dma_wait3A_584] : memref<2x2x64x128xf32, #tpu.memory_space<vmem>> -> memref<1x1x64x128xf32, #tpu.memory_space<vmem>>
      %dma_wait3A_586 = tpu.memref_squeeze %dma_wait3A_585 : memref<1x1x64x128xf32, #tpu.memory_space<vmem>> -> memref<64x128xf32, #tpu.memory_space<vmem>>
      %dma_wait3A_587 = arith.constant 0 : i32
      %dma_wait3A_588 = arith.constant 0 : i32
      %dma_wait3A_589 = tpu.memref_slice %arg3[%dma_wait3A_587, %dma_wait3A_588] : memref<64x1000000xf32, #tpu.memory_space<hbm>> -> memref<64x128xf32, #tpu.memory_space<hbm>>
      tpu.wait_dma2 semaphore(%arg11 : memref<!tpu.dma_semaphore, #tpu.memory_space<semaphore_mem>>) src(%dma_wait3A_589 : memref<64x128xf32, #tpu.memory_space<hbm>>) dst(%dma_wait3A_586 : memref<64x128xf32, #tpu.memory_space<vmem>>)
      %slice3A_590 = vector.extract_strided_slice %get3A_97 {offsets = [2], sizes = [1], strides = [1]} : vector<16xi32> to vector<1xi32>
      %squeeze3A_591 = vector.extract %slice3A_590[0] : i32 from vector<1xi32>
      %add3A_592 = arith.constant 2 : i32
      %add3A_593 = arith.addi %mul3A_106, %add3A_592 : i32
      %and3A_594 = arith.constant 127 : i32
      %and3A_595 = arith.andi %squeeze3A_591, %and3A_594 : i32
      %add3A_596 = vector.broadcast %and3A_595 : i32 to vector<16xi32>
      %add3A_597 = arith.addi %broadcast_in_dim3A_18, %add3A_596 : vector<16xi32>
      %gather3A_598 = arith.constant 1 : i32
      %gather3A_599 = arith.constant 0 : i32
      %gather3A_600 = arith.constant 0 : i32
      %gather3A_601 = arith.constant 0 : i32
      %gather3A_602 = tpu.memref_slice %arg7[%gather3A_598, %gather3A_599, %gather3A_600, %gather3A_601] : memref<2x2x64x128xf32, #tpu.memory_space<vmem>> -> memref<1x1x64x128xf32, #tpu.memory_space<vmem>>
      %gather3A_603 = tpu.memref_squeeze %gather3A_602 : memref<1x1x64x128xf32, #tpu.memory_space<vmem>> -> memref<64x128xf32, #tpu.memory_space<vmem>>
      %gather3A_604 = tpu.vector_load_idx %gather3A_603[%add3A_5, %add3A_597] : memref<64x128xf32, #tpu.memory_space<vmem>>[vector<16xi32>, vector<16xi32>], vector<16xf32>,
      %gather3A_605 = arith.constant 1 : i32
      %gather3A_606 = arith.constant 0 : i32
      %gather3A_607 = arith.constant 0 : i32
      %gather3A_608 = arith.constant 0 : i32
      %gather3A_609 = tpu.memref_slice %arg8[%gather3A_605, %gather3A_606, %gather3A_607, %gather3A_608] : memref<2x2x64x128xf32, #tpu.memory_space<vmem>> -> memref<1x1x64x128xf32, #tpu.memory_space<vmem>>
      %gather3A_610 = tpu.memref_squeeze %gather3A_609 : memref<1x1x64x128xf32, #tpu.memory_space<vmem>> -> memref<64x128xf32, #tpu.memory_space<vmem>>
      %gather3A_611 = tpu.vector_load_idx %gather3A_610[%add3A_5, %add3A_597] : memref<64x128xf32, #tpu.memory_space<vmem>>[vector<16xi32>, vector<16xi32>], vector<16xf32>,
      %swap3A_612 = arith.index_cast %add3A_593 : i32 to index
      %swap3A_613 = arith.constant 0 : index
      %swap3A_614 = tpu.vector_load %arg9[%swap3A_612, %swap3A_613] {strides = array<i32>} : memref<32x256xf32, #tpu.memory_space<vmem>>, vector<16xf32>,
      tpu.vector_store %arg9[%swap3A_612, %swap3A_613], %gather3A_604 {strides = array<i32>} : memref<32x256xf32, #tpu.memory_space<vmem>>, vector<16xf32>,
      %swap3A_615 = arith.index_cast %add3A_593 : i32 to index
      %swap3A_616 = arith.constant 64 : index
      %swap3A_617 = tpu.vector_load %arg9[%swap3A_615, %swap3A_616] {strides = array<i32>} : memref<32x256xf32, #tpu.memory_space<vmem>>, vector<16xf32>,
      tpu.vector_store %arg9[%swap3A_615, %swap3A_616], %gather3A_611 {strides = array<i32>} : memref<32x256xf32, #tpu.memory_space<vmem>>, vector<16xf32>,
      %mul3A_618 = arith.mulf %gather3A_611, %gather3A_611 : vector<16xf32>
      %swap3A_619 = arith.index_cast %add3A_593 : i32 to index
      %swap3A_620 = arith.constant 128 : index
      %swap3A_621 = tpu.vector_load %arg9[%swap3A_619, %swap3A_620] {strides = array<i32>} : memref<32x256xf32, #tpu.memory_space<vmem>>, vector<16xf32>,
      tpu.vector_store %arg9[%swap3A_619, %swap3A_620], %mul3A_618 {strides = array<i32>} : memref<32x256xf32, #tpu.memory_space<vmem>>, vector<16xf32>,
      %gather3A_622 = arith.constant 1 : i32
      %gather3A_623 = arith.constant 0 : i32
      %gather3A_624 = arith.constant 0 : i32
      %gather3A_625 = arith.constant 0 : i32
      %gather3A_626 = tpu.memref_slice %arg7[%gather3A_622, %gather3A_623, %gather3A_624, %gather3A_625] : memref<2x2x64x128xf32, #tpu.memory_space<vmem>> -> memref<1x1x64x128xf32, #tpu.memory_space<vmem>>
      %gather3A_627 = tpu.memref_squeeze %gather3A_626 : memref<1x1x64x128xf32, #tpu.memory_space<vmem>> -> memref<64x128xf32, #tpu.memory_space<vmem>>
      %gather3A_628 = tpu.vector_load_idx %gather3A_627[%add3A_9, %add3A_597] : memref<64x128xf32, #tpu.memory_space<vmem>>[vector<16xi32>, vector<16xi32>], vector<16xf32>,
      %gather3A_629 = arith.constant 1 : i32
      %gather3A_630 = arith.constant 0 : i32
      %gather3A_631 = arith.constant 0 : i32
      %gather3A_632 = arith.constant 0 : i32
      %gather3A_633 = tpu.memref_slice %arg8[%gather3A_629, %gather3A_630, %gather3A_631, %gather3A_632] : memref<2x2x64x128xf32, #tpu.memory_space<vmem>> -> memref<1x1x64x128xf32, #tpu.memory_space<vmem>>
      %gather3A_634 = tpu.memref_squeeze %gather3A_633 : memref<1x1x64x128xf32, #tpu.memory_space<vmem>> -> memref<64x128xf32, #tpu.memory_space<vmem>>
      %gather3A_635 = tpu.vector_load_idx %gather3A_634[%add3A_9, %add3A_597] : memref<64x128xf32, #tpu.memory_space<vmem>>[vector<16xi32>, vector<16xi32>], vector<16xf32>,
      %swap3A_636 = arith.index_cast %add3A_593 : i32 to index
      %swap3A_637 = arith.constant 16 : index
      %swap3A_638 = tpu.vector_load %arg9[%swap3A_636, %swap3A_637] {strides = array<i32>} : memref<32x256xf32, #tpu.memory_space<vmem>>, vector<16xf32>,
      tpu.vector_store %arg9[%swap3A_636, %swap3A_637], %gather3A_628 {strides = array<i32>} : memref<32x256xf32, #tpu.memory_space<vmem>>, vector<16xf32>,
      %swap3A_639 = arith.index_cast %add3A_593 : i32 to index
      %swap3A_640 = arith.constant 80 : index
      %swap3A_641 = tpu.vector_load %arg9[%swap3A_639, %swap3A_640] {strides = array<i32>} : memref<32x256xf32, #tpu.memory_space<vmem>>, vector<16xf32>,
      tpu.vector_store %arg9[%swap3A_639, %swap3A_640], %gather3A_635 {strides = array<i32>} : memref<32x256xf32, #tpu.memory_space<vmem>>, vector<16xf32>,
      %mul3A_642 = arith.mulf %gather3A_635, %gather3A_635 : vector<16xf32>
      %swap3A_643 = arith.index_cast %add3A_593 : i32 to index
      %swap3A_644 = arith.constant 144 : index
      %swap3A_645 = tpu.vector_load %arg9[%swap3A_643, %swap3A_644] {strides = array<i32>} : memref<32x256xf32, #tpu.memory_space<vmem>>, vector<16xf32>,
      tpu.vector_store %arg9[%swap3A_643, %swap3A_644], %mul3A_642 {strides = array<i32>} : memref<32x256xf32, #tpu.memory_space<vmem>>, vector<16xf32>,
      %gather3A_646 = arith.constant 1 : i32
      %gather3A_647 = arith.constant 0 : i32
      %gather3A_648 = arith.constant 0 : i32
      %gather3A_649 = arith.constant 0 : i32
      %gather3A_650 = tpu.memref_slice %arg7[%gather3A_646, %gather3A_647, %gather3A_648, %gather3A_649] : memref<2x2x64x128xf32, #tpu.memory_space<vmem>> -> memref<1x1x64x128xf32, #tpu.memory_space<vmem>>
      %gather3A_651 = tpu.memref_squeeze %gather3A_650 : memref<1x1x64x128xf32, #tpu.memory_space<vmem>> -> memref<64x128xf32, #tpu.memory_space<vmem>>
      %gather3A_652 = tpu.vector_load_idx %gather3A_651[%add3A_13, %add3A_597] : memref<64x128xf32, #tpu.memory_space<vmem>>[vector<16xi32>, vector<16xi32>], vector<16xf32>,
      %gather3A_653 = arith.constant 1 : i32
      %gather3A_654 = arith.constant 0 : i32
      %gather3A_655 = arith.constant 0 : i32
      %gather3A_656 = arith.constant 0 : i32
      %gather3A_657 = tpu.memref_slice %arg8[%gather3A_653, %gather3A_654, %gather3A_655, %gather3A_656] : memref<2x2x64x128xf32, #tpu.memory_space<vmem>> -> memref<1x1x64x128xf32, #tpu.memory_space<vmem>>
      %gather3A_658 = tpu.memref_squeeze %gather3A_657 : memref<1x1x64x128xf32, #tpu.memory_space<vmem>> -> memref<64x128xf32, #tpu.memory_space<vmem>>
      %gather3A_659 = tpu.vector_load_idx %gather3A_658[%add3A_13, %add3A_597] : memref<64x128xf32, #tpu.memory_space<vmem>>[vector<16xi32>, vector<16xi32>], vector<16xf32>,
      %swap3A_660 = arith.index_cast %add3A_593 : i32 to index
      %swap3A_661 = arith.constant 32 : index
      %swap3A_662 = tpu.vector_load %arg9[%swap3A_660, %swap3A_661] {strides = array<i32>} : memref<32x256xf32, #tpu.memory_space<vmem>>, vector<16xf32>,
      tpu.vector_store %arg9[%swap3A_660, %swap3A_661], %gather3A_652 {strides = array<i32>} : memref<32x256xf32, #tpu.memory_space<vmem>>, vector<16xf32>,
      %swap3A_663 = arith.index_cast %add3A_593 : i32 to index
      %swap3A_664 = arith.constant 96 : index
      %swap3A_665 = tpu.vector_load %arg9[%swap3A_663, %swap3A_664] {strides = array<i32>} : memref<32x256xf32, #tpu.memory_space<vmem>>, vector<16xf32>,
      tpu.vector_store %arg9[%swap3A_663, %swap3A_664], %gather3A_659 {strides = array<i32>} : memref<32x256xf32, #tpu.memory_space<vmem>>, vector<16xf32>,
      %mul3A_666 = arith.mulf %gather3A_659, %gather3A_659 : vector<16xf32>
      %swap3A_667 = arith.index_cast %add3A_593 : i32 to index
      %swap3A_668 = arith.constant 160 : index
      %swap3A_669 = tpu.vector_load %arg9[%swap3A_667, %swap3A_668] {strides = array<i32>} : memref<32x256xf32, #tpu.memory_space<vmem>>, vector<16xf32>,
      tpu.vector_store %arg9[%swap3A_667, %swap3A_668], %mul3A_666 {strides = array<i32>} : memref<32x256xf32, #tpu.memory_space<vmem>>, vector<16xf32>,
      %gather3A_670 = arith.constant 1 : i32
      %gather3A_671 = arith.constant 0 : i32
      %gather3A_672 = arith.constant 0 : i32
      %gather3A_673 = arith.constant 0 : i32
      %gather3A_674 = tpu.memref_slice %arg7[%gather3A_670, %gather3A_671, %gather3A_672, %gather3A_673] : memref<2x2x64x128xf32, #tpu.memory_space<vmem>> -> memref<1x1x64x128xf32, #tpu.memory_space<vmem>>
      %gather3A_675 = tpu.memref_squeeze %gather3A_674 : memref<1x1x64x128xf32, #tpu.memory_space<vmem>> -> memref<64x128xf32, #tpu.memory_space<vmem>>
      %gather3A_676 = tpu.vector_load_idx %gather3A_675[%add3A_17, %add3A_597] : memref<64x128xf32, #tpu.memory_space<vmem>>[vector<16xi32>, vector<16xi32>], vector<16xf32>,
      %gather3A_677 = arith.constant 1 : i32
      %gather3A_678 = arith.constant 0 : i32
      %gather3A_679 = arith.constant 0 : i32
      %gather3A_680 = arith.constant 0 : i32
      %gather3A_681 = tpu.memref_slice %arg8[%gather3A_677, %gather3A_678, %gather3A_679, %gather3A_680] : memref<2x2x64x128xf32, #tpu.memory_space<vmem>> -> memref<1x1x64x128xf32, #tpu.memory_space<vmem>>
      %gather3A_682 = tpu.memref_squeeze %gather3A_681 : memref<1x1x64x128xf32, #tpu.memory_space<vmem>> -> memref<64x128xf32, #tpu.memory_space<vmem>>
      %gather3A_683 = tpu.vector_load_idx %gather3A_682[%add3A_17, %add3A_597] : memref<64x128xf32, #tpu.memory_space<vmem>>[vector<16xi32>, vector<16xi32>], vector<16xf32>,
      %swap3A_684 = arith.index_cast %add3A_593 : i32 to index
      %swap3A_685 = arith.constant 48 : index
      %swap3A_686 = tpu.vector_load %arg9[%swap3A_684, %swap3A_685] {strides = array<i32>} : memref<32x256xf32, #tpu.memory_space<vmem>>, vector<16xf32>,
      tpu.vector_store %arg9[%swap3A_684, %swap3A_685], %gather3A_676 {strides = array<i32>} : memref<32x256xf32, #tpu.memory_space<vmem>>, vector<16xf32>,
      %swap3A_687 = arith.index_cast %add3A_593 : i32 to index
      %swap3A_688 = arith.constant 112 : index
      %swap3A_689 = tpu.vector_load %arg9[%swap3A_687, %swap3A_688] {strides = array<i32>} : memref<32x256xf32, #tpu.memory_space<vmem>>, vector<16xf32>,
      tpu.vector_store %arg9[%swap3A_687, %swap3A_688], %gather3A_683 {strides = array<i32>} : memref<32x256xf32, #tpu.memory_space<vmem>>, vector<16xf32>,
      %mul3A_690 = arith.mulf %gather3A_683, %gather3A_683 : vector<16xf32>
      %swap3A_691 = arith.index_cast %add3A_593 : i32 to index
      %swap3A_692 = arith.constant 176 : index
      %swap3A_693 = tpu.vector_load %arg9[%swap3A_691, %swap3A_692] {strides = array<i32>} : memref<32x256xf32, #tpu.memory_space<vmem>>, vector<16xf32>,
      tpu.vector_store %arg9[%swap3A_691, %swap3A_692], %mul3A_690 {strides = array<i32>} : memref<32x256xf32, #tpu.memory_space<vmem>>, vector<16xf32>,
      %slice3A_694 = vector.extract_strided_slice %get3A_97 {offsets = [3], sizes = [1], strides = [1]} : vector<16xi32> to vector<1xi32>
      %squeeze3A_695 = vector.extract %slice3A_694[0] : i32 from vector<1xi32>
      %add3A_696 = arith.constant 2 : i32
      %add3A_697 = arith.addi %mul3A_106, %add3A_696 : i32
      %add3A_698 = arith.constant 1 : i32
      %add3A_699 = arith.addi %add3A_697, %add3A_698 : i32
      %and3A_700 = arith.constant 127 : i32
      %and3A_701 = arith.andi %squeeze3A_695, %and3A_700 : i32
      %add3A_702 = vector.broadcast %and3A_701 : i32 to vector<16xi32>
      %add3A_703 = arith.addi %broadcast_in_dim3A_18, %add3A_702 : vector<16xi32>
      %gather3A_704 = arith.constant 1 : i32
      %gather3A_705 = arith.constant 1 : i32
      %gather3A_706 = arith.constant 0 : i32
      %gather3A_707 = arith.constant 0 : i32
      %gather3A_708 = tpu.memref_slice %arg7[%gather3A_704, %gather3A_705, %gather3A_706, %gather3A_707] : memref<2x2x64x128xf32, #tpu.memory_space<vmem>> -> memref<1x1x64x128xf32, #tpu.memory_space<vmem>>
      %gather3A_709 = tpu.memref_squeeze %gather3A_708 : memref<1x1x64x128xf32, #tpu.memory_space<vmem>> -> memref<64x128xf32, #tpu.memory_space<vmem>>
      %gather3A_710 = tpu.vector_load_idx %gather3A_709[%add3A_5, %add3A_703] : memref<64x128xf32, #tpu.memory_space<vmem>>[vector<16xi32>, vector<16xi32>], vector<16xf32>,
      %gather3A_711 = arith.constant 1 : i32
      %gather3A_712 = arith.constant 1 : i32
      %gather3A_713 = arith.constant 0 : i32
      %gather3A_714 = arith.constant 0 : i32
      %gather3A_715 = tpu.memref_slice %arg8[%gather3A_711, %gather3A_712, %gather3A_713, %gather3A_714] : memref<2x2x64x128xf32, #tpu.memory_space<vmem>> -> memref<1x1x64x128xf32, #tpu.memory_space<vmem>>
      %gather3A_716 = tpu.memref_squeeze %gather3A_715 : memref<1x1x64x128xf32, #tpu.memory_space<vmem>> -> memref<64x128xf32, #tpu.memory_space<vmem>>
      %gather3A_717 = tpu.vector_load_idx %gather3A_716[%add3A_5, %add3A_703] : memref<64x128xf32, #tpu.memory_space<vmem>>[vector<16xi32>, vector<16xi32>], vector<16xf32>,
      %swap3A_718 = arith.index_cast %add3A_699 : i32 to index
      %swap3A_719 = arith.constant 0 : index
      %swap3A_720 = tpu.vector_load %arg9[%swap3A_718, %swap3A_719] {strides = array<i32>} : memref<32x256xf32, #tpu.memory_space<vmem>>, vector<16xf32>,
      tpu.vector_store %arg9[%swap3A_718, %swap3A_719], %gather3A_710 {strides = array<i32>} : memref<32x256xf32, #tpu.memory_space<vmem>>, vector<16xf32>,
      %swap3A_721 = arith.index_cast %add3A_699 : i32 to index
      %swap3A_722 = arith.constant 64 : index
      %swap3A_723 = tpu.vector_load %arg9[%swap3A_721, %swap3A_722] {strides = array<i32>} : memref<32x256xf32, #tpu.memory_space<vmem>>, vector<16xf32>,
      tpu.vector_store %arg9[%swap3A_721, %swap3A_722], %gather3A_717 {strides = array<i32>} : memref<32x256xf32, #tpu.memory_space<vmem>>, vector<16xf32>,
      %mul3A_724 = arith.mulf %gather3A_717, %gather3A_717 : vector<16xf32>
      %swap3A_725 = arith.index_cast %add3A_699 : i32 to index
      %swap3A_726 = arith.constant 128 : index
      %swap3A_727 = tpu.vector_load %arg9[%swap3A_725, %swap3A_726] {strides = array<i32>} : memref<32x256xf32, #tpu.memory_space<vmem>>, vector<16xf32>,
      tpu.vector_store %arg9[%swap3A_725, %swap3A_726], %mul3A_724 {strides = array<i32>} : memref<32x256xf32, #tpu.memory_space<vmem>>, vector<16xf32>,
      %gather3A_728 = arith.constant 1 : i32
      %gather3A_729 = arith.constant 1 : i32
      %gather3A_730 = arith.constant 0 : i32
      %gather3A_731 = arith.constant 0 : i32
      %gather3A_732 = tpu.memref_slice %arg7[%gather3A_728, %gather3A_729, %gather3A_730, %gather3A_731] : memref<2x2x64x128xf32, #tpu.memory_space<vmem>> -> memref<1x1x64x128xf32, #tpu.memory_space<vmem>>
      %gather3A_733 = tpu.memref_squeeze %gather3A_732 : memref<1x1x64x128xf32, #tpu.memory_space<vmem>> -> memref<64x128xf32, #tpu.memory_space<vmem>>
      %gather3A_734 = tpu.vector_load_idx %gather3A_733[%add3A_9, %add3A_703] : memref<64x128xf32, #tpu.memory_space<vmem>>[vector<16xi32>, vector<16xi32>], vector<16xf32>,
      %gather3A_735 = arith.constant 1 : i32
      %gather3A_736 = arith.constant 1 : i32
      %gather3A_737 = arith.constant 0 : i32
      %gather3A_738 = arith.constant 0 : i32
      %gather3A_739 = tpu.memref_slice %arg8[%gather3A_735, %gather3A_736, %gather3A_737, %gather3A_738] : memref<2x2x64x128xf32, #tpu.memory_space<vmem>> -> memref<1x1x64x128xf32, #tpu.memory_space<vmem>>
      %gather3A_740 = tpu.memref_squeeze %gather3A_739 : memref<1x1x64x128xf32, #tpu.memory_space<vmem>> -> memref<64x128xf32, #tpu.memory_space<vmem>>
      %gather3A_741 = tpu.vector_load_idx %gather3A_740[%add3A_9, %add3A_703] : memref<64x128xf32, #tpu.memory_space<vmem>>[vector<16xi32>, vector<16xi32>], vector<16xf32>,
      %swap3A_742 = arith.index_cast %add3A_699 : i32 to index
      %swap3A_743 = arith.constant 16 : index
      %swap3A_744 = tpu.vector_load %arg9[%swap3A_742, %swap3A_743] {strides = array<i32>} : memref<32x256xf32, #tpu.memory_space<vmem>>, vector<16xf32>,
      tpu.vector_store %arg9[%swap3A_742, %swap3A_743], %gather3A_734 {strides = array<i32>} : memref<32x256xf32, #tpu.memory_space<vmem>>, vector<16xf32>,
      %swap3A_745 = arith.index_cast %add3A_699 : i32 to index
      %swap3A_746 = arith.constant 80 : index
      %swap3A_747 = tpu.vector_load %arg9[%swap3A_745, %swap3A_746] {strides = array<i32>} : memref<32x256xf32, #tpu.memory_space<vmem>>, vector<16xf32>,
      tpu.vector_store %arg9[%swap3A_745, %swap3A_746], %gather3A_741 {strides = array<i32>} : memref<32x256xf32, #tpu.memory_space<vmem>>, vector<16xf32>,
      %mul3A_748 = arith.mulf %gather3A_741, %gather3A_741 : vector<16xf32>
      %swap3A_749 = arith.index_cast %add3A_699 : i32 to index
      %swap3A_750 = arith.constant 144 : index
      %swap3A_751 = tpu.vector_load %arg9[%swap3A_749, %swap3A_750] {strides = array<i32>} : memref<32x256xf32, #tpu.memory_space<vmem>>, vector<16xf32>,
      tpu.vector_store %arg9[%swap3A_749, %swap3A_750], %mul3A_748 {strides = array<i32>} : memref<32x256xf32, #tpu.memory_space<vmem>>, vector<16xf32>,
      %gather3A_752 = arith.constant 1 : i32
      %gather3A_753 = arith.constant 1 : i32
      %gather3A_754 = arith.constant 0 : i32
      %gather3A_755 = arith.constant 0 : i32
      %gather3A_756 = tpu.memref_slice %arg7[%gather3A_752, %gather3A_753, %gather3A_754, %gather3A_755] : memref<2x2x64x128xf32, #tpu.memory_space<vmem>> -> memref<1x1x64x128xf32, #tpu.memory_space<vmem>>
      %gather3A_757 = tpu.memref_squeeze %gather3A_756 : memref<1x1x64x128xf32, #tpu.memory_space<vmem>> -> memref<64x128xf32, #tpu.memory_space<vmem>>
      %gather3A_758 = tpu.vector_load_idx %gather3A_757[%add3A_13, %add3A_703] : memref<64x128xf32, #tpu.memory_space<vmem>>[vector<16xi32>, vector<16xi32>], vector<16xf32>,
      %gather3A_759 = arith.constant 1 : i32
      %gather3A_760 = arith.constant 1 : i32
      %gather3A_761 = arith.constant 0 : i32
      %gather3A_762 = arith.constant 0 : i32
      %gather3A_763 = tpu.memref_slice %arg8[%gather3A_759, %gather3A_760, %gather3A_761, %gather3A_762] : memref<2x2x64x128xf32, #tpu.memory_space<vmem>> -> memref<1x1x64x128xf32, #tpu.memory_space<vmem>>
      %gather3A_764 = tpu.memref_squeeze %gather3A_763 : memref<1x1x64x128xf32, #tpu.memory_space<vmem>> -> memref<64x128xf32, #tpu.memory_space<vmem>>
      %gather3A_765 = tpu.vector_load_idx %gather3A_764[%add3A_13, %add3A_703] : memref<64x128xf32, #tpu.memory_space<vmem>>[vector<16xi32>, vector<16xi32>], vector<16xf32>,
      %swap3A_766 = arith.index_cast %add3A_699 : i32 to index
      %swap3A_767 = arith.constant 32 : index
      %swap3A_768 = tpu.vector_load %arg9[%swap3A_766, %swap3A_767] {strides = array<i32>} : memref<32x256xf32, #tpu.memory_space<vmem>>, vector<16xf32>,
      tpu.vector_store %arg9[%swap3A_766, %swap3A_767], %gather3A_758 {strides = array<i32>} : memref<32x256xf32, #tpu.memory_space<vmem>>, vector<16xf32>,
      %swap3A_769 = arith.index_cast %add3A_699 : i32 to index
      %swap3A_770 = arith.constant 96 : index
      %swap3A_771 = tpu.vector_load %arg9[%swap3A_769, %swap3A_770] {strides = array<i32>} : memref<32x256xf32, #tpu.memory_space<vmem>>, vector<16xf32>,
      tpu.vector_store %arg9[%swap3A_769, %swap3A_770], %gather3A_765 {strides = array<i32>} : memref<32x256xf32, #tpu.memory_space<vmem>>, vector<16xf32>,
      %mul3A_772 = arith.mulf %gather3A_765, %gather3A_765 : vector<16xf32>
      %swap3A_773 = arith.index_cast %add3A_699 : i32 to index
      %swap3A_774 = arith.constant 160 : index
      %swap3A_775 = tpu.vector_load %arg9[%swap3A_773, %swap3A_774] {strides = array<i32>} : memref<32x256xf32, #tpu.memory_space<vmem>>, vector<16xf32>,
      tpu.vector_store %arg9[%swap3A_773, %swap3A_774], %mul3A_772 {strides = array<i32>} : memref<32x256xf32, #tpu.memory_space<vmem>>, vector<16xf32>,
      %gather3A_776 = arith.constant 1 : i32
      %gather3A_777 = arith.constant 1 : i32
      %gather3A_778 = arith.constant 0 : i32
      %gather3A_779 = arith.constant 0 : i32
      %gather3A_780 = tpu.memref_slice %arg7[%gather3A_776, %gather3A_777, %gather3A_778, %gather3A_779] : memref<2x2x64x128xf32, #tpu.memory_space<vmem>> -> memref<1x1x64x128xf32, #tpu.memory_space<vmem>>
      %gather3A_781 = tpu.memref_squeeze %gather3A_780 : memref<1x1x64x128xf32, #tpu.memory_space<vmem>> -> memref<64x128xf32, #tpu.memory_space<vmem>>
      %gather3A_782 = tpu.vector_load_idx %gather3A_781[%add3A_17, %add3A_703] : memref<64x128xf32, #tpu.memory_space<vmem>>[vector<16xi32>, vector<16xi32>], vector<16xf32>,
      %gather3A_783 = arith.constant 1 : i32
      %gather3A_784 = arith.constant 1 : i32
      %gather3A_785 = arith.constant 0 : i32
      %gather3A_786 = arith.constant 0 : i32
      %gather3A_787 = tpu.memref_slice %arg8[%gather3A_783, %gather3A_784, %gather3A_785, %gather3A_786] : memref<2x2x64x128xf32, #tpu.memory_space<vmem>> -> memref<1x1x64x128xf32, #tpu.memory_space<vmem>>
      %gather3A_788 = tpu.memref_squeeze %gather3A_787 : memref<1x1x64x128xf32, #tpu.memory_space<vmem>> -> memref<64x128xf32, #tpu.memory_space<vmem>>
      %gather3A_789 = tpu.vector_load_idx %gather3A_788[%add3A_17, %add3A_703] : memref<64x128xf32, #tpu.memory_space<vmem>>[vector<16xi32>, vector<16xi32>], vector<16xf32>,
      %swap3A_790 = arith.index_cast %add3A_699 : i32 to index
      %swap3A_791 = arith.constant 48 : index
      %swap3A_792 = tpu.vector_load %arg9[%swap3A_790, %swap3A_791] {strides = array<i32>} : memref<32x256xf32, #tpu.memory_space<vmem>>, vector<16xf32>,
      tpu.vector_store %arg9[%swap3A_790, %swap3A_791], %gather3A_782 {strides = array<i32>} : memref<32x256xf32, #tpu.memory_space<vmem>>, vector<16xf32>,
      %swap3A_793 = arith.index_cast %add3A_699 : i32 to index
      %swap3A_794 = arith.constant 112 : index
      %swap3A_795 = tpu.vector_load %arg9[%swap3A_793, %swap3A_794] {strides = array<i32>} : memref<32x256xf32, #tpu.memory_space<vmem>>, vector<16xf32>,
      tpu.vector_store %arg9[%swap3A_793, %swap3A_794], %gather3A_789 {strides = array<i32>} : memref<32x256xf32, #tpu.memory_space<vmem>>, vector<16xf32>,
      %mul3A_796 = arith.mulf %gather3A_789, %gather3A_789 : vector<16xf32>
      %swap3A_797 = arith.index_cast %add3A_699 : i32 to index
      %swap3A_798 = arith.constant 176 : index
      %swap3A_799 = tpu.vector_load %arg9[%swap3A_797, %swap3A_798] {strides = array<i32>} : memref<32x256xf32, #tpu.memory_space<vmem>>, vector<16xf32>,
      tpu.vector_store %arg9[%swap3A_797, %swap3A_798], %mul3A_796 {strides = array<i32>} : memref<32x256xf32, #tpu.memory_space<vmem>>, vector<16xf32>,
      %slice3A_800 = vector.extract_strided_slice %get3A_97 {offsets = [6], sizes = [1], strides = [1]} : vector<16xi32> to vector<1xi32>
      %squeeze3A_801 = vector.extract %slice3A_800[0] : i32 from vector<1xi32>
      %shift_right_logical3A_802 = arith.constant 7 : i32
      %shift_right_logical3A_803 = arith.shrui %squeeze3A_801, %shift_right_logical3A_802 : i32
      %min3A_804 = arith.constant 7812 : i32
      %min3A_805 = arith.minsi %shift_right_logical3A_803, %min3A_804 : i32
      %mul3A_806 = arith.constant 128 : i32
      %mul3A_807 = arith.muli %min3A_805, %mul3A_806 : i32
      %multiple_of3A_808 = tpu.assume_multiple %mul3A_807, 128 : i32
      %dma_start3A_809 = arith.constant 1 : i32
      %dma_start3A_810 = arith.constant 0 : i32
      %dma_start3A_811 = arith.constant 0 : i32
      %dma_start3A_812 = arith.constant 0 : i32
      %dma_start3A_813 = tpu.memref_slice %arg7[%dma_start3A_809, %dma_start3A_810, %dma_start3A_811, %dma_start3A_812] : memref<2x2x64x128xf32, #tpu.memory_space<vmem>> -> memref<1x1x64x128xf32, #tpu.memory_space<vmem>>
      %dma_start3A_814 = tpu.memref_squeeze %dma_start3A_813 : memref<1x1x64x128xf32, #tpu.memory_space<vmem>> -> memref<64x128xf32, #tpu.memory_space<vmem>>
      %dma_start3A_815 = arith.constant 0 : i32
      %dma_start3A_816 = tpu.memref_slice %arg3[%dma_start3A_815, %multiple_of3A_808] : memref<64x1000000xf32, #tpu.memory_space<hbm>> -> memref<64x128xf32, #tpu.memory_space<hbm>>
      %dma_start3A_817 = arith.constant 0 : i32
      %dma_start3A_818 = arith.constant 0 : i32
      %dma_start3A_819 = tpu.memref_slice %arg7[%dma_start3A_809, %dma_start3A_810, %dma_start3A_817, %dma_start3A_818] : memref<2x2x64x128xf32, #tpu.memory_space<vmem>> -> memref<1x1x64x128xf32, #tpu.memory_space<vmem>>
      %dma_start3A_820 = tpu.memref_squeeze %dma_start3A_819 : memref<1x1x64x128xf32, #tpu.memory_space<vmem>> -> memref<64x128xf32, #tpu.memory_space<vmem>>
      %dma_start3A_821 = arith.constant 0 : i32
      %dma_start3A_822 = tpu.memref_slice %arg3[%dma_start3A_821, %multiple_of3A_808] : memref<64x1000000xf32, #tpu.memory_space<hbm>> -> memref<64x128xf32, #tpu.memory_space<hbm>>
      tpu.enqueue_dma source(%dma_start3A_822 : memref<64x128xf32, #tpu.memory_space<hbm>>) target(%dma_start3A_820 : memref<64x128xf32, #tpu.memory_space<vmem>>) target_semaphore(%arg11 : memref<!tpu.dma_semaphore, #tpu.memory_space<semaphore_mem>>)
      %dma_start3A_823 = arith.constant 1 : i32
      %dma_start3A_824 = arith.constant 0 : i32
      %dma_start3A_825 = arith.constant 0 : i32
      %dma_start3A_826 = arith.constant 0 : i32
      %dma_start3A_827 = tpu.memref_slice %arg8[%dma_start3A_823, %dma_start3A_824, %dma_start3A_825, %dma_start3A_826] : memref<2x2x64x128xf32, #tpu.memory_space<vmem>> -> memref<1x1x64x128xf32, #tpu.memory_space<vmem>>
      %dma_start3A_828 = tpu.memref_squeeze %dma_start3A_827 : memref<1x1x64x128xf32, #tpu.memory_space<vmem>> -> memref<64x128xf32, #tpu.memory_space<vmem>>
      %dma_start3A_829 = arith.constant 0 : i32
      %dma_start3A_830 = tpu.memref_slice %arg4[%dma_start3A_829, %multiple_of3A_808] : memref<64x1000000xf32, #tpu.memory_space<hbm>> -> memref<64x128xf32, #tpu.memory_space<hbm>>
      %dma_start3A_831 = arith.constant 0 : i32
      %dma_start3A_832 = arith.constant 0 : i32
      %dma_start3A_833 = tpu.memref_slice %arg8[%dma_start3A_823, %dma_start3A_824, %dma_start3A_831, %dma_start3A_832] : memref<2x2x64x128xf32, #tpu.memory_space<vmem>> -> memref<1x1x64x128xf32, #tpu.memory_space<vmem>>
      %dma_start3A_834 = tpu.memref_squeeze %dma_start3A_833 : memref<1x1x64x128xf32, #tpu.memory_space<vmem>> -> memref<64x128xf32, #tpu.memory_space<vmem>>
      %dma_start3A_835 = arith.constant 0 : i32
      %dma_start3A_836 = tpu.memref_slice %arg4[%dma_start3A_835, %multiple_of3A_808] : memref<64x1000000xf32, #tpu.memory_space<hbm>> -> memref<64x128xf32, #tpu.memory_space<hbm>>
      tpu.enqueue_dma source(%dma_start3A_836 : memref<64x128xf32, #tpu.memory_space<hbm>>) target(%dma_start3A_834 : memref<64x128xf32, #tpu.memory_space<vmem>>) target_semaphore(%arg11 : memref<!tpu.dma_semaphore, #tpu.memory_space<semaphore_mem>>)
      %slice3A_837 = vector.extract_strided_slice %get3A_97 {offsets = [7], sizes = [1], strides = [1]} : vector<16xi32> to vector<1xi32>
      %squeeze3A_838 = vector.extract %slice3A_837[0] : i32 from vector<1xi32>
      %shift_right_logical3A_839 = arith.constant 7 : i32
      %shift_right_logical3A_840 = arith.shrui %squeeze3A_838, %shift_right_logical3A_839 : i32
      %min3A_841 = arith.constant 7812 : i32
      %min3A_842 = arith.minsi %shift_right_logical3A_840, %min3A_841 : i32
      %mul3A_843 = arith.constant 128 : i32
      %mul3A_844 = arith.muli %min3A_842, %mul3A_843 : i32
      %multiple_of3A_845 = tpu.assume_multiple %mul3A_844, 128 : i32
      %dma_start3A_846 = arith.constant 1 : i32
      %dma_start3A_847 = arith.constant 1 : i32
      %dma_start3A_848 = arith.constant 0 : i32
      %dma_start3A_849 = arith.constant 0 : i32
      %dma_start3A_850 = tpu.memref_slice %arg7[%dma_start3A_846, %dma_start3A_847, %dma_start3A_848, %dma_start3A_849] : memref<2x2x64x128xf32, #tpu.memory_space<vmem>> -> memref<1x1x64x128xf32, #tpu.memory_space<vmem>>
      %dma_start3A_851 = tpu.memref_squeeze %dma_start3A_850 : memref<1x1x64x128xf32, #tpu.memory_space<vmem>> -> memref<64x128xf32, #tpu.memory_space<vmem>>
      %dma_start3A_852 = arith.constant 0 : i32
      %dma_start3A_853 = tpu.memref_slice %arg3[%dma_start3A_852, %multiple_of3A_845] : memref<64x1000000xf32, #tpu.memory_space<hbm>> -> memref<64x128xf32, #tpu.memory_space<hbm>>
      %dma_start3A_854 = arith.constant 0 : i32
      %dma_start3A_855 = arith.constant 0 : i32
      %dma_start3A_856 = tpu.memref_slice %arg7[%dma_start3A_846, %dma_start3A_847, %dma_start3A_854, %dma_start3A_855] : memref<2x2x64x128xf32, #tpu.memory_space<vmem>> -> memref<1x1x64x128xf32, #tpu.memory_space<vmem>>
      %dma_start3A_857 = tpu.memref_squeeze %dma_start3A_856 : memref<1x1x64x128xf32, #tpu.memory_space<vmem>> -> memref<64x128xf32, #tpu.memory_space<vmem>>
      %dma_start3A_858 = arith.constant 0 : i32
      %dma_start3A_859 = tpu.memref_slice %arg3[%dma_start3A_858, %multiple_of3A_845] : memref<64x1000000xf32, #tpu.memory_space<hbm>> -> memref<64x128xf32, #tpu.memory_space<hbm>>
      tpu.enqueue_dma source(%dma_start3A_859 : memref<64x128xf32, #tpu.memory_space<hbm>>) target(%dma_start3A_857 : memref<64x128xf32, #tpu.memory_space<vmem>>) target_semaphore(%arg11 : memref<!tpu.dma_semaphore, #tpu.memory_space<semaphore_mem>>)
      %dma_start3A_860 = arith.constant 1 : i32
      %dma_start3A_861 = arith.constant 1 : i32
      %dma_start3A_862 = arith.constant 0 : i32
      %dma_start3A_863 = arith.constant 0 : i32
      %dma_start3A_864 = tpu.memref_slice %arg8[%dma_start3A_860, %dma_start3A_861, %dma_start3A_862, %dma_start3A_863] : memref<2x2x64x128xf32, #tpu.memory_space<vmem>> -> memref<1x1x64x128xf32, #tpu.memory_space<vmem>>
      %dma_start3A_865 = tpu.memref_squeeze %dma_start3A_864 : memref<1x1x64x128xf32, #tpu.memory_space<vmem>> -> memref<64x128xf32, #tpu.memory_space<vmem>>
      %dma_start3A_866 = arith.constant 0 : i32
      %dma_start3A_867 = tpu.memref_slice %arg4[%dma_start3A_866, %multiple_of3A_845] : memref<64x1000000xf32, #tpu.memory_space<hbm>> -> memref<64x128xf32, #tpu.memory_space<hbm>>
      %dma_start3A_868 = arith.constant 0 : i32
      %dma_start3A_869 = arith.constant 0 : i32
      %dma_start3A_870 = tpu.memref_slice %arg8[%dma_start3A_860, %dma_start3A_861, %dma_start3A_868, %dma_start3A_869] : memref<2x2x64x128xf32, #tpu.memory_space<vmem>> -> memref<1x1x64x128xf32, #tpu.memory_space<vmem>>
      %dma_start3A_871 = tpu.memref_squeeze %dma_start3A_870 : memref<1x1x64x128xf32, #tpu.memory_space<vmem>> -> memref<64x128xf32, #tpu.memory_space<vmem>>
      %dma_start3A_872 = arith.constant 0 : i32
      %dma_start3A_873 = tpu.memref_slice %arg4[%dma_start3A_872, %multiple_of3A_845] : memref<64x1000000xf32, #tpu.memory_space<hbm>> -> memref<64x128xf32, #tpu.memory_space<hbm>>
      tpu.enqueue_dma source(%dma_start3A_873 : memref<64x128xf32, #tpu.memory_space<hbm>>) target(%dma_start3A_871 : memref<64x128xf32, #tpu.memory_space<vmem>>) target_semaphore(%arg11 : memref<!tpu.dma_semaphore, #tpu.memory_space<semaphore_mem>>)
      %dma_wait3A_874 = arith.constant 0 : i32
      %dma_wait3A_875 = arith.constant 0 : i32
      %dma_wait3A_876 = arith.constant 0 : i32
      %dma_wait3A_877 = arith.constant 0 : i32
      %dma_wait3A_878 = tpu.memref_slice %arg7[%dma_wait3A_874, %dma_wait3A_875, %dma_wait3A_876, %dma_wait3A_877] : memref<2x2x64x128xf32, #tpu.memory_space<vmem>> -> memref<1x1x64x128xf32, #tpu.memory_space<vmem>>
      %dma_wait3A_879 = tpu.memref_squeeze %dma_wait3A_878 : memref<1x1x64x128xf32, #tpu.memory_space<vmem>> -> memref<64x128xf32, #tpu.memory_space<vmem>>
      %dma_wait3A_880 = arith.constant 0 : i32
      %dma_wait3A_881 = arith.constant 0 : i32
      %dma_wait3A_882 = tpu.memref_slice %arg3[%dma_wait3A_880, %dma_wait3A_881] : memref<64x1000000xf32, #tpu.memory_space<hbm>> -> memref<64x128xf32, #tpu.memory_space<hbm>>
      %dma_wait3A_883 = arith.constant 0 : i32
      %dma_wait3A_884 = arith.constant 0 : i32
      %dma_wait3A_885 = tpu.memref_slice %arg7[%dma_wait3A_874, %dma_wait3A_875, %dma_wait3A_883, %dma_wait3A_884] : memref<2x2x64x128xf32, #tpu.memory_space<vmem>> -> memref<1x1x64x128xf32, #tpu.memory_space<vmem>>
      %dma_wait3A_886 = tpu.memref_squeeze %dma_wait3A_885 : memref<1x1x64x128xf32, #tpu.memory_space<vmem>> -> memref<64x128xf32, #tpu.memory_space<vmem>>
      %dma_wait3A_887 = arith.constant 0 : i32
      %dma_wait3A_888 = arith.constant 0 : i32
      %dma_wait3A_889 = tpu.memref_slice %arg3[%dma_wait3A_887, %dma_wait3A_888] : memref<64x1000000xf32, #tpu.memory_space<hbm>> -> memref<64x128xf32, #tpu.memory_space<hbm>>
      tpu.wait_dma2 semaphore(%arg10 : memref<!tpu.dma_semaphore, #tpu.memory_space<semaphore_mem>>) src(%dma_wait3A_889 : memref<64x128xf32, #tpu.memory_space<hbm>>) dst(%dma_wait3A_886 : memref<64x128xf32, #tpu.memory_space<vmem>>)
      %dma_wait3A_890 = arith.constant 0 : i32
      %dma_wait3A_891 = arith.constant 1 : i32
      %dma_wait3A_892 = arith.constant 0 : i32
      %dma_wait3A_893 = arith.constant 0 : i32
      %dma_wait3A_894 = tpu.memref_slice %arg7[%dma_wait3A_890, %dma_wait3A_891, %dma_wait3A_892, %dma_wait3A_893] : memref<2x2x64x128xf32, #tpu.memory_space<vmem>> -> memref<1x1x64x128xf32, #tpu.memory_space<vmem>>
      %dma_wait3A_895 = tpu.memref_squeeze %dma_wait3A_894 : memref<1x1x64x128xf32, #tpu.memory_space<vmem>> -> memref<64x128xf32, #tpu.memory_space<vmem>>
      %dma_wait3A_896 = arith.constant 0 : i32
      %dma_wait3A_897 = arith.constant 0 : i32
      %dma_wait3A_898 = tpu.memref_slice %arg3[%dma_wait3A_896, %dma_wait3A_897] : memref<64x1000000xf32, #tpu.memory_space<hbm>> -> memref<64x128xf32, #tpu.memory_space<hbm>>
      %dma_wait3A_899 = arith.constant 0 : i32
      %dma_wait3A_900 = arith.constant 0 : i32
      %dma_wait3A_901 = tpu.memref_slice %arg7[%dma_wait3A_890, %dma_wait3A_891, %dma_wait3A_899, %dma_wait3A_900] : memref<2x2x64x128xf32, #tpu.memory_space<vmem>> -> memref<1x1x64x128xf32, #tpu.memory_space<vmem>>
      %dma_wait3A_902 = tpu.memref_squeeze %dma_wait3A_901 : memref<1x1x64x128xf32, #tpu.memory_space<vmem>> -> memref<64x128xf32, #tpu.memory_space<vmem>>
      %dma_wait3A_903 = arith.constant 0 : i32
      %dma_wait3A_904 = arith.constant 0 : i32
      %dma_wait3A_905 = tpu.memref_slice %arg3[%dma_wait3A_903, %dma_wait3A_904] : memref<64x1000000xf32, #tpu.memory_space<hbm>> -> memref<64x128xf32, #tpu.memory_space<hbm>>
      tpu.wait_dma2 semaphore(%arg10 : memref<!tpu.dma_semaphore, #tpu.memory_space<semaphore_mem>>) src(%dma_wait3A_905 : memref<64x128xf32, #tpu.memory_space<hbm>>) dst(%dma_wait3A_902 : memref<64x128xf32, #tpu.memory_space<vmem>>)
      %dma_wait3A_906 = arith.constant 0 : i32
      %dma_wait3A_907 = arith.constant 0 : i32
      %dma_wait3A_908 = arith.constant 0 : i32
      %dma_wait3A_909 = arith.constant 0 : i32
      %dma_wait3A_910 = tpu.memref_slice %arg8[%dma_wait3A_906, %dma_wait3A_907, %dma_wait3A_908, %dma_wait3A_909] : memref<2x2x64x128xf32, #tpu.memory_space<vmem>> -> memref<1x1x64x128xf32, #tpu.memory_space<vmem>>
      %dma_wait3A_911 = tpu.memref_squeeze %dma_wait3A_910 : memref<1x1x64x128xf32, #tpu.memory_space<vmem>> -> memref<64x128xf32, #tpu.memory_space<vmem>>
      %dma_wait3A_912 = arith.constant 0 : i32
      %dma_wait3A_913 = arith.constant 0 : i32
      %dma_wait3A_914 = tpu.memref_slice %arg3[%dma_wait3A_912, %dma_wait3A_913] : memref<64x1000000xf32, #tpu.memory_space<hbm>> -> memref<64x128xf32, #tpu.memory_space<hbm>>
      %dma_wait3A_915 = arith.constant 0 : i32
      %dma_wait3A_916 = arith.constant 0 : i32
      %dma_wait3A_917 = tpu.memref_slice %arg8[%dma_wait3A_906, %dma_wait3A_907, %dma_wait3A_915, %dma_wait3A_916] : memref<2x2x64x128xf32, #tpu.memory_space<vmem>> -> memref<1x1x64x128xf32, #tpu.memory_space<vmem>>
      %dma_wait3A_918 = tpu.memref_squeeze %dma_wait3A_917 : memref<1x1x64x128xf32, #tpu.memory_space<vmem>> -> memref<64x128xf32, #tpu.memory_space<vmem>>
      %dma_wait3A_919 = arith.constant 0 : i32
      %dma_wait3A_920 = arith.constant 0 : i32
      %dma_wait3A_921 = tpu.memref_slice %arg3[%dma_wait3A_919, %dma_wait3A_920] : memref<64x1000000xf32, #tpu.memory_space<hbm>> -> memref<64x128xf32, #tpu.memory_space<hbm>>
      tpu.wait_dma2 semaphore(%arg10 : memref<!tpu.dma_semaphore, #tpu.memory_space<semaphore_mem>>) src(%dma_wait3A_921 : memref<64x128xf32, #tpu.memory_space<hbm>>) dst(%dma_wait3A_918 : memref<64x128xf32, #tpu.memory_space<vmem>>)
      %dma_wait3A_922 = arith.constant 0 : i32
      %dma_wait3A_923 = arith.constant 1 : i32
      %dma_wait3A_924 = arith.constant 0 : i32
      %dma_wait3A_925 = arith.constant 0 : i32
      %dma_wait3A_926 = tpu.memref_slice %arg8[%dma_wait3A_922, %dma_wait3A_923, %dma_wait3A_924, %dma_wait3A_925] : memref<2x2x64x128xf32, #tpu.memory_space<vmem>> -> memref<1x1x64x128xf32, #tpu.memory_space<vmem>>
      %dma_wait3A_927 = tpu.memref_squeeze %dma_wait3A_926 : memref<1x1x64x128xf32, #tpu.memory_space<vmem>> -> memref<64x128xf32, #tpu.memory_space<vmem>>
      %dma_wait3A_928 = arith.constant 0 : i32
      %dma_wait3A_929 = arith.constant 0 : i32
      %dma_wait3A_930 = tpu.memref_slice %arg3[%dma_wait3A_928, %dma_wait3A_929] : memref<64x1000000xf32, #tpu.memory_space<hbm>> -> memref<64x128xf32, #tpu.memory_space<hbm>>
      %dma_wait3A_931 = arith.constant 0 : i32
      %dma_wait3A_932 = arith.constant 0 : i32
      %dma_wait3A_933 = tpu.memref_slice %arg8[%dma_wait3A_922, %dma_wait3A_923, %dma_wait3A_931, %dma_wait3A_932] : memref<2x2x64x128xf32, #tpu.memory_space<vmem>> -> memref<1x1x64x128xf32, #tpu.memory_space<vmem>>
      %dma_wait3A_934 = tpu.memref_squeeze %dma_wait3A_933 : memref<1x1x64x128xf32, #tpu.memory_space<vmem>> -> memref<64x128xf32, #tpu.memory_space<vmem>>
      %dma_wait3A_935 = arith.constant 0 : i32
      %dma_wait3A_936 = arith.constant 0 : i32
      %dma_wait3A_937 = tpu.memref_slice %arg3[%dma_wait3A_935, %dma_wait3A_936] : memref<64x1000000xf32, #tpu.memory_space<hbm>> -> memref<64x128xf32, #tpu.memory_space<hbm>>
      tpu.wait_dma2 semaphore(%arg10 : memref<!tpu.dma_semaphore, #tpu.memory_space<semaphore_mem>>) src(%dma_wait3A_937 : memref<64x128xf32, #tpu.memory_space<hbm>>) dst(%dma_wait3A_934 : memref<64x128xf32, #tpu.memory_space<vmem>>)
      %slice3A_938 = vector.extract_strided_slice %get3A_97 {offsets = [4], sizes = [1], strides = [1]} : vector<16xi32> to vector<1xi32>
      %squeeze3A_939 = vector.extract %slice3A_938[0] : i32 from vector<1xi32>
      %add3A_940 = arith.constant 4 : i32
      %add3A_941 = arith.addi %mul3A_106, %add3A_940 : i32
      %and3A_942 = arith.constant 127 : i32
      %and3A_943 = arith.andi %squeeze3A_939, %and3A_942 : i32
      %add3A_944 = vector.broadcast %and3A_943 : i32 to vector<16xi32>
      %add3A_945 = arith.addi %broadcast_in_dim3A_18, %add3A_944 : vector<16xi32>
      %gather3A_946 = arith.constant 0 : i32
      %gather3A_947 = arith.constant 0 : i32
      %gather3A_948 = arith.constant 0 : i32
      %gather3A_949 = arith.constant 0 : i32
      %gather3A_950 = tpu.memref_slice %arg7[%gather3A_946, %gather3A_947, %gather3A_948, %gather3A_949] : memref<2x2x64x128xf32, #tpu.memory_space<vmem>> -> memref<1x1x64x128xf32, #tpu.memory_space<vmem>>
      %gather3A_951 = tpu.memref_squeeze %gather3A_950 : memref<1x1x64x128xf32, #tpu.memory_space<vmem>> -> memref<64x128xf32, #tpu.memory_space<vmem>>
      %gather3A_952 = tpu.vector_load_idx %gather3A_951[%add3A_5, %add3A_945] : memref<64x128xf32, #tpu.memory_space<vmem>>[vector<16xi32>, vector<16xi32>], vector<16xf32>,
      %gather3A_953 = arith.constant 0 : i32
      %gather3A_954 = arith.constant 0 : i32
      %gather3A_955 = arith.constant 0 : i32
      %gather3A_956 = arith.constant 0 : i32
      %gather3A_957 = tpu.memref_slice %arg8[%gather3A_953, %gather3A_954, %gather3A_955, %gather3A_956] : memref<2x2x64x128xf32, #tpu.memory_space<vmem>> -> memref<1x1x64x128xf32, #tpu.memory_space<vmem>>
      %gather3A_958 = tpu.memref_squeeze %gather3A_957 : memref<1x1x64x128xf32, #tpu.memory_space<vmem>> -> memref<64x128xf32, #tpu.memory_space<vmem>>
      %gather3A_959 = tpu.vector_load_idx %gather3A_958[%add3A_5, %add3A_945] : memref<64x128xf32, #tpu.memory_space<vmem>>[vector<16xi32>, vector<16xi32>], vector<16xf32>,
      %swap3A_960 = arith.index_cast %add3A_941 : i32 to index
      %swap3A_961 = arith.constant 0 : index
      %swap3A_962 = tpu.vector_load %arg9[%swap3A_960, %swap3A_961] {strides = array<i32>} : memref<32x256xf32, #tpu.memory_space<vmem>>, vector<16xf32>,
      tpu.vector_store %arg9[%swap3A_960, %swap3A_961], %gather3A_952 {strides = array<i32>} : memref<32x256xf32, #tpu.memory_space<vmem>>, vector<16xf32>,
      %swap3A_963 = arith.index_cast %add3A_941 : i32 to index
      %swap3A_964 = arith.constant 64 : index
      %swap3A_965 = tpu.vector_load %arg9[%swap3A_963, %swap3A_964] {strides = array<i32>} : memref<32x256xf32, #tpu.memory_space<vmem>>, vector<16xf32>,
      tpu.vector_store %arg9[%swap3A_963, %swap3A_964], %gather3A_959 {strides = array<i32>} : memref<32x256xf32, #tpu.memory_space<vmem>>, vector<16xf32>,
      %mul3A_966 = arith.mulf %gather3A_959, %gather3A_959 : vector<16xf32>
      %swap3A_967 = arith.index_cast %add3A_941 : i32 to index
      %swap3A_968 = arith.constant 128 : index
      %swap3A_969 = tpu.vector_load %arg9[%swap3A_967, %swap3A_968] {strides = array<i32>} : memref<32x256xf32, #tpu.memory_space<vmem>>, vector<16xf32>,
      tpu.vector_store %arg9[%swap3A_967, %swap3A_968], %mul3A_966 {strides = array<i32>} : memref<32x256xf32, #tpu.memory_space<vmem>>, vector<16xf32>,
      %gather3A_970 = arith.constant 0 : i32
      %gather3A_971 = arith.constant 0 : i32
      %gather3A_972 = arith.constant 0 : i32
      %gather3A_973 = arith.constant 0 : i32
      %gather3A_974 = tpu.memref_slice %arg7[%gather3A_970, %gather3A_971, %gather3A_972, %gather3A_973] : memref<2x2x64x128xf32, #tpu.memory_space<vmem>> -> memref<1x1x64x128xf32, #tpu.memory_space<vmem>>
      %gather3A_975 = tpu.memref_squeeze %gather3A_974 : memref<1x1x64x128xf32, #tpu.memory_space<vmem>> -> memref<64x128xf32, #tpu.memory_space<vmem>>
      %gather3A_976 = tpu.vector_load_idx %gather3A_975[%add3A_9, %add3A_945] : memref<64x128xf32, #tpu.memory_space<vmem>>[vector<16xi32>, vector<16xi32>], vector<16xf32>,
      %gather3A_977 = arith.constant 0 : i32
      %gather3A_978 = arith.constant 0 : i32
      %gather3A_979 = arith.constant 0 : i32
      %gather3A_980 = arith.constant 0 : i32
      %gather3A_981 = tpu.memref_slice %arg8[%gather3A_977, %gather3A_978, %gather3A_979, %gather3A_980] : memref<2x2x64x128xf32, #tpu.memory_space<vmem>> -> memref<1x1x64x128xf32, #tpu.memory_space<vmem>>
      %gather3A_982 = tpu.memref_squeeze %gather3A_981 : memref<1x1x64x128xf32, #tpu.memory_space<vmem>> -> memref<64x128xf32, #tpu.memory_space<vmem>>
      %gather3A_983 = tpu.vector_load_idx %gather3A_982[%add3A_9, %add3A_945] : memref<64x128xf32, #tpu.memory_space<vmem>>[vector<16xi32>, vector<16xi32>], vector<16xf32>,
      %swap3A_984 = arith.index_cast %add3A_941 : i32 to index
      %swap3A_985 = arith.constant 16 : index
      %swap3A_986 = tpu.vector_load %arg9[%swap3A_984, %swap3A_985] {strides = array<i32>} : memref<32x256xf32, #tpu.memory_space<vmem>>, vector<16xf32>,
      tpu.vector_store %arg9[%swap3A_984, %swap3A_985], %gather3A_976 {strides = array<i32>} : memref<32x256xf32, #tpu.memory_space<vmem>>, vector<16xf32>,
      %swap3A_987 = arith.index_cast %add3A_941 : i32 to index
      %swap3A_988 = arith.constant 80 : index
      %swap3A_989 = tpu.vector_load %arg9[%swap3A_987, %swap3A_988] {strides = array<i32>} : memref<32x256xf32, #tpu.memory_space<vmem>>, vector<16xf32>,
      tpu.vector_store %arg9[%swap3A_987, %swap3A_988], %gather3A_983 {strides = array<i32>} : memref<32x256xf32, #tpu.memory_space<vmem>>, vector<16xf32>,
      %mul3A_990 = arith.mulf %gather3A_983, %gather3A_983 : vector<16xf32>
      %swap3A_991 = arith.index_cast %add3A_941 : i32 to index
      %swap3A_992 = arith.constant 144 : index
      %swap3A_993 = tpu.vector_load %arg9[%swap3A_991, %swap3A_992] {strides = array<i32>} : memref<32x256xf32, #tpu.memory_space<vmem>>, vector<16xf32>,
      tpu.vector_store %arg9[%swap3A_991, %swap3A_992], %mul3A_990 {strides = array<i32>} : memref<32x256xf32, #tpu.memory_space<vmem>>, vector<16xf32>,
      %gather3A_994 = arith.constant 0 : i32
      %gather3A_995 = arith.constant 0 : i32
      %gather3A_996 = arith.constant 0 : i32
      %gather3A_997 = arith.constant 0 : i32
      %gather3A_998 = tpu.memref_slice %arg7[%gather3A_994, %gather3A_995, %gather3A_996, %gather3A_997] : memref<2x2x64x128xf32, #tpu.memory_space<vmem>> -> memref<1x1x64x128xf32, #tpu.memory_space<vmem>>
      %gather3A_999 = tpu.memref_squeeze %gather3A_998 : memref<1x1x64x128xf32, #tpu.memory_space<vmem>> -> memref<64x128xf32, #tpu.memory_space<vmem>>
      %gather3A_1000 = tpu.vector_load_idx %gather3A_999[%add3A_13, %add3A_945] : memref<64x128xf32, #tpu.memory_space<vmem>>[vector<16xi32>, vector<16xi32>], vector<16xf32>,
      %gather3A_1001 = arith.constant 0 : i32
      %gather3A_1002 = arith.constant 0 : i32
      %gather3A_1003 = arith.constant 0 : i32
      %gather3A_1004 = arith.constant 0 : i32
      %gather3A_1005 = tpu.memref_slice %arg8[%gather3A_1001, %gather3A_1002, %gather3A_1003, %gather3A_1004] : memref<2x2x64x128xf32, #tpu.memory_space<vmem>> -> memref<1x1x64x128xf32, #tpu.memory_space<vmem>>
      %gather3A_1006 = tpu.memref_squeeze %gather3A_1005 : memref<1x1x64x128xf32, #tpu.memory_space<vmem>> -> memref<64x128xf32, #tpu.memory_space<vmem>>
      %gather3A_1007 = tpu.vector_load_idx %gather3A_1006[%add3A_13, %add3A_945] : memref<64x128xf32, #tpu.memory_space<vmem>>[vector<16xi32>, vector<16xi32>], vector<16xf32>,
      %swap3A_1008 = arith.index_cast %add3A_941 : i32 to index
      %swap3A_1009 = arith.constant 32 : index
      %swap3A_1010 = tpu.vector_load %arg9[%swap3A_1008, %swap3A_1009] {strides = array<i32>} : memref<32x256xf32, #tpu.memory_space<vmem>>, vector<16xf32>,
      tpu.vector_store %arg9[%swap3A_1008, %swap3A_1009], %gather3A_1000 {strides = array<i32>} : memref<32x256xf32, #tpu.memory_space<vmem>>, vector<16xf32>,
      %swap3A_1011 = arith.index_cast %add3A_941 : i32 to index
      %swap3A_1012 = arith.constant 96 : index
      %swap3A_1013 = tpu.vector_load %arg9[%swap3A_1011, %swap3A_1012] {strides = array<i32>} : memref<32x256xf32, #tpu.memory_space<vmem>>, vector<16xf32>,
      tpu.vector_store %arg9[%swap3A_1011, %swap3A_1012], %gather3A_1007 {strides = array<i32>} : memref<32x256xf32, #tpu.memory_space<vmem>>, vector<16xf32>,
      %mul3A_1014 = arith.mulf %gather3A_1007, %gather3A_1007 : vector<16xf32>
      %swap3A_1015 = arith.index_cast %add3A_941 : i32 to index
      %swap3A_1016 = arith.constant 160 : index
      %swap3A_1017 = tpu.vector_load %arg9[%swap3A_1015, %swap3A_1016] {strides = array<i32>} : memref<32x256xf32, #tpu.memory_space<vmem>>, vector<16xf32>,
      tpu.vector_store %arg9[%swap3A_1015, %swap3A_1016], %mul3A_1014 {strides = array<i32>} : memref<32x256xf32, #tpu.memory_space<vmem>>, vector<16xf32>,
      %gather3A_1018 = arith.constant 0 : i32
      %gather3A_1019 = arith.constant 0 : i32
      %gather3A_1020 = arith.constant 0 : i32
      %gather3A_1021 = arith.constant 0 : i32
      %gather3A_1022 = tpu.memref_slice %arg7[%gather3A_1018, %gather3A_1019, %gather3A_1020, %gather3A_1021] : memref<2x2x64x128xf32, #tpu.memory_space<vmem>> -> memref<1x1x64x128xf32, #tpu.memory_space<vmem>>
      %gather3A_1023 = tpu.memref_squeeze %gather3A_1022 : memref<1x1x64x128xf32, #tpu.memory_space<vmem>> -> memref<64x128xf32, #tpu.memory_space<vmem>>
      %gather3A_1024 = tpu.vector_load_idx %gather3A_1023[%add3A_17, %add3A_945] : memref<64x128xf32, #tpu.memory_space<vmem>>[vector<16xi32>, vector<16xi32>], vector<16xf32>,
      %gather3A_1025 = arith.constant 0 : i32
      %gather3A_1026 = arith.constant 0 : i32
      %gather3A_1027 = arith.constant 0 : i32
      %gather3A_1028 = arith.constant 0 : i32
      %gather3A_1029 = tpu.memref_slice %arg8[%gather3A_1025, %gather3A_1026, %gather3A_1027, %gather3A_1028] : memref<2x2x64x128xf32, #tpu.memory_space<vmem>> -> memref<1x1x64x128xf32, #tpu.memory_space<vmem>>
      %gather3A_1030 = tpu.memref_squeeze %gather3A_1029 : memref<1x1x64x128xf32, #tpu.memory_space<vmem>> -> memref<64x128xf32, #tpu.memory_space<vmem>>
      %gather3A_1031 = tpu.vector_load_idx %gather3A_1030[%add3A_17, %add3A_945] : memref<64x128xf32, #tpu.memory_space<vmem>>[vector<16xi32>, vector<16xi32>], vector<16xf32>,
      %swap3A_1032 = arith.index_cast %add3A_941 : i32 to index
      %swap3A_1033 = arith.constant 48 : index
      %swap3A_1034 = tpu.vector_load %arg9[%swap3A_1032, %swap3A_1033] {strides = array<i32>} : memref<32x256xf32, #tpu.memory_space<vmem>>, vector<16xf32>,
      tpu.vector_store %arg9[%swap3A_1032, %swap3A_1033], %gather3A_1024 {strides = array<i32>} : memref<32x256xf32, #tpu.memory_space<vmem>>, vector<16xf32>,
      %swap3A_1035 = arith.index_cast %add3A_941 : i32 to index
      %swap3A_1036 = arith.constant 112 : index
      %swap3A_1037 = tpu.vector_load %arg9[%swap3A_1035, %swap3A_1036] {strides = array<i32>} : memref<32x256xf32, #tpu.memory_space<vmem>>, vector<16xf32>,
      tpu.vector_store %arg9[%swap3A_1035, %swap3A_1036], %gather3A_1031 {strides = array<i32>} : memref<32x256xf32, #tpu.memory_space<vmem>>, vector<16xf32>,
      %mul3A_1038 = arith.mulf %gather3A_1031, %gather3A_1031 : vector<16xf32>
      %swap3A_1039 = arith.index_cast %add3A_941 : i32 to index
      %swap3A_1040 = arith.constant 176 : index
      %swap3A_1041 = tpu.vector_load %arg9[%swap3A_1039, %swap3A_1040] {strides = array<i32>} : memref<32x256xf32, #tpu.memory_space<vmem>>, vector<16xf32>,
      tpu.vector_store %arg9[%swap3A_1039, %swap3A_1040], %mul3A_1038 {strides = array<i32>} : memref<32x256xf32, #tpu.memory_space<vmem>>, vector<16xf32>,
      %slice3A_1042 = vector.extract_strided_slice %get3A_97 {offsets = [5], sizes = [1], strides = [1]} : vector<16xi32> to vector<1xi32>
      %squeeze3A_1043 = vector.extract %slice3A_1042[0] : i32 from vector<1xi32>
      %add3A_1044 = arith.constant 4 : i32
      %add3A_1045 = arith.addi %mul3A_106, %add3A_1044 : i32
      %add3A_1046 = arith.constant 1 : i32
      %add3A_1047 = arith.addi %add3A_1045, %add3A_1046 : i32
      %and3A_1048 = arith.constant 127 : i32
      %and3A_1049 = arith.andi %squeeze3A_1043, %and3A_1048 : i32
      %add3A_1050 = vector.broadcast %and3A_1049 : i32 to vector<16xi32>
      %add3A_1051 = arith.addi %broadcast_in_dim3A_18, %add3A_1050 : vector<16xi32>
      %gather3A_1052 = arith.constant 0 : i32
      %gather3A_1053 = arith.constant 1 : i32
      %gather3A_1054 = arith.constant 0 : i32
      %gather3A_1055 = arith.constant 0 : i32
      %gather3A_1056 = tpu.memref_slice %arg7[%gather3A_1052, %gather3A_1053, %gather3A_1054, %gather3A_1055] : memref<2x2x64x128xf32, #tpu.memory_space<vmem>> -> memref<1x1x64x128xf32, #tpu.memory_space<vmem>>
      %gather3A_1057 = tpu.memref_squeeze %gather3A_1056 : memref<1x1x64x128xf32, #tpu.memory_space<vmem>> -> memref<64x128xf32, #tpu.memory_space<vmem>>
      %gather3A_1058 = tpu.vector_load_idx %gather3A_1057[%add3A_5, %add3A_1051] : memref<64x128xf32, #tpu.memory_space<vmem>>[vector<16xi32>, vector<16xi32>], vector<16xf32>,
      %gather3A_1059 = arith.constant 0 : i32
      %gather3A_1060 = arith.constant 1 : i32
      %gather3A_1061 = arith.constant 0 : i32
      %gather3A_1062 = arith.constant 0 : i32
      %gather3A_1063 = tpu.memref_slice %arg8[%gather3A_1059, %gather3A_1060, %gather3A_1061, %gather3A_1062] : memref<2x2x64x128xf32, #tpu.memory_space<vmem>> -> memref<1x1x64x128xf32, #tpu.memory_space<vmem>>
      %gather3A_1064 = tpu.memref_squeeze %gather3A_1063 : memref<1x1x64x128xf32, #tpu.memory_space<vmem>> -> memref<64x128xf32, #tpu.memory_space<vmem>>
      %gather3A_1065 = tpu.vector_load_idx %gather3A_1064[%add3A_5, %add3A_1051] : memref<64x128xf32, #tpu.memory_space<vmem>>[vector<16xi32>, vector<16xi32>], vector<16xf32>,
      %swap3A_1066 = arith.index_cast %add3A_1047 : i32 to index
      %swap3A_1067 = arith.constant 0 : index
      %swap3A_1068 = tpu.vector_load %arg9[%swap3A_1066, %swap3A_1067] {strides = array<i32>} : memref<32x256xf32, #tpu.memory_space<vmem>>, vector<16xf32>,
      tpu.vector_store %arg9[%swap3A_1066, %swap3A_1067], %gather3A_1058 {strides = array<i32>} : memref<32x256xf32, #tpu.memory_space<vmem>>, vector<16xf32>,
      %swap3A_1069 = arith.index_cast %add3A_1047 : i32 to index
      %swap3A_1070 = arith.constant 64 : index
      %swap3A_1071 = tpu.vector_load %arg9[%swap3A_1069, %swap3A_1070] {strides = array<i32>} : memref<32x256xf32, #tpu.memory_space<vmem>>, vector<16xf32>,
      tpu.vector_store %arg9[%swap3A_1069, %swap3A_1070], %gather3A_1065 {strides = array<i32>} : memref<32x256xf32, #tpu.memory_space<vmem>>, vector<16xf32>,
      %mul3A_1072 = arith.mulf %gather3A_1065, %gather3A_1065 : vector<16xf32>
      %swap3A_1073 = arith.index_cast %add3A_1047 : i32 to index
      %swap3A_1074 = arith.constant 128 : index
      %swap3A_1075 = tpu.vector_load %arg9[%swap3A_1073, %swap3A_1074] {strides = array<i32>} : memref<32x256xf32, #tpu.memory_space<vmem>>, vector<16xf32>,
      tpu.vector_store %arg9[%swap3A_1073, %swap3A_1074], %mul3A_1072 {strides = array<i32>} : memref<32x256xf32, #tpu.memory_space<vmem>>, vector<16xf32>,
      %gather3A_1076 = arith.constant 0 : i32
      %gather3A_1077 = arith.constant 1 : i32
      %gather3A_1078 = arith.constant 0 : i32
      %gather3A_1079 = arith.constant 0 : i32
      %gather3A_1080 = tpu.memref_slice %arg7[%gather3A_1076, %gather3A_1077, %gather3A_1078, %gather3A_1079] : memref<2x2x64x128xf32, #tpu.memory_space<vmem>> -> memref<1x1x64x128xf32, #tpu.memory_space<vmem>>
      %gather3A_1081 = tpu.memref_squeeze %gather3A_1080 : memref<1x1x64x128xf32, #tpu.memory_space<vmem>> -> memref<64x128xf32, #tpu.memory_space<vmem>>
      %gather3A_1082 = tpu.vector_load_idx %gather3A_1081[%add3A_9, %add3A_1051] : memref<64x128xf32, #tpu.memory_space<vmem>>[vector<16xi32>, vector<16xi32>], vector<16xf32>,
      %gather3A_1083 = arith.constant 0 : i32
      %gather3A_1084 = arith.constant 1 : i32
      %gather3A_1085 = arith.constant 0 : i32
      %gather3A_1086 = arith.constant 0 : i32
      %gather3A_1087 = tpu.memref_slice %arg8[%gather3A_1083, %gather3A_1084, %gather3A_1085, %gather3A_1086] : memref<2x2x64x128xf32, #tpu.memory_space<vmem>> -> memref<1x1x64x128xf32, #tpu.memory_space<vmem>>
      %gather3A_1088 = tpu.memref_squeeze %gather3A_1087 : memref<1x1x64x128xf32, #tpu.memory_space<vmem>> -> memref<64x128xf32, #tpu.memory_space<vmem>>
      %gather3A_1089 = tpu.vector_load_idx %gather3A_1088[%add3A_9, %add3A_1051] : memref<64x128xf32, #tpu.memory_space<vmem>>[vector<16xi32>, vector<16xi32>], vector<16xf32>,
      %swap3A_1090 = arith.index_cast %add3A_1047 : i32 to index
      %swap3A_1091 = arith.constant 16 : index
      %swap3A_1092 = tpu.vector_load %arg9[%swap3A_1090, %swap3A_1091] {strides = array<i32>} : memref<32x256xf32, #tpu.memory_space<vmem>>, vector<16xf32>,
      tpu.vector_store %arg9[%swap3A_1090, %swap3A_1091], %gather3A_1082 {strides = array<i32>} : memref<32x256xf32, #tpu.memory_space<vmem>>, vector<16xf32>,
      %swap3A_1093 = arith.index_cast %add3A_1047 : i32 to index
      %swap3A_1094 = arith.constant 80 : index
      %swap3A_1095 = tpu.vector_load %arg9[%swap3A_1093, %swap3A_1094] {strides = array<i32>} : memref<32x256xf32, #tpu.memory_space<vmem>>, vector<16xf32>,
      tpu.vector_store %arg9[%swap3A_1093, %swap3A_1094], %gather3A_1089 {strides = array<i32>} : memref<32x256xf32, #tpu.memory_space<vmem>>, vector<16xf32>,
      %mul3A_1096 = arith.mulf %gather3A_1089, %gather3A_1089 : vector<16xf32>
      %swap3A_1097 = arith.index_cast %add3A_1047 : i32 to index
      %swap3A_1098 = arith.constant 144 : index
      %swap3A_1099 = tpu.vector_load %arg9[%swap3A_1097, %swap3A_1098] {strides = array<i32>} : memref<32x256xf32, #tpu.memory_space<vmem>>, vector<16xf32>,
      tpu.vector_store %arg9[%swap3A_1097, %swap3A_1098], %mul3A_1096 {strides = array<i32>} : memref<32x256xf32, #tpu.memory_space<vmem>>, vector<16xf32>,
      %gather3A_1100 = arith.constant 0 : i32
      %gather3A_1101 = arith.constant 1 : i32
      %gather3A_1102 = arith.constant 0 : i32
      %gather3A_1103 = arith.constant 0 : i32
      %gather3A_1104 = tpu.memref_slice %arg7[%gather3A_1100, %gather3A_1101, %gather3A_1102, %gather3A_1103] : memref<2x2x64x128xf32, #tpu.memory_space<vmem>> -> memref<1x1x64x128xf32, #tpu.memory_space<vmem>>
      %gather3A_1105 = tpu.memref_squeeze %gather3A_1104 : memref<1x1x64x128xf32, #tpu.memory_space<vmem>> -> memref<64x128xf32, #tpu.memory_space<vmem>>
      %gather3A_1106 = tpu.vector_load_idx %gather3A_1105[%add3A_13, %add3A_1051] : memref<64x128xf32, #tpu.memory_space<vmem>>[vector<16xi32>, vector<16xi32>], vector<16xf32>,
      %gather3A_1107 = arith.constant 0 : i32
      %gather3A_1108 = arith.constant 1 : i32
      %gather3A_1109 = arith.constant 0 : i32
      %gather3A_1110 = arith.constant 0 : i32
      %gather3A_1111 = tpu.memref_slice %arg8[%gather3A_1107, %gather3A_1108, %gather3A_1109, %gather3A_1110] : memref<2x2x64x128xf32, #tpu.memory_space<vmem>> -> memref<1x1x64x128xf32, #tpu.memory_space<vmem>>
      %gather3A_1112 = tpu.memref_squeeze %gather3A_1111 : memref<1x1x64x128xf32, #tpu.memory_space<vmem>> -> memref<64x128xf32, #tpu.memory_space<vmem>>
      %gather3A_1113 = tpu.vector_load_idx %gather3A_1112[%add3A_13, %add3A_1051] : memref<64x128xf32, #tpu.memory_space<vmem>>[vector<16xi32>, vector<16xi32>], vector<16xf32>,
      %swap3A_1114 = arith.index_cast %add3A_1047 : i32 to index
      %swap3A_1115 = arith.constant 32 : index
      %swap3A_1116 = tpu.vector_load %arg9[%swap3A_1114, %swap3A_1115] {strides = array<i32>} : memref<32x256xf32, #tpu.memory_space<vmem>>, vector<16xf32>,
      tpu.vector_store %arg9[%swap3A_1114, %swap3A_1115], %gather3A_1106 {strides = array<i32>} : memref<32x256xf32, #tpu.memory_space<vmem>>, vector<16xf32>,
      %swap3A_1117 = arith.index_cast %add3A_1047 : i32 to index
      %swap3A_1118 = arith.constant 96 : index
      %swap3A_1119 = tpu.vector_load %arg9[%swap3A_1117, %swap3A_1118] {strides = array<i32>} : memref<32x256xf32, #tpu.memory_space<vmem>>, vector<16xf32>,
      tpu.vector_store %arg9[%swap3A_1117, %swap3A_1118], %gather3A_1113 {strides = array<i32>} : memref<32x256xf32, #tpu.memory_space<vmem>>, vector<16xf32>,
      %mul3A_1120 = arith.mulf %gather3A_1113, %gather3A_1113 : vector<16xf32>
      %swap3A_1121 = arith.index_cast %add3A_1047 : i32 to index
      %swap3A_1122 = arith.constant 160 : index
      %swap3A_1123 = tpu.vector_load %arg9[%swap3A_1121, %swap3A_1122] {strides = array<i32>} : memref<32x256xf32, #tpu.memory_space<vmem>>, vector<16xf32>,
      tpu.vector_store %arg9[%swap3A_1121, %swap3A_1122], %mul3A_1120 {strides = array<i32>} : memref<32x256xf32, #tpu.memory_space<vmem>>, vector<16xf32>,
      %gather3A_1124 = arith.constant 0 : i32
      %gather3A_1125 = arith.constant 1 : i32
      %gather3A_1126 = arith.constant 0 : i32
      %gather3A_1127 = arith.constant 0 : i32
      %gather3A_1128 = tpu.memref_slice %arg7[%gather3A_1124, %gather3A_1125, %gather3A_1126, %gather3A_1127] : memref<2x2x64x128xf32, #tpu.memory_space<vmem>> -> memref<1x1x64x128xf32, #tpu.memory_space<vmem>>
      %gather3A_1129 = tpu.memref_squeeze %gather3A_1128 : memref<1x1x64x128xf32, #tpu.memory_space<vmem>> -> memref<64x128xf32, #tpu.memory_space<vmem>>
      %gather3A_1130 = tpu.vector_load_idx %gather3A_1129[%add3A_17, %add3A_1051] : memref<64x128xf32, #tpu.memory_space<vmem>>[vector<16xi32>, vector<16xi32>], vector<16xf32>,
      %gather3A_1131 = arith.constant 0 : i32
      %gather3A_1132 = arith.constant 1 : i32
      %gather3A_1133 = arith.constant 0 : i32
      %gather3A_1134 = arith.constant 0 : i32
      %gather3A_1135 = tpu.memref_slice %arg8[%gather3A_1131, %gather3A_1132, %gather3A_1133, %gather3A_1134] : memref<2x2x64x128xf32, #tpu.memory_space<vmem>> -> memref<1x1x64x128xf32, #tpu.memory_space<vmem>>
      %gather3A_1136 = tpu.memref_squeeze %gather3A_1135 : memref<1x1x64x128xf32, #tpu.memory_space<vmem>> -> memref<64x128xf32, #tpu.memory_space<vmem>>
      %gather3A_1137 = tpu.vector_load_idx %gather3A_1136[%add3A_17, %add3A_1051] : memref<64x128xf32, #tpu.memory_space<vmem>>[vector<16xi32>, vector<16xi32>], vector<16xf32>,
      %swap3A_1138 = arith.index_cast %add3A_1047 : i32 to index
      %swap3A_1139 = arith.constant 48 : index
      %swap3A_1140 = tpu.vector_load %arg9[%swap3A_1138, %swap3A_1139] {strides = array<i32>} : memref<32x256xf32, #tpu.memory_space<vmem>>, vector<16xf32>,
      tpu.vector_store %arg9[%swap3A_1138, %swap3A_1139], %gather3A_1130 {strides = array<i32>} : memref<32x256xf32, #tpu.memory_space<vmem>>, vector<16xf32>,
      %swap3A_1141 = arith.index_cast %add3A_1047 : i32 to index
      %swap3A_1142 = arith.constant 112 : index
      %swap3A_1143 = tpu.vector_load %arg9[%swap3A_1141, %swap3A_1142] {strides = array<i32>} : memref<32x256xf32, #tpu.memory_space<vmem>>, vector<16xf32>,
      tpu.vector_store %arg9[%swap3A_1141, %swap3A_1142], %gather3A_1137 {strides = array<i32>} : memref<32x256xf32, #tpu.memory_space<vmem>>, vector<16xf32>,
      %mul3A_1144 = arith.mulf %gather3A_1137, %gather3A_1137 : vector<16xf32>
      %swap3A_1145 = arith.index_cast %add3A_1047 : i32 to index
      %swap3A_1146 = arith.constant 176 : index
      %swap3A_1147 = tpu.vector_load %arg9[%swap3A_1145, %swap3A_1146] {strides = array<i32>} : memref<32x256xf32, #tpu.memory_space<vmem>>, vector<16xf32>,
      tpu.vector_store %arg9[%swap3A_1145, %swap3A_1146], %mul3A_1144 {strides = array<i32>} : memref<32x256xf32, #tpu.memory_space<vmem>>, vector<16xf32>,
      %slice3A_1148 = vector.extract_strided_slice %get3A_97 {offsets = [8], sizes = [1], strides = [1]} : vector<16xi32> to vector<1xi32>
      %squeeze3A_1149 = vector.extract %slice3A_1148[0] : i32 from vector<1xi32>
      %shift_right_logical3A_1150 = arith.constant 7 : i32
      %shift_right_logical3A_1151 = arith.shrui %squeeze3A_1149, %shift_right_logical3A_1150 : i32
      %min3A_1152 = arith.constant 7812 : i32
      %min3A_1153 = arith.minsi %shift_right_logical3A_1151, %min3A_1152 : i32
      %mul3A_1154 = arith.constant 128 : i32
      %mul3A_1155 = arith.muli %min3A_1153, %mul3A_1154 : i32
      %multiple_of3A_1156 = tpu.assume_multiple %mul3A_1155, 128 : i32
      %dma_start3A_1157 = arith.constant 0 : i32
      %dma_start3A_1158 = arith.constant 0 : i32
      %dma_start3A_1159 = arith.constant 0 : i32
      %dma_start3A_1160 = arith.constant 0 : i32
      %dma_start3A_1161 = tpu.memref_slice %arg7[%dma_start3A_1157, %dma_start3A_1158, %dma_start3A_1159, %dma_start3A_1160] : memref<2x2x64x128xf32, #tpu.memory_space<vmem>> -> memref<1x1x64x128xf32, #tpu.memory_space<vmem>>
      %dma_start3A_1162 = tpu.memref_squeeze %dma_start3A_1161 : memref<1x1x64x128xf32, #tpu.memory_space<vmem>> -> memref<64x128xf32, #tpu.memory_space<vmem>>
      %dma_start3A_1163 = arith.constant 0 : i32
      %dma_start3A_1164 = tpu.memref_slice %arg3[%dma_start3A_1163, %multiple_of3A_1156] : memref<64x1000000xf32, #tpu.memory_space<hbm>> -> memref<64x128xf32, #tpu.memory_space<hbm>>
      %dma_start3A_1165 = arith.constant 0 : i32
      %dma_start3A_1166 = arith.constant 0 : i32
      %dma_start3A_1167 = tpu.memref_slice %arg7[%dma_start3A_1157, %dma_start3A_1158, %dma_start3A_1165, %dma_start3A_1166] : memref<2x2x64x128xf32, #tpu.memory_space<vmem>> -> memref<1x1x64x128xf32, #tpu.memory_space<vmem>>
      %dma_start3A_1168 = tpu.memref_squeeze %dma_start3A_1167 : memref<1x1x64x128xf32, #tpu.memory_space<vmem>> -> memref<64x128xf32, #tpu.memory_space<vmem>>
      %dma_start3A_1169 = arith.constant 0 : i32
      %dma_start3A_1170 = tpu.memref_slice %arg3[%dma_start3A_1169, %multiple_of3A_1156] : memref<64x1000000xf32, #tpu.memory_space<hbm>> -> memref<64x128xf32, #tpu.memory_space<hbm>>
      tpu.enqueue_dma source(%dma_start3A_1170 : memref<64x128xf32, #tpu.memory_space<hbm>>) target(%dma_start3A_1168 : memref<64x128xf32, #tpu.memory_space<vmem>>) target_semaphore(%arg10 : memref<!tpu.dma_semaphore, #tpu.memory_space<semaphore_mem>>)
      %dma_start3A_1171 = arith.constant 0 : i32
      %dma_start3A_1172 = arith.constant 0 : i32
      %dma_start3A_1173 = arith.constant 0 : i32
      %dma_start3A_1174 = arith.constant 0 : i32
      %dma_start3A_1175 = tpu.memref_slice %arg8[%dma_start3A_1171, %dma_start3A_1172, %dma_start3A_1173, %dma_start3A_1174] : memref<2x2x64x128xf32, #tpu.memory_space<vmem>> -> memref<1x1x64x128xf32, #tpu.memory_space<vmem>>
      %dma_start3A_1176 = tpu.memref_squeeze %dma_start3A_1175 : memref<1x1x64x128xf32, #tpu.memory_space<vmem>> -> memref<64x128xf32, #tpu.memory_space<vmem>>
      %dma_start3A_1177 = arith.constant 0 : i32
      %dma_start3A_1178 = tpu.memref_slice %arg4[%dma_start3A_1177, %multiple_of3A_1156] : memref<64x1000000xf32, #tpu.memory_space<hbm>> -> memref<64x128xf32, #tpu.memory_space<hbm>>
      %dma_start3A_1179 = arith.constant 0 : i32
      %dma_start3A_1180 = arith.constant 0 : i32
      %dma_start3A_1181 = tpu.memref_slice %arg8[%dma_start3A_1171, %dma_start3A_1172, %dma_start3A_1179, %dma_start3A_1180] : memref<2x2x64x128xf32, #tpu.memory_space<vmem>> -> memref<1x1x64x128xf32, #tpu.memory_space<vmem>>
      %dma_start3A_1182 = tpu.memref_squeeze %dma_start3A_1181 : memref<1x1x64x128xf32, #tpu.memory_space<vmem>> -> memref<64x128xf32, #tpu.memory_space<vmem>>
      %dma_start3A_1183 = arith.constant 0 : i32
      %dma_start3A_1184 = tpu.memref_slice %arg4[%dma_start3A_1183, %multiple_of3A_1156] : memref<64x1000000xf32, #tpu.memory_space<hbm>> -> memref<64x128xf32, #tpu.memory_space<hbm>>
      tpu.enqueue_dma source(%dma_start3A_1184 : memref<64x128xf32, #tpu.memory_space<hbm>>) target(%dma_start3A_1182 : memref<64x128xf32, #tpu.memory_space<vmem>>) target_semaphore(%arg10 : memref<!tpu.dma_semaphore, #tpu.memory_space<semaphore_mem>>)
      %slice3A_1185 = vector.extract_strided_slice %get3A_97 {offsets = [9], sizes = [1], strides = [1]} : vector<16xi32> to vector<1xi32>
      %squeeze3A_1186 = vector.extract %slice3A_1185[0] : i32 from vector<1xi32>
      %shift_right_logical3A_1187 = arith.constant 7 : i32
      %shift_right_logical3A_1188 = arith.shrui %squeeze3A_1186, %shift_right_logical3A_1187 : i32
      %min3A_1189 = arith.constant 7812 : i32
      %min3A_1190 = arith.minsi %shift_right_logical3A_1188, %min3A_1189 : i32
      %mul3A_1191 = arith.constant 128 : i32
      %mul3A_1192 = arith.muli %min3A_1190, %mul3A_1191 : i32
      %multiple_of3A_1193 = tpu.assume_multiple %mul3A_1192, 128 : i32
      %dma_start3A_1194 = arith.constant 0 : i32
      %dma_start3A_1195 = arith.constant 1 : i32
      %dma_start3A_1196 = arith.constant 0 : i32
      %dma_start3A_1197 = arith.constant 0 : i32
      %dma_start3A_1198 = tpu.memref_slice %arg7[%dma_start3A_1194, %dma_start3A_1195, %dma_start3A_1196, %dma_start3A_1197] : memref<2x2x64x128xf32, #tpu.memory_space<vmem>> -> memref<1x1x64x128xf32, #tpu.memory_space<vmem>>
      %dma_start3A_1199 = tpu.memref_squeeze %dma_start3A_1198 : memref<1x1x64x128xf32, #tpu.memory_space<vmem>> -> memref<64x128xf32, #tpu.memory_space<vmem>>
      %dma_start3A_1200 = arith.constant 0 : i32
      %dma_start3A_1201 = tpu.memref_slice %arg3[%dma_start3A_1200, %multiple_of3A_1193] : memref<64x1000000xf32, #tpu.memory_space<hbm>> -> memref<64x128xf32, #tpu.memory_space<hbm>>
      %dma_start3A_1202 = arith.constant 0 : i32
      %dma_start3A_1203 = arith.constant 0 : i32
      %dma_start3A_1204 = tpu.memref_slice %arg7[%dma_start3A_1194, %dma_start3A_1195, %dma_start3A_1202, %dma_start3A_1203] : memref<2x2x64x128xf32, #tpu.memory_space<vmem>> -> memref<1x1x64x128xf32, #tpu.memory_space<vmem>>
      %dma_start3A_1205 = tpu.memref_squeeze %dma_start3A_1204 : memref<1x1x64x128xf32, #tpu.memory_space<vmem>> -> memref<64x128xf32, #tpu.memory_space<vmem>>
      %dma_start3A_1206 = arith.constant 0 : i32
      %dma_start3A_1207 = tpu.memref_slice %arg3[%dma_start3A_1206, %multiple_of3A_1193] : memref<64x1000000xf32, #tpu.memory_space<hbm>> -> memref<64x128xf32, #tpu.memory_space<hbm>>
      tpu.enqueue_dma source(%dma_start3A_1207 : memref<64x128xf32, #tpu.memory_space<hbm>>) target(%dma_start3A_1205 : memref<64x128xf32, #tpu.memory_space<vmem>>) target_semaphore(%arg10 : memref<!tpu.dma_semaphore, #tpu.memory_space<semaphore_mem>>)
      %dma_start3A_1208 = arith.constant 0 : i32
      %dma_start3A_1209 = arith.constant 1 : i32
      %dma_start3A_1210 = arith.constant 0 : i32
      %dma_start3A_1211 = arith.constant 0 : i32
      %dma_start3A_1212 = tpu.memref_slice %arg8[%dma_start3A_1208, %dma_start3A_1209, %dma_start3A_1210, %dma_start3A_1211] : memref<2x2x64x128xf32, #tpu.memory_space<vmem>> -> memref<1x1x64x128xf32, #tpu.memory_space<vmem>>
      %dma_start3A_1213 = tpu.memref_squeeze %dma_start3A_1212 : memref<1x1x64x128xf32, #tpu.memory_space<vmem>> -> memref<64x128xf32, #tpu.memory_space<vmem>>
      %dma_start3A_1214 = arith.constant 0 : i32
      %dma_start3A_1215 = tpu.memref_slice %arg4[%dma_start3A_1214, %multiple_of3A_1193] : memref<64x1000000xf32, #tpu.memory_space<hbm>> -> memref<64x128xf32, #tpu.memory_space<hbm>>
      %dma_start3A_1216 = arith.constant 0 : i32
      %dma_start3A_1217 = arith.constant 0 : i32
      %dma_start3A_1218 = tpu.memref_slice %arg8[%dma_start3A_1208, %dma_start3A_1209, %dma_start3A_1216, %dma_start3A_1217] : memref<2x2x64x128xf32, #tpu.memory_space<vmem>> -> memref<1x1x64x128xf32, #tpu.memory_space<vmem>>
      %dma_start3A_1219 = tpu.memref_squeeze %dma_start3A_1218 : memref<1x1x64x128xf32, #tpu.memory_space<vmem>> -> memref<64x128xf32, #tpu.memory_space<vmem>>
      %dma_start3A_1220 = arith.constant 0 : i32
      %dma_start3A_1221 = tpu.memref_slice %arg4[%dma_start3A_1220, %multiple_of3A_1193] : memref<64x1000000xf32, #tpu.memory_space<hbm>> -> memref<64x128xf32, #tpu.memory_space<hbm>>
      tpu.enqueue_dma source(%dma_start3A_1221 : memref<64x128xf32, #tpu.memory_space<hbm>>) target(%dma_start3A_1219 : memref<64x128xf32, #tpu.memory_space<vmem>>) target_semaphore(%arg10 : memref<!tpu.dma_semaphore, #tpu.memory_space<semaphore_mem>>)
      %dma_wait3A_1222 = arith.constant 1 : i32
      %dma_wait3A_1223 = arith.constant 0 : i32
      %dma_wait3A_1224 = arith.constant 0 : i32
      %dma_wait3A_1225 = arith.constant 0 : i32
      %dma_wait3A_1226 = tpu.memref_slice %arg7[%dma_wait3A_1222, %dma_wait3A_1223, %dma_wait3A_1224, %dma_wait3A_1225] : memref<2x2x64x128xf32, #tpu.memory_space<vmem>> -> memref<1x1x64x128xf32, #tpu.memory_space<vmem>>
      %dma_wait3A_1227 = tpu.memref_squeeze %dma_wait3A_1226 : memref<1x1x64x128xf32, #tpu.memory_space<vmem>> -> memref<64x128xf32, #tpu.memory_space<vmem>>
      %dma_wait3A_1228 = arith.constant 0 : i32
      %dma_wait3A_1229 = arith.constant 0 : i32
      %dma_wait3A_1230 = tpu.memref_slice %arg3[%dma_wait3A_1228, %dma_wait3A_1229] : memref<64x1000000xf32, #tpu.memory_space<hbm>> -> memref<64x128xf32, #tpu.memory_space<hbm>>
      %dma_wait3A_1231 = arith.constant 0 : i32
      %dma_wait3A_1232 = arith.constant 0 : i32
      %dma_wait3A_1233 = tpu.memref_slice %arg7[%dma_wait3A_1222, %dma_wait3A_1223, %dma_wait3A_1231, %dma_wait3A_1232] : memref<2x2x64x128xf32, #tpu.memory_space<vmem>> -> memref<1x1x64x128xf32, #tpu.memory_space<vmem>>
      %dma_wait3A_1234 = tpu.memref_squeeze %dma_wait3A_1233 : memref<1x1x64x128xf32, #tpu.memory_space<vmem>> -> memref<64x128xf32, #tpu.memory_space<vmem>>
      %dma_wait3A_1235 = arith.constant 0 : i32
      %dma_wait3A_1236 = arith.constant 0 : i32
      %dma_wait3A_1237 = tpu.memref_slice %arg3[%dma_wait3A_1235, %dma_wait3A_1236] : memref<64x1000000xf32, #tpu.memory_space<hbm>> -> memref<64x128xf32, #tpu.memory_space<hbm>>
      tpu.wait_dma2 semaphore(%arg11 : memref<!tpu.dma_semaphore, #tpu.memory_space<semaphore_mem>>) src(%dma_wait3A_1237 : memref<64x128xf32, #tpu.memory_space<hbm>>) dst(%dma_wait3A_1234 : memref<64x128xf32, #tpu.memory_space<vmem>>)
      %dma_wait3A_1238 = arith.constant 1 : i32
      %dma_wait3A_1239 = arith.constant 1 : i32
      %dma_wait3A_1240 = arith.constant 0 : i32
      %dma_wait3A_1241 = arith.constant 0 : i32
      %dma_wait3A_1242 = tpu.memref_slice %arg7[%dma_wait3A_1238, %dma_wait3A_1239, %dma_wait3A_1240, %dma_wait3A_1241] : memref<2x2x64x128xf32, #tpu.memory_space<vmem>> -> memref<1x1x64x128xf32, #tpu.memory_space<vmem>>
      %dma_wait3A_1243 = tpu.memref_squeeze %dma_wait3A_1242 : memref<1x1x64x128xf32, #tpu.memory_space<vmem>> -> memref<64x128xf32, #tpu.memory_space<vmem>>
      %dma_wait3A_1244 = arith.constant 0 : i32
      %dma_wait3A_1245 = arith.constant 0 : i32
      %dma_wait3A_1246 = tpu.memref_slice %arg3[%dma_wait3A_1244, %dma_wait3A_1245] : memref<64x1000000xf32, #tpu.memory_space<hbm>> -> memref<64x128xf32, #tpu.memory_space<hbm>>
      %dma_wait3A_1247 = arith.constant 0 : i32
      %dma_wait3A_1248 = arith.constant 0 : i32
      %dma_wait3A_1249 = tpu.memref_slice %arg7[%dma_wait3A_1238, %dma_wait3A_1239, %dma_wait3A_1247, %dma_wait3A_1248] : memref<2x2x64x128xf32, #tpu.memory_space<vmem>> -> memref<1x1x64x128xf32, #tpu.memory_space<vmem>>
      %dma_wait3A_1250 = tpu.memref_squeeze %dma_wait3A_1249 : memref<1x1x64x128xf32, #tpu.memory_space<vmem>> -> memref<64x128xf32, #tpu.memory_space<vmem>>
      %dma_wait3A_1251 = arith.constant 0 : i32
      %dma_wait3A_1252 = arith.constant 0 : i32
      %dma_wait3A_1253 = tpu.memref_slice %arg3[%dma_wait3A_1251, %dma_wait3A_1252] : memref<64x1000000xf32, #tpu.memory_space<hbm>> -> memref<64x128xf32, #tpu.memory_space<hbm>>
      tpu.wait_dma2 semaphore(%arg11 : memref<!tpu.dma_semaphore, #tpu.memory_space<semaphore_mem>>) src(%dma_wait3A_1253 : memref<64x128xf32, #tpu.memory_space<hbm>>) dst(%dma_wait3A_1250 : memref<64x128xf32, #tpu.memory_space<vmem>>)
      %dma_wait3A_1254 = arith.constant 1 : i32
      %dma_wait3A_1255 = arith.constant 0 : i32
      %dma_wait3A_1256 = arith.constant 0 : i32
      %dma_wait3A_1257 = arith.constant 0 : i32
      %dma_wait3A_1258 = tpu.memref_slice %arg8[%dma_wait3A_1254, %dma_wait3A_1255, %dma_wait3A_1256, %dma_wait3A_1257] : memref<2x2x64x128xf32, #tpu.memory_space<vmem>> -> memref<1x1x64x128xf32, #tpu.memory_space<vmem>>
      %dma_wait3A_1259 = tpu.memref_squeeze %dma_wait3A_1258 : memref<1x1x64x128xf32, #tpu.memory_space<vmem>> -> memref<64x128xf32, #tpu.memory_space<vmem>>
      %dma_wait3A_1260 = arith.constant 0 : i32
      %dma_wait3A_1261 = arith.constant 0 : i32
      %dma_wait3A_1262 = tpu.memref_slice %arg3[%dma_wait3A_1260, %dma_wait3A_1261] : memref<64x1000000xf32, #tpu.memory_space<hbm>> -> memref<64x128xf32, #tpu.memory_space<hbm>>
      %dma_wait3A_1263 = arith.constant 0 : i32
      %dma_wait3A_1264 = arith.constant 0 : i32
      %dma_wait3A_1265 = tpu.memref_slice %arg8[%dma_wait3A_1254, %dma_wait3A_1255, %dma_wait3A_1263, %dma_wait3A_1264] : memref<2x2x64x128xf32, #tpu.memory_space<vmem>> -> memref<1x1x64x128xf32, #tpu.memory_space<vmem>>
      %dma_wait3A_1266 = tpu.memref_squeeze %dma_wait3A_1265 : memref<1x1x64x128xf32, #tpu.memory_space<vmem>> -> memref<64x128xf32, #tpu.memory_space<vmem>>
      %dma_wait3A_1267 = arith.constant 0 : i32
      %dma_wait3A_1268 = arith.constant 0 : i32
      %dma_wait3A_1269 = tpu.memref_slice %arg3[%dma_wait3A_1267, %dma_wait3A_1268] : memref<64x1000000xf32, #tpu.memory_space<hbm>> -> memref<64x128xf32, #tpu.memory_space<hbm>>
      tpu.wait_dma2 semaphore(%arg11 : memref<!tpu.dma_semaphore, #tpu.memory_space<semaphore_mem>>) src(%dma_wait3A_1269 : memref<64x128xf32, #tpu.memory_space<hbm>>) dst(%dma_wait3A_1266 : memref<64x128xf32, #tpu.memory_space<vmem>>)
      %dma_wait3A_1270 = arith.constant 1 : i32
      %dma_wait3A_1271 = arith.constant 1 : i32
      %dma_wait3A_1272 = arith.constant 0 : i32
      %dma_wait3A_1273 = arith.constant 0 : i32
      %dma_wait3A_1274 = tpu.memref_slice %arg8[%dma_wait3A_1270, %dma_wait3A_1271, %dma_wait3A_1272, %dma_wait3A_1273] : memref<2x2x64x128xf32, #tpu.memory_space<vmem>> -> memref<1x1x64x128xf32, #tpu.memory_space<vmem>>
      %dma_wait3A_1275 = tpu.memref_squeeze %dma_wait3A_1274 : memref<1x1x64x128xf32, #tpu.memory_space<vmem>> -> memref<64x128xf32, #tpu.memory_space<vmem>>
      %dma_wait3A_1276 = arith.constant 0 : i32
      %dma_wait3A_1277 = arith.constant 0 : i32
      %dma_wait3A_1278 = tpu.memref_slice %arg3[%dma_wait3A_1276, %dma_wait3A_1277] : memref<64x1000000xf32, #tpu.memory_space<hbm>> -> memref<64x128xf32, #tpu.memory_space<hbm>>
      %dma_wait3A_1279 = arith.constant 0 : i32
      %dma_wait3A_1280 = arith.constant 0 : i32
      %dma_wait3A_1281 = tpu.memref_slice %arg8[%dma_wait3A_1270, %dma_wait3A_1271, %dma_wait3A_1279, %dma_wait3A_1280] : memref<2x2x64x128xf32, #tpu.memory_space<vmem>> -> memref<1x1x64x128xf32, #tpu.memory_space<vmem>>
      %dma_wait3A_1282 = tpu.memref_squeeze %dma_wait3A_1281 : memref<1x1x64x128xf32, #tpu.memory_space<vmem>> -> memref<64x128xf32, #tpu.memory_space<vmem>>
      %dma_wait3A_1283 = arith.constant 0 : i32
      %dma_wait3A_1284 = arith.constant 0 : i32
      %dma_wait3A_1285 = tpu.memref_slice %arg3[%dma_wait3A_1283, %dma_wait3A_1284] : memref<64x1000000xf32, #tpu.memory_space<hbm>> -> memref<64x128xf32, #tpu.memory_space<hbm>>
      tpu.wait_dma2 semaphore(%arg11 : memref<!tpu.dma_semaphore, #tpu.memory_space<semaphore_mem>>) src(%dma_wait3A_1285 : memref<64x128xf32, #tpu.memory_space<hbm>>) dst(%dma_wait3A_1282 : memref<64x128xf32, #tpu.memory_space<vmem>>)
      %slice3A_1286 = vector.extract_strided_slice %get3A_97 {offsets = [6], sizes = [1], strides = [1]} : vector<16xi32> to vector<1xi32>
      %squeeze3A_1287 = vector.extract %slice3A_1286[0] : i32 from vector<1xi32>
      %add3A_1288 = arith.constant 6 : i32
      %add3A_1289 = arith.addi %mul3A_106, %add3A_1288 : i32
      %and3A_1290 = arith.constant 127 : i32
      %and3A_1291 = arith.andi %squeeze3A_1287, %and3A_1290 : i32
      %add3A_1292 = vector.broadcast %and3A_1291 : i32 to vector<16xi32>
      %add3A_1293 = arith.addi %broadcast_in_dim3A_18, %add3A_1292 : vector<16xi32>
      %gather3A_1294 = arith.constant 1 : i32
      %gather3A_1295 = arith.constant 0 : i32
      %gather3A_1296 = arith.constant 0 : i32
      %gather3A_1297 = arith.constant 0 : i32
      %gather3A_1298 = tpu.memref_slice %arg7[%gather3A_1294, %gather3A_1295, %gather3A_1296, %gather3A_1297] : memref<2x2x64x128xf32, #tpu.memory_space<vmem>> -> memref<1x1x64x128xf32, #tpu.memory_space<vmem>>
      %gather3A_1299 = tpu.memref_squeeze %gather3A_1298 : memref<1x1x64x128xf32, #tpu.memory_space<vmem>> -> memref<64x128xf32, #tpu.memory_space<vmem>>
      %gather3A_1300 = tpu.vector_load_idx %gather3A_1299[%add3A_5, %add3A_1293] : memref<64x128xf32, #tpu.memory_space<vmem>>[vector<16xi32>, vector<16xi32>], vector<16xf32>,
      %gather3A_1301 = arith.constant 1 : i32
      %gather3A_1302 = arith.constant 0 : i32
      %gather3A_1303 = arith.constant 0 : i32
      %gather3A_1304 = arith.constant 0 : i32
      %gather3A_1305 = tpu.memref_slice %arg8[%gather3A_1301, %gather3A_1302, %gather3A_1303, %gather3A_1304] : memref<2x2x64x128xf32, #tpu.memory_space<vmem>> -> memref<1x1x64x128xf32, #tpu.memory_space<vmem>>
      %gather3A_1306 = tpu.memref_squeeze %gather3A_1305 : memref<1x1x64x128xf32, #tpu.memory_space<vmem>> -> memref<64x128xf32, #tpu.memory_space<vmem>>
      %gather3A_1307 = tpu.vector_load_idx %gather3A_1306[%add3A_5, %add3A_1293] : memref<64x128xf32, #tpu.memory_space<vmem>>[vector<16xi32>, vector<16xi32>], vector<16xf32>,
      %swap3A_1308 = arith.index_cast %add3A_1289 : i32 to index
      %swap3A_1309 = arith.constant 0 : index
      %swap3A_1310 = tpu.vector_load %arg9[%swap3A_1308, %swap3A_1309] {strides = array<i32>} : memref<32x256xf32, #tpu.memory_space<vmem>>, vector<16xf32>,
      tpu.vector_store %arg9[%swap3A_1308, %swap3A_1309], %gather3A_1300 {strides = array<i32>} : memref<32x256xf32, #tpu.memory_space<vmem>>, vector<16xf32>,
      %swap3A_1311 = arith.index_cast %add3A_1289 : i32 to index
      %swap3A_1312 = arith.constant 64 : index
      %swap3A_1313 = tpu.vector_load %arg9[%swap3A_1311, %swap3A_1312] {strides = array<i32>} : memref<32x256xf32, #tpu.memory_space<vmem>>, vector<16xf32>,
      tpu.vector_store %arg9[%swap3A_1311, %swap3A_1312], %gather3A_1307 {strides = array<i32>} : memref<32x256xf32, #tpu.memory_space<vmem>>, vector<16xf32>,
      %mul3A_1314 = arith.mulf %gather3A_1307, %gather3A_1307 : vector<16xf32>
      %swap3A_1315 = arith.index_cast %add3A_1289 : i32 to index
      %swap3A_1316 = arith.constant 128 : index
      %swap3A_1317 = tpu.vector_load %arg9[%swap3A_1315, %swap3A_1316] {strides = array<i32>} : memref<32x256xf32, #tpu.memory_space<vmem>>, vector<16xf32>,
      tpu.vector_store %arg9[%swap3A_1315, %swap3A_1316], %mul3A_1314 {strides = array<i32>} : memref<32x256xf32, #tpu.memory_space<vmem>>, vector<16xf32>,
      %gather3A_1318 = arith.constant 1 : i32
      %gather3A_1319 = arith.constant 0 : i32
      %gather3A_1320 = arith.constant 0 : i32
      %gather3A_1321 = arith.constant 0 : i32
      %gather3A_1322 = tpu.memref_slice %arg7[%gather3A_1318, %gather3A_1319, %gather3A_1320, %gather3A_1321] : memref<2x2x64x128xf32, #tpu.memory_space<vmem>> -> memref<1x1x64x128xf32, #tpu.memory_space<vmem>>
      %gather3A_1323 = tpu.memref_squeeze %gather3A_1322 : memref<1x1x64x128xf32, #tpu.memory_space<vmem>> -> memref<64x128xf32, #tpu.memory_space<vmem>>
      %gather3A_1324 = tpu.vector_load_idx %gather3A_1323[%add3A_9, %add3A_1293] : memref<64x128xf32, #tpu.memory_space<vmem>>[vector<16xi32>, vector<16xi32>], vector<16xf32>,
      %gather3A_1325 = arith.constant 1 : i32
      %gather3A_1326 = arith.constant 0 : i32
      %gather3A_1327 = arith.constant 0 : i32
      %gather3A_1328 = arith.constant 0 : i32
      %gather3A_1329 = tpu.memref_slice %arg8[%gather3A_1325, %gather3A_1326, %gather3A_1327, %gather3A_1328] : memref<2x2x64x128xf32, #tpu.memory_space<vmem>> -> memref<1x1x64x128xf32, #tpu.memory_space<vmem>>
      %gather3A_1330 = tpu.memref_squeeze %gather3A_1329 : memref<1x1x64x128xf32, #tpu.memory_space<vmem>> -> memref<64x128xf32, #tpu.memory_space<vmem>>
      %gather3A_1331 = tpu.vector_load_idx %gather3A_1330[%add3A_9, %add3A_1293] : memref<64x128xf32, #tpu.memory_space<vmem>>[vector<16xi32>, vector<16xi32>], vector<16xf32>,
      %swap3A_1332 = arith.index_cast %add3A_1289 : i32 to index
      %swap3A_1333 = arith.constant 16 : index
      %swap3A_1334 = tpu.vector_load %arg9[%swap3A_1332, %swap3A_1333] {strides = array<i32>} : memref<32x256xf32, #tpu.memory_space<vmem>>, vector<16xf32>,
      tpu.vector_store %arg9[%swap3A_1332, %swap3A_1333], %gather3A_1324 {strides = array<i32>} : memref<32x256xf32, #tpu.memory_space<vmem>>, vector<16xf32>,
      %swap3A_1335 = arith.index_cast %add3A_1289 : i32 to index
      %swap3A_1336 = arith.constant 80 : index
      %swap3A_1337 = tpu.vector_load %arg9[%swap3A_1335, %swap3A_1336] {strides = array<i32>} : memref<32x256xf32, #tpu.memory_space<vmem>>, vector<16xf32>,
      tpu.vector_store %arg9[%swap3A_1335, %swap3A_1336], %gather3A_1331 {strides = array<i32>} : memref<32x256xf32, #tpu.memory_space<vmem>>, vector<16xf32>,
      %mul3A_1338 = arith.mulf %gather3A_1331, %gather3A_1331 : vector<16xf32>
      %swap3A_1339 = arith.index_cast %add3A_1289 : i32 to index
      %swap3A_1340 = arith.constant 144 : index
      %swap3A_1341 = tpu.vector_load %arg9[%swap3A_1339, %swap3A_1340] {strides = array<i32>} : memref<32x256xf32, #tpu.memory_space<vmem>>, vector<16xf32>,
      tpu.vector_store %arg9[%swap3A_1339, %swap3A_1340], %mul3A_1338 {strides = array<i32>} : memref<32x256xf32, #tpu.memory_space<vmem>>, vector<16xf32>,
      %gather3A_1342 = arith.constant 1 : i32
      %gather3A_1343 = arith.constant 0 : i32
      %gather3A_1344 = arith.constant 0 : i32
      %gather3A_1345 = arith.constant 0 : i32
      %gather3A_1346 = tpu.memref_slice %arg7[%gather3A_1342, %gather3A_1343, %gather3A_1344, %gather3A_1345] : memref<2x2x64x128xf32, #tpu.memory_space<vmem>> -> memref<1x1x64x128xf32, #tpu.memory_space<vmem>>
      %gather3A_1347 = tpu.memref_squeeze %gather3A_1346 : memref<1x1x64x128xf32, #tpu.memory_space<vmem>> -> memref<64x128xf32, #tpu.memory_space<vmem>>
      %gather3A_1348 = tpu.vector_load_idx %gather3A_1347[%add3A_13, %add3A_1293] : memref<64x128xf32, #tpu.memory_space<vmem>>[vector<16xi32>, vector<16xi32>], vector<16xf32>,
      %gather3A_1349 = arith.constant 1 : i32
      %gather3A_1350 = arith.constant 0 : i32
      %gather3A_1351 = arith.constant 0 : i32
      %gather3A_1352 = arith.constant 0 : i32
      %gather3A_1353 = tpu.memref_slice %arg8[%gather3A_1349, %gather3A_1350, %gather3A_1351, %gather3A_1352] : memref<2x2x64x128xf32, #tpu.memory_space<vmem>> -> memref<1x1x64x128xf32, #tpu.memory_space<vmem>>
      %gather3A_1354 = tpu.memref_squeeze %gather3A_1353 : memref<1x1x64x128xf32, #tpu.memory_space<vmem>> -> memref<64x128xf32, #tpu.memory_space<vmem>>
      %gather3A_1355 = tpu.vector_load_idx %gather3A_1354[%add3A_13, %add3A_1293] : memref<64x128xf32, #tpu.memory_space<vmem>>[vector<16xi32>, vector<16xi32>], vector<16xf32>,
      %swap3A_1356 = arith.index_cast %add3A_1289 : i32 to index
      %swap3A_1357 = arith.constant 32 : index
      %swap3A_1358 = tpu.vector_load %arg9[%swap3A_1356, %swap3A_1357] {strides = array<i32>} : memref<32x256xf32, #tpu.memory_space<vmem>>, vector<16xf32>,
      tpu.vector_store %arg9[%swap3A_1356, %swap3A_1357], %gather3A_1348 {strides = array<i32>} : memref<32x256xf32, #tpu.memory_space<vmem>>, vector<16xf32>,
      %swap3A_1359 = arith.index_cast %add3A_1289 : i32 to index
      %swap3A_1360 = arith.constant 96 : index
      %swap3A_1361 = tpu.vector_load %arg9[%swap3A_1359, %swap3A_1360] {strides = array<i32>} : memref<32x256xf32, #tpu.memory_space<vmem>>, vector<16xf32>,
      tpu.vector_store %arg9[%swap3A_1359, %swap3A_1360], %gather3A_1355 {strides = array<i32>} : memref<32x256xf32, #tpu.memory_space<vmem>>, vector<16xf32>,
      %mul3A_1362 = arith.mulf %gather3A_1355, %gather3A_1355 : vector<16xf32>
      %swap3A_1363 = arith.index_cast %add3A_1289 : i32 to index
      %swap3A_1364 = arith.constant 160 : index
      %swap3A_1365 = tpu.vector_load %arg9[%swap3A_1363, %swap3A_1364] {strides = array<i32>} : memref<32x256xf32, #tpu.memory_space<vmem>>, vector<16xf32>,
      tpu.vector_store %arg9[%swap3A_1363, %swap3A_1364], %mul3A_1362 {strides = array<i32>} : memref<32x256xf32, #tpu.memory_space<vmem>>, vector<16xf32>,
      %gather3A_1366 = arith.constant 1 : i32
      %gather3A_1367 = arith.constant 0 : i32
      %gather3A_1368 = arith.constant 0 : i32
      %gather3A_1369 = arith.constant 0 : i32
      %gather3A_1370 = tpu.memref_slice %arg7[%gather3A_1366, %gather3A_1367, %gather3A_1368, %gather3A_1369] : memref<2x2x64x128xf32, #tpu.memory_space<vmem>> -> memref<1x1x64x128xf32, #tpu.memory_space<vmem>>
      %gather3A_1371 = tpu.memref_squeeze %gather3A_1370 : memref<1x1x64x128xf32, #tpu.memory_space<vmem>> -> memref<64x128xf32, #tpu.memory_space<vmem>>
      %gather3A_1372 = tpu.vector_load_idx %gather3A_1371[%add3A_17, %add3A_1293] : memref<64x128xf32, #tpu.memory_space<vmem>>[vector<16xi32>, vector<16xi32>], vector<16xf32>,
      %gather3A_1373 = arith.constant 1 : i32
      %gather3A_1374 = arith.constant 0 : i32
      %gather3A_1375 = arith.constant 0 : i32
      %gather3A_1376 = arith.constant 0 : i32
      %gather3A_1377 = tpu.memref_slice %arg8[%gather3A_1373, %gather3A_1374, %gather3A_1375, %gather3A_1376] : memref<2x2x64x128xf32, #tpu.memory_space<vmem>> -> memref<1x1x64x128xf32, #tpu.memory_space<vmem>>
      %gather3A_1378 = tpu.memref_squeeze %gather3A_1377 : memref<1x1x64x128xf32, #tpu.memory_space<vmem>> -> memref<64x128xf32, #tpu.memory_space<vmem>>
      %gather3A_1379 = tpu.vector_load_idx %gather3A_1378[%add3A_17, %add3A_1293] : memref<64x128xf32, #tpu.memory_space<vmem>>[vector<16xi32>, vector<16xi32>], vector<16xf32>,
      %swap3A_1380 = arith.index_cast %add3A_1289 : i32 to index
      %swap3A_1381 = arith.constant 48 : index
      %swap3A_1382 = tpu.vector_load %arg9[%swap3A_1380, %swap3A_1381] {strides = array<i32>} : memref<32x256xf32, #tpu.memory_space<vmem>>, vector<16xf32>,
      tpu.vector_store %arg9[%swap3A_1380, %swap3A_1381], %gather3A_1372 {strides = array<i32>} : memref<32x256xf32, #tpu.memory_space<vmem>>, vector<16xf32>,
      %swap3A_1383 = arith.index_cast %add3A_1289 : i32 to index
      %swap3A_1384 = arith.constant 112 : index
      %swap3A_1385 = tpu.vector_load %arg9[%swap3A_1383, %swap3A_1384] {strides = array<i32>} : memref<32x256xf32, #tpu.memory_space<vmem>>, vector<16xf32>,
      tpu.vector_store %arg9[%swap3A_1383, %swap3A_1384], %gather3A_1379 {strides = array<i32>} : memref<32x256xf32, #tpu.memory_space<vmem>>, vector<16xf32>,
      %mul3A_1386 = arith.mulf %gather3A_1379, %gather3A_1379 : vector<16xf32>
      %swap3A_1387 = arith.index_cast %add3A_1289 : i32 to index
      %swap3A_1388 = arith.constant 176 : index
      %swap3A_1389 = tpu.vector_load %arg9[%swap3A_1387, %swap3A_1388] {strides = array<i32>} : memref<32x256xf32, #tpu.memory_space<vmem>>, vector<16xf32>,
      tpu.vector_store %arg9[%swap3A_1387, %swap3A_1388], %mul3A_1386 {strides = array<i32>} : memref<32x256xf32, #tpu.memory_space<vmem>>, vector<16xf32>,
      %slice3A_1390 = vector.extract_strided_slice %get3A_97 {offsets = [7], sizes = [1], strides = [1]} : vector<16xi32> to vector<1xi32>
      %squeeze3A_1391 = vector.extract %slice3A_1390[0] : i32 from vector<1xi32>
      %add3A_1392 = arith.constant 6 : i32
      %add3A_1393 = arith.addi %mul3A_106, %add3A_1392 : i32
      %add3A_1394 = arith.constant 1 : i32
      %add3A_1395 = arith.addi %add3A_1393, %add3A_1394 : i32
      %and3A_1396 = arith.constant 127 : i32
      %and3A_1397 = arith.andi %squeeze3A_1391, %and3A_1396 : i32
      %add3A_1398 = vector.broadcast %and3A_1397 : i32 to vector<16xi32>
      %add3A_1399 = arith.addi %broadcast_in_dim3A_18, %add3A_1398 : vector<16xi32>
      %gather3A_1400 = arith.constant 1 : i32
      %gather3A_1401 = arith.constant 1 : i32
      %gather3A_1402 = arith.constant 0 : i32
      %gather3A_1403 = arith.constant 0 : i32
      %gather3A_1404 = tpu.memref_slice %arg7[%gather3A_1400, %gather3A_1401, %gather3A_1402, %gather3A_1403] : memref<2x2x64x128xf32, #tpu.memory_space<vmem>> -> memref<1x1x64x128xf32, #tpu.memory_space<vmem>>
      %gather3A_1405 = tpu.memref_squeeze %gather3A_1404 : memref<1x1x64x128xf32, #tpu.memory_space<vmem>> -> memref<64x128xf32, #tpu.memory_space<vmem>>
      %gather3A_1406 = tpu.vector_load_idx %gather3A_1405[%add3A_5, %add3A_1399] : memref<64x128xf32, #tpu.memory_space<vmem>>[vector<16xi32>, vector<16xi32>], vector<16xf32>,
      %gather3A_1407 = arith.constant 1 : i32
      %gather3A_1408 = arith.constant 1 : i32
      %gather3A_1409 = arith.constant 0 : i32
      %gather3A_1410 = arith.constant 0 : i32
      %gather3A_1411 = tpu.memref_slice %arg8[%gather3A_1407, %gather3A_1408, %gather3A_1409, %gather3A_1410] : memref<2x2x64x128xf32, #tpu.memory_space<vmem>> -> memref<1x1x64x128xf32, #tpu.memory_space<vmem>>
      %gather3A_1412 = tpu.memref_squeeze %gather3A_1411 : memref<1x1x64x128xf32, #tpu.memory_space<vmem>> -> memref<64x128xf32, #tpu.memory_space<vmem>>
      %gather3A_1413 = tpu.vector_load_idx %gather3A_1412[%add3A_5, %add3A_1399] : memref<64x128xf32, #tpu.memory_space<vmem>>[vector<16xi32>, vector<16xi32>], vector<16xf32>,
      %swap3A_1414 = arith.index_cast %add3A_1395 : i32 to index
      %swap3A_1415 = arith.constant 0 : index
      %swap3A_1416 = tpu.vector_load %arg9[%swap3A_1414, %swap3A_1415] {strides = array<i32>} : memref<32x256xf32, #tpu.memory_space<vmem>>, vector<16xf32>,
      tpu.vector_store %arg9[%swap3A_1414, %swap3A_1415], %gather3A_1406 {strides = array<i32>} : memref<32x256xf32, #tpu.memory_space<vmem>>, vector<16xf32>,
      %swap3A_1417 = arith.index_cast %add3A_1395 : i32 to index
      %swap3A_1418 = arith.constant 64 : index
      %swap3A_1419 = tpu.vector_load %arg9[%swap3A_1417, %swap3A_1418] {strides = array<i32>} : memref<32x256xf32, #tpu.memory_space<vmem>>, vector<16xf32>,
      tpu.vector_store %arg9[%swap3A_1417, %swap3A_1418], %gather3A_1413 {strides = array<i32>} : memref<32x256xf32, #tpu.memory_space<vmem>>, vector<16xf32>,
      %mul3A_1420 = arith.mulf %gather3A_1413, %gather3A_1413 : vector<16xf32>
      %swap3A_1421 = arith.index_cast %add3A_1395 : i32 to index
      %swap3A_1422 = arith.constant 128 : index
      %swap3A_1423 = tpu.vector_load %arg9[%swap3A_1421, %swap3A_1422] {strides = array<i32>} : memref<32x256xf32, #tpu.memory_space<vmem>>, vector<16xf32>,
      tpu.vector_store %arg9[%swap3A_1421, %swap3A_1422], %mul3A_1420 {strides = array<i32>} : memref<32x256xf32, #tpu.memory_space<vmem>>, vector<16xf32>,
      %gather3A_1424 = arith.constant 1 : i32
      %gather3A_1425 = arith.constant 1 : i32
      %gather3A_1426 = arith.constant 0 : i32
      %gather3A_1427 = arith.constant 0 : i32
      %gather3A_1428 = tpu.memref_slice %arg7[%gather3A_1424, %gather3A_1425, %gather3A_1426, %gather3A_1427] : memref<2x2x64x128xf32, #tpu.memory_space<vmem>> -> memref<1x1x64x128xf32, #tpu.memory_space<vmem>>
      %gather3A_1429 = tpu.memref_squeeze %gather3A_1428 : memref<1x1x64x128xf32, #tpu.memory_space<vmem>> -> memref<64x128xf32, #tpu.memory_space<vmem>>
      %gather3A_1430 = tpu.vector_load_idx %gather3A_1429[%add3A_9, %add3A_1399] : memref<64x128xf32, #tpu.memory_space<vmem>>[vector<16xi32>, vector<16xi32>], vector<16xf32>,
      %gather3A_1431 = arith.constant 1 : i32
      %gather3A_1432 = arith.constant 1 : i32
      %gather3A_1433 = arith.constant 0 : i32
      %gather3A_1434 = arith.constant 0 : i32
      %gather3A_1435 = tpu.memref_slice %arg8[%gather3A_1431, %gather3A_1432, %gather3A_1433, %gather3A_1434] : memref<2x2x64x128xf32, #tpu.memory_space<vmem>> -> memref<1x1x64x128xf32, #tpu.memory_space<vmem>>
      %gather3A_1436 = tpu.memref_squeeze %gather3A_1435 : memref<1x1x64x128xf32, #tpu.memory_space<vmem>> -> memref<64x128xf32, #tpu.memory_space<vmem>>
      %gather3A_1437 = tpu.vector_load_idx %gather3A_1436[%add3A_9, %add3A_1399] : memref<64x128xf32, #tpu.memory_space<vmem>>[vector<16xi32>, vector<16xi32>], vector<16xf32>,
      %swap3A_1438 = arith.index_cast %add3A_1395 : i32 to index
      %swap3A_1439 = arith.constant 16 : index
      %swap3A_1440 = tpu.vector_load %arg9[%swap3A_1438, %swap3A_1439] {strides = array<i32>} : memref<32x256xf32, #tpu.memory_space<vmem>>, vector<16xf32>,
      tpu.vector_store %arg9[%swap3A_1438, %swap3A_1439], %gather3A_1430 {strides = array<i32>} : memref<32x256xf32, #tpu.memory_space<vmem>>, vector<16xf32>,
      %swap3A_1441 = arith.index_cast %add3A_1395 : i32 to index
      %swap3A_1442 = arith.constant 80 : index
      %swap3A_1443 = tpu.vector_load %arg9[%swap3A_1441, %swap3A_1442] {strides = array<i32>} : memref<32x256xf32, #tpu.memory_space<vmem>>, vector<16xf32>,
      tpu.vector_store %arg9[%swap3A_1441, %swap3A_1442], %gather3A_1437 {strides = array<i32>} : memref<32x256xf32, #tpu.memory_space<vmem>>, vector<16xf32>,
      %mul3A_1444 = arith.mulf %gather3A_1437, %gather3A_1437 : vector<16xf32>
      %swap3A_1445 = arith.index_cast %add3A_1395 : i32 to index
      %swap3A_1446 = arith.constant 144 : index
      %swap3A_1447 = tpu.vector_load %arg9[%swap3A_1445, %swap3A_1446] {strides = array<i32>} : memref<32x256xf32, #tpu.memory_space<vmem>>, vector<16xf32>,
      tpu.vector_store %arg9[%swap3A_1445, %swap3A_1446], %mul3A_1444 {strides = array<i32>} : memref<32x256xf32, #tpu.memory_space<vmem>>, vector<16xf32>,
      %gather3A_1448 = arith.constant 1 : i32
      %gather3A_1449 = arith.constant 1 : i32
      %gather3A_1450 = arith.constant 0 : i32
      %gather3A_1451 = arith.constant 0 : i32
      %gather3A_1452 = tpu.memref_slice %arg7[%gather3A_1448, %gather3A_1449, %gather3A_1450, %gather3A_1451] : memref<2x2x64x128xf32, #tpu.memory_space<vmem>> -> memref<1x1x64x128xf32, #tpu.memory_space<vmem>>
      %gather3A_1453 = tpu.memref_squeeze %gather3A_1452 : memref<1x1x64x128xf32, #tpu.memory_space<vmem>> -> memref<64x128xf32, #tpu.memory_space<vmem>>
      %gather3A_1454 = tpu.vector_load_idx %gather3A_1453[%add3A_13, %add3A_1399] : memref<64x128xf32, #tpu.memory_space<vmem>>[vector<16xi32>, vector<16xi32>], vector<16xf32>,
      %gather3A_1455 = arith.constant 1 : i32
      %gather3A_1456 = arith.constant 1 : i32
      %gather3A_1457 = arith.constant 0 : i32
      %gather3A_1458 = arith.constant 0 : i32
      %gather3A_1459 = tpu.memref_slice %arg8[%gather3A_1455, %gather3A_1456, %gather3A_1457, %gather3A_1458] : memref<2x2x64x128xf32, #tpu.memory_space<vmem>> -> memref<1x1x64x128xf32, #tpu.memory_space<vmem>>
      %gather3A_1460 = tpu.memref_squeeze %gather3A_1459 : memref<1x1x64x128xf32, #tpu.memory_space<vmem>> -> memref<64x128xf32, #tpu.memory_space<vmem>>
      %gather3A_1461 = tpu.vector_load_idx %gather3A_1460[%add3A_13, %add3A_1399] : memref<64x128xf32, #tpu.memory_space<vmem>>[vector<16xi32>, vector<16xi32>], vector<16xf32>,
      %swap3A_1462 = arith.index_cast %add3A_1395 : i32 to index
      %swap3A_1463 = arith.constant 32 : index
      %swap3A_1464 = tpu.vector_load %arg9[%swap3A_1462, %swap3A_1463] {strides = array<i32>} : memref<32x256xf32, #tpu.memory_space<vmem>>, vector<16xf32>,
      tpu.vector_store %arg9[%swap3A_1462, %swap3A_1463], %gather3A_1454 {strides = array<i32>} : memref<32x256xf32, #tpu.memory_space<vmem>>, vector<16xf32>,
      %swap3A_1465 = arith.index_cast %add3A_1395 : i32 to index
      %swap3A_1466 = arith.constant 96 : index
      %swap3A_1467 = tpu.vector_load %arg9[%swap3A_1465, %swap3A_1466] {strides = array<i32>} : memref<32x256xf32, #tpu.memory_space<vmem>>, vector<16xf32>,
      tpu.vector_store %arg9[%swap3A_1465, %swap3A_1466], %gather3A_1461 {strides = array<i32>} : memref<32x256xf32, #tpu.memory_space<vmem>>, vector<16xf32>,
      %mul3A_1468 = arith.mulf %gather3A_1461, %gather3A_1461 : vector<16xf32>
      %swap3A_1469 = arith.index_cast %add3A_1395 : i32 to index
      %swap3A_1470 = arith.constant 160 : index
      %swap3A_1471 = tpu.vector_load %arg9[%swap3A_1469, %swap3A_1470] {strides = array<i32>} : memref<32x256xf32, #tpu.memory_space<vmem>>, vector<16xf32>,
      tpu.vector_store %arg9[%swap3A_1469, %swap3A_1470], %mul3A_1468 {strides = array<i32>} : memref<32x256xf32, #tpu.memory_space<vmem>>, vector<16xf32>,
      %gather3A_1472 = arith.constant 1 : i32
      %gather3A_1473 = arith.constant 1 : i32
      %gather3A_1474 = arith.constant 0 : i32
      %gather3A_1475 = arith.constant 0 : i32
      %gather3A_1476 = tpu.memref_slice %arg7[%gather3A_1472, %gather3A_1473, %gather3A_1474, %gather3A_1475] : memref<2x2x64x128xf32, #tpu.memory_space<vmem>> -> memref<1x1x64x128xf32, #tpu.memory_space<vmem>>
      %gather3A_1477 = tpu.memref_squeeze %gather3A_1476 : memref<1x1x64x128xf32, #tpu.memory_space<vmem>> -> memref<64x128xf32, #tpu.memory_space<vmem>>
      %gather3A_1478 = tpu.vector_load_idx %gather3A_1477[%add3A_17, %add3A_1399] : memref<64x128xf32, #tpu.memory_space<vmem>>[vector<16xi32>, vector<16xi32>], vector<16xf32>,
      %gather3A_1479 = arith.constant 1 : i32
      %gather3A_1480 = arith.constant 1 : i32
      %gather3A_1481 = arith.constant 0 : i32
      %gather3A_1482 = arith.constant 0 : i32
      %gather3A_1483 = tpu.memref_slice %arg8[%gather3A_1479, %gather3A_1480, %gather3A_1481, %gather3A_1482] : memref<2x2x64x128xf32, #tpu.memory_space<vmem>> -> memref<1x1x64x128xf32, #tpu.memory_space<vmem>>
      %gather3A_1484 = tpu.memref_squeeze %gather3A_1483 : memref<1x1x64x128xf32, #tpu.memory_space<vmem>> -> memref<64x128xf32, #tpu.memory_space<vmem>>
      %gather3A_1485 = tpu.vector_load_idx %gather3A_1484[%add3A_17, %add3A_1399] : memref<64x128xf32, #tpu.memory_space<vmem>>[vector<16xi32>, vector<16xi32>], vector<16xf32>,
      %swap3A_1486 = arith.index_cast %add3A_1395 : i32 to index
      %swap3A_1487 = arith.constant 48 : index
      %swap3A_1488 = tpu.vector_load %arg9[%swap3A_1486, %swap3A_1487] {strides = array<i32>} : memref<32x256xf32, #tpu.memory_space<vmem>>, vector<16xf32>,
      tpu.vector_store %arg9[%swap3A_1486, %swap3A_1487], %gather3A_1478 {strides = array<i32>} : memref<32x256xf32, #tpu.memory_space<vmem>>, vector<16xf32>,
      %swap3A_1489 = arith.index_cast %add3A_1395 : i32 to index
      %swap3A_1490 = arith.constant 112 : index
      %swap3A_1491 = tpu.vector_load %arg9[%swap3A_1489, %swap3A_1490] {strides = array<i32>} : memref<32x256xf32, #tpu.memory_space<vmem>>, vector<16xf32>,
      tpu.vector_store %arg9[%swap3A_1489, %swap3A_1490], %gather3A_1485 {strides = array<i32>} : memref<32x256xf32, #tpu.memory_space<vmem>>, vector<16xf32>,
      %mul3A_1492 = arith.mulf %gather3A_1485, %gather3A_1485 : vector<16xf32>
      %swap3A_1493 = arith.index_cast %add3A_1395 : i32 to index
      %swap3A_1494 = arith.constant 176 : index
      %swap3A_1495 = tpu.vector_load %arg9[%swap3A_1493, %swap3A_1494] {strides = array<i32>} : memref<32x256xf32, #tpu.memory_space<vmem>>, vector<16xf32>,
      tpu.vector_store %arg9[%swap3A_1493, %swap3A_1494], %mul3A_1492 {strides = array<i32>} : memref<32x256xf32, #tpu.memory_space<vmem>>, vector<16xf32>,
      %slice3A_1496 = vector.extract_strided_slice %get3A_97 {offsets = [10], sizes = [1], strides = [1]} : vector<16xi32> to vector<1xi32>
      %squeeze3A_1497 = vector.extract %slice3A_1496[0] : i32 from vector<1xi32>
      %shift_right_logical3A_1498 = arith.constant 7 : i32
      %shift_right_logical3A_1499 = arith.shrui %squeeze3A_1497, %shift_right_logical3A_1498 : i32
      %min3A_1500 = arith.constant 7812 : i32
      %min3A_1501 = arith.minsi %shift_right_logical3A_1499, %min3A_1500 : i32
      %mul3A_1502 = arith.constant 128 : i32
      %mul3A_1503 = arith.muli %min3A_1501, %mul3A_1502 : i32
      %multiple_of3A_1504 = tpu.assume_multiple %mul3A_1503, 128 : i32
      %dma_start3A_1505 = arith.constant 1 : i32
      %dma_start3A_1506 = arith.constant 0 : i32
      %dma_start3A_1507 = arith.constant 0 : i32
      %dma_start3A_1508 = arith.constant 0 : i32
      %dma_start3A_1509 = tpu.memref_slice %arg7[%dma_start3A_1505, %dma_start3A_1506, %dma_start3A_1507, %dma_start3A_1508] : memref<2x2x64x128xf32, #tpu.memory_space<vmem>> -> memref<1x1x64x128xf32, #tpu.memory_space<vmem>>
      %dma_start3A_1510 = tpu.memref_squeeze %dma_start3A_1509 : memref<1x1x64x128xf32, #tpu.memory_space<vmem>> -> memref<64x128xf32, #tpu.memory_space<vmem>>
      %dma_start3A_1511 = arith.constant 0 : i32
      %dma_start3A_1512 = tpu.memref_slice %arg3[%dma_start3A_1511, %multiple_of3A_1504] : memref<64x1000000xf32, #tpu.memory_space<hbm>> -> memref<64x128xf32, #tpu.memory_space<hbm>>
      %dma_start3A_1513 = arith.constant 0 : i32
      %dma_start3A_1514 = arith.constant 0 : i32
      %dma_start3A_1515 = tpu.memref_slice %arg7[%dma_start3A_1505, %dma_start3A_1506, %dma_start3A_1513, %dma_start3A_1514] : memref<2x2x64x128xf32, #tpu.memory_space<vmem>> -> memref<1x1x64x128xf32, #tpu.memory_space<vmem>>
      %dma_start3A_1516 = tpu.memref_squeeze %dma_start3A_1515 : memref<1x1x64x128xf32, #tpu.memory_space<vmem>> -> memref<64x128xf32, #tpu.memory_space<vmem>>
      %dma_start3A_1517 = arith.constant 0 : i32
      %dma_start3A_1518 = tpu.memref_slice %arg3[%dma_start3A_1517, %multiple_of3A_1504] : memref<64x1000000xf32, #tpu.memory_space<hbm>> -> memref<64x128xf32, #tpu.memory_space<hbm>>
      tpu.enqueue_dma source(%dma_start3A_1518 : memref<64x128xf32, #tpu.memory_space<hbm>>) target(%dma_start3A_1516 : memref<64x128xf32, #tpu.memory_space<vmem>>) target_semaphore(%arg11 : memref<!tpu.dma_semaphore, #tpu.memory_space<semaphore_mem>>)
      %dma_start3A_1519 = arith.constant 1 : i32
      %dma_start3A_1520 = arith.constant 0 : i32
      %dma_start3A_1521 = arith.constant 0 : i32
      %dma_start3A_1522 = arith.constant 0 : i32
      %dma_start3A_1523 = tpu.memref_slice %arg8[%dma_start3A_1519, %dma_start3A_1520, %dma_start3A_1521, %dma_start3A_1522] : memref<2x2x64x128xf32, #tpu.memory_space<vmem>> -> memref<1x1x64x128xf32, #tpu.memory_space<vmem>>
      %dma_start3A_1524 = tpu.memref_squeeze %dma_start3A_1523 : memref<1x1x64x128xf32, #tpu.memory_space<vmem>> -> memref<64x128xf32, #tpu.memory_space<vmem>>
      %dma_start3A_1525 = arith.constant 0 : i32
      %dma_start3A_1526 = tpu.memref_slice %arg4[%dma_start3A_1525, %multiple_of3A_1504] : memref<64x1000000xf32, #tpu.memory_space<hbm>> -> memref<64x128xf32, #tpu.memory_space<hbm>>
      %dma_start3A_1527 = arith.constant 0 : i32
      %dma_start3A_1528 = arith.constant 0 : i32
      %dma_start3A_1529 = tpu.memref_slice %arg8[%dma_start3A_1519, %dma_start3A_1520, %dma_start3A_1527, %dma_start3A_1528] : memref<2x2x64x128xf32, #tpu.memory_space<vmem>> -> memref<1x1x64x128xf32, #tpu.memory_space<vmem>>
      %dma_start3A_1530 = tpu.memref_squeeze %dma_start3A_1529 : memref<1x1x64x128xf32, #tpu.memory_space<vmem>> -> memref<64x128xf32, #tpu.memory_space<vmem>>
      %dma_start3A_1531 = arith.constant 0 : i32
      %dma_start3A_1532 = tpu.memref_slice %arg4[%dma_start3A_1531, %multiple_of3A_1504] : memref<64x1000000xf32, #tpu.memory_space<hbm>> -> memref<64x128xf32, #tpu.memory_space<hbm>>
      tpu.enqueue_dma source(%dma_start3A_1532 : memref<64x128xf32, #tpu.memory_space<hbm>>) target(%dma_start3A_1530 : memref<64x128xf32, #tpu.memory_space<vmem>>) target_semaphore(%arg11 : memref<!tpu.dma_semaphore, #tpu.memory_space<semaphore_mem>>)
      %slice3A_1533 = vector.extract_strided_slice %get3A_97 {offsets = [11], sizes = [1], strides = [1]} : vector<16xi32> to vector<1xi32>
      %squeeze3A_1534 = vector.extract %slice3A_1533[0] : i32 from vector<1xi32>
      %shift_right_logical3A_1535 = arith.constant 7 : i32
      %shift_right_logical3A_1536 = arith.shrui %squeeze3A_1534, %shift_right_logical3A_1535 : i32
      %min3A_1537 = arith.constant 7812 : i32
      %min3A_1538 = arith.minsi %shift_right_logical3A_1536, %min3A_1537 : i32
      %mul3A_1539 = arith.constant 128 : i32
      %mul3A_1540 = arith.muli %min3A_1538, %mul3A_1539 : i32
      %multiple_of3A_1541 = tpu.assume_multiple %mul3A_1540, 128 : i32
      %dma_start3A_1542 = arith.constant 1 : i32
      %dma_start3A_1543 = arith.constant 1 : i32
      %dma_start3A_1544 = arith.constant 0 : i32
      %dma_start3A_1545 = arith.constant 0 : i32
      %dma_start3A_1546 = tpu.memref_slice %arg7[%dma_start3A_1542, %dma_start3A_1543, %dma_start3A_1544, %dma_start3A_1545] : memref<2x2x64x128xf32, #tpu.memory_space<vmem>> -> memref<1x1x64x128xf32, #tpu.memory_space<vmem>>
      %dma_start3A_1547 = tpu.memref_squeeze %dma_start3A_1546 : memref<1x1x64x128xf32, #tpu.memory_space<vmem>> -> memref<64x128xf32, #tpu.memory_space<vmem>>
      %dma_start3A_1548 = arith.constant 0 : i32
      %dma_start3A_1549 = tpu.memref_slice %arg3[%dma_start3A_1548, %multiple_of3A_1541] : memref<64x1000000xf32, #tpu.memory_space<hbm>> -> memref<64x128xf32, #tpu.memory_space<hbm>>
      %dma_start3A_1550 = arith.constant 0 : i32
      %dma_start3A_1551 = arith.constant 0 : i32
      %dma_start3A_1552 = tpu.memref_slice %arg7[%dma_start3A_1542, %dma_start3A_1543, %dma_start3A_1550, %dma_start3A_1551] : memref<2x2x64x128xf32, #tpu.memory_space<vmem>> -> memref<1x1x64x128xf32, #tpu.memory_space<vmem>>
      %dma_start3A_1553 = tpu.memref_squeeze %dma_start3A_1552 : memref<1x1x64x128xf32, #tpu.memory_space<vmem>> -> memref<64x128xf32, #tpu.memory_space<vmem>>
      %dma_start3A_1554 = arith.constant 0 : i32
      %dma_start3A_1555 = tpu.memref_slice %arg3[%dma_start3A_1554, %multiple_of3A_1541] : memref<64x1000000xf32, #tpu.memory_space<hbm>> -> memref<64x128xf32, #tpu.memory_space<hbm>>
      tpu.enqueue_dma source(%dma_start3A_1555 : memref<64x128xf32, #tpu.memory_space<hbm>>) target(%dma_start3A_1553 : memref<64x128xf32, #tpu.memory_space<vmem>>) target_semaphore(%arg11 : memref<!tpu.dma_semaphore, #tpu.memory_space<semaphore_mem>>)
      %dma_start3A_1556 = arith.constant 1 : i32
      %dma_start3A_1557 = arith.constant 1 : i32
      %dma_start3A_1558 = arith.constant 0 : i32
      %dma_start3A_1559 = arith.constant 0 : i32
      %dma_start3A_1560 = tpu.memref_slice %arg8[%dma_start3A_1556, %dma_start3A_1557, %dma_start3A_1558, %dma_start3A_1559] : memref<2x2x64x128xf32, #tpu.memory_space<vmem>> -> memref<1x1x64x128xf32, #tpu.memory_space<vmem>>
      %dma_start3A_1561 = tpu.memref_squeeze %dma_start3A_1560 : memref<1x1x64x128xf32, #tpu.memory_space<vmem>> -> memref<64x128xf32, #tpu.memory_space<vmem>>
      %dma_start3A_1562 = arith.constant 0 : i32
      %dma_start3A_1563 = tpu.memref_slice %arg4[%dma_start3A_1562, %multiple_of3A_1541] : memref<64x1000000xf32, #tpu.memory_space<hbm>> -> memref<64x128xf32, #tpu.memory_space<hbm>>
      %dma_start3A_1564 = arith.constant 0 : i32
      %dma_start3A_1565 = arith.constant 0 : i32
      %dma_start3A_1566 = tpu.memref_slice %arg8[%dma_start3A_1556, %dma_start3A_1557, %dma_start3A_1564, %dma_start3A_1565] : memref<2x2x64x128xf32, #tpu.memory_space<vmem>> -> memref<1x1x64x128xf32, #tpu.memory_space<vmem>>
      %dma_start3A_1567 = tpu.memref_squeeze %dma_start3A_1566 : memref<1x1x64x128xf32, #tpu.memory_space<vmem>> -> memref<64x128xf32, #tpu.memory_space<vmem>>
      %dma_start3A_1568 = arith.constant 0 : i32
      %dma_start3A_1569 = tpu.memref_slice %arg4[%dma_start3A_1568, %multiple_of3A_1541] : memref<64x1000000xf32, #tpu.memory_space<hbm>> -> memref<64x128xf32, #tpu.memory_space<hbm>>
      tpu.enqueue_dma source(%dma_start3A_1569 : memref<64x128xf32, #tpu.memory_space<hbm>>) target(%dma_start3A_1567 : memref<64x128xf32, #tpu.memory_space<vmem>>) target_semaphore(%arg11 : memref<!tpu.dma_semaphore, #tpu.memory_space<semaphore_mem>>)
      %dma_wait3A_1570 = arith.constant 0 : i32
      %dma_wait3A_1571 = arith.constant 0 : i32
      %dma_wait3A_1572 = arith.constant 0 : i32
      %dma_wait3A_1573 = arith.constant 0 : i32
      %dma_wait3A_1574 = tpu.memref_slice %arg7[%dma_wait3A_1570, %dma_wait3A_1571, %dma_wait3A_1572, %dma_wait3A_1573] : memref<2x2x64x128xf32, #tpu.memory_space<vmem>> -> memref<1x1x64x128xf32, #tpu.memory_space<vmem>>
      %dma_wait3A_1575 = tpu.memref_squeeze %dma_wait3A_1574 : memref<1x1x64x128xf32, #tpu.memory_space<vmem>> -> memref<64x128xf32, #tpu.memory_space<vmem>>
      %dma_wait3A_1576 = arith.constant 0 : i32
      %dma_wait3A_1577 = arith.constant 0 : i32
      %dma_wait3A_1578 = tpu.memref_slice %arg3[%dma_wait3A_1576, %dma_wait3A_1577] : memref<64x1000000xf32, #tpu.memory_space<hbm>> -> memref<64x128xf32, #tpu.memory_space<hbm>>
      %dma_wait3A_1579 = arith.constant 0 : i32
      %dma_wait3A_1580 = arith.constant 0 : i32
      %dma_wait3A_1581 = tpu.memref_slice %arg7[%dma_wait3A_1570, %dma_wait3A_1571, %dma_wait3A_1579, %dma_wait3A_1580] : memref<2x2x64x128xf32, #tpu.memory_space<vmem>> -> memref<1x1x64x128xf32, #tpu.memory_space<vmem>>
      %dma_wait3A_1582 = tpu.memref_squeeze %dma_wait3A_1581 : memref<1x1x64x128xf32, #tpu.memory_space<vmem>> -> memref<64x128xf32, #tpu.memory_space<vmem>>
      %dma_wait3A_1583 = arith.constant 0 : i32
      %dma_wait3A_1584 = arith.constant 0 : i32
      %dma_wait3A_1585 = tpu.memref_slice %arg3[%dma_wait3A_1583, %dma_wait3A_1584] : memref<64x1000000xf32, #tpu.memory_space<hbm>> -> memref<64x128xf32, #tpu.memory_space<hbm>>
      tpu.wait_dma2 semaphore(%arg10 : memref<!tpu.dma_semaphore, #tpu.memory_space<semaphore_mem>>) src(%dma_wait3A_1585 : memref<64x128xf32, #tpu.memory_space<hbm>>) dst(%dma_wait3A_1582 : memref<64x128xf32, #tpu.memory_space<vmem>>)
      %dma_wait3A_1586 = arith.constant 0 : i32
      %dma_wait3A_1587 = arith.constant 1 : i32
      %dma_wait3A_1588 = arith.constant 0 : i32
      %dma_wait3A_1589 = arith.constant 0 : i32
      %dma_wait3A_1590 = tpu.memref_slice %arg7[%dma_wait3A_1586, %dma_wait3A_1587, %dma_wait3A_1588, %dma_wait3A_1589] : memref<2x2x64x128xf32, #tpu.memory_space<vmem>> -> memref<1x1x64x128xf32, #tpu.memory_space<vmem>>
      %dma_wait3A_1591 = tpu.memref_squeeze %dma_wait3A_1590 : memref<1x1x64x128xf32, #tpu.memory_space<vmem>> -> memref<64x128xf32, #tpu.memory_space<vmem>>
      %dma_wait3A_1592 = arith.constant 0 : i32
      %dma_wait3A_1593 = arith.constant 0 : i32
      %dma_wait3A_1594 = tpu.memref_slice %arg3[%dma_wait3A_1592, %dma_wait3A_1593] : memref<64x1000000xf32, #tpu.memory_space<hbm>> -> memref<64x128xf32, #tpu.memory_space<hbm>>
      %dma_wait3A_1595 = arith.constant 0 : i32
      %dma_wait3A_1596 = arith.constant 0 : i32
      %dma_wait3A_1597 = tpu.memref_slice %arg7[%dma_wait3A_1586, %dma_wait3A_1587, %dma_wait3A_1595, %dma_wait3A_1596] : memref<2x2x64x128xf32, #tpu.memory_space<vmem>> -> memref<1x1x64x128xf32, #tpu.memory_space<vmem>>
      %dma_wait3A_1598 = tpu.memref_squeeze %dma_wait3A_1597 : memref<1x1x64x128xf32, #tpu.memory_space<vmem>> -> memref<64x128xf32, #tpu.memory_space<vmem>>
      %dma_wait3A_1599 = arith.constant 0 : i32
      %dma_wait3A_1600 = arith.constant 0 : i32
      %dma_wait3A_1601 = tpu.memref_slice %arg3[%dma_wait3A_1599, %dma_wait3A_1600] : memref<64x1000000xf32, #tpu.memory_space<hbm>> -> memref<64x128xf32, #tpu.memory_space<hbm>>
      tpu.wait_dma2 semaphore(%arg10 : memref<!tpu.dma_semaphore, #tpu.memory_space<semaphore_mem>>) src(%dma_wait3A_1601 : memref<64x128xf32, #tpu.memory_space<hbm>>) dst(%dma_wait3A_1598 : memref<64x128xf32, #tpu.memory_space<vmem>>)
      %dma_wait3A_1602 = arith.constant 0 : i32
      %dma_wait3A_1603 = arith.constant 0 : i32
      %dma_wait3A_1604 = arith.constant 0 : i32
      %dma_wait3A_1605 = arith.constant 0 : i32
      %dma_wait3A_1606 = tpu.memref_slice %arg8[%dma_wait3A_1602, %dma_wait3A_1603, %dma_wait3A_1604, %dma_wait3A_1605] : memref<2x2x64x128xf32, #tpu.memory_space<vmem>> -> memref<1x1x64x128xf32, #tpu.memory_space<vmem>>
      %dma_wait3A_1607 = tpu.memref_squeeze %dma_wait3A_1606 : memref<1x1x64x128xf32, #tpu.memory_space<vmem>> -> memref<64x128xf32, #tpu.memory_space<vmem>>
      %dma_wait3A_1608 = arith.constant 0 : i32
      %dma_wait3A_1609 = arith.constant 0 : i32
      %dma_wait3A_1610 = tpu.memref_slice %arg3[%dma_wait3A_1608, %dma_wait3A_1609] : memref<64x1000000xf32, #tpu.memory_space<hbm>> -> memref<64x128xf32, #tpu.memory_space<hbm>>
      %dma_wait3A_1611 = arith.constant 0 : i32
      %dma_wait3A_1612 = arith.constant 0 : i32
      %dma_wait3A_1613 = tpu.memref_slice %arg8[%dma_wait3A_1602, %dma_wait3A_1603, %dma_wait3A_1611, %dma_wait3A_1612] : memref<2x2x64x128xf32, #tpu.memory_space<vmem>> -> memref<1x1x64x128xf32, #tpu.memory_space<vmem>>
      %dma_wait3A_1614 = tpu.memref_squeeze %dma_wait3A_1613 : memref<1x1x64x128xf32, #tpu.memory_space<vmem>> -> memref<64x128xf32, #tpu.memory_space<vmem>>
      %dma_wait3A_1615 = arith.constant 0 : i32
      %dma_wait3A_1616 = arith.constant 0 : i32
      %dma_wait3A_1617 = tpu.memref_slice %arg3[%dma_wait3A_1615, %dma_wait3A_1616] : memref<64x1000000xf32, #tpu.memory_space<hbm>> -> memref<64x128xf32, #tpu.memory_space<hbm>>
      tpu.wait_dma2 semaphore(%arg10 : memref<!tpu.dma_semaphore, #tpu.memory_space<semaphore_mem>>) src(%dma_wait3A_1617 : memref<64x128xf32, #tpu.memory_space<hbm>>) dst(%dma_wait3A_1614 : memref<64x128xf32, #tpu.memory_space<vmem>>)
      %dma_wait3A_1618 = arith.constant 0 : i32
      %dma_wait3A_1619 = arith.constant 1 : i32
      %dma_wait3A_1620 = arith.constant 0 : i32
      %dma_wait3A_1621 = arith.constant 0 : i32
      %dma_wait3A_1622 = tpu.memref_slice %arg8[%dma_wait3A_1618, %dma_wait3A_1619, %dma_wait3A_1620, %dma_wait3A_1621] : memref<2x2x64x128xf32, #tpu.memory_space<vmem>> -> memref<1x1x64x128xf32, #tpu.memory_space<vmem>>
      %dma_wait3A_1623 = tpu.memref_squeeze %dma_wait3A_1622 : memref<1x1x64x128xf32, #tpu.memory_space<vmem>> -> memref<64x128xf32, #tpu.memory_space<vmem>>
      %dma_wait3A_1624 = arith.constant 0 : i32
      %dma_wait3A_1625 = arith.constant 0 : i32
      %dma_wait3A_1626 = tpu.memref_slice %arg3[%dma_wait3A_1624, %dma_wait3A_1625] : memref<64x1000000xf32, #tpu.memory_space<hbm>> -> memref<64x128xf32, #tpu.memory_space<hbm>>
      %dma_wait3A_1627 = arith.constant 0 : i32
      %dma_wait3A_1628 = arith.constant 0 : i32
      %dma_wait3A_1629 = tpu.memref_slice %arg8[%dma_wait3A_1618, %dma_wait3A_1619, %dma_wait3A_1627, %dma_wait3A_1628] : memref<2x2x64x128xf32, #tpu.memory_space<vmem>> -> memref<1x1x64x128xf32, #tpu.memory_space<vmem>>
      %dma_wait3A_1630 = tpu.memref_squeeze %dma_wait3A_1629 : memref<1x1x64x128xf32, #tpu.memory_space<vmem>> -> memref<64x128xf32, #tpu.memory_space<vmem>>
      %dma_wait3A_1631 = arith.constant 0 : i32
      %dma_wait3A_1632 = arith.constant 0 : i32
      %dma_wait3A_1633 = tpu.memref_slice %arg3[%dma_wait3A_1631, %dma_wait3A_1632] : memref<64x1000000xf32, #tpu.memory_space<hbm>> -> memref<64x128xf32, #tpu.memory_space<hbm>>
      tpu.wait_dma2 semaphore(%arg10 : memref<!tpu.dma_semaphore, #tpu.memory_space<semaphore_mem>>) src(%dma_wait3A_1633 : memref<64x128xf32, #tpu.memory_space<hbm>>) dst(%dma_wait3A_1630 : memref<64x128xf32, #tpu.memory_space<vmem>>)
      %slice3A_1634 = vector.extract_strided_slice %get3A_97 {offsets = [8], sizes = [1], strides = [1]} : vector<16xi32> to vector<1xi32>
      %squeeze3A_1635 = vector.extract %slice3A_1634[0] : i32 from vector<1xi32>
      %add3A_1636 = arith.constant 8 : i32
      %add3A_1637 = arith.addi %mul3A_106, %add3A_1636 : i32
      %and3A_1638 = arith.constant 127 : i32
      %and3A_1639 = arith.andi %squeeze3A_1635, %and3A_1638 : i32
      %add3A_1640 = vector.broadcast %and3A_1639 : i32 to vector<16xi32>
      %add3A_1641 = arith.addi %broadcast_in_dim3A_18, %add3A_1640 : vector<16xi32>
      %gather3A_1642 = arith.constant 0 : i32
      %gather3A_1643 = arith.constant 0 : i32
      %gather3A_1644 = arith.constant 0 : i32
      %gather3A_1645 = arith.constant 0 : i32
      %gather3A_1646 = tpu.memref_slice %arg7[%gather3A_1642, %gather3A_1643, %gather3A_1644, %gather3A_1645] : memref<2x2x64x128xf32, #tpu.memory_space<vmem>> -> memref<1x1x64x128xf32, #tpu.memory_space<vmem>>
      %gather3A_1647 = tpu.memref_squeeze %gather3A_1646 : memref<1x1x64x128xf32, #tpu.memory_space<vmem>> -> memref<64x128xf32, #tpu.memory_space<vmem>>
      %gather3A_1648 = tpu.vector_load_idx %gather3A_1647[%add3A_5, %add3A_1641] : memref<64x128xf32, #tpu.memory_space<vmem>>[vector<16xi32>, vector<16xi32>], vector<16xf32>,
      %gather3A_1649 = arith.constant 0 : i32
      %gather3A_1650 = arith.constant 0 : i32
      %gather3A_1651 = arith.constant 0 : i32
      %gather3A_1652 = arith.constant 0 : i32
      %gather3A_1653 = tpu.memref_slice %arg8[%gather3A_1649, %gather3A_1650, %gather3A_1651, %gather3A_1652] : memref<2x2x64x128xf32, #tpu.memory_space<vmem>> -> memref<1x1x64x128xf32, #tpu.memory_space<vmem>>
      %gather3A_1654 = tpu.memref_squeeze %gather3A_1653 : memref<1x1x64x128xf32, #tpu.memory_space<vmem>> -> memref<64x128xf32, #tpu.memory_space<vmem>>
      %gather3A_1655 = tpu.vector_load_idx %gather3A_1654[%add3A_5, %add3A_1641] : memref<64x128xf32, #tpu.memory_space<vmem>>[vector<16xi32>, vector<16xi32>], vector<16xf32>,
      %swap3A_1656 = arith.index_cast %add3A_1637 : i32 to index
      %swap3A_1657 = arith.constant 0 : index
      %swap3A_1658 = tpu.vector_load %arg9[%swap3A_1656, %swap3A_1657] {strides = array<i32>} : memref<32x256xf32, #tpu.memory_space<vmem>>, vector<16xf32>,
      tpu.vector_store %arg9[%swap3A_1656, %swap3A_1657], %gather3A_1648 {strides = array<i32>} : memref<32x256xf32, #tpu.memory_space<vmem>>, vector<16xf32>,
      %swap3A_1659 = arith.index_cast %add3A_1637 : i32 to index
      %swap3A_1660 = arith.constant 64 : index
      %swap3A_1661 = tpu.vector_load %arg9[%swap3A_1659, %swap3A_1660] {strides = array<i32>} : memref<32x256xf32, #tpu.memory_space<vmem>>, vector<16xf32>,
      tpu.vector_store %arg9[%swap3A_1659, %swap3A_1660], %gather3A_1655 {strides = array<i32>} : memref<32x256xf32, #tpu.memory_space<vmem>>, vector<16xf32>,
      %mul3A_1662 = arith.mulf %gather3A_1655, %gather3A_1655 : vector<16xf32>
      %swap3A_1663 = arith.index_cast %add3A_1637 : i32 to index
      %swap3A_1664 = arith.constant 128 : index
      %swap3A_1665 = tpu.vector_load %arg9[%swap3A_1663, %swap3A_1664] {strides = array<i32>} : memref<32x256xf32, #tpu.memory_space<vmem>>, vector<16xf32>,
      tpu.vector_store %arg9[%swap3A_1663, %swap3A_1664], %mul3A_1662 {strides = array<i32>} : memref<32x256xf32, #tpu.memory_space<vmem>>, vector<16xf32>,
      %gather3A_1666 = arith.constant 0 : i32
      %gather3A_1667 = arith.constant 0 : i32
      %gather3A_1668 = arith.constant 0 : i32
      %gather3A_1669 = arith.constant 0 : i32
      %gather3A_1670 = tpu.memref_slice %arg7[%gather3A_1666, %gather3A_1667, %gather3A_1668, %gather3A_1669] : memref<2x2x64x128xf32, #tpu.memory_space<vmem>> -> memref<1x1x64x128xf32, #tpu.memory_space<vmem>>
      %gather3A_1671 = tpu.memref_squeeze %gather3A_1670 : memref<1x1x64x128xf32, #tpu.memory_space<vmem>> -> memref<64x128xf32, #tpu.memory_space<vmem>>
      %gather3A_1672 = tpu.vector_load_idx %gather3A_1671[%add3A_9, %add3A_1641] : memref<64x128xf32, #tpu.memory_space<vmem>>[vector<16xi32>, vector<16xi32>], vector<16xf32>,
      %gather3A_1673 = arith.constant 0 : i32
      %gather3A_1674 = arith.constant 0 : i32
      %gather3A_1675 = arith.constant 0 : i32
      %gather3A_1676 = arith.constant 0 : i32
      %gather3A_1677 = tpu.memref_slice %arg8[%gather3A_1673, %gather3A_1674, %gather3A_1675, %gather3A_1676] : memref<2x2x64x128xf32, #tpu.memory_space<vmem>> -> memref<1x1x64x128xf32, #tpu.memory_space<vmem>>
      %gather3A_1678 = tpu.memref_squeeze %gather3A_1677 : memref<1x1x64x128xf32, #tpu.memory_space<vmem>> -> memref<64x128xf32, #tpu.memory_space<vmem>>
      %gather3A_1679 = tpu.vector_load_idx %gather3A_1678[%add3A_9, %add3A_1641] : memref<64x128xf32, #tpu.memory_space<vmem>>[vector<16xi32>, vector<16xi32>], vector<16xf32>,
      %swap3A_1680 = arith.index_cast %add3A_1637 : i32 to index
      %swap3A_1681 = arith.constant 16 : index
      %swap3A_1682 = tpu.vector_load %arg9[%swap3A_1680, %swap3A_1681] {strides = array<i32>} : memref<32x256xf32, #tpu.memory_space<vmem>>, vector<16xf32>,
      tpu.vector_store %arg9[%swap3A_1680, %swap3A_1681], %gather3A_1672 {strides = array<i32>} : memref<32x256xf32, #tpu.memory_space<vmem>>, vector<16xf32>,
      %swap3A_1683 = arith.index_cast %add3A_1637 : i32 to index
      %swap3A_1684 = arith.constant 80 : index
      %swap3A_1685 = tpu.vector_load %arg9[%swap3A_1683, %swap3A_1684] {strides = array<i32>} : memref<32x256xf32, #tpu.memory_space<vmem>>, vector<16xf32>,
      tpu.vector_store %arg9[%swap3A_1683, %swap3A_1684], %gather3A_1679 {strides = array<i32>} : memref<32x256xf32, #tpu.memory_space<vmem>>, vector<16xf32>,
      %mul3A_1686 = arith.mulf %gather3A_1679, %gather3A_1679 : vector<16xf32>
      %swap3A_1687 = arith.index_cast %add3A_1637 : i32 to index
      %swap3A_1688 = arith.constant 144 : index
      %swap3A_1689 = tpu.vector_load %arg9[%swap3A_1687, %swap3A_1688] {strides = array<i32>} : memref<32x256xf32, #tpu.memory_space<vmem>>, vector<16xf32>,
      tpu.vector_store %arg9[%swap3A_1687, %swap3A_1688], %mul3A_1686 {strides = array<i32>} : memref<32x256xf32, #tpu.memory_space<vmem>>, vector<16xf32>,
      %gather3A_1690 = arith.constant 0 : i32
      %gather3A_1691 = arith.constant 0 : i32
      %gather3A_1692 = arith.constant 0 : i32
      %gather3A_1693 = arith.constant 0 : i32
      %gather3A_1694 = tpu.memref_slice %arg7[%gather3A_1690, %gather3A_1691, %gather3A_1692, %gather3A_1693] : memref<2x2x64x128xf32, #tpu.memory_space<vmem>> -> memref<1x1x64x128xf32, #tpu.memory_space<vmem>>
      %gather3A_1695 = tpu.memref_squeeze %gather3A_1694 : memref<1x1x64x128xf32, #tpu.memory_space<vmem>> -> memref<64x128xf32, #tpu.memory_space<vmem>>
      %gather3A_1696 = tpu.vector_load_idx %gather3A_1695[%add3A_13, %add3A_1641] : memref<64x128xf32, #tpu.memory_space<vmem>>[vector<16xi32>, vector<16xi32>], vector<16xf32>,
      %gather3A_1697 = arith.constant 0 : i32
      %gather3A_1698 = arith.constant 0 : i32
      %gather3A_1699 = arith.constant 0 : i32
      %gather3A_1700 = arith.constant 0 : i32
      %gather3A_1701 = tpu.memref_slice %arg8[%gather3A_1697, %gather3A_1698, %gather3A_1699, %gather3A_1700] : memref<2x2x64x128xf32, #tpu.memory_space<vmem>> -> memref<1x1x64x128xf32, #tpu.memory_space<vmem>>
      %gather3A_1702 = tpu.memref_squeeze %gather3A_1701 : memref<1x1x64x128xf32, #tpu.memory_space<vmem>> -> memref<64x128xf32, #tpu.memory_space<vmem>>
      %gather3A_1703 = tpu.vector_load_idx %gather3A_1702[%add3A_13, %add3A_1641] : memref<64x128xf32, #tpu.memory_space<vmem>>[vector<16xi32>, vector<16xi32>], vector<16xf32>,
      %swap3A_1704 = arith.index_cast %add3A_1637 : i32 to index
      %swap3A_1705 = arith.constant 32 : index
      %swap3A_1706 = tpu.vector_load %arg9[%swap3A_1704, %swap3A_1705] {strides = array<i32>} : memref<32x256xf32, #tpu.memory_space<vmem>>, vector<16xf32>,
      tpu.vector_store %arg9[%swap3A_1704, %swap3A_1705], %gather3A_1696 {strides = array<i32>} : memref<32x256xf32, #tpu.memory_space<vmem>>, vector<16xf32>,
      %swap3A_1707 = arith.index_cast %add3A_1637 : i32 to index
      %swap3A_1708 = arith.constant 96 : index
      %swap3A_1709 = tpu.vector_load %arg9[%swap3A_1707, %swap3A_1708] {strides = array<i32>} : memref<32x256xf32, #tpu.memory_space<vmem>>, vector<16xf32>,
      tpu.vector_store %arg9[%swap3A_1707, %swap3A_1708], %gather3A_1703 {strides = array<i32>} : memref<32x256xf32, #tpu.memory_space<vmem>>, vector<16xf32>,
      %mul3A_1710 = arith.mulf %gather3A_1703, %gather3A_1703 : vector<16xf32>
      %swap3A_1711 = arith.index_cast %add3A_1637 : i32 to index
      %swap3A_1712 = arith.constant 160 : index
      %swap3A_1713 = tpu.vector_load %arg9[%swap3A_1711, %swap3A_1712] {strides = array<i32>} : memref<32x256xf32, #tpu.memory_space<vmem>>, vector<16xf32>,
      tpu.vector_store %arg9[%swap3A_1711, %swap3A_1712], %mul3A_1710 {strides = array<i32>} : memref<32x256xf32, #tpu.memory_space<vmem>>, vector<16xf32>,
      %gather3A_1714 = arith.constant 0 : i32
      %gather3A_1715 = arith.constant 0 : i32
      %gather3A_1716 = arith.constant 0 : i32
      %gather3A_1717 = arith.constant 0 : i32
      %gather3A_1718 = tpu.memref_slice %arg7[%gather3A_1714, %gather3A_1715, %gather3A_1716, %gather3A_1717] : memref<2x2x64x128xf32, #tpu.memory_space<vmem>> -> memref<1x1x64x128xf32, #tpu.memory_space<vmem>>
      %gather3A_1719 = tpu.memref_squeeze %gather3A_1718 : memref<1x1x64x128xf32, #tpu.memory_space<vmem>> -> memref<64x128xf32, #tpu.memory_space<vmem>>
      %gather3A_1720 = tpu.vector_load_idx %gather3A_1719[%add3A_17, %add3A_1641] : memref<64x128xf32, #tpu.memory_space<vmem>>[vector<16xi32>, vector<16xi32>], vector<16xf32>,
      %gather3A_1721 = arith.constant 0 : i32
      %gather3A_1722 = arith.constant 0 : i32
      %gather3A_1723 = arith.constant 0 : i32
      %gather3A_1724 = arith.constant 0 : i32
      %gather3A_1725 = tpu.memref_slice %arg8[%gather3A_1721, %gather3A_1722, %gather3A_1723, %gather3A_1724] : memref<2x2x64x128xf32, #tpu.memory_space<vmem>> -> memref<1x1x64x128xf32, #tpu.memory_space<vmem>>
      %gather3A_1726 = tpu.memref_squeeze %gather3A_1725 : memref<1x1x64x128xf32, #tpu.memory_space<vmem>> -> memref<64x128xf32, #tpu.memory_space<vmem>>
      %gather3A_1727 = tpu.vector_load_idx %gather3A_1726[%add3A_17, %add3A_1641] : memref<64x128xf32, #tpu.memory_space<vmem>>[vector<16xi32>, vector<16xi32>], vector<16xf32>,
      %swap3A_1728 = arith.index_cast %add3A_1637 : i32 to index
      %swap3A_1729 = arith.constant 48 : index
      %swap3A_1730 = tpu.vector_load %arg9[%swap3A_1728, %swap3A_1729] {strides = array<i32>} : memref<32x256xf32, #tpu.memory_space<vmem>>, vector<16xf32>,
      tpu.vector_store %arg9[%swap3A_1728, %swap3A_1729], %gather3A_1720 {strides = array<i32>} : memref<32x256xf32, #tpu.memory_space<vmem>>, vector<16xf32>,
      %swap3A_1731 = arith.index_cast %add3A_1637 : i32 to index
      %swap3A_1732 = arith.constant 112 : index
      %swap3A_1733 = tpu.vector_load %arg9[%swap3A_1731, %swap3A_1732] {strides = array<i32>} : memref<32x256xf32, #tpu.memory_space<vmem>>, vector<16xf32>,
      tpu.vector_store %arg9[%swap3A_1731, %swap3A_1732], %gather3A_1727 {strides = array<i32>} : memref<32x256xf32, #tpu.memory_space<vmem>>, vector<16xf32>,
      %mul3A_1734 = arith.mulf %gather3A_1727, %gather3A_1727 : vector<16xf32>
      %swap3A_1735 = arith.index_cast %add3A_1637 : i32 to index
      %swap3A_1736 = arith.constant 176 : index
      %swap3A_1737 = tpu.vector_load %arg9[%swap3A_1735, %swap3A_1736] {strides = array<i32>} : memref<32x256xf32, #tpu.memory_space<vmem>>, vector<16xf32>,
      tpu.vector_store %arg9[%swap3A_1735, %swap3A_1736], %mul3A_1734 {strides = array<i32>} : memref<32x256xf32, #tpu.memory_space<vmem>>, vector<16xf32>,
      %slice3A_1738 = vector.extract_strided_slice %get3A_97 {offsets = [9], sizes = [1], strides = [1]} : vector<16xi32> to vector<1xi32>
      %squeeze3A_1739 = vector.extract %slice3A_1738[0] : i32 from vector<1xi32>
      %add3A_1740 = arith.constant 8 : i32
      %add3A_1741 = arith.addi %mul3A_106, %add3A_1740 : i32
      %add3A_1742 = arith.constant 1 : i32
      %add3A_1743 = arith.addi %add3A_1741, %add3A_1742 : i32
      %and3A_1744 = arith.constant 127 : i32
      %and3A_1745 = arith.andi %squeeze3A_1739, %and3A_1744 : i32
      %add3A_1746 = vector.broadcast %and3A_1745 : i32 to vector<16xi32>
      %add3A_1747 = arith.addi %broadcast_in_dim3A_18, %add3A_1746 : vector<16xi32>
      %gather3A_1748 = arith.constant 0 : i32
      %gather3A_1749 = arith.constant 1 : i32
      %gather3A_1750 = arith.constant 0 : i32
      %gather3A_1751 = arith.constant 0 : i32
      %gather3A_1752 = tpu.memref_slice %arg7[%gather3A_1748, %gather3A_1749, %gather3A_1750, %gather3A_1751] : memref<2x2x64x128xf32, #tpu.memory_space<vmem>> -> memref<1x1x64x128xf32, #tpu.memory_space<vmem>>
      %gather3A_1753 = tpu.memref_squeeze %gather3A_1752 : memref<1x1x64x128xf32, #tpu.memory_space<vmem>> -> memref<64x128xf32, #tpu.memory_space<vmem>>
      %gather3A_1754 = tpu.vector_load_idx %gather3A_1753[%add3A_5, %add3A_1747] : memref<64x128xf32, #tpu.memory_space<vmem>>[vector<16xi32>, vector<16xi32>], vector<16xf32>,
      %gather3A_1755 = arith.constant 0 : i32
      %gather3A_1756 = arith.constant 1 : i32
      %gather3A_1757 = arith.constant 0 : i32
      %gather3A_1758 = arith.constant 0 : i32
      %gather3A_1759 = tpu.memref_slice %arg8[%gather3A_1755, %gather3A_1756, %gather3A_1757, %gather3A_1758] : memref<2x2x64x128xf32, #tpu.memory_space<vmem>> -> memref<1x1x64x128xf32, #tpu.memory_space<vmem>>
      %gather3A_1760 = tpu.memref_squeeze %gather3A_1759 : memref<1x1x64x128xf32, #tpu.memory_space<vmem>> -> memref<64x128xf32, #tpu.memory_space<vmem>>
      %gather3A_1761 = tpu.vector_load_idx %gather3A_1760[%add3A_5, %add3A_1747] : memref<64x128xf32, #tpu.memory_space<vmem>>[vector<16xi32>, vector<16xi32>], vector<16xf32>,
      %swap3A_1762 = arith.index_cast %add3A_1743 : i32 to index
      %swap3A_1763 = arith.constant 0 : index
      %swap3A_1764 = tpu.vector_load %arg9[%swap3A_1762, %swap3A_1763] {strides = array<i32>} : memref<32x256xf32, #tpu.memory_space<vmem>>, vector<16xf32>,
      tpu.vector_store %arg9[%swap3A_1762, %swap3A_1763], %gather3A_1754 {strides = array<i32>} : memref<32x256xf32, #tpu.memory_space<vmem>>, vector<16xf32>,
      %swap3A_1765 = arith.index_cast %add3A_1743 : i32 to index
      %swap3A_1766 = arith.constant 64 : index
      %swap3A_1767 = tpu.vector_load %arg9[%swap3A_1765, %swap3A_1766] {strides = array<i32>} : memref<32x256xf32, #tpu.memory_space<vmem>>, vector<16xf32>,
      tpu.vector_store %arg9[%swap3A_1765, %swap3A_1766], %gather3A_1761 {strides = array<i32>} : memref<32x256xf32, #tpu.memory_space<vmem>>, vector<16xf32>,
      %mul3A_1768 = arith.mulf %gather3A_1761, %gather3A_1761 : vector<16xf32>
      %swap3A_1769 = arith.index_cast %add3A_1743 : i32 to index
      %swap3A_1770 = arith.constant 128 : index
      %swap3A_1771 = tpu.vector_load %arg9[%swap3A_1769, %swap3A_1770] {strides = array<i32>} : memref<32x256xf32, #tpu.memory_space<vmem>>, vector<16xf32>,
      tpu.vector_store %arg9[%swap3A_1769, %swap3A_1770], %mul3A_1768 {strides = array<i32>} : memref<32x256xf32, #tpu.memory_space<vmem>>, vector<16xf32>,
      %gather3A_1772 = arith.constant 0 : i32
      %gather3A_1773 = arith.constant 1 : i32
      %gather3A_1774 = arith.constant 0 : i32
      %gather3A_1775 = arith.constant 0 : i32
      %gather3A_1776 = tpu.memref_slice %arg7[%gather3A_1772, %gather3A_1773, %gather3A_1774, %gather3A_1775] : memref<2x2x64x128xf32, #tpu.memory_space<vmem>> -> memref<1x1x64x128xf32, #tpu.memory_space<vmem>>
      %gather3A_1777 = tpu.memref_squeeze %gather3A_1776 : memref<1x1x64x128xf32, #tpu.memory_space<vmem>> -> memref<64x128xf32, #tpu.memory_space<vmem>>
      %gather3A_1778 = tpu.vector_load_idx %gather3A_1777[%add3A_9, %add3A_1747] : memref<64x128xf32, #tpu.memory_space<vmem>>[vector<16xi32>, vector<16xi32>], vector<16xf32>,
      %gather3A_1779 = arith.constant 0 : i32
      %gather3A_1780 = arith.constant 1 : i32
      %gather3A_1781 = arith.constant 0 : i32
      %gather3A_1782 = arith.constant 0 : i32
      %gather3A_1783 = tpu.memref_slice %arg8[%gather3A_1779, %gather3A_1780, %gather3A_1781, %gather3A_1782] : memref<2x2x64x128xf32, #tpu.memory_space<vmem>> -> memref<1x1x64x128xf32, #tpu.memory_space<vmem>>
      %gather3A_1784 = tpu.memref_squeeze %gather3A_1783 : memref<1x1x64x128xf32, #tpu.memory_space<vmem>> -> memref<64x128xf32, #tpu.memory_space<vmem>>
      %gather3A_1785 = tpu.vector_load_idx %gather3A_1784[%add3A_9, %add3A_1747] : memref<64x128xf32, #tpu.memory_space<vmem>>[vector<16xi32>, vector<16xi32>], vector<16xf32>,
      %swap3A_1786 = arith.index_cast %add3A_1743 : i32 to index
      %swap3A_1787 = arith.constant 16 : index
      %swap3A_1788 = tpu.vector_load %arg9[%swap3A_1786, %swap3A_1787] {strides = array<i32>} : memref<32x256xf32, #tpu.memory_space<vmem>>, vector<16xf32>,
      tpu.vector_store %arg9[%swap3A_1786, %swap3A_1787], %gather3A_1778 {strides = array<i32>} : memref<32x256xf32, #tpu.memory_space<vmem>>, vector<16xf32>,
      %swap3A_1789 = arith.index_cast %add3A_1743 : i32 to index
      %swap3A_1790 = arith.constant 80 : index
      %swap3A_1791 = tpu.vector_load %arg9[%swap3A_1789, %swap3A_1790] {strides = array<i32>} : memref<32x256xf32, #tpu.memory_space<vmem>>, vector<16xf32>,
      tpu.vector_store %arg9[%swap3A_1789, %swap3A_1790], %gather3A_1785 {strides = array<i32>} : memref<32x256xf32, #tpu.memory_space<vmem>>, vector<16xf32>,
      %mul3A_1792 = arith.mulf %gather3A_1785, %gather3A_1785 : vector<16xf32>
      %swap3A_1793 = arith.index_cast %add3A_1743 : i32 to index
      %swap3A_1794 = arith.constant 144 : index
      %swap3A_1795 = tpu.vector_load %arg9[%swap3A_1793, %swap3A_1794] {strides = array<i32>} : memref<32x256xf32, #tpu.memory_space<vmem>>, vector<16xf32>,
      tpu.vector_store %arg9[%swap3A_1793, %swap3A_1794], %mul3A_1792 {strides = array<i32>} : memref<32x256xf32, #tpu.memory_space<vmem>>, vector<16xf32>,
      %gather3A_1796 = arith.constant 0 : i32
      %gather3A_1797 = arith.constant 1 : i32
      %gather3A_1798 = arith.constant 0 : i32
      %gather3A_1799 = arith.constant 0 : i32
      %gather3A_1800 = tpu.memref_slice %arg7[%gather3A_1796, %gather3A_1797, %gather3A_1798, %gather3A_1799] : memref<2x2x64x128xf32, #tpu.memory_space<vmem>> -> memref<1x1x64x128xf32, #tpu.memory_space<vmem>>
      %gather3A_1801 = tpu.memref_squeeze %gather3A_1800 : memref<1x1x64x128xf32, #tpu.memory_space<vmem>> -> memref<64x128xf32, #tpu.memory_space<vmem>>
      %gather3A_1802 = tpu.vector_load_idx %gather3A_1801[%add3A_13, %add3A_1747] : memref<64x128xf32, #tpu.memory_space<vmem>>[vector<16xi32>, vector<16xi32>], vector<16xf32>,
      %gather3A_1803 = arith.constant 0 : i32
      %gather3A_1804 = arith.constant 1 : i32
      %gather3A_1805 = arith.constant 0 : i32
      %gather3A_1806 = arith.constant 0 : i32
      %gather3A_1807 = tpu.memref_slice %arg8[%gather3A_1803, %gather3A_1804, %gather3A_1805, %gather3A_1806] : memref<2x2x64x128xf32, #tpu.memory_space<vmem>> -> memref<1x1x64x128xf32, #tpu.memory_space<vmem>>
      %gather3A_1808 = tpu.memref_squeeze %gather3A_1807 : memref<1x1x64x128xf32, #tpu.memory_space<vmem>> -> memref<64x128xf32, #tpu.memory_space<vmem>>
      %gather3A_1809 = tpu.vector_load_idx %gather3A_1808[%add3A_13, %add3A_1747] : memref<64x128xf32, #tpu.memory_space<vmem>>[vector<16xi32>, vector<16xi32>], vector<16xf32>,
      %swap3A_1810 = arith.index_cast %add3A_1743 : i32 to index
      %swap3A_1811 = arith.constant 32 : index
      %swap3A_1812 = tpu.vector_load %arg9[%swap3A_1810, %swap3A_1811] {strides = array<i32>} : memref<32x256xf32, #tpu.memory_space<vmem>>, vector<16xf32>,
      tpu.vector_store %arg9[%swap3A_1810, %swap3A_1811], %gather3A_1802 {strides = array<i32>} : memref<32x256xf32, #tpu.memory_space<vmem>>, vector<16xf32>,
      %swap3A_1813 = arith.index_cast %add3A_1743 : i32 to index
      %swap3A_1814 = arith.constant 96 : index
      %swap3A_1815 = tpu.vector_load %arg9[%swap3A_1813, %swap3A_1814] {strides = array<i32>} : memref<32x256xf32, #tpu.memory_space<vmem>>, vector<16xf32>,
      tpu.vector_store %arg9[%swap3A_1813, %swap3A_1814], %gather3A_1809 {strides = array<i32>} : memref<32x256xf32, #tpu.memory_space<vmem>>, vector<16xf32>,
      %mul3A_1816 = arith.mulf %gather3A_1809, %gather3A_1809 : vector<16xf32>
      %swap3A_1817 = arith.index_cast %add3A_1743 : i32 to index
      %swap3A_1818 = arith.constant 160 : index
      %swap3A_1819 = tpu.vector_load %arg9[%swap3A_1817, %swap3A_1818] {strides = array<i32>} : memref<32x256xf32, #tpu.memory_space<vmem>>, vector<16xf32>,
      tpu.vector_store %arg9[%swap3A_1817, %swap3A_1818], %mul3A_1816 {strides = array<i32>} : memref<32x256xf32, #tpu.memory_space<vmem>>, vector<16xf32>,
      %gather3A_1820 = arith.constant 0 : i32
      %gather3A_1821 = arith.constant 1 : i32
      %gather3A_1822 = arith.constant 0 : i32
      %gather3A_1823 = arith.constant 0 : i32
      %gather3A_1824 = tpu.memref_slice %arg7[%gather3A_1820, %gather3A_1821, %gather3A_1822, %gather3A_1823] : memref<2x2x64x128xf32, #tpu.memory_space<vmem>> -> memref<1x1x64x128xf32, #tpu.memory_space<vmem>>
      %gather3A_1825 = tpu.memref_squeeze %gather3A_1824 : memref<1x1x64x128xf32, #tpu.memory_space<vmem>> -> memref<64x128xf32, #tpu.memory_space<vmem>>
      %gather3A_1826 = tpu.vector_load_idx %gather3A_1825[%add3A_17, %add3A_1747] : memref<64x128xf32, #tpu.memory_space<vmem>>[vector<16xi32>, vector<16xi32>], vector<16xf32>,
      %gather3A_1827 = arith.constant 0 : i32
      %gather3A_1828 = arith.constant 1 : i32
      %gather3A_1829 = arith.constant 0 : i32
      %gather3A_1830 = arith.constant 0 : i32
      %gather3A_1831 = tpu.memref_slice %arg8[%gather3A_1827, %gather3A_1828, %gather3A_1829, %gather3A_1830] : memref<2x2x64x128xf32, #tpu.memory_space<vmem>> -> memref<1x1x64x128xf32, #tpu.memory_space<vmem>>
      %gather3A_1832 = tpu.memref_squeeze %gather3A_1831 : memref<1x1x64x128xf32, #tpu.memory_space<vmem>> -> memref<64x128xf32, #tpu.memory_space<vmem>>
      %gather3A_1833 = tpu.vector_load_idx %gather3A_1832[%add3A_17, %add3A_1747] : memref<64x128xf32, #tpu.memory_space<vmem>>[vector<16xi32>, vector<16xi32>], vector<16xf32>,
      %swap3A_1834 = arith.index_cast %add3A_1743 : i32 to index
      %swap3A_1835 = arith.constant 48 : index
      %swap3A_1836 = tpu.vector_load %arg9[%swap3A_1834, %swap3A_1835] {strides = array<i32>} : memref<32x256xf32, #tpu.memory_space<vmem>>, vector<16xf32>,
      tpu.vector_store %arg9[%swap3A_1834, %swap3A_1835], %gather3A_1826 {strides = array<i32>} : memref<32x256xf32, #tpu.memory_space<vmem>>, vector<16xf32>,
      %swap3A_1837 = arith.index_cast %add3A_1743 : i32 to index
      %swap3A_1838 = arith.constant 112 : index
      %swap3A_1839 = tpu.vector_load %arg9[%swap3A_1837, %swap3A_1838] {strides = array<i32>} : memref<32x256xf32, #tpu.memory_space<vmem>>, vector<16xf32>,
      tpu.vector_store %arg9[%swap3A_1837, %swap3A_1838], %gather3A_1833 {strides = array<i32>} : memref<32x256xf32, #tpu.memory_space<vmem>>, vector<16xf32>,
      %mul3A_1840 = arith.mulf %gather3A_1833, %gather3A_1833 : vector<16xf32>
      %swap3A_1841 = arith.index_cast %add3A_1743 : i32 to index
      %swap3A_1842 = arith.constant 176 : index
      %swap3A_1843 = tpu.vector_load %arg9[%swap3A_1841, %swap3A_1842] {strides = array<i32>} : memref<32x256xf32, #tpu.memory_space<vmem>>, vector<16xf32>,
      tpu.vector_store %arg9[%swap3A_1841, %swap3A_1842], %mul3A_1840 {strides = array<i32>} : memref<32x256xf32, #tpu.memory_space<vmem>>, vector<16xf32>,
      %slice3A_1844 = vector.extract_strided_slice %get3A_97 {offsets = [12], sizes = [1], strides = [1]} : vector<16xi32> to vector<1xi32>
      %squeeze3A_1845 = vector.extract %slice3A_1844[0] : i32 from vector<1xi32>
      %shift_right_logical3A_1846 = arith.constant 7 : i32
      %shift_right_logical3A_1847 = arith.shrui %squeeze3A_1845, %shift_right_logical3A_1846 : i32
      %min3A_1848 = arith.constant 7812 : i32
      %min3A_1849 = arith.minsi %shift_right_logical3A_1847, %min3A_1848 : i32
      %mul3A_1850 = arith.constant 128 : i32
      %mul3A_1851 = arith.muli %min3A_1849, %mul3A_1850 : i32
      %multiple_of3A_1852 = tpu.assume_multiple %mul3A_1851, 128 : i32
      %dma_start3A_1853 = arith.constant 0 : i32
      %dma_start3A_1854 = arith.constant 0 : i32
      %dma_start3A_1855 = arith.constant 0 : i32
      %dma_start3A_1856 = arith.constant 0 : i32
      %dma_start3A_1857 = tpu.memref_slice %arg7[%dma_start3A_1853, %dma_start3A_1854, %dma_start3A_1855, %dma_start3A_1856] : memref<2x2x64x128xf32, #tpu.memory_space<vmem>> -> memref<1x1x64x128xf32, #tpu.memory_space<vmem>>
      %dma_start3A_1858 = tpu.memref_squeeze %dma_start3A_1857 : memref<1x1x64x128xf32, #tpu.memory_space<vmem>> -> memref<64x128xf32, #tpu.memory_space<vmem>>
      %dma_start3A_1859 = arith.constant 0 : i32
      %dma_start3A_1860 = tpu.memref_slice %arg3[%dma_start3A_1859, %multiple_of3A_1852] : memref<64x1000000xf32, #tpu.memory_space<hbm>> -> memref<64x128xf32, #tpu.memory_space<hbm>>
      %dma_start3A_1861 = arith.constant 0 : i32
      %dma_start3A_1862 = arith.constant 0 : i32
      %dma_start3A_1863 = tpu.memref_slice %arg7[%dma_start3A_1853, %dma_start3A_1854, %dma_start3A_1861, %dma_start3A_1862] : memref<2x2x64x128xf32, #tpu.memory_space<vmem>> -> memref<1x1x64x128xf32, #tpu.memory_space<vmem>>
      %dma_start3A_1864 = tpu.memref_squeeze %dma_start3A_1863 : memref<1x1x64x128xf32, #tpu.memory_space<vmem>> -> memref<64x128xf32, #tpu.memory_space<vmem>>
      %dma_start3A_1865 = arith.constant 0 : i32
      %dma_start3A_1866 = tpu.memref_slice %arg3[%dma_start3A_1865, %multiple_of3A_1852] : memref<64x1000000xf32, #tpu.memory_space<hbm>> -> memref<64x128xf32, #tpu.memory_space<hbm>>
      tpu.enqueue_dma source(%dma_start3A_1866 : memref<64x128xf32, #tpu.memory_space<hbm>>) target(%dma_start3A_1864 : memref<64x128xf32, #tpu.memory_space<vmem>>) target_semaphore(%arg10 : memref<!tpu.dma_semaphore, #tpu.memory_space<semaphore_mem>>)
      %dma_start3A_1867 = arith.constant 0 : i32
      %dma_start3A_1868 = arith.constant 0 : i32
      %dma_start3A_1869 = arith.constant 0 : i32
      %dma_start3A_1870 = arith.constant 0 : i32
      %dma_start3A_1871 = tpu.memref_slice %arg8[%dma_start3A_1867, %dma_start3A_1868, %dma_start3A_1869, %dma_start3A_1870] : memref<2x2x64x128xf32, #tpu.memory_space<vmem>> -> memref<1x1x64x128xf32, #tpu.memory_space<vmem>>
      %dma_start3A_1872 = tpu.memref_squeeze %dma_start3A_1871 : memref<1x1x64x128xf32, #tpu.memory_space<vmem>> -> memref<64x128xf32, #tpu.memory_space<vmem>>
      %dma_start3A_1873 = arith.constant 0 : i32
      %dma_start3A_1874 = tpu.memref_slice %arg4[%dma_start3A_1873, %multiple_of3A_1852] : memref<64x1000000xf32, #tpu.memory_space<hbm>> -> memref<64x128xf32, #tpu.memory_space<hbm>>
      %dma_start3A_1875 = arith.constant 0 : i32
      %dma_start3A_1876 = arith.constant 0 : i32
      %dma_start3A_1877 = tpu.memref_slice %arg8[%dma_start3A_1867, %dma_start3A_1868, %dma_start3A_1875, %dma_start3A_1876] : memref<2x2x64x128xf32, #tpu.memory_space<vmem>> -> memref<1x1x64x128xf32, #tpu.memory_space<vmem>>
      %dma_start3A_1878 = tpu.memref_squeeze %dma_start3A_1877 : memref<1x1x64x128xf32, #tpu.memory_space<vmem>> -> memref<64x128xf32, #tpu.memory_space<vmem>>
      %dma_start3A_1879 = arith.constant 0 : i32
      %dma_start3A_1880 = tpu.memref_slice %arg4[%dma_start3A_1879, %multiple_of3A_1852] : memref<64x1000000xf32, #tpu.memory_space<hbm>> -> memref<64x128xf32, #tpu.memory_space<hbm>>
      tpu.enqueue_dma source(%dma_start3A_1880 : memref<64x128xf32, #tpu.memory_space<hbm>>) target(%dma_start3A_1878 : memref<64x128xf32, #tpu.memory_space<vmem>>) target_semaphore(%arg10 : memref<!tpu.dma_semaphore, #tpu.memory_space<semaphore_mem>>)
      %slice3A_1881 = vector.extract_strided_slice %get3A_97 {offsets = [13], sizes = [1], strides = [1]} : vector<16xi32> to vector<1xi32>
      %squeeze3A_1882 = vector.extract %slice3A_1881[0] : i32 from vector<1xi32>
      %shift_right_logical3A_1883 = arith.constant 7 : i32
      %shift_right_logical3A_1884 = arith.shrui %squeeze3A_1882, %shift_right_logical3A_1883 : i32
      %min3A_1885 = arith.constant 7812 : i32
      %min3A_1886 = arith.minsi %shift_right_logical3A_1884, %min3A_1885 : i32
      %mul3A_1887 = arith.constant 128 : i32
      %mul3A_1888 = arith.muli %min3A_1886, %mul3A_1887 : i32
      %multiple_of3A_1889 = tpu.assume_multiple %mul3A_1888, 128 : i32
      %dma_start3A_1890 = arith.constant 0 : i32
      %dma_start3A_1891 = arith.constant 1 : i32
      %dma_start3A_1892 = arith.constant 0 : i32
      %dma_start3A_1893 = arith.constant 0 : i32
      %dma_start3A_1894 = tpu.memref_slice %arg7[%dma_start3A_1890, %dma_start3A_1891, %dma_start3A_1892, %dma_start3A_1893] : memref<2x2x64x128xf32, #tpu.memory_space<vmem>> -> memref<1x1x64x128xf32, #tpu.memory_space<vmem>>
      %dma_start3A_1895 = tpu.memref_squeeze %dma_start3A_1894 : memref<1x1x64x128xf32, #tpu.memory_space<vmem>> -> memref<64x128xf32, #tpu.memory_space<vmem>>
      %dma_start3A_1896 = arith.constant 0 : i32
      %dma_start3A_1897 = tpu.memref_slice %arg3[%dma_start3A_1896, %multiple_of3A_1889] : memref<64x1000000xf32, #tpu.memory_space<hbm>> -> memref<64x128xf32, #tpu.memory_space<hbm>>
      %dma_start3A_1898 = arith.constant 0 : i32
      %dma_start3A_1899 = arith.constant 0 : i32
      %dma_start3A_1900 = tpu.memref_slice %arg7[%dma_start3A_1890, %dma_start3A_1891, %dma_start3A_1898, %dma_start3A_1899] : memref<2x2x64x128xf32, #tpu.memory_space<vmem>> -> memref<1x1x64x128xf32, #tpu.memory_space<vmem>>
      %dma_start3A_1901 = tpu.memref_squeeze %dma_start3A_1900 : memref<1x1x64x128xf32, #tpu.memory_space<vmem>> -> memref<64x128xf32, #tpu.memory_space<vmem>>
      %dma_start3A_1902 = arith.constant 0 : i32
      %dma_start3A_1903 = tpu.memref_slice %arg3[%dma_start3A_1902, %multiple_of3A_1889] : memref<64x1000000xf32, #tpu.memory_space<hbm>> -> memref<64x128xf32, #tpu.memory_space<hbm>>
      tpu.enqueue_dma source(%dma_start3A_1903 : memref<64x128xf32, #tpu.memory_space<hbm>>) target(%dma_start3A_1901 : memref<64x128xf32, #tpu.memory_space<vmem>>) target_semaphore(%arg10 : memref<!tpu.dma_semaphore, #tpu.memory_space<semaphore_mem>>)
      %dma_start3A_1904 = arith.constant 0 : i32
      %dma_start3A_1905 = arith.constant 1 : i32
      %dma_start3A_1906 = arith.constant 0 : i32
      %dma_start3A_1907 = arith.constant 0 : i32
      %dma_start3A_1908 = tpu.memref_slice %arg8[%dma_start3A_1904, %dma_start3A_1905, %dma_start3A_1906, %dma_start3A_1907] : memref<2x2x64x128xf32, #tpu.memory_space<vmem>> -> memref<1x1x64x128xf32, #tpu.memory_space<vmem>>
      %dma_start3A_1909 = tpu.memref_squeeze %dma_start3A_1908 : memref<1x1x64x128xf32, #tpu.memory_space<vmem>> -> memref<64x128xf32, #tpu.memory_space<vmem>>
      %dma_start3A_1910 = arith.constant 0 : i32
      %dma_start3A_1911 = tpu.memref_slice %arg4[%dma_start3A_1910, %multiple_of3A_1889] : memref<64x1000000xf32, #tpu.memory_space<hbm>> -> memref<64x128xf32, #tpu.memory_space<hbm>>
      %dma_start3A_1912 = arith.constant 0 : i32
      %dma_start3A_1913 = arith.constant 0 : i32
      %dma_start3A_1914 = tpu.memref_slice %arg8[%dma_start3A_1904, %dma_start3A_1905, %dma_start3A_1912, %dma_start3A_1913] : memref<2x2x64x128xf32, #tpu.memory_space<vmem>> -> memref<1x1x64x128xf32, #tpu.memory_space<vmem>>
      %dma_start3A_1915 = tpu.memref_squeeze %dma_start3A_1914 : memref<1x1x64x128xf32, #tpu.memory_space<vmem>> -> memref<64x128xf32, #tpu.memory_space<vmem>>
      %dma_start3A_1916 = arith.constant 0 : i32
      %dma_start3A_1917 = tpu.memref_slice %arg4[%dma_start3A_1916, %multiple_of3A_1889] : memref<64x1000000xf32, #tpu.memory_space<hbm>> -> memref<64x128xf32, #tpu.memory_space<hbm>>
      tpu.enqueue_dma source(%dma_start3A_1917 : memref<64x128xf32, #tpu.memory_space<hbm>>) target(%dma_start3A_1915 : memref<64x128xf32, #tpu.memory_space<vmem>>) target_semaphore(%arg10 : memref<!tpu.dma_semaphore, #tpu.memory_space<semaphore_mem>>)
      %dma_wait3A_1918 = arith.constant 1 : i32
      %dma_wait3A_1919 = arith.constant 0 : i32
      %dma_wait3A_1920 = arith.constant 0 : i32
      %dma_wait3A_1921 = arith.constant 0 : i32
      %dma_wait3A_1922 = tpu.memref_slice %arg7[%dma_wait3A_1918, %dma_wait3A_1919, %dma_wait3A_1920, %dma_wait3A_1921] : memref<2x2x64x128xf32, #tpu.memory_space<vmem>> -> memref<1x1x64x128xf32, #tpu.memory_space<vmem>>
      %dma_wait3A_1923 = tpu.memref_squeeze %dma_wait3A_1922 : memref<1x1x64x128xf32, #tpu.memory_space<vmem>> -> memref<64x128xf32, #tpu.memory_space<vmem>>
      %dma_wait3A_1924 = arith.constant 0 : i32
      %dma_wait3A_1925 = arith.constant 0 : i32
      %dma_wait3A_1926 = tpu.memref_slice %arg3[%dma_wait3A_1924, %dma_wait3A_1925] : memref<64x1000000xf32, #tpu.memory_space<hbm>> -> memref<64x128xf32, #tpu.memory_space<hbm>>
      %dma_wait3A_1927 = arith.constant 0 : i32
      %dma_wait3A_1928 = arith.constant 0 : i32
      %dma_wait3A_1929 = tpu.memref_slice %arg7[%dma_wait3A_1918, %dma_wait3A_1919, %dma_wait3A_1927, %dma_wait3A_1928] : memref<2x2x64x128xf32, #tpu.memory_space<vmem>> -> memref<1x1x64x128xf32, #tpu.memory_space<vmem>>
      %dma_wait3A_1930 = tpu.memref_squeeze %dma_wait3A_1929 : memref<1x1x64x128xf32, #tpu.memory_space<vmem>> -> memref<64x128xf32, #tpu.memory_space<vmem>>
      %dma_wait3A_1931 = arith.constant 0 : i32
      %dma_wait3A_1932 = arith.constant 0 : i32
      %dma_wait3A_1933 = tpu.memref_slice %arg3[%dma_wait3A_1931, %dma_wait3A_1932] : memref<64x1000000xf32, #tpu.memory_space<hbm>> -> memref<64x128xf32, #tpu.memory_space<hbm>>
      tpu.wait_dma2 semaphore(%arg11 : memref<!tpu.dma_semaphore, #tpu.memory_space<semaphore_mem>>) src(%dma_wait3A_1933 : memref<64x128xf32, #tpu.memory_space<hbm>>) dst(%dma_wait3A_1930 : memref<64x128xf32, #tpu.memory_space<vmem>>)
      %dma_wait3A_1934 = arith.constant 1 : i32
      %dma_wait3A_1935 = arith.constant 1 : i32
      %dma_wait3A_1936 = arith.constant 0 : i32
      %dma_wait3A_1937 = arith.constant 0 : i32
      %dma_wait3A_1938 = tpu.memref_slice %arg7[%dma_wait3A_1934, %dma_wait3A_1935, %dma_wait3A_1936, %dma_wait3A_1937] : memref<2x2x64x128xf32, #tpu.memory_space<vmem>> -> memref<1x1x64x128xf32, #tpu.memory_space<vmem>>
      %dma_wait3A_1939 = tpu.memref_squeeze %dma_wait3A_1938 : memref<1x1x64x128xf32, #tpu.memory_space<vmem>> -> memref<64x128xf32, #tpu.memory_space<vmem>>
      %dma_wait3A_1940 = arith.constant 0 : i32
      %dma_wait3A_1941 = arith.constant 0 : i32
      %dma_wait3A_1942 = tpu.memref_slice %arg3[%dma_wait3A_1940, %dma_wait3A_1941] : memref<64x1000000xf32, #tpu.memory_space<hbm>> -> memref<64x128xf32, #tpu.memory_space<hbm>>
      %dma_wait3A_1943 = arith.constant 0 : i32
      %dma_wait3A_1944 = arith.constant 0 : i32
      %dma_wait3A_1945 = tpu.memref_slice %arg7[%dma_wait3A_1934, %dma_wait3A_1935, %dma_wait3A_1943, %dma_wait3A_1944] : memref<2x2x64x128xf32, #tpu.memory_space<vmem>> -> memref<1x1x64x128xf32, #tpu.memory_space<vmem>>
      %dma_wait3A_1946 = tpu.memref_squeeze %dma_wait3A_1945 : memref<1x1x64x128xf32, #tpu.memory_space<vmem>> -> memref<64x128xf32, #tpu.memory_space<vmem>>
      %dma_wait3A_1947 = arith.constant 0 : i32
      %dma_wait3A_1948 = arith.constant 0 : i32
      %dma_wait3A_1949 = tpu.memref_slice %arg3[%dma_wait3A_1947, %dma_wait3A_1948] : memref<64x1000000xf32, #tpu.memory_space<hbm>> -> memref<64x128xf32, #tpu.memory_space<hbm>>
      tpu.wait_dma2 semaphore(%arg11 : memref<!tpu.dma_semaphore, #tpu.memory_space<semaphore_mem>>) src(%dma_wait3A_1949 : memref<64x128xf32, #tpu.memory_space<hbm>>) dst(%dma_wait3A_1946 : memref<64x128xf32, #tpu.memory_space<vmem>>)
      %dma_wait3A_1950 = arith.constant 1 : i32
      %dma_wait3A_1951 = arith.constant 0 : i32
      %dma_wait3A_1952 = arith.constant 0 : i32
      %dma_wait3A_1953 = arith.constant 0 : i32
      %dma_wait3A_1954 = tpu.memref_slice %arg8[%dma_wait3A_1950, %dma_wait3A_1951, %dma_wait3A_1952, %dma_wait3A_1953] : memref<2x2x64x128xf32, #tpu.memory_space<vmem>> -> memref<1x1x64x128xf32, #tpu.memory_space<vmem>>
      %dma_wait3A_1955 = tpu.memref_squeeze %dma_wait3A_1954 : memref<1x1x64x128xf32, #tpu.memory_space<vmem>> -> memref<64x128xf32, #tpu.memory_space<vmem>>
      %dma_wait3A_1956 = arith.constant 0 : i32
      %dma_wait3A_1957 = arith.constant 0 : i32
      %dma_wait3A_1958 = tpu.memref_slice %arg3[%dma_wait3A_1956, %dma_wait3A_1957] : memref<64x1000000xf32, #tpu.memory_space<hbm>> -> memref<64x128xf32, #tpu.memory_space<hbm>>
      %dma_wait3A_1959 = arith.constant 0 : i32
      %dma_wait3A_1960 = arith.constant 0 : i32
      %dma_wait3A_1961 = tpu.memref_slice %arg8[%dma_wait3A_1950, %dma_wait3A_1951, %dma_wait3A_1959, %dma_wait3A_1960] : memref<2x2x64x128xf32, #tpu.memory_space<vmem>> -> memref<1x1x64x128xf32, #tpu.memory_space<vmem>>
      %dma_wait3A_1962 = tpu.memref_squeeze %dma_wait3A_1961 : memref<1x1x64x128xf32, #tpu.memory_space<vmem>> -> memref<64x128xf32, #tpu.memory_space<vmem>>
      %dma_wait3A_1963 = arith.constant 0 : i32
      %dma_wait3A_1964 = arith.constant 0 : i32
      %dma_wait3A_1965 = tpu.memref_slice %arg3[%dma_wait3A_1963, %dma_wait3A_1964] : memref<64x1000000xf32, #tpu.memory_space<hbm>> -> memref<64x128xf32, #tpu.memory_space<hbm>>
      tpu.wait_dma2 semaphore(%arg11 : memref<!tpu.dma_semaphore, #tpu.memory_space<semaphore_mem>>) src(%dma_wait3A_1965 : memref<64x128xf32, #tpu.memory_space<hbm>>) dst(%dma_wait3A_1962 : memref<64x128xf32, #tpu.memory_space<vmem>>)
      %dma_wait3A_1966 = arith.constant 1 : i32
      %dma_wait3A_1967 = arith.constant 1 : i32
      %dma_wait3A_1968 = arith.constant 0 : i32
      %dma_wait3A_1969 = arith.constant 0 : i32
      %dma_wait3A_1970 = tpu.memref_slice %arg8[%dma_wait3A_1966, %dma_wait3A_1967, %dma_wait3A_1968, %dma_wait3A_1969] : memref<2x2x64x128xf32, #tpu.memory_space<vmem>> -> memref<1x1x64x128xf32, #tpu.memory_space<vmem>>
      %dma_wait3A_1971 = tpu.memref_squeeze %dma_wait3A_1970 : memref<1x1x64x128xf32, #tpu.memory_space<vmem>> -> memref<64x128xf32, #tpu.memory_space<vmem>>
      %dma_wait3A_1972 = arith.constant 0 : i32
      %dma_wait3A_1973 = arith.constant 0 : i32
      %dma_wait3A_1974 = tpu.memref_slice %arg3[%dma_wait3A_1972, %dma_wait3A_1973] : memref<64x1000000xf32, #tpu.memory_space<hbm>> -> memref<64x128xf32, #tpu.memory_space<hbm>>
      %dma_wait3A_1975 = arith.constant 0 : i32
      %dma_wait3A_1976 = arith.constant 0 : i32
      %dma_wait3A_1977 = tpu.memref_slice %arg8[%dma_wait3A_1966, %dma_wait3A_1967, %dma_wait3A_1975, %dma_wait3A_1976] : memref<2x2x64x128xf32, #tpu.memory_space<vmem>> -> memref<1x1x64x128xf32, #tpu.memory_space<vmem>>
      %dma_wait3A_1978 = tpu.memref_squeeze %dma_wait3A_1977 : memref<1x1x64x128xf32, #tpu.memory_space<vmem>> -> memref<64x128xf32, #tpu.memory_space<vmem>>
      %dma_wait3A_1979 = arith.constant 0 : i32
      %dma_wait3A_1980 = arith.constant 0 : i32
      %dma_wait3A_1981 = tpu.memref_slice %arg3[%dma_wait3A_1979, %dma_wait3A_1980] : memref<64x1000000xf32, #tpu.memory_space<hbm>> -> memref<64x128xf32, #tpu.memory_space<hbm>>
      tpu.wait_dma2 semaphore(%arg11 : memref<!tpu.dma_semaphore, #tpu.memory_space<semaphore_mem>>) src(%dma_wait3A_1981 : memref<64x128xf32, #tpu.memory_space<hbm>>) dst(%dma_wait3A_1978 : memref<64x128xf32, #tpu.memory_space<vmem>>)
      %slice3A_1982 = vector.extract_strided_slice %get3A_97 {offsets = [10], sizes = [1], strides = [1]} : vector<16xi32> to vector<1xi32>
      %squeeze3A_1983 = vector.extract %slice3A_1982[0] : i32 from vector<1xi32>
      %add3A_1984 = arith.constant 10 : i32
      %add3A_1985 = arith.addi %mul3A_106, %add3A_1984 : i32
      %and3A_1986 = arith.constant 127 : i32
      %and3A_1987 = arith.andi %squeeze3A_1983, %and3A_1986 : i32
      %add3A_1988 = vector.broadcast %and3A_1987 : i32 to vector<16xi32>
      %add3A_1989 = arith.addi %broadcast_in_dim3A_18, %add3A_1988 : vector<16xi32>
      %gather3A_1990 = arith.constant 1 : i32
      %gather3A_1991 = arith.constant 0 : i32
      %gather3A_1992 = arith.constant 0 : i32
      %gather3A_1993 = arith.constant 0 : i32
      %gather3A_1994 = tpu.memref_slice %arg7[%gather3A_1990, %gather3A_1991, %gather3A_1992, %gather3A_1993] : memref<2x2x64x128xf32, #tpu.memory_space<vmem>> -> memref<1x1x64x128xf32, #tpu.memory_space<vmem>>
      %gather3A_1995 = tpu.memref_squeeze %gather3A_1994 : memref<1x1x64x128xf32, #tpu.memory_space<vmem>> -> memref<64x128xf32, #tpu.memory_space<vmem>>
      %gather3A_1996 = tpu.vector_load_idx %gather3A_1995[%add3A_5, %add3A_1989] : memref<64x128xf32, #tpu.memory_space<vmem>>[vector<16xi32>, vector<16xi32>], vector<16xf32>,
      %gather3A_1997 = arith.constant 1 : i32
      %gather3A_1998 = arith.constant 0 : i32
      %gather3A_1999 = arith.constant 0 : i32
      %gather3A_2000 = arith.constant 0 : i32
      %gather3A_2001 = tpu.memref_slice %arg8[%gather3A_1997, %gather3A_1998, %gather3A_1999, %gather3A_2000] : memref<2x2x64x128xf32, #tpu.memory_space<vmem>> -> memref<1x1x64x128xf32, #tpu.memory_space<vmem>>
      %gather3A_2002 = tpu.memref_squeeze %gather3A_2001 : memref<1x1x64x128xf32, #tpu.memory_space<vmem>> -> memref<64x128xf32, #tpu.memory_space<vmem>>
      %gather3A_2003 = tpu.vector_load_idx %gather3A_2002[%add3A_5, %add3A_1989] : memref<64x128xf32, #tpu.memory_space<vmem>>[vector<16xi32>, vector<16xi32>], vector<16xf32>,
      %swap3A_2004 = arith.index_cast %add3A_1985 : i32 to index
      %swap3A_2005 = arith.constant 0 : index
      %swap3A_2006 = tpu.vector_load %arg9[%swap3A_2004, %swap3A_2005] {strides = array<i32>} : memref<32x256xf32, #tpu.memory_space<vmem>>, vector<16xf32>,
      tpu.vector_store %arg9[%swap3A_2004, %swap3A_2005], %gather3A_1996 {strides = array<i32>} : memref<32x256xf32, #tpu.memory_space<vmem>>, vector<16xf32>,
      %swap3A_2007 = arith.index_cast %add3A_1985 : i32 to index
      %swap3A_2008 = arith.constant 64 : index
      %swap3A_2009 = tpu.vector_load %arg9[%swap3A_2007, %swap3A_2008] {strides = array<i32>} : memref<32x256xf32, #tpu.memory_space<vmem>>, vector<16xf32>,
      tpu.vector_store %arg9[%swap3A_2007, %swap3A_2008], %gather3A_2003 {strides = array<i32>} : memref<32x256xf32, #tpu.memory_space<vmem>>, vector<16xf32>,
      %mul3A_2010 = arith.mulf %gather3A_2003, %gather3A_2003 : vector<16xf32>
      %swap3A_2011 = arith.index_cast %add3A_1985 : i32 to index
      %swap3A_2012 = arith.constant 128 : index
      %swap3A_2013 = tpu.vector_load %arg9[%swap3A_2011, %swap3A_2012] {strides = array<i32>} : memref<32x256xf32, #tpu.memory_space<vmem>>, vector<16xf32>,
      tpu.vector_store %arg9[%swap3A_2011, %swap3A_2012], %mul3A_2010 {strides = array<i32>} : memref<32x256xf32, #tpu.memory_space<vmem>>, vector<16xf32>,
      %gather3A_2014 = arith.constant 1 : i32
      %gather3A_2015 = arith.constant 0 : i32
      %gather3A_2016 = arith.constant 0 : i32
      %gather3A_2017 = arith.constant 0 : i32
      %gather3A_2018 = tpu.memref_slice %arg7[%gather3A_2014, %gather3A_2015, %gather3A_2016, %gather3A_2017] : memref<2x2x64x128xf32, #tpu.memory_space<vmem>> -> memref<1x1x64x128xf32, #tpu.memory_space<vmem>>
      %gather3A_2019 = tpu.memref_squeeze %gather3A_2018 : memref<1x1x64x128xf32, #tpu.memory_space<vmem>> -> memref<64x128xf32, #tpu.memory_space<vmem>>
      %gather3A_2020 = tpu.vector_load_idx %gather3A_2019[%add3A_9, %add3A_1989] : memref<64x128xf32, #tpu.memory_space<vmem>>[vector<16xi32>, vector<16xi32>], vector<16xf32>,
      %gather3A_2021 = arith.constant 1 : i32
      %gather3A_2022 = arith.constant 0 : i32
      %gather3A_2023 = arith.constant 0 : i32
      %gather3A_2024 = arith.constant 0 : i32
      %gather3A_2025 = tpu.memref_slice %arg8[%gather3A_2021, %gather3A_2022, %gather3A_2023, %gather3A_2024] : memref<2x2x64x128xf32, #tpu.memory_space<vmem>> -> memref<1x1x64x128xf32, #tpu.memory_space<vmem>>
      %gather3A_2026 = tpu.memref_squeeze %gather3A_2025 : memref<1x1x64x128xf32, #tpu.memory_space<vmem>> -> memref<64x128xf32, #tpu.memory_space<vmem>>
      %gather3A_2027 = tpu.vector_load_idx %gather3A_2026[%add3A_9, %add3A_1989] : memref<64x128xf32, #tpu.memory_space<vmem>>[vector<16xi32>, vector<16xi32>], vector<16xf32>,
      %swap3A_2028 = arith.index_cast %add3A_1985 : i32 to index
      %swap3A_2029 = arith.constant 16 : index
      %swap3A_2030 = tpu.vector_load %arg9[%swap3A_2028, %swap3A_2029] {strides = array<i32>} : memref<32x256xf32, #tpu.memory_space<vmem>>, vector<16xf32>,
      tpu.vector_store %arg9[%swap3A_2028, %swap3A_2029], %gather3A_2020 {strides = array<i32>} : memref<32x256xf32, #tpu.memory_space<vmem>>, vector<16xf32>,
      %swap3A_2031 = arith.index_cast %add3A_1985 : i32 to index
      %swap3A_2032 = arith.constant 80 : index
      %swap3A_2033 = tpu.vector_load %arg9[%swap3A_2031, %swap3A_2032] {strides = array<i32>} : memref<32x256xf32, #tpu.memory_space<vmem>>, vector<16xf32>,
      tpu.vector_store %arg9[%swap3A_2031, %swap3A_2032], %gather3A_2027 {strides = array<i32>} : memref<32x256xf32, #tpu.memory_space<vmem>>, vector<16xf32>,
      %mul3A_2034 = arith.mulf %gather3A_2027, %gather3A_2027 : vector<16xf32>
      %swap3A_2035 = arith.index_cast %add3A_1985 : i32 to index
      %swap3A_2036 = arith.constant 144 : index
      %swap3A_2037 = tpu.vector_load %arg9[%swap3A_2035, %swap3A_2036] {strides = array<i32>} : memref<32x256xf32, #tpu.memory_space<vmem>>, vector<16xf32>,
      tpu.vector_store %arg9[%swap3A_2035, %swap3A_2036], %mul3A_2034 {strides = array<i32>} : memref<32x256xf32, #tpu.memory_space<vmem>>, vector<16xf32>,
      %gather3A_2038 = arith.constant 1 : i32
      %gather3A_2039 = arith.constant 0 : i32
      %gather3A_2040 = arith.constant 0 : i32
      %gather3A_2041 = arith.constant 0 : i32
      %gather3A_2042 = tpu.memref_slice %arg7[%gather3A_2038, %gather3A_2039, %gather3A_2040, %gather3A_2041] : memref<2x2x64x128xf32, #tpu.memory_space<vmem>> -> memref<1x1x64x128xf32, #tpu.memory_space<vmem>>
      %gather3A_2043 = tpu.memref_squeeze %gather3A_2042 : memref<1x1x64x128xf32, #tpu.memory_space<vmem>> -> memref<64x128xf32, #tpu.memory_space<vmem>>
      %gather3A_2044 = tpu.vector_load_idx %gather3A_2043[%add3A_13, %add3A_1989] : memref<64x128xf32, #tpu.memory_space<vmem>>[vector<16xi32>, vector<16xi32>], vector<16xf32>,
      %gather3A_2045 = arith.constant 1 : i32
      %gather3A_2046 = arith.constant 0 : i32
      %gather3A_2047 = arith.constant 0 : i32
      %gather3A_2048 = arith.constant 0 : i32
      %gather3A_2049 = tpu.memref_slice %arg8[%gather3A_2045, %gather3A_2046, %gather3A_2047, %gather3A_2048] : memref<2x2x64x128xf32, #tpu.memory_space<vmem>> -> memref<1x1x64x128xf32, #tpu.memory_space<vmem>>
      %gather3A_2050 = tpu.memref_squeeze %gather3A_2049 : memref<1x1x64x128xf32, #tpu.memory_space<vmem>> -> memref<64x128xf32, #tpu.memory_space<vmem>>
      %gather3A_2051 = tpu.vector_load_idx %gather3A_2050[%add3A_13, %add3A_1989] : memref<64x128xf32, #tpu.memory_space<vmem>>[vector<16xi32>, vector<16xi32>], vector<16xf32>,
      %swap3A_2052 = arith.index_cast %add3A_1985 : i32 to index
      %swap3A_2053 = arith.constant 32 : index
      %swap3A_2054 = tpu.vector_load %arg9[%swap3A_2052, %swap3A_2053] {strides = array<i32>} : memref<32x256xf32, #tpu.memory_space<vmem>>, vector<16xf32>,
      tpu.vector_store %arg9[%swap3A_2052, %swap3A_2053], %gather3A_2044 {strides = array<i32>} : memref<32x256xf32, #tpu.memory_space<vmem>>, vector<16xf32>,
      %swap3A_2055 = arith.index_cast %add3A_1985 : i32 to index
      %swap3A_2056 = arith.constant 96 : index
      %swap3A_2057 = tpu.vector_load %arg9[%swap3A_2055, %swap3A_2056] {strides = array<i32>} : memref<32x256xf32, #tpu.memory_space<vmem>>, vector<16xf32>,
      tpu.vector_store %arg9[%swap3A_2055, %swap3A_2056], %gather3A_2051 {strides = array<i32>} : memref<32x256xf32, #tpu.memory_space<vmem>>, vector<16xf32>,
      %mul3A_2058 = arith.mulf %gather3A_2051, %gather3A_2051 : vector<16xf32>
      %swap3A_2059 = arith.index_cast %add3A_1985 : i32 to index
      %swap3A_2060 = arith.constant 160 : index
      %swap3A_2061 = tpu.vector_load %arg9[%swap3A_2059, %swap3A_2060] {strides = array<i32>} : memref<32x256xf32, #tpu.memory_space<vmem>>, vector<16xf32>,
      tpu.vector_store %arg9[%swap3A_2059, %swap3A_2060], %mul3A_2058 {strides = array<i32>} : memref<32x256xf32, #tpu.memory_space<vmem>>, vector<16xf32>,
      %gather3A_2062 = arith.constant 1 : i32
      %gather3A_2063 = arith.constant 0 : i32
      %gather3A_2064 = arith.constant 0 : i32
      %gather3A_2065 = arith.constant 0 : i32
      %gather3A_2066 = tpu.memref_slice %arg7[%gather3A_2062, %gather3A_2063, %gather3A_2064, %gather3A_2065] : memref<2x2x64x128xf32, #tpu.memory_space<vmem>> -> memref<1x1x64x128xf32, #tpu.memory_space<vmem>>
      %gather3A_2067 = tpu.memref_squeeze %gather3A_2066 : memref<1x1x64x128xf32, #tpu.memory_space<vmem>> -> memref<64x128xf32, #tpu.memory_space<vmem>>
      %gather3A_2068 = tpu.vector_load_idx %gather3A_2067[%add3A_17, %add3A_1989] : memref<64x128xf32, #tpu.memory_space<vmem>>[vector<16xi32>, vector<16xi32>], vector<16xf32>,
      %gather3A_2069 = arith.constant 1 : i32
      %gather3A_2070 = arith.constant 0 : i32
      %gather3A_2071 = arith.constant 0 : i32
      %gather3A_2072 = arith.constant 0 : i32
      %gather3A_2073 = tpu.memref_slice %arg8[%gather3A_2069, %gather3A_2070, %gather3A_2071, %gather3A_2072] : memref<2x2x64x128xf32, #tpu.memory_space<vmem>> -> memref<1x1x64x128xf32, #tpu.memory_space<vmem>>
      %gather3A_2074 = tpu.memref_squeeze %gather3A_2073 : memref<1x1x64x128xf32, #tpu.memory_space<vmem>> -> memref<64x128xf32, #tpu.memory_space<vmem>>
      %gather3A_2075 = tpu.vector_load_idx %gather3A_2074[%add3A_17, %add3A_1989] : memref<64x128xf32, #tpu.memory_space<vmem>>[vector<16xi32>, vector<16xi32>], vector<16xf32>,
      %swap3A_2076 = arith.index_cast %add3A_1985 : i32 to index
      %swap3A_2077 = arith.constant 48 : index
      %swap3A_2078 = tpu.vector_load %arg9[%swap3A_2076, %swap3A_2077] {strides = array<i32>} : memref<32x256xf32, #tpu.memory_space<vmem>>, vector<16xf32>,
      tpu.vector_store %arg9[%swap3A_2076, %swap3A_2077], %gather3A_2068 {strides = array<i32>} : memref<32x256xf32, #tpu.memory_space<vmem>>, vector<16xf32>,
      %swap3A_2079 = arith.index_cast %add3A_1985 : i32 to index
      %swap3A_2080 = arith.constant 112 : index
      %swap3A_2081 = tpu.vector_load %arg9[%swap3A_2079, %swap3A_2080] {strides = array<i32>} : memref<32x256xf32, #tpu.memory_space<vmem>>, vector<16xf32>,
      tpu.vector_store %arg9[%swap3A_2079, %swap3A_2080], %gather3A_2075 {strides = array<i32>} : memref<32x256xf32, #tpu.memory_space<vmem>>, vector<16xf32>,
      %mul3A_2082 = arith.mulf %gather3A_2075, %gather3A_2075 : vector<16xf32>
      %swap3A_2083 = arith.index_cast %add3A_1985 : i32 to index
      %swap3A_2084 = arith.constant 176 : index
      %swap3A_2085 = tpu.vector_load %arg9[%swap3A_2083, %swap3A_2084] {strides = array<i32>} : memref<32x256xf32, #tpu.memory_space<vmem>>, vector<16xf32>,
      tpu.vector_store %arg9[%swap3A_2083, %swap3A_2084], %mul3A_2082 {strides = array<i32>} : memref<32x256xf32, #tpu.memory_space<vmem>>, vector<16xf32>,
      %slice3A_2086 = vector.extract_strided_slice %get3A_97 {offsets = [11], sizes = [1], strides = [1]} : vector<16xi32> to vector<1xi32>
      %squeeze3A_2087 = vector.extract %slice3A_2086[0] : i32 from vector<1xi32>
      %add3A_2088 = arith.constant 10 : i32
      %add3A_2089 = arith.addi %mul3A_106, %add3A_2088 : i32
      %add3A_2090 = arith.constant 1 : i32
      %add3A_2091 = arith.addi %add3A_2089, %add3A_2090 : i32
      %and3A_2092 = arith.constant 127 : i32
      %and3A_2093 = arith.andi %squeeze3A_2087, %and3A_2092 : i32
      %add3A_2094 = vector.broadcast %and3A_2093 : i32 to vector<16xi32>
      %add3A_2095 = arith.addi %broadcast_in_dim3A_18, %add3A_2094 : vector<16xi32>
      %gather3A_2096 = arith.constant 1 : i32
      %gather3A_2097 = arith.constant 1 : i32
      %gather3A_2098 = arith.constant 0 : i32
      %gather3A_2099 = arith.constant 0 : i32
      %gather3A_2100 = tpu.memref_slice %arg7[%gather3A_2096, %gather3A_2097, %gather3A_2098, %gather3A_2099] : memref<2x2x64x128xf32, #tpu.memory_space<vmem>> -> memref<1x1x64x128xf32, #tpu.memory_space<vmem>>
      %gather3A_2101 = tpu.memref_squeeze %gather3A_2100 : memref<1x1x64x128xf32, #tpu.memory_space<vmem>> -> memref<64x128xf32, #tpu.memory_space<vmem>>
      %gather3A_2102 = tpu.vector_load_idx %gather3A_2101[%add3A_5, %add3A_2095] : memref<64x128xf32, #tpu.memory_space<vmem>>[vector<16xi32>, vector<16xi32>], vector<16xf32>,
      %gather3A_2103 = arith.constant 1 : i32
      %gather3A_2104 = arith.constant 1 : i32
      %gather3A_2105 = arith.constant 0 : i32
      %gather3A_2106 = arith.constant 0 : i32
      %gather3A_2107 = tpu.memref_slice %arg8[%gather3A_2103, %gather3A_2104, %gather3A_2105, %gather3A_2106] : memref<2x2x64x128xf32, #tpu.memory_space<vmem>> -> memref<1x1x64x128xf32, #tpu.memory_space<vmem>>
      %gather3A_2108 = tpu.memref_squeeze %gather3A_2107 : memref<1x1x64x128xf32, #tpu.memory_space<vmem>> -> memref<64x128xf32, #tpu.memory_space<vmem>>
      %gather3A_2109 = tpu.vector_load_idx %gather3A_2108[%add3A_5, %add3A_2095] : memref<64x128xf32, #tpu.memory_space<vmem>>[vector<16xi32>, vector<16xi32>], vector<16xf32>,
      %swap3A_2110 = arith.index_cast %add3A_2091 : i32 to index
      %swap3A_2111 = arith.constant 0 : index
      %swap3A_2112 = tpu.vector_load %arg9[%swap3A_2110, %swap3A_2111] {strides = array<i32>} : memref<32x256xf32, #tpu.memory_space<vmem>>, vector<16xf32>,
      tpu.vector_store %arg9[%swap3A_2110, %swap3A_2111], %gather3A_2102 {strides = array<i32>} : memref<32x256xf32, #tpu.memory_space<vmem>>, vector<16xf32>,
      %swap3A_2113 = arith.index_cast %add3A_2091 : i32 to index
      %swap3A_2114 = arith.constant 64 : index
      %swap3A_2115 = tpu.vector_load %arg9[%swap3A_2113, %swap3A_2114] {strides = array<i32>} : memref<32x256xf32, #tpu.memory_space<vmem>>, vector<16xf32>,
      tpu.vector_store %arg9[%swap3A_2113, %swap3A_2114], %gather3A_2109 {strides = array<i32>} : memref<32x256xf32, #tpu.memory_space<vmem>>, vector<16xf32>,
      %mul3A_2116 = arith.mulf %gather3A_2109, %gather3A_2109 : vector<16xf32>
      %swap3A_2117 = arith.index_cast %add3A_2091 : i32 to index
      %swap3A_2118 = arith.constant 128 : index
      %swap3A_2119 = tpu.vector_load %arg9[%swap3A_2117, %swap3A_2118] {strides = array<i32>} : memref<32x256xf32, #tpu.memory_space<vmem>>, vector<16xf32>,
      tpu.vector_store %arg9[%swap3A_2117, %swap3A_2118], %mul3A_2116 {strides = array<i32>} : memref<32x256xf32, #tpu.memory_space<vmem>>, vector<16xf32>,
      %gather3A_2120 = arith.constant 1 : i32
      %gather3A_2121 = arith.constant 1 : i32
      %gather3A_2122 = arith.constant 0 : i32
      %gather3A_2123 = arith.constant 0 : i32
      %gather3A_2124 = tpu.memref_slice %arg7[%gather3A_2120, %gather3A_2121, %gather3A_2122, %gather3A_2123] : memref<2x2x64x128xf32, #tpu.memory_space<vmem>> -> memref<1x1x64x128xf32, #tpu.memory_space<vmem>>
      %gather3A_2125 = tpu.memref_squeeze %gather3A_2124 : memref<1x1x64x128xf32, #tpu.memory_space<vmem>> -> memref<64x128xf32, #tpu.memory_space<vmem>>
      %gather3A_2126 = tpu.vector_load_idx %gather3A_2125[%add3A_9, %add3A_2095] : memref<64x128xf32, #tpu.memory_space<vmem>>[vector<16xi32>, vector<16xi32>], vector<16xf32>,
      %gather3A_2127 = arith.constant 1 : i32
      %gather3A_2128 = arith.constant 1 : i32
      %gather3A_2129 = arith.constant 0 : i32
      %gather3A_2130 = arith.constant 0 : i32
      %gather3A_2131 = tpu.memref_slice %arg8[%gather3A_2127, %gather3A_2128, %gather3A_2129, %gather3A_2130] : memref<2x2x64x128xf32, #tpu.memory_space<vmem>> -> memref<1x1x64x128xf32, #tpu.memory_space<vmem>>
      %gather3A_2132 = tpu.memref_squeeze %gather3A_2131 : memref<1x1x64x128xf32, #tpu.memory_space<vmem>> -> memref<64x128xf32, #tpu.memory_space<vmem>>
      %gather3A_2133 = tpu.vector_load_idx %gather3A_2132[%add3A_9, %add3A_2095] : memref<64x128xf32, #tpu.memory_space<vmem>>[vector<16xi32>, vector<16xi32>], vector<16xf32>,
      %swap3A_2134 = arith.index_cast %add3A_2091 : i32 to index
      %swap3A_2135 = arith.constant 16 : index
      %swap3A_2136 = tpu.vector_load %arg9[%swap3A_2134, %swap3A_2135] {strides = array<i32>} : memref<32x256xf32, #tpu.memory_space<vmem>>, vector<16xf32>,
      tpu.vector_store %arg9[%swap3A_2134, %swap3A_2135], %gather3A_2126 {strides = array<i32>} : memref<32x256xf32, #tpu.memory_space<vmem>>, vector<16xf32>,
      %swap3A_2137 = arith.index_cast %add3A_2091 : i32 to index
      %swap3A_2138 = arith.constant 80 : index
      %swap3A_2139 = tpu.vector_load %arg9[%swap3A_2137, %swap3A_2138] {strides = array<i32>} : memref<32x256xf32, #tpu.memory_space<vmem>>, vector<16xf32>,
      tpu.vector_store %arg9[%swap3A_2137, %swap3A_2138], %gather3A_2133 {strides = array<i32>} : memref<32x256xf32, #tpu.memory_space<vmem>>, vector<16xf32>,
      %mul3A_2140 = arith.mulf %gather3A_2133, %gather3A_2133 : vector<16xf32>
      %swap3A_2141 = arith.index_cast %add3A_2091 : i32 to index
      %swap3A_2142 = arith.constant 144 : index
      %swap3A_2143 = tpu.vector_load %arg9[%swap3A_2141, %swap3A_2142] {strides = array<i32>} : memref<32x256xf32, #tpu.memory_space<vmem>>, vector<16xf32>,
      tpu.vector_store %arg9[%swap3A_2141, %swap3A_2142], %mul3A_2140 {strides = array<i32>} : memref<32x256xf32, #tpu.memory_space<vmem>>, vector<16xf32>,
      %gather3A_2144 = arith.constant 1 : i32
      %gather3A_2145 = arith.constant 1 : i32
      %gather3A_2146 = arith.constant 0 : i32
      %gather3A_2147 = arith.constant 0 : i32
      %gather3A_2148 = tpu.memref_slice %arg7[%gather3A_2144, %gather3A_2145, %gather3A_2146, %gather3A_2147] : memref<2x2x64x128xf32, #tpu.memory_space<vmem>> -> memref<1x1x64x128xf32, #tpu.memory_space<vmem>>
      %gather3A_2149 = tpu.memref_squeeze %gather3A_2148 : memref<1x1x64x128xf32, #tpu.memory_space<vmem>> -> memref<64x128xf32, #tpu.memory_space<vmem>>
      %gather3A_2150 = tpu.vector_load_idx %gather3A_2149[%add3A_13, %add3A_2095] : memref<64x128xf32, #tpu.memory_space<vmem>>[vector<16xi32>, vector<16xi32>], vector<16xf32>,
      %gather3A_2151 = arith.constant 1 : i32
      %gather3A_2152 = arith.constant 1 : i32
      %gather3A_2153 = arith.constant 0 : i32
      %gather3A_2154 = arith.constant 0 : i32
      %gather3A_2155 = tpu.memref_slice %arg8[%gather3A_2151, %gather3A_2152, %gather3A_2153, %gather3A_2154] : memref<2x2x64x128xf32, #tpu.memory_space<vmem>> -> memref<1x1x64x128xf32, #tpu.memory_space<vmem>>
      %gather3A_2156 = tpu.memref_squeeze %gather3A_2155 : memref<1x1x64x128xf32, #tpu.memory_space<vmem>> -> memref<64x128xf32, #tpu.memory_space<vmem>>
      %gather3A_2157 = tpu.vector_load_idx %gather3A_2156[%add3A_13, %add3A_2095] : memref<64x128xf32, #tpu.memory_space<vmem>>[vector<16xi32>, vector<16xi32>], vector<16xf32>,
      %swap3A_2158 = arith.index_cast %add3A_2091 : i32 to index
      %swap3A_2159 = arith.constant 32 : index
      %swap3A_2160 = tpu.vector_load %arg9[%swap3A_2158, %swap3A_2159] {strides = array<i32>} : memref<32x256xf32, #tpu.memory_space<vmem>>, vector<16xf32>,
      tpu.vector_store %arg9[%swap3A_2158, %swap3A_2159], %gather3A_2150 {strides = array<i32>} : memref<32x256xf32, #tpu.memory_space<vmem>>, vector<16xf32>,
      %swap3A_2161 = arith.index_cast %add3A_2091 : i32 to index
      %swap3A_2162 = arith.constant 96 : index
      %swap3A_2163 = tpu.vector_load %arg9[%swap3A_2161, %swap3A_2162] {strides = array<i32>} : memref<32x256xf32, #tpu.memory_space<vmem>>, vector<16xf32>,
      tpu.vector_store %arg9[%swap3A_2161, %swap3A_2162], %gather3A_2157 {strides = array<i32>} : memref<32x256xf32, #tpu.memory_space<vmem>>, vector<16xf32>,
      %mul3A_2164 = arith.mulf %gather3A_2157, %gather3A_2157 : vector<16xf32>
      %swap3A_2165 = arith.index_cast %add3A_2091 : i32 to index
      %swap3A_2166 = arith.constant 160 : index
      %swap3A_2167 = tpu.vector_load %arg9[%swap3A_2165, %swap3A_2166] {strides = array<i32>} : memref<32x256xf32, #tpu.memory_space<vmem>>, vector<16xf32>,
      tpu.vector_store %arg9[%swap3A_2165, %swap3A_2166], %mul3A_2164 {strides = array<i32>} : memref<32x256xf32, #tpu.memory_space<vmem>>, vector<16xf32>,
      %gather3A_2168 = arith.constant 1 : i32
      %gather3A_2169 = arith.constant 1 : i32
      %gather3A_2170 = arith.constant 0 : i32
      %gather3A_2171 = arith.constant 0 : i32
      %gather3A_2172 = tpu.memref_slice %arg7[%gather3A_2168, %gather3A_2169, %gather3A_2170, %gather3A_2171] : memref<2x2x64x128xf32, #tpu.memory_space<vmem>> -> memref<1x1x64x128xf32, #tpu.memory_space<vmem>>
      %gather3A_2173 = tpu.memref_squeeze %gather3A_2172 : memref<1x1x64x128xf32, #tpu.memory_space<vmem>> -> memref<64x128xf32, #tpu.memory_space<vmem>>
      %gather3A_2174 = tpu.vector_load_idx %gather3A_2173[%add3A_17, %add3A_2095] : memref<64x128xf32, #tpu.memory_space<vmem>>[vector<16xi32>, vector<16xi32>], vector<16xf32>,
      %gather3A_2175 = arith.constant 1 : i32
      %gather3A_2176 = arith.constant 1 : i32
      %gather3A_2177 = arith.constant 0 : i32
      %gather3A_2178 = arith.constant 0 : i32
      %gather3A_2179 = tpu.memref_slice %arg8[%gather3A_2175, %gather3A_2176, %gather3A_2177, %gather3A_2178] : memref<2x2x64x128xf32, #tpu.memory_space<vmem>> -> memref<1x1x64x128xf32, #tpu.memory_space<vmem>>
      %gather3A_2180 = tpu.memref_squeeze %gather3A_2179 : memref<1x1x64x128xf32, #tpu.memory_space<vmem>> -> memref<64x128xf32, #tpu.memory_space<vmem>>
      %gather3A_2181 = tpu.vector_load_idx %gather3A_2180[%add3A_17, %add3A_2095] : memref<64x128xf32, #tpu.memory_space<vmem>>[vector<16xi32>, vector<16xi32>], vector<16xf32>,
      %swap3A_2182 = arith.index_cast %add3A_2091 : i32 to index
      %swap3A_2183 = arith.constant 48 : index
      %swap3A_2184 = tpu.vector_load %arg9[%swap3A_2182, %swap3A_2183] {strides = array<i32>} : memref<32x256xf32, #tpu.memory_space<vmem>>, vector<16xf32>,
      tpu.vector_store %arg9[%swap3A_2182, %swap3A_2183], %gather3A_2174 {strides = array<i32>} : memref<32x256xf32, #tpu.memory_space<vmem>>, vector<16xf32>,
      %swap3A_2185 = arith.index_cast %add3A_2091 : i32 to index
      %swap3A_2186 = arith.constant 112 : index
      %swap3A_2187 = tpu.vector_load %arg9[%swap3A_2185, %swap3A_2186] {strides = array<i32>} : memref<32x256xf32, #tpu.memory_space<vmem>>, vector<16xf32>,
      tpu.vector_store %arg9[%swap3A_2185, %swap3A_2186], %gather3A_2181 {strides = array<i32>} : memref<32x256xf32, #tpu.memory_space<vmem>>, vector<16xf32>,
      %mul3A_2188 = arith.mulf %gather3A_2181, %gather3A_2181 : vector<16xf32>
      %swap3A_2189 = arith.index_cast %add3A_2091 : i32 to index
      %swap3A_2190 = arith.constant 176 : index
      %swap3A_2191 = tpu.vector_load %arg9[%swap3A_2189, %swap3A_2190] {strides = array<i32>} : memref<32x256xf32, #tpu.memory_space<vmem>>, vector<16xf32>,
      tpu.vector_store %arg9[%swap3A_2189, %swap3A_2190], %mul3A_2188 {strides = array<i32>} : memref<32x256xf32, #tpu.memory_space<vmem>>, vector<16xf32>,
      %slice3A_2192 = vector.extract_strided_slice %get3A_97 {offsets = [14], sizes = [1], strides = [1]} : vector<16xi32> to vector<1xi32>
      %squeeze3A_2193 = vector.extract %slice3A_2192[0] : i32 from vector<1xi32>
      %shift_right_logical3A_2194 = arith.constant 7 : i32
      %shift_right_logical3A_2195 = arith.shrui %squeeze3A_2193, %shift_right_logical3A_2194 : i32
      %min3A_2196 = arith.constant 7812 : i32
      %min3A_2197 = arith.minsi %shift_right_logical3A_2195, %min3A_2196 : i32
      %mul3A_2198 = arith.constant 128 : i32
      %mul3A_2199 = arith.muli %min3A_2197, %mul3A_2198 : i32
      %multiple_of3A_2200 = tpu.assume_multiple %mul3A_2199, 128 : i32
      %dma_start3A_2201 = arith.constant 1 : i32
      %dma_start3A_2202 = arith.constant 0 : i32
      %dma_start3A_2203 = arith.constant 0 : i32
      %dma_start3A_2204 = arith.constant 0 : i32
      %dma_start3A_2205 = tpu.memref_slice %arg7[%dma_start3A_2201, %dma_start3A_2202, %dma_start3A_2203, %dma_start3A_2204] : memref<2x2x64x128xf32, #tpu.memory_space<vmem>> -> memref<1x1x64x128xf32, #tpu.memory_space<vmem>>
      %dma_start3A_2206 = tpu.memref_squeeze %dma_start3A_2205 : memref<1x1x64x128xf32, #tpu.memory_space<vmem>> -> memref<64x128xf32, #tpu.memory_space<vmem>>
      %dma_start3A_2207 = arith.constant 0 : i32
      %dma_start3A_2208 = tpu.memref_slice %arg3[%dma_start3A_2207, %multiple_of3A_2200] : memref<64x1000000xf32, #tpu.memory_space<hbm>> -> memref<64x128xf32, #tpu.memory_space<hbm>>
      %dma_start3A_2209 = arith.constant 0 : i32
      %dma_start3A_2210 = arith.constant 0 : i32
      %dma_start3A_2211 = tpu.memref_slice %arg7[%dma_start3A_2201, %dma_start3A_2202, %dma_start3A_2209, %dma_start3A_2210] : memref<2x2x64x128xf32, #tpu.memory_space<vmem>> -> memref<1x1x64x128xf32, #tpu.memory_space<vmem>>
      %dma_start3A_2212 = tpu.memref_squeeze %dma_start3A_2211 : memref<1x1x64x128xf32, #tpu.memory_space<vmem>> -> memref<64x128xf32, #tpu.memory_space<vmem>>
      %dma_start3A_2213 = arith.constant 0 : i32
      %dma_start3A_2214 = tpu.memref_slice %arg3[%dma_start3A_2213, %multiple_of3A_2200] : memref<64x1000000xf32, #tpu.memory_space<hbm>> -> memref<64x128xf32, #tpu.memory_space<hbm>>
      tpu.enqueue_dma source(%dma_start3A_2214 : memref<64x128xf32, #tpu.memory_space<hbm>>) target(%dma_start3A_2212 : memref<64x128xf32, #tpu.memory_space<vmem>>) target_semaphore(%arg11 : memref<!tpu.dma_semaphore, #tpu.memory_space<semaphore_mem>>)
      %dma_start3A_2215 = arith.constant 1 : i32
      %dma_start3A_2216 = arith.constant 0 : i32
      %dma_start3A_2217 = arith.constant 0 : i32
      %dma_start3A_2218 = arith.constant 0 : i32
      %dma_start3A_2219 = tpu.memref_slice %arg8[%dma_start3A_2215, %dma_start3A_2216, %dma_start3A_2217, %dma_start3A_2218] : memref<2x2x64x128xf32, #tpu.memory_space<vmem>> -> memref<1x1x64x128xf32, #tpu.memory_space<vmem>>
      %dma_start3A_2220 = tpu.memref_squeeze %dma_start3A_2219 : memref<1x1x64x128xf32, #tpu.memory_space<vmem>> -> memref<64x128xf32, #tpu.memory_space<vmem>>
      %dma_start3A_2221 = arith.constant 0 : i32
      %dma_start3A_2222 = tpu.memref_slice %arg4[%dma_start3A_2221, %multiple_of3A_2200] : memref<64x1000000xf32, #tpu.memory_space<hbm>> -> memref<64x128xf32, #tpu.memory_space<hbm>>
      %dma_start3A_2223 = arith.constant 0 : i32
      %dma_start3A_2224 = arith.constant 0 : i32
      %dma_start3A_2225 = tpu.memref_slice %arg8[%dma_start3A_2215, %dma_start3A_2216, %dma_start3A_2223, %dma_start3A_2224] : memref<2x2x64x128xf32, #tpu.memory_space<vmem>> -> memref<1x1x64x128xf32, #tpu.memory_space<vmem>>
      %dma_start3A_2226 = tpu.memref_squeeze %dma_start3A_2225 : memref<1x1x64x128xf32, #tpu.memory_space<vmem>> -> memref<64x128xf32, #tpu.memory_space<vmem>>
      %dma_start3A_2227 = arith.constant 0 : i32
      %dma_start3A_2228 = tpu.memref_slice %arg4[%dma_start3A_2227, %multiple_of3A_2200] : memref<64x1000000xf32, #tpu.memory_space<hbm>> -> memref<64x128xf32, #tpu.memory_space<hbm>>
      tpu.enqueue_dma source(%dma_start3A_2228 : memref<64x128xf32, #tpu.memory_space<hbm>>) target(%dma_start3A_2226 : memref<64x128xf32, #tpu.memory_space<vmem>>) target_semaphore(%arg11 : memref<!tpu.dma_semaphore, #tpu.memory_space<semaphore_mem>>)
      %slice3A_2229 = vector.extract_strided_slice %get3A_97 {offsets = [15], sizes = [1], strides = [1]} : vector<16xi32> to vector<1xi32>
      %squeeze3A_2230 = vector.extract %slice3A_2229[0] : i32 from vector<1xi32>
      %shift_right_logical3A_2231 = arith.constant 7 : i32
      %shift_right_logical3A_2232 = arith.shrui %squeeze3A_2230, %shift_right_logical3A_2231 : i32
      %min3A_2233 = arith.constant 7812 : i32
      %min3A_2234 = arith.minsi %shift_right_logical3A_2232, %min3A_2233 : i32
      %mul3A_2235 = arith.constant 128 : i32
      %mul3A_2236 = arith.muli %min3A_2234, %mul3A_2235 : i32
      %multiple_of3A_2237 = tpu.assume_multiple %mul3A_2236, 128 : i32
      %dma_start3A_2238 = arith.constant 1 : i32
      %dma_start3A_2239 = arith.constant 1 : i32
      %dma_start3A_2240 = arith.constant 0 : i32
      %dma_start3A_2241 = arith.constant 0 : i32
      %dma_start3A_2242 = tpu.memref_slice %arg7[%dma_start3A_2238, %dma_start3A_2239, %dma_start3A_2240, %dma_start3A_2241] : memref<2x2x64x128xf32, #tpu.memory_space<vmem>> -> memref<1x1x64x128xf32, #tpu.memory_space<vmem>>
      %dma_start3A_2243 = tpu.memref_squeeze %dma_start3A_2242 : memref<1x1x64x128xf32, #tpu.memory_space<vmem>> -> memref<64x128xf32, #tpu.memory_space<vmem>>
      %dma_start3A_2244 = arith.constant 0 : i32
      %dma_start3A_2245 = tpu.memref_slice %arg3[%dma_start3A_2244, %multiple_of3A_2237] : memref<64x1000000xf32, #tpu.memory_space<hbm>> -> memref<64x128xf32, #tpu.memory_space<hbm>>
      %dma_start3A_2246 = arith.constant 0 : i32
      %dma_start3A_2247 = arith.constant 0 : i32
      %dma_start3A_2248 = tpu.memref_slice %arg7[%dma_start3A_2238, %dma_start3A_2239, %dma_start3A_2246, %dma_start3A_2247] : memref<2x2x64x128xf32, #tpu.memory_space<vmem>> -> memref<1x1x64x128xf32, #tpu.memory_space<vmem>>
      %dma_start3A_2249 = tpu.memref_squeeze %dma_start3A_2248 : memref<1x1x64x128xf32, #tpu.memory_space<vmem>> -> memref<64x128xf32, #tpu.memory_space<vmem>>
      %dma_start3A_2250 = arith.constant 0 : i32
      %dma_start3A_2251 = tpu.memref_slice %arg3[%dma_start3A_2250, %multiple_of3A_2237] : memref<64x1000000xf32, #tpu.memory_space<hbm>> -> memref<64x128xf32, #tpu.memory_space<hbm>>
      tpu.enqueue_dma source(%dma_start3A_2251 : memref<64x128xf32, #tpu.memory_space<hbm>>) target(%dma_start3A_2249 : memref<64x128xf32, #tpu.memory_space<vmem>>) target_semaphore(%arg11 : memref<!tpu.dma_semaphore, #tpu.memory_space<semaphore_mem>>)
      %dma_start3A_2252 = arith.constant 1 : i32
      %dma_start3A_2253 = arith.constant 1 : i32
      %dma_start3A_2254 = arith.constant 0 : i32
      %dma_start3A_2255 = arith.constant 0 : i32
      %dma_start3A_2256 = tpu.memref_slice %arg8[%dma_start3A_2252, %dma_start3A_2253, %dma_start3A_2254, %dma_start3A_2255] : memref<2x2x64x128xf32, #tpu.memory_space<vmem>> -> memref<1x1x64x128xf32, #tpu.memory_space<vmem>>
      %dma_start3A_2257 = tpu.memref_squeeze %dma_start3A_2256 : memref<1x1x64x128xf32, #tpu.memory_space<vmem>> -> memref<64x128xf32, #tpu.memory_space<vmem>>
      %dma_start3A_2258 = arith.constant 0 : i32
      %dma_start3A_2259 = tpu.memref_slice %arg4[%dma_start3A_2258, %multiple_of3A_2237] : memref<64x1000000xf32, #tpu.memory_space<hbm>> -> memref<64x128xf32, #tpu.memory_space<hbm>>
      %dma_start3A_2260 = arith.constant 0 : i32
      %dma_start3A_2261 = arith.constant 0 : i32
      %dma_start3A_2262 = tpu.memref_slice %arg8[%dma_start3A_2252, %dma_start3A_2253, %dma_start3A_2260, %dma_start3A_2261] : memref<2x2x64x128xf32, #tpu.memory_space<vmem>> -> memref<1x1x64x128xf32, #tpu.memory_space<vmem>>
      %dma_start3A_2263 = tpu.memref_squeeze %dma_start3A_2262 : memref<1x1x64x128xf32, #tpu.memory_space<vmem>> -> memref<64x128xf32, #tpu.memory_space<vmem>>
      %dma_start3A_2264 = arith.constant 0 : i32
      %dma_start3A_2265 = tpu.memref_slice %arg4[%dma_start3A_2264, %multiple_of3A_2237] : memref<64x1000000xf32, #tpu.memory_space<hbm>> -> memref<64x128xf32, #tpu.memory_space<hbm>>
      tpu.enqueue_dma source(%dma_start3A_2265 : memref<64x128xf32, #tpu.memory_space<hbm>>) target(%dma_start3A_2263 : memref<64x128xf32, #tpu.memory_space<vmem>>) target_semaphore(%arg11 : memref<!tpu.dma_semaphore, #tpu.memory_space<semaphore_mem>>)
      %dma_wait3A_2266 = arith.constant 0 : i32
      %dma_wait3A_2267 = arith.constant 0 : i32
      %dma_wait3A_2268 = arith.constant 0 : i32
      %dma_wait3A_2269 = arith.constant 0 : i32
      %dma_wait3A_2270 = tpu.memref_slice %arg7[%dma_wait3A_2266, %dma_wait3A_2267, %dma_wait3A_2268, %dma_wait3A_2269] : memref<2x2x64x128xf32, #tpu.memory_space<vmem>> -> memref<1x1x64x128xf32, #tpu.memory_space<vmem>>
      %dma_wait3A_2271 = tpu.memref_squeeze %dma_wait3A_2270 : memref<1x1x64x128xf32, #tpu.memory_space<vmem>> -> memref<64x128xf32, #tpu.memory_space<vmem>>
      %dma_wait3A_2272 = arith.constant 0 : i32
      %dma_wait3A_2273 = arith.constant 0 : i32
      %dma_wait3A_2274 = tpu.memref_slice %arg3[%dma_wait3A_2272, %dma_wait3A_2273] : memref<64x1000000xf32, #tpu.memory_space<hbm>> -> memref<64x128xf32, #tpu.memory_space<hbm>>
      %dma_wait3A_2275 = arith.constant 0 : i32
      %dma_wait3A_2276 = arith.constant 0 : i32
      %dma_wait3A_2277 = tpu.memref_slice %arg7[%dma_wait3A_2266, %dma_wait3A_2267, %dma_wait3A_2275, %dma_wait3A_2276] : memref<2x2x64x128xf32, #tpu.memory_space<vmem>> -> memref<1x1x64x128xf32, #tpu.memory_space<vmem>>
      %dma_wait3A_2278 = tpu.memref_squeeze %dma_wait3A_2277 : memref<1x1x64x128xf32, #tpu.memory_space<vmem>> -> memref<64x128xf32, #tpu.memory_space<vmem>>
      %dma_wait3A_2279 = arith.constant 0 : i32
      %dma_wait3A_2280 = arith.constant 0 : i32
      %dma_wait3A_2281 = tpu.memref_slice %arg3[%dma_wait3A_2279, %dma_wait3A_2280] : memref<64x1000000xf32, #tpu.memory_space<hbm>> -> memref<64x128xf32, #tpu.memory_space<hbm>>
      tpu.wait_dma2 semaphore(%arg10 : memref<!tpu.dma_semaphore, #tpu.memory_space<semaphore_mem>>) src(%dma_wait3A_2281 : memref<64x128xf32, #tpu.memory_space<hbm>>) dst(%dma_wait3A_2278 : memref<64x128xf32, #tpu.memory_space<vmem>>)
      %dma_wait3A_2282 = arith.constant 0 : i32
      %dma_wait3A_2283 = arith.constant 1 : i32
      %dma_wait3A_2284 = arith.constant 0 : i32
      %dma_wait3A_2285 = arith.constant 0 : i32
      %dma_wait3A_2286 = tpu.memref_slice %arg7[%dma_wait3A_2282, %dma_wait3A_2283, %dma_wait3A_2284, %dma_wait3A_2285] : memref<2x2x64x128xf32, #tpu.memory_space<vmem>> -> memref<1x1x64x128xf32, #tpu.memory_space<vmem>>
      %dma_wait3A_2287 = tpu.memref_squeeze %dma_wait3A_2286 : memref<1x1x64x128xf32, #tpu.memory_space<vmem>> -> memref<64x128xf32, #tpu.memory_space<vmem>>
      %dma_wait3A_2288 = arith.constant 0 : i32
      %dma_wait3A_2289 = arith.constant 0 : i32
      %dma_wait3A_2290 = tpu.memref_slice %arg3[%dma_wait3A_2288, %dma_wait3A_2289] : memref<64x1000000xf32, #tpu.memory_space<hbm>> -> memref<64x128xf32, #tpu.memory_space<hbm>>
      %dma_wait3A_2291 = arith.constant 0 : i32
      %dma_wait3A_2292 = arith.constant 0 : i32
      %dma_wait3A_2293 = tpu.memref_slice %arg7[%dma_wait3A_2282, %dma_wait3A_2283, %dma_wait3A_2291, %dma_wait3A_2292] : memref<2x2x64x128xf32, #tpu.memory_space<vmem>> -> memref<1x1x64x128xf32, #tpu.memory_space<vmem>>
      %dma_wait3A_2294 = tpu.memref_squeeze %dma_wait3A_2293 : memref<1x1x64x128xf32, #tpu.memory_space<vmem>> -> memref<64x128xf32, #tpu.memory_space<vmem>>
      %dma_wait3A_2295 = arith.constant 0 : i32
      %dma_wait3A_2296 = arith.constant 0 : i32
      %dma_wait3A_2297 = tpu.memref_slice %arg3[%dma_wait3A_2295, %dma_wait3A_2296] : memref<64x1000000xf32, #tpu.memory_space<hbm>> -> memref<64x128xf32, #tpu.memory_space<hbm>>
      tpu.wait_dma2 semaphore(%arg10 : memref<!tpu.dma_semaphore, #tpu.memory_space<semaphore_mem>>) src(%dma_wait3A_2297 : memref<64x128xf32, #tpu.memory_space<hbm>>) dst(%dma_wait3A_2294 : memref<64x128xf32, #tpu.memory_space<vmem>>)
      %dma_wait3A_2298 = arith.constant 0 : i32
      %dma_wait3A_2299 = arith.constant 0 : i32
      %dma_wait3A_2300 = arith.constant 0 : i32
      %dma_wait3A_2301 = arith.constant 0 : i32
      %dma_wait3A_2302 = tpu.memref_slice %arg8[%dma_wait3A_2298, %dma_wait3A_2299, %dma_wait3A_2300, %dma_wait3A_2301] : memref<2x2x64x128xf32, #tpu.memory_space<vmem>> -> memref<1x1x64x128xf32, #tpu.memory_space<vmem>>
      %dma_wait3A_2303 = tpu.memref_squeeze %dma_wait3A_2302 : memref<1x1x64x128xf32, #tpu.memory_space<vmem>> -> memref<64x128xf32, #tpu.memory_space<vmem>>
      %dma_wait3A_2304 = arith.constant 0 : i32
      %dma_wait3A_2305 = arith.constant 0 : i32
      %dma_wait3A_2306 = tpu.memref_slice %arg3[%dma_wait3A_2304, %dma_wait3A_2305] : memref<64x1000000xf32, #tpu.memory_space<hbm>> -> memref<64x128xf32, #tpu.memory_space<hbm>>
      %dma_wait3A_2307 = arith.constant 0 : i32
      %dma_wait3A_2308 = arith.constant 0 : i32
      %dma_wait3A_2309 = tpu.memref_slice %arg8[%dma_wait3A_2298, %dma_wait3A_2299, %dma_wait3A_2307, %dma_wait3A_2308] : memref<2x2x64x128xf32, #tpu.memory_space<vmem>> -> memref<1x1x64x128xf32, #tpu.memory_space<vmem>>
      %dma_wait3A_2310 = tpu.memref_squeeze %dma_wait3A_2309 : memref<1x1x64x128xf32, #tpu.memory_space<vmem>> -> memref<64x128xf32, #tpu.memory_space<vmem>>
      %dma_wait3A_2311 = arith.constant 0 : i32
      %dma_wait3A_2312 = arith.constant 0 : i32
      %dma_wait3A_2313 = tpu.memref_slice %arg3[%dma_wait3A_2311, %dma_wait3A_2312] : memref<64x1000000xf32, #tpu.memory_space<hbm>> -> memref<64x128xf32, #tpu.memory_space<hbm>>
      tpu.wait_dma2 semaphore(%arg10 : memref<!tpu.dma_semaphore, #tpu.memory_space<semaphore_mem>>) src(%dma_wait3A_2313 : memref<64x128xf32, #tpu.memory_space<hbm>>) dst(%dma_wait3A_2310 : memref<64x128xf32, #tpu.memory_space<vmem>>)
      %dma_wait3A_2314 = arith.constant 0 : i32
      %dma_wait3A_2315 = arith.constant 1 : i32
      %dma_wait3A_2316 = arith.constant 0 : i32
      %dma_wait3A_2317 = arith.constant 0 : i32
      %dma_wait3A_2318 = tpu.memref_slice %arg8[%dma_wait3A_2314, %dma_wait3A_2315, %dma_wait3A_2316, %dma_wait3A_2317] : memref<2x2x64x128xf32, #tpu.memory_space<vmem>> -> memref<1x1x64x128xf32, #tpu.memory_space<vmem>>
      %dma_wait3A_2319 = tpu.memref_squeeze %dma_wait3A_2318 : memref<1x1x64x128xf32, #tpu.memory_space<vmem>> -> memref<64x128xf32, #tpu.memory_space<vmem>>
      %dma_wait3A_2320 = arith.constant 0 : i32
      %dma_wait3A_2321 = arith.constant 0 : i32
      %dma_wait3A_2322 = tpu.memref_slice %arg3[%dma_wait3A_2320, %dma_wait3A_2321] : memref<64x1000000xf32, #tpu.memory_space<hbm>> -> memref<64x128xf32, #tpu.memory_space<hbm>>
      %dma_wait3A_2323 = arith.constant 0 : i32
      %dma_wait3A_2324 = arith.constant 0 : i32
      %dma_wait3A_2325 = tpu.memref_slice %arg8[%dma_wait3A_2314, %dma_wait3A_2315, %dma_wait3A_2323, %dma_wait3A_2324] : memref<2x2x64x128xf32, #tpu.memory_space<vmem>> -> memref<1x1x64x128xf32, #tpu.memory_space<vmem>>
      %dma_wait3A_2326 = tpu.memref_squeeze %dma_wait3A_2325 : memref<1x1x64x128xf32, #tpu.memory_space<vmem>> -> memref<64x128xf32, #tpu.memory_space<vmem>>
      %dma_wait3A_2327 = arith.constant 0 : i32
      %dma_wait3A_2328 = arith.constant 0 : i32
      %dma_wait3A_2329 = tpu.memref_slice %arg3[%dma_wait3A_2327, %dma_wait3A_2328] : memref<64x1000000xf32, #tpu.memory_space<hbm>> -> memref<64x128xf32, #tpu.memory_space<hbm>>
      tpu.wait_dma2 semaphore(%arg10 : memref<!tpu.dma_semaphore, #tpu.memory_space<semaphore_mem>>) src(%dma_wait3A_2329 : memref<64x128xf32, #tpu.memory_space<hbm>>) dst(%dma_wait3A_2326 : memref<64x128xf32, #tpu.memory_space<vmem>>)
      %slice3A_2330 = vector.extract_strided_slice %get3A_97 {offsets = [12], sizes = [1], strides = [1]} : vector<16xi32> to vector<1xi32>
      %squeeze3A_2331 = vector.extract %slice3A_2330[0] : i32 from vector<1xi32>
      %add3A_2332 = arith.constant 12 : i32
      %add3A_2333 = arith.addi %mul3A_106, %add3A_2332 : i32
      %and3A_2334 = arith.constant 127 : i32
      %and3A_2335 = arith.andi %squeeze3A_2331, %and3A_2334 : i32
      %add3A_2336 = vector.broadcast %and3A_2335 : i32 to vector<16xi32>
      %add3A_2337 = arith.addi %broadcast_in_dim3A_18, %add3A_2336 : vector<16xi32>
      %gather3A_2338 = arith.constant 0 : i32
      %gather3A_2339 = arith.constant 0 : i32
      %gather3A_2340 = arith.constant 0 : i32
      %gather3A_2341 = arith.constant 0 : i32
      %gather3A_2342 = tpu.memref_slice %arg7[%gather3A_2338, %gather3A_2339, %gather3A_2340, %gather3A_2341] : memref<2x2x64x128xf32, #tpu.memory_space<vmem>> -> memref<1x1x64x128xf32, #tpu.memory_space<vmem>>
      %gather3A_2343 = tpu.memref_squeeze %gather3A_2342 : memref<1x1x64x128xf32, #tpu.memory_space<vmem>> -> memref<64x128xf32, #tpu.memory_space<vmem>>
      %gather3A_2344 = tpu.vector_load_idx %gather3A_2343[%add3A_5, %add3A_2337] : memref<64x128xf32, #tpu.memory_space<vmem>>[vector<16xi32>, vector<16xi32>], vector<16xf32>,
      %gather3A_2345 = arith.constant 0 : i32
      %gather3A_2346 = arith.constant 0 : i32
      %gather3A_2347 = arith.constant 0 : i32
      %gather3A_2348 = arith.constant 0 : i32
      %gather3A_2349 = tpu.memref_slice %arg8[%gather3A_2345, %gather3A_2346, %gather3A_2347, %gather3A_2348] : memref<2x2x64x128xf32, #tpu.memory_space<vmem>> -> memref<1x1x64x128xf32, #tpu.memory_space<vmem>>
      %gather3A_2350 = tpu.memref_squeeze %gather3A_2349 : memref<1x1x64x128xf32, #tpu.memory_space<vmem>> -> memref<64x128xf32, #tpu.memory_space<vmem>>
      %gather3A_2351 = tpu.vector_load_idx %gather3A_2350[%add3A_5, %add3A_2337] : memref<64x128xf32, #tpu.memory_space<vmem>>[vector<16xi32>, vector<16xi32>], vector<16xf32>,
      %swap3A_2352 = arith.index_cast %add3A_2333 : i32 to index
      %swap3A_2353 = arith.constant 0 : index
      %swap3A_2354 = tpu.vector_load %arg9[%swap3A_2352, %swap3A_2353] {strides = array<i32>} : memref<32x256xf32, #tpu.memory_space<vmem>>, vector<16xf32>,
      tpu.vector_store %arg9[%swap3A_2352, %swap3A_2353], %gather3A_2344 {strides = array<i32>} : memref<32x256xf32, #tpu.memory_space<vmem>>, vector<16xf32>,
      %swap3A_2355 = arith.index_cast %add3A_2333 : i32 to index
      %swap3A_2356 = arith.constant 64 : index
      %swap3A_2357 = tpu.vector_load %arg9[%swap3A_2355, %swap3A_2356] {strides = array<i32>} : memref<32x256xf32, #tpu.memory_space<vmem>>, vector<16xf32>,
      tpu.vector_store %arg9[%swap3A_2355, %swap3A_2356], %gather3A_2351 {strides = array<i32>} : memref<32x256xf32, #tpu.memory_space<vmem>>, vector<16xf32>,
      %mul3A_2358 = arith.mulf %gather3A_2351, %gather3A_2351 : vector<16xf32>
      %swap3A_2359 = arith.index_cast %add3A_2333 : i32 to index
      %swap3A_2360 = arith.constant 128 : index
      %swap3A_2361 = tpu.vector_load %arg9[%swap3A_2359, %swap3A_2360] {strides = array<i32>} : memref<32x256xf32, #tpu.memory_space<vmem>>, vector<16xf32>,
      tpu.vector_store %arg9[%swap3A_2359, %swap3A_2360], %mul3A_2358 {strides = array<i32>} : memref<32x256xf32, #tpu.memory_space<vmem>>, vector<16xf32>,
      %gather3A_2362 = arith.constant 0 : i32
      %gather3A_2363 = arith.constant 0 : i32
      %gather3A_2364 = arith.constant 0 : i32
      %gather3A_2365 = arith.constant 0 : i32
      %gather3A_2366 = tpu.memref_slice %arg7[%gather3A_2362, %gather3A_2363, %gather3A_2364, %gather3A_2365] : memref<2x2x64x128xf32, #tpu.memory_space<vmem>> -> memref<1x1x64x128xf32, #tpu.memory_space<vmem>>
      %gather3A_2367 = tpu.memref_squeeze %gather3A_2366 : memref<1x1x64x128xf32, #tpu.memory_space<vmem>> -> memref<64x128xf32, #tpu.memory_space<vmem>>
      %gather3A_2368 = tpu.vector_load_idx %gather3A_2367[%add3A_9, %add3A_2337] : memref<64x128xf32, #tpu.memory_space<vmem>>[vector<16xi32>, vector<16xi32>], vector<16xf32>,
      %gather3A_2369 = arith.constant 0 : i32
      %gather3A_2370 = arith.constant 0 : i32
      %gather3A_2371 = arith.constant 0 : i32
      %gather3A_2372 = arith.constant 0 : i32
      %gather3A_2373 = tpu.memref_slice %arg8[%gather3A_2369, %gather3A_2370, %gather3A_2371, %gather3A_2372] : memref<2x2x64x128xf32, #tpu.memory_space<vmem>> -> memref<1x1x64x128xf32, #tpu.memory_space<vmem>>
      %gather3A_2374 = tpu.memref_squeeze %gather3A_2373 : memref<1x1x64x128xf32, #tpu.memory_space<vmem>> -> memref<64x128xf32, #tpu.memory_space<vmem>>
      %gather3A_2375 = tpu.vector_load_idx %gather3A_2374[%add3A_9, %add3A_2337] : memref<64x128xf32, #tpu.memory_space<vmem>>[vector<16xi32>, vector<16xi32>], vector<16xf32>,
      %swap3A_2376 = arith.index_cast %add3A_2333 : i32 to index
      %swap3A_2377 = arith.constant 16 : index
      %swap3A_2378 = tpu.vector_load %arg9[%swap3A_2376, %swap3A_2377] {strides = array<i32>} : memref<32x256xf32, #tpu.memory_space<vmem>>, vector<16xf32>,
      tpu.vector_store %arg9[%swap3A_2376, %swap3A_2377], %gather3A_2368 {strides = array<i32>} : memref<32x256xf32, #tpu.memory_space<vmem>>, vector<16xf32>,
      %swap3A_2379 = arith.index_cast %add3A_2333 : i32 to index
      %swap3A_2380 = arith.constant 80 : index
      %swap3A_2381 = tpu.vector_load %arg9[%swap3A_2379, %swap3A_2380] {strides = array<i32>} : memref<32x256xf32, #tpu.memory_space<vmem>>, vector<16xf32>,
      tpu.vector_store %arg9[%swap3A_2379, %swap3A_2380], %gather3A_2375 {strides = array<i32>} : memref<32x256xf32, #tpu.memory_space<vmem>>, vector<16xf32>,
      %mul3A_2382 = arith.mulf %gather3A_2375, %gather3A_2375 : vector<16xf32>
      %swap3A_2383 = arith.index_cast %add3A_2333 : i32 to index
      %swap3A_2384 = arith.constant 144 : index
      %swap3A_2385 = tpu.vector_load %arg9[%swap3A_2383, %swap3A_2384] {strides = array<i32>} : memref<32x256xf32, #tpu.memory_space<vmem>>, vector<16xf32>,
      tpu.vector_store %arg9[%swap3A_2383, %swap3A_2384], %mul3A_2382 {strides = array<i32>} : memref<32x256xf32, #tpu.memory_space<vmem>>, vector<16xf32>,
      %gather3A_2386 = arith.constant 0 : i32
      %gather3A_2387 = arith.constant 0 : i32
      %gather3A_2388 = arith.constant 0 : i32
      %gather3A_2389 = arith.constant 0 : i32
      %gather3A_2390 = tpu.memref_slice %arg7[%gather3A_2386, %gather3A_2387, %gather3A_2388, %gather3A_2389] : memref<2x2x64x128xf32, #tpu.memory_space<vmem>> -> memref<1x1x64x128xf32, #tpu.memory_space<vmem>>
      %gather3A_2391 = tpu.memref_squeeze %gather3A_2390 : memref<1x1x64x128xf32, #tpu.memory_space<vmem>> -> memref<64x128xf32, #tpu.memory_space<vmem>>
      %gather3A_2392 = tpu.vector_load_idx %gather3A_2391[%add3A_13, %add3A_2337] : memref<64x128xf32, #tpu.memory_space<vmem>>[vector<16xi32>, vector<16xi32>], vector<16xf32>,
      %gather3A_2393 = arith.constant 0 : i32
      %gather3A_2394 = arith.constant 0 : i32
      %gather3A_2395 = arith.constant 0 : i32
      %gather3A_2396 = arith.constant 0 : i32
      %gather3A_2397 = tpu.memref_slice %arg8[%gather3A_2393, %gather3A_2394, %gather3A_2395, %gather3A_2396] : memref<2x2x64x128xf32, #tpu.memory_space<vmem>> -> memref<1x1x64x128xf32, #tpu.memory_space<vmem>>
      %gather3A_2398 = tpu.memref_squeeze %gather3A_2397 : memref<1x1x64x128xf32, #tpu.memory_space<vmem>> -> memref<64x128xf32, #tpu.memory_space<vmem>>
      %gather3A_2399 = tpu.vector_load_idx %gather3A_2398[%add3A_13, %add3A_2337] : memref<64x128xf32, #tpu.memory_space<vmem>>[vector<16xi32>, vector<16xi32>], vector<16xf32>,
      %swap3A_2400 = arith.index_cast %add3A_2333 : i32 to index
      %swap3A_2401 = arith.constant 32 : index
      %swap3A_2402 = tpu.vector_load %arg9[%swap3A_2400, %swap3A_2401] {strides = array<i32>} : memref<32x256xf32, #tpu.memory_space<vmem>>, vector<16xf32>,
      tpu.vector_store %arg9[%swap3A_2400, %swap3A_2401], %gather3A_2392 {strides = array<i32>} : memref<32x256xf32, #tpu.memory_space<vmem>>, vector<16xf32>,
      %swap3A_2403 = arith.index_cast %add3A_2333 : i32 to index
      %swap3A_2404 = arith.constant 96 : index
      %swap3A_2405 = tpu.vector_load %arg9[%swap3A_2403, %swap3A_2404] {strides = array<i32>} : memref<32x256xf32, #tpu.memory_space<vmem>>, vector<16xf32>,
      tpu.vector_store %arg9[%swap3A_2403, %swap3A_2404], %gather3A_2399 {strides = array<i32>} : memref<32x256xf32, #tpu.memory_space<vmem>>, vector<16xf32>,
      %mul3A_2406 = arith.mulf %gather3A_2399, %gather3A_2399 : vector<16xf32>
      %swap3A_2407 = arith.index_cast %add3A_2333 : i32 to index
      %swap3A_2408 = arith.constant 160 : index
      %swap3A_2409 = tpu.vector_load %arg9[%swap3A_2407, %swap3A_2408] {strides = array<i32>} : memref<32x256xf32, #tpu.memory_space<vmem>>, vector<16xf32>,
      tpu.vector_store %arg9[%swap3A_2407, %swap3A_2408], %mul3A_2406 {strides = array<i32>} : memref<32x256xf32, #tpu.memory_space<vmem>>, vector<16xf32>,
      %gather3A_2410 = arith.constant 0 : i32
      %gather3A_2411 = arith.constant 0 : i32
      %gather3A_2412 = arith.constant 0 : i32
      %gather3A_2413 = arith.constant 0 : i32
      %gather3A_2414 = tpu.memref_slice %arg7[%gather3A_2410, %gather3A_2411, %gather3A_2412, %gather3A_2413] : memref<2x2x64x128xf32, #tpu.memory_space<vmem>> -> memref<1x1x64x128xf32, #tpu.memory_space<vmem>>
      %gather3A_2415 = tpu.memref_squeeze %gather3A_2414 : memref<1x1x64x128xf32, #tpu.memory_space<vmem>> -> memref<64x128xf32, #tpu.memory_space<vmem>>
      %gather3A_2416 = tpu.vector_load_idx %gather3A_2415[%add3A_17, %add3A_2337] : memref<64x128xf32, #tpu.memory_space<vmem>>[vector<16xi32>, vector<16xi32>], vector<16xf32>,
      %gather3A_2417 = arith.constant 0 : i32
      %gather3A_2418 = arith.constant 0 : i32
      %gather3A_2419 = arith.constant 0 : i32
      %gather3A_2420 = arith.constant 0 : i32
      %gather3A_2421 = tpu.memref_slice %arg8[%gather3A_2417, %gather3A_2418, %gather3A_2419, %gather3A_2420] : memref<2x2x64x128xf32, #tpu.memory_space<vmem>> -> memref<1x1x64x128xf32, #tpu.memory_space<vmem>>
      %gather3A_2422 = tpu.memref_squeeze %gather3A_2421 : memref<1x1x64x128xf32, #tpu.memory_space<vmem>> -> memref<64x128xf32, #tpu.memory_space<vmem>>
      %gather3A_2423 = tpu.vector_load_idx %gather3A_2422[%add3A_17, %add3A_2337] : memref<64x128xf32, #tpu.memory_space<vmem>>[vector<16xi32>, vector<16xi32>], vector<16xf32>,
      %swap3A_2424 = arith.index_cast %add3A_2333 : i32 to index
      %swap3A_2425 = arith.constant 48 : index
      %swap3A_2426 = tpu.vector_load %arg9[%swap3A_2424, %swap3A_2425] {strides = array<i32>} : memref<32x256xf32, #tpu.memory_space<vmem>>, vector<16xf32>,
      tpu.vector_store %arg9[%swap3A_2424, %swap3A_2425], %gather3A_2416 {strides = array<i32>} : memref<32x256xf32, #tpu.memory_space<vmem>>, vector<16xf32>,
      %swap3A_2427 = arith.index_cast %add3A_2333 : i32 to index
      %swap3A_2428 = arith.constant 112 : index
      %swap3A_2429 = tpu.vector_load %arg9[%swap3A_2427, %swap3A_2428] {strides = array<i32>} : memref<32x256xf32, #tpu.memory_space<vmem>>, vector<16xf32>,
      tpu.vector_store %arg9[%swap3A_2427, %swap3A_2428], %gather3A_2423 {strides = array<i32>} : memref<32x256xf32, #tpu.memory_space<vmem>>, vector<16xf32>,
      %mul3A_2430 = arith.mulf %gather3A_2423, %gather3A_2423 : vector<16xf32>
      %swap3A_2431 = arith.index_cast %add3A_2333 : i32 to index
      %swap3A_2432 = arith.constant 176 : index
      %swap3A_2433 = tpu.vector_load %arg9[%swap3A_2431, %swap3A_2432] {strides = array<i32>} : memref<32x256xf32, #tpu.memory_space<vmem>>, vector<16xf32>,
      tpu.vector_store %arg9[%swap3A_2431, %swap3A_2432], %mul3A_2430 {strides = array<i32>} : memref<32x256xf32, #tpu.memory_space<vmem>>, vector<16xf32>,
      %slice3A_2434 = vector.extract_strided_slice %get3A_97 {offsets = [13], sizes = [1], strides = [1]} : vector<16xi32> to vector<1xi32>
      %squeeze3A_2435 = vector.extract %slice3A_2434[0] : i32 from vector<1xi32>
      %add3A_2436 = arith.constant 12 : i32
      %add3A_2437 = arith.addi %mul3A_106, %add3A_2436 : i32
      %add3A_2438 = arith.constant 1 : i32
      %add3A_2439 = arith.addi %add3A_2437, %add3A_2438 : i32
      %and3A_2440 = arith.constant 127 : i32
      %and3A_2441 = arith.andi %squeeze3A_2435, %and3A_2440 : i32
      %add3A_2442 = vector.broadcast %and3A_2441 : i32 to vector<16xi32>
      %add3A_2443 = arith.addi %broadcast_in_dim3A_18, %add3A_2442 : vector<16xi32>
      %gather3A_2444 = arith.constant 0 : i32
      %gather3A_2445 = arith.constant 1 : i32
      %gather3A_2446 = arith.constant 0 : i32
      %gather3A_2447 = arith.constant 0 : i32
      %gather3A_2448 = tpu.memref_slice %arg7[%gather3A_2444, %gather3A_2445, %gather3A_2446, %gather3A_2447] : memref<2x2x64x128xf32, #tpu.memory_space<vmem>> -> memref<1x1x64x128xf32, #tpu.memory_space<vmem>>
      %gather3A_2449 = tpu.memref_squeeze %gather3A_2448 : memref<1x1x64x128xf32, #tpu.memory_space<vmem>> -> memref<64x128xf32, #tpu.memory_space<vmem>>
      %gather3A_2450 = tpu.vector_load_idx %gather3A_2449[%add3A_5, %add3A_2443] : memref<64x128xf32, #tpu.memory_space<vmem>>[vector<16xi32>, vector<16xi32>], vector<16xf32>,
      %gather3A_2451 = arith.constant 0 : i32
      %gather3A_2452 = arith.constant 1 : i32
      %gather3A_2453 = arith.constant 0 : i32
      %gather3A_2454 = arith.constant 0 : i32
      %gather3A_2455 = tpu.memref_slice %arg8[%gather3A_2451, %gather3A_2452, %gather3A_2453, %gather3A_2454] : memref<2x2x64x128xf32, #tpu.memory_space<vmem>> -> memref<1x1x64x128xf32, #tpu.memory_space<vmem>>
      %gather3A_2456 = tpu.memref_squeeze %gather3A_2455 : memref<1x1x64x128xf32, #tpu.memory_space<vmem>> -> memref<64x128xf32, #tpu.memory_space<vmem>>
      %gather3A_2457 = tpu.vector_load_idx %gather3A_2456[%add3A_5, %add3A_2443] : memref<64x128xf32, #tpu.memory_space<vmem>>[vector<16xi32>, vector<16xi32>], vector<16xf32>,
      %swap3A_2458 = arith.index_cast %add3A_2439 : i32 to index
      %swap3A_2459 = arith.constant 0 : index
      %swap3A_2460 = tpu.vector_load %arg9[%swap3A_2458, %swap3A_2459] {strides = array<i32>} : memref<32x256xf32, #tpu.memory_space<vmem>>, vector<16xf32>,
      tpu.vector_store %arg9[%swap3A_2458, %swap3A_2459], %gather3A_2450 {strides = array<i32>} : memref<32x256xf32, #tpu.memory_space<vmem>>, vector<16xf32>,
      %swap3A_2461 = arith.index_cast %add3A_2439 : i32 to index
      %swap3A_2462 = arith.constant 64 : index
      %swap3A_2463 = tpu.vector_load %arg9[%swap3A_2461, %swap3A_2462] {strides = array<i32>} : memref<32x256xf32, #tpu.memory_space<vmem>>, vector<16xf32>,
      tpu.vector_store %arg9[%swap3A_2461, %swap3A_2462], %gather3A_2457 {strides = array<i32>} : memref<32x256xf32, #tpu.memory_space<vmem>>, vector<16xf32>,
      %mul3A_2464 = arith.mulf %gather3A_2457, %gather3A_2457 : vector<16xf32>
      %swap3A_2465 = arith.index_cast %add3A_2439 : i32 to index
      %swap3A_2466 = arith.constant 128 : index
      %swap3A_2467 = tpu.vector_load %arg9[%swap3A_2465, %swap3A_2466] {strides = array<i32>} : memref<32x256xf32, #tpu.memory_space<vmem>>, vector<16xf32>,
      tpu.vector_store %arg9[%swap3A_2465, %swap3A_2466], %mul3A_2464 {strides = array<i32>} : memref<32x256xf32, #tpu.memory_space<vmem>>, vector<16xf32>,
      %gather3A_2468 = arith.constant 0 : i32
      %gather3A_2469 = arith.constant 1 : i32
      %gather3A_2470 = arith.constant 0 : i32
      %gather3A_2471 = arith.constant 0 : i32
      %gather3A_2472 = tpu.memref_slice %arg7[%gather3A_2468, %gather3A_2469, %gather3A_2470, %gather3A_2471] : memref<2x2x64x128xf32, #tpu.memory_space<vmem>> -> memref<1x1x64x128xf32, #tpu.memory_space<vmem>>
      %gather3A_2473 = tpu.memref_squeeze %gather3A_2472 : memref<1x1x64x128xf32, #tpu.memory_space<vmem>> -> memref<64x128xf32, #tpu.memory_space<vmem>>
      %gather3A_2474 = tpu.vector_load_idx %gather3A_2473[%add3A_9, %add3A_2443] : memref<64x128xf32, #tpu.memory_space<vmem>>[vector<16xi32>, vector<16xi32>], vector<16xf32>,
      %gather3A_2475 = arith.constant 0 : i32
      %gather3A_2476 = arith.constant 1 : i32
      %gather3A_2477 = arith.constant 0 : i32
      %gather3A_2478 = arith.constant 0 : i32
      %gather3A_2479 = tpu.memref_slice %arg8[%gather3A_2475, %gather3A_2476, %gather3A_2477, %gather3A_2478] : memref<2x2x64x128xf32, #tpu.memory_space<vmem>> -> memref<1x1x64x128xf32, #tpu.memory_space<vmem>>
      %gather3A_2480 = tpu.memref_squeeze %gather3A_2479 : memref<1x1x64x128xf32, #tpu.memory_space<vmem>> -> memref<64x128xf32, #tpu.memory_space<vmem>>
      %gather3A_2481 = tpu.vector_load_idx %gather3A_2480[%add3A_9, %add3A_2443] : memref<64x128xf32, #tpu.memory_space<vmem>>[vector<16xi32>, vector<16xi32>], vector<16xf32>,
      %swap3A_2482 = arith.index_cast %add3A_2439 : i32 to index
      %swap3A_2483 = arith.constant 16 : index
      %swap3A_2484 = tpu.vector_load %arg9[%swap3A_2482, %swap3A_2483] {strides = array<i32>} : memref<32x256xf32, #tpu.memory_space<vmem>>, vector<16xf32>,
      tpu.vector_store %arg9[%swap3A_2482, %swap3A_2483], %gather3A_2474 {strides = array<i32>} : memref<32x256xf32, #tpu.memory_space<vmem>>, vector<16xf32>,
      %swap3A_2485 = arith.index_cast %add3A_2439 : i32 to index
      %swap3A_2486 = arith.constant 80 : index
      %swap3A_2487 = tpu.vector_load %arg9[%swap3A_2485, %swap3A_2486] {strides = array<i32>} : memref<32x256xf32, #tpu.memory_space<vmem>>, vector<16xf32>,
      tpu.vector_store %arg9[%swap3A_2485, %swap3A_2486], %gather3A_2481 {strides = array<i32>} : memref<32x256xf32, #tpu.memory_space<vmem>>, vector<16xf32>,
      %mul3A_2488 = arith.mulf %gather3A_2481, %gather3A_2481 : vector<16xf32>
      %swap3A_2489 = arith.index_cast %add3A_2439 : i32 to index
      %swap3A_2490 = arith.constant 144 : index
      %swap3A_2491 = tpu.vector_load %arg9[%swap3A_2489, %swap3A_2490] {strides = array<i32>} : memref<32x256xf32, #tpu.memory_space<vmem>>, vector<16xf32>,
      tpu.vector_store %arg9[%swap3A_2489, %swap3A_2490], %mul3A_2488 {strides = array<i32>} : memref<32x256xf32, #tpu.memory_space<vmem>>, vector<16xf32>,
      %gather3A_2492 = arith.constant 0 : i32
      %gather3A_2493 = arith.constant 1 : i32
      %gather3A_2494 = arith.constant 0 : i32
      %gather3A_2495 = arith.constant 0 : i32
      %gather3A_2496 = tpu.memref_slice %arg7[%gather3A_2492, %gather3A_2493, %gather3A_2494, %gather3A_2495] : memref<2x2x64x128xf32, #tpu.memory_space<vmem>> -> memref<1x1x64x128xf32, #tpu.memory_space<vmem>>
      %gather3A_2497 = tpu.memref_squeeze %gather3A_2496 : memref<1x1x64x128xf32, #tpu.memory_space<vmem>> -> memref<64x128xf32, #tpu.memory_space<vmem>>
      %gather3A_2498 = tpu.vector_load_idx %gather3A_2497[%add3A_13, %add3A_2443] : memref<64x128xf32, #tpu.memory_space<vmem>>[vector<16xi32>, vector<16xi32>], vector<16xf32>,
      %gather3A_2499 = arith.constant 0 : i32
      %gather3A_2500 = arith.constant 1 : i32
      %gather3A_2501 = arith.constant 0 : i32
      %gather3A_2502 = arith.constant 0 : i32
      %gather3A_2503 = tpu.memref_slice %arg8[%gather3A_2499, %gather3A_2500, %gather3A_2501, %gather3A_2502] : memref<2x2x64x128xf32, #tpu.memory_space<vmem>> -> memref<1x1x64x128xf32, #tpu.memory_space<vmem>>
      %gather3A_2504 = tpu.memref_squeeze %gather3A_2503 : memref<1x1x64x128xf32, #tpu.memory_space<vmem>> -> memref<64x128xf32, #tpu.memory_space<vmem>>
      %gather3A_2505 = tpu.vector_load_idx %gather3A_2504[%add3A_13, %add3A_2443] : memref<64x128xf32, #tpu.memory_space<vmem>>[vector<16xi32>, vector<16xi32>], vector<16xf32>,
      %swap3A_2506 = arith.index_cast %add3A_2439 : i32 to index
      %swap3A_2507 = arith.constant 32 : index
      %swap3A_2508 = tpu.vector_load %arg9[%swap3A_2506, %swap3A_2507] {strides = array<i32>} : memref<32x256xf32, #tpu.memory_space<vmem>>, vector<16xf32>,
      tpu.vector_store %arg9[%swap3A_2506, %swap3A_2507], %gather3A_2498 {strides = array<i32>} : memref<32x256xf32, #tpu.memory_space<vmem>>, vector<16xf32>,
      %swap3A_2509 = arith.index_cast %add3A_2439 : i32 to index
      %swap3A_2510 = arith.constant 96 : index
      %swap3A_2511 = tpu.vector_load %arg9[%swap3A_2509, %swap3A_2510] {strides = array<i32>} : memref<32x256xf32, #tpu.memory_space<vmem>>, vector<16xf32>,
      tpu.vector_store %arg9[%swap3A_2509, %swap3A_2510], %gather3A_2505 {strides = array<i32>} : memref<32x256xf32, #tpu.memory_space<vmem>>, vector<16xf32>,
      %mul3A_2512 = arith.mulf %gather3A_2505, %gather3A_2505 : vector<16xf32>
      %swap3A_2513 = arith.index_cast %add3A_2439 : i32 to index
      %swap3A_2514 = arith.constant 160 : index
      %swap3A_2515 = tpu.vector_load %arg9[%swap3A_2513, %swap3A_2514] {strides = array<i32>} : memref<32x256xf32, #tpu.memory_space<vmem>>, vector<16xf32>,
      tpu.vector_store %arg9[%swap3A_2513, %swap3A_2514], %mul3A_2512 {strides = array<i32>} : memref<32x256xf32, #tpu.memory_space<vmem>>, vector<16xf32>,
      %gather3A_2516 = arith.constant 0 : i32
      %gather3A_2517 = arith.constant 1 : i32
      %gather3A_2518 = arith.constant 0 : i32
      %gather3A_2519 = arith.constant 0 : i32
      %gather3A_2520 = tpu.memref_slice %arg7[%gather3A_2516, %gather3A_2517, %gather3A_2518, %gather3A_2519] : memref<2x2x64x128xf32, #tpu.memory_space<vmem>> -> memref<1x1x64x128xf32, #tpu.memory_space<vmem>>
      %gather3A_2521 = tpu.memref_squeeze %gather3A_2520 : memref<1x1x64x128xf32, #tpu.memory_space<vmem>> -> memref<64x128xf32, #tpu.memory_space<vmem>>
      %gather3A_2522 = tpu.vector_load_idx %gather3A_2521[%add3A_17, %add3A_2443] : memref<64x128xf32, #tpu.memory_space<vmem>>[vector<16xi32>, vector<16xi32>], vector<16xf32>,
      %gather3A_2523 = arith.constant 0 : i32
      %gather3A_2524 = arith.constant 1 : i32
      %gather3A_2525 = arith.constant 0 : i32
      %gather3A_2526 = arith.constant 0 : i32
      %gather3A_2527 = tpu.memref_slice %arg8[%gather3A_2523, %gather3A_2524, %gather3A_2525, %gather3A_2526] : memref<2x2x64x128xf32, #tpu.memory_space<vmem>> -> memref<1x1x64x128xf32, #tpu.memory_space<vmem>>
      %gather3A_2528 = tpu.memref_squeeze %gather3A_2527 : memref<1x1x64x128xf32, #tpu.memory_space<vmem>> -> memref<64x128xf32, #tpu.memory_space<vmem>>
      %gather3A_2529 = tpu.vector_load_idx %gather3A_2528[%add3A_17, %add3A_2443] : memref<64x128xf32, #tpu.memory_space<vmem>>[vector<16xi32>, vector<16xi32>], vector<16xf32>,
      %swap3A_2530 = arith.index_cast %add3A_2439 : i32 to index
      %swap3A_2531 = arith.constant 48 : index
      %swap3A_2532 = tpu.vector_load %arg9[%swap3A_2530, %swap3A_2531] {strides = array<i32>} : memref<32x256xf32, #tpu.memory_space<vmem>>, vector<16xf32>,
      tpu.vector_store %arg9[%swap3A_2530, %swap3A_2531], %gather3A_2522 {strides = array<i32>} : memref<32x256xf32, #tpu.memory_space<vmem>>, vector<16xf32>,
      %swap3A_2533 = arith.index_cast %add3A_2439 : i32 to index
      %swap3A_2534 = arith.constant 112 : index
      %swap3A_2535 = tpu.vector_load %arg9[%swap3A_2533, %swap3A_2534] {strides = array<i32>} : memref<32x256xf32, #tpu.memory_space<vmem>>, vector<16xf32>,
      tpu.vector_store %arg9[%swap3A_2533, %swap3A_2534], %gather3A_2529 {strides = array<i32>} : memref<32x256xf32, #tpu.memory_space<vmem>>, vector<16xf32>,
      %mul3A_2536 = arith.mulf %gather3A_2529, %gather3A_2529 : vector<16xf32>
      %swap3A_2537 = arith.index_cast %add3A_2439 : i32 to index
      %swap3A_2538 = arith.constant 176 : index
      %swap3A_2539 = tpu.vector_load %arg9[%swap3A_2537, %swap3A_2538] {strides = array<i32>} : memref<32x256xf32, #tpu.memory_space<vmem>>, vector<16xf32>,
      tpu.vector_store %arg9[%swap3A_2537, %swap3A_2538], %mul3A_2536 {strides = array<i32>} : memref<32x256xf32, #tpu.memory_space<vmem>>, vector<16xf32>,
      %lt3A = arith.constant 31 : i32
      %lt3A_2540 = arith.cmpi slt, %scan3A_93, %lt3A : i32
      %convert_element_type3A = arith.extui %lt3A_2540 : i1 to i32
      %cond3A = arith.constant 0 : i32
      %cond3A_2541 = arith.cmpi ne, %convert_element_type3A, %cond3A : i32
      scf.if %cond3A_2541 {
        %slice3A_2822 = vector.extract_strided_slice %get3A_103 {offsets = [0], sizes = [1], strides = [1]} : vector<16xi32> to vector<1xi32>
        %squeeze3A_2823 = vector.extract %slice3A_2822[0] : i32 from vector<1xi32>
        %shift_right_logical3A_2824 = arith.constant 7 : i32
        %shift_right_logical3A_2825 = arith.shrui %squeeze3A_2823, %shift_right_logical3A_2824 : i32
        %min3A_2826 = arith.constant 7812 : i32
        %min3A_2827 = arith.minsi %shift_right_logical3A_2825, %min3A_2826 : i32
        %mul3A_2828 = arith.constant 128 : i32
        %mul3A_2829 = arith.muli %min3A_2827, %mul3A_2828 : i32
        %multiple_of3A_2830 = tpu.assume_multiple %mul3A_2829, 128 : i32
        %dma_start3A_2831 = arith.constant 0 : i32
        %dma_start3A_2832 = arith.constant 0 : i32
        %dma_start3A_2833 = arith.constant 0 : i32
        %dma_start3A_2834 = arith.constant 0 : i32
        %dma_start3A_2835 = tpu.memref_slice %arg7[%dma_start3A_2831, %dma_start3A_2832, %dma_start3A_2833, %dma_start3A_2834] : memref<2x2x64x128xf32, #tpu.memory_space<vmem>> -> memref<1x1x64x128xf32, #tpu.memory_space<vmem>>
        %dma_start3A_2836 = tpu.memref_squeeze %dma_start3A_2835 : memref<1x1x64x128xf32, #tpu.memory_space<vmem>> -> memref<64x128xf32, #tpu.memory_space<vmem>>
        %dma_start3A_2837 = arith.constant 0 : i32
        %dma_start3A_2838 = tpu.memref_slice %arg3[%dma_start3A_2837, %multiple_of3A_2830] : memref<64x1000000xf32, #tpu.memory_space<hbm>> -> memref<64x128xf32, #tpu.memory_space<hbm>>
        %dma_start3A_2839 = arith.constant 0 : i32
        %dma_start3A_2840 = arith.constant 0 : i32
        %dma_start3A_2841 = tpu.memref_slice %arg7[%dma_start3A_2831, %dma_start3A_2832, %dma_start3A_2839, %dma_start3A_2840] : memref<2x2x64x128xf32, #tpu.memory_space<vmem>> -> memref<1x1x64x128xf32, #tpu.memory_space<vmem>>
        %dma_start3A_2842 = tpu.memref_squeeze %dma_start3A_2841 : memref<1x1x64x128xf32, #tpu.memory_space<vmem>> -> memref<64x128xf32, #tpu.memory_space<vmem>>
        %dma_start3A_2843 = arith.constant 0 : i32
        %dma_start3A_2844 = tpu.memref_slice %arg3[%dma_start3A_2843, %multiple_of3A_2830] : memref<64x1000000xf32, #tpu.memory_space<hbm>> -> memref<64x128xf32, #tpu.memory_space<hbm>>
        tpu.enqueue_dma source(%dma_start3A_2844 : memref<64x128xf32, #tpu.memory_space<hbm>>) target(%dma_start3A_2842 : memref<64x128xf32, #tpu.memory_space<vmem>>) target_semaphore(%arg10 : memref<!tpu.dma_semaphore, #tpu.memory_space<semaphore_mem>>)
        %dma_start3A_2845 = arith.constant 0 : i32
        %dma_start3A_2846 = arith.constant 0 : i32
        %dma_start3A_2847 = arith.constant 0 : i32
        %dma_start3A_2848 = arith.constant 0 : i32
        %dma_start3A_2849 = tpu.memref_slice %arg8[%dma_start3A_2845, %dma_start3A_2846, %dma_start3A_2847, %dma_start3A_2848] : memref<2x2x64x128xf32, #tpu.memory_space<vmem>> -> memref<1x1x64x128xf32, #tpu.memory_space<vmem>>
        %dma_start3A_2850 = tpu.memref_squeeze %dma_start3A_2849 : memref<1x1x64x128xf32, #tpu.memory_space<vmem>> -> memref<64x128xf32, #tpu.memory_space<vmem>>
        %dma_start3A_2851 = arith.constant 0 : i32
        %dma_start3A_2852 = tpu.memref_slice %arg4[%dma_start3A_2851, %multiple_of3A_2830] : memref<64x1000000xf32, #tpu.memory_space<hbm>> -> memref<64x128xf32, #tpu.memory_space<hbm>>
        %dma_start3A_2853 = arith.constant 0 : i32
        %dma_start3A_2854 = arith.constant 0 : i32
        %dma_start3A_2855 = tpu.memref_slice %arg8[%dma_start3A_2845, %dma_start3A_2846, %dma_start3A_2853, %dma_start3A_2854] : memref<2x2x64x128xf32, #tpu.memory_space<vmem>> -> memref<1x1x64x128xf32, #tpu.memory_space<vmem>>
        %dma_start3A_2856 = tpu.memref_squeeze %dma_start3A_2855 : memref<1x1x64x128xf32, #tpu.memory_space<vmem>> -> memref<64x128xf32, #tpu.memory_space<vmem>>
        %dma_start3A_2857 = arith.constant 0 : i32
        %dma_start3A_2858 = tpu.memref_slice %arg4[%dma_start3A_2857, %multiple_of3A_2830] : memref<64x1000000xf32, #tpu.memory_space<hbm>> -> memref<64x128xf32, #tpu.memory_space<hbm>>
        tpu.enqueue_dma source(%dma_start3A_2858 : memref<64x128xf32, #tpu.memory_space<hbm>>) target(%dma_start3A_2856 : memref<64x128xf32, #tpu.memory_space<vmem>>) target_semaphore(%arg10 : memref<!tpu.dma_semaphore, #tpu.memory_space<semaphore_mem>>)
        %slice3A_2859 = vector.extract_strided_slice %get3A_103 {offsets = [1], sizes = [1], strides = [1]} : vector<16xi32> to vector<1xi32>
        %squeeze3A_2860 = vector.extract %slice3A_2859[0] : i32 from vector<1xi32>
        %shift_right_logical3A_2861 = arith.constant 7 : i32
        %shift_right_logical3A_2862 = arith.shrui %squeeze3A_2860, %shift_right_logical3A_2861 : i32
        %min3A_2863 = arith.constant 7812 : i32
        %min3A_2864 = arith.minsi %shift_right_logical3A_2862, %min3A_2863 : i32
        %mul3A_2865 = arith.constant 128 : i32
        %mul3A_2866 = arith.muli %min3A_2864, %mul3A_2865 : i32
        %multiple_of3A_2867 = tpu.assume_multiple %mul3A_2866, 128 : i32
        %dma_start3A_2868 = arith.constant 0 : i32
        %dma_start3A_2869 = arith.constant 1 : i32
        %dma_start3A_2870 = arith.constant 0 : i32
        %dma_start3A_2871 = arith.constant 0 : i32
        %dma_start3A_2872 = tpu.memref_slice %arg7[%dma_start3A_2868, %dma_start3A_2869, %dma_start3A_2870, %dma_start3A_2871] : memref<2x2x64x128xf32, #tpu.memory_space<vmem>> -> memref<1x1x64x128xf32, #tpu.memory_space<vmem>>
        %dma_start3A_2873 = tpu.memref_squeeze %dma_start3A_2872 : memref<1x1x64x128xf32, #tpu.memory_space<vmem>> -> memref<64x128xf32, #tpu.memory_space<vmem>>
        %dma_start3A_2874 = arith.constant 0 : i32
        %dma_start3A_2875 = tpu.memref_slice %arg3[%dma_start3A_2874, %multiple_of3A_2867] : memref<64x1000000xf32, #tpu.memory_space<hbm>> -> memref<64x128xf32, #tpu.memory_space<hbm>>
        %dma_start3A_2876 = arith.constant 0 : i32
        %dma_start3A_2877 = arith.constant 0 : i32
        %dma_start3A_2878 = tpu.memref_slice %arg7[%dma_start3A_2868, %dma_start3A_2869, %dma_start3A_2876, %dma_start3A_2877] : memref<2x2x64x128xf32, #tpu.memory_space<vmem>> -> memref<1x1x64x128xf32, #tpu.memory_space<vmem>>
        %dma_start3A_2879 = tpu.memref_squeeze %dma_start3A_2878 : memref<1x1x64x128xf32, #tpu.memory_space<vmem>> -> memref<64x128xf32, #tpu.memory_space<vmem>>
        %dma_start3A_2880 = arith.constant 0 : i32
        %dma_start3A_2881 = tpu.memref_slice %arg3[%dma_start3A_2880, %multiple_of3A_2867] : memref<64x1000000xf32, #tpu.memory_space<hbm>> -> memref<64x128xf32, #tpu.memory_space<hbm>>
        tpu.enqueue_dma source(%dma_start3A_2881 : memref<64x128xf32, #tpu.memory_space<hbm>>) target(%dma_start3A_2879 : memref<64x128xf32, #tpu.memory_space<vmem>>) target_semaphore(%arg10 : memref<!tpu.dma_semaphore, #tpu.memory_space<semaphore_mem>>)
        %dma_start3A_2882 = arith.constant 0 : i32
        %dma_start3A_2883 = arith.constant 1 : i32
        %dma_start3A_2884 = arith.constant 0 : i32
        %dma_start3A_2885 = arith.constant 0 : i32
        %dma_start3A_2886 = tpu.memref_slice %arg8[%dma_start3A_2882, %dma_start3A_2883, %dma_start3A_2884, %dma_start3A_2885] : memref<2x2x64x128xf32, #tpu.memory_space<vmem>> -> memref<1x1x64x128xf32, #tpu.memory_space<vmem>>
        %dma_start3A_2887 = tpu.memref_squeeze %dma_start3A_2886 : memref<1x1x64x128xf32, #tpu.memory_space<vmem>> -> memref<64x128xf32, #tpu.memory_space<vmem>>
        %dma_start3A_2888 = arith.constant 0 : i32
        %dma_start3A_2889 = tpu.memref_slice %arg4[%dma_start3A_2888, %multiple_of3A_2867] : memref<64x1000000xf32, #tpu.memory_space<hbm>> -> memref<64x128xf32, #tpu.memory_space<hbm>>
        %dma_start3A_2890 = arith.constant 0 : i32
        %dma_start3A_2891 = arith.constant 0 : i32
        %dma_start3A_2892 = tpu.memref_slice %arg8[%dma_start3A_2882, %dma_start3A_2883, %dma_start3A_2890, %dma_start3A_2891] : memref<2x2x64x128xf32, #tpu.memory_space<vmem>> -> memref<1x1x64x128xf32, #tpu.memory_space<vmem>>
        %dma_start3A_2893 = tpu.memref_squeeze %dma_start3A_2892 : memref<1x1x64x128xf32, #tpu.memory_space<vmem>> -> memref<64x128xf32, #tpu.memory_space<vmem>>
        %dma_start3A_2894 = arith.constant 0 : i32
        %dma_start3A_2895 = tpu.memref_slice %arg4[%dma_start3A_2894, %multiple_of3A_2867] : memref<64x1000000xf32, #tpu.memory_space<hbm>> -> memref<64x128xf32, #tpu.memory_space<hbm>>
        tpu.enqueue_dma source(%dma_start3A_2895 : memref<64x128xf32, #tpu.memory_space<hbm>>) target(%dma_start3A_2893 : memref<64x128xf32, #tpu.memory_space<vmem>>) target_semaphore(%arg10 : memref<!tpu.dma_semaphore, #tpu.memory_space<semaphore_mem>>)
      } else {
      }
      %dma_wait3A_2542 = arith.constant 1 : i32
      %dma_wait3A_2543 = arith.constant 0 : i32
      %dma_wait3A_2544 = arith.constant 0 : i32
      %dma_wait3A_2545 = arith.constant 0 : i32
      %dma_wait3A_2546 = tpu.memref_slice %arg7[%dma_wait3A_2542, %dma_wait3A_2543, %dma_wait3A_2544, %dma_wait3A_2545] : memref<2x2x64x128xf32, #tpu.memory_space<vmem>> -> memref<1x1x64x128xf32, #tpu.memory_space<vmem>>
      %dma_wait3A_2547 = tpu.memref_squeeze %dma_wait3A_2546 : memref<1x1x64x128xf32, #tpu.memory_space<vmem>> -> memref<64x128xf32, #tpu.memory_space<vmem>>
      %dma_wait3A_2548 = arith.constant 0 : i32
      %dma_wait3A_2549 = arith.constant 0 : i32
      %dma_wait3A_2550 = tpu.memref_slice %arg3[%dma_wait3A_2548, %dma_wait3A_2549] : memref<64x1000000xf32, #tpu.memory_space<hbm>> -> memref<64x128xf32, #tpu.memory_space<hbm>>
      %dma_wait3A_2551 = arith.constant 0 : i32
      %dma_wait3A_2552 = arith.constant 0 : i32
      %dma_wait3A_2553 = tpu.memref_slice %arg7[%dma_wait3A_2542, %dma_wait3A_2543, %dma_wait3A_2551, %dma_wait3A_2552] : memref<2x2x64x128xf32, #tpu.memory_space<vmem>> -> memref<1x1x64x128xf32, #tpu.memory_space<vmem>>
      %dma_wait3A_2554 = tpu.memref_squeeze %dma_wait3A_2553 : memref<1x1x64x128xf32, #tpu.memory_space<vmem>> -> memref<64x128xf32, #tpu.memory_space<vmem>>
      %dma_wait3A_2555 = arith.constant 0 : i32
      %dma_wait3A_2556 = arith.constant 0 : i32
      %dma_wait3A_2557 = tpu.memref_slice %arg3[%dma_wait3A_2555, %dma_wait3A_2556] : memref<64x1000000xf32, #tpu.memory_space<hbm>> -> memref<64x128xf32, #tpu.memory_space<hbm>>
      tpu.wait_dma2 semaphore(%arg11 : memref<!tpu.dma_semaphore, #tpu.memory_space<semaphore_mem>>) src(%dma_wait3A_2557 : memref<64x128xf32, #tpu.memory_space<hbm>>) dst(%dma_wait3A_2554 : memref<64x128xf32, #tpu.memory_space<vmem>>)
      %dma_wait3A_2558 = arith.constant 1 : i32
      %dma_wait3A_2559 = arith.constant 1 : i32
      %dma_wait3A_2560 = arith.constant 0 : i32
      %dma_wait3A_2561 = arith.constant 0 : i32
      %dma_wait3A_2562 = tpu.memref_slice %arg7[%dma_wait3A_2558, %dma_wait3A_2559, %dma_wait3A_2560, %dma_wait3A_2561] : memref<2x2x64x128xf32, #tpu.memory_space<vmem>> -> memref<1x1x64x128xf32, #tpu.memory_space<vmem>>
      %dma_wait3A_2563 = tpu.memref_squeeze %dma_wait3A_2562 : memref<1x1x64x128xf32, #tpu.memory_space<vmem>> -> memref<64x128xf32, #tpu.memory_space<vmem>>
      %dma_wait3A_2564 = arith.constant 0 : i32
      %dma_wait3A_2565 = arith.constant 0 : i32
      %dma_wait3A_2566 = tpu.memref_slice %arg3[%dma_wait3A_2564, %dma_wait3A_2565] : memref<64x1000000xf32, #tpu.memory_space<hbm>> -> memref<64x128xf32, #tpu.memory_space<hbm>>
      %dma_wait3A_2567 = arith.constant 0 : i32
      %dma_wait3A_2568 = arith.constant 0 : i32
      %dma_wait3A_2569 = tpu.memref_slice %arg7[%dma_wait3A_2558, %dma_wait3A_2559, %dma_wait3A_2567, %dma_wait3A_2568] : memref<2x2x64x128xf32, #tpu.memory_space<vmem>> -> memref<1x1x64x128xf32, #tpu.memory_space<vmem>>
      %dma_wait3A_2570 = tpu.memref_squeeze %dma_wait3A_2569 : memref<1x1x64x128xf32, #tpu.memory_space<vmem>> -> memref<64x128xf32, #tpu.memory_space<vmem>>
      %dma_wait3A_2571 = arith.constant 0 : i32
      %dma_wait3A_2572 = arith.constant 0 : i32
      %dma_wait3A_2573 = tpu.memref_slice %arg3[%dma_wait3A_2571, %dma_wait3A_2572] : memref<64x1000000xf32, #tpu.memory_space<hbm>> -> memref<64x128xf32, #tpu.memory_space<hbm>>
      tpu.wait_dma2 semaphore(%arg11 : memref<!tpu.dma_semaphore, #tpu.memory_space<semaphore_mem>>) src(%dma_wait3A_2573 : memref<64x128xf32, #tpu.memory_space<hbm>>) dst(%dma_wait3A_2570 : memref<64x128xf32, #tpu.memory_space<vmem>>)
      %dma_wait3A_2574 = arith.constant 1 : i32
      %dma_wait3A_2575 = arith.constant 0 : i32
      %dma_wait3A_2576 = arith.constant 0 : i32
      %dma_wait3A_2577 = arith.constant 0 : i32
      %dma_wait3A_2578 = tpu.memref_slice %arg8[%dma_wait3A_2574, %dma_wait3A_2575, %dma_wait3A_2576, %dma_wait3A_2577] : memref<2x2x64x128xf32, #tpu.memory_space<vmem>> -> memref<1x1x64x128xf32, #tpu.memory_space<vmem>>
      %dma_wait3A_2579 = tpu.memref_squeeze %dma_wait3A_2578 : memref<1x1x64x128xf32, #tpu.memory_space<vmem>> -> memref<64x128xf32, #tpu.memory_space<vmem>>
      %dma_wait3A_2580 = arith.constant 0 : i32
      %dma_wait3A_2581 = arith.constant 0 : i32
      %dma_wait3A_2582 = tpu.memref_slice %arg3[%dma_wait3A_2580, %dma_wait3A_2581] : memref<64x1000000xf32, #tpu.memory_space<hbm>> -> memref<64x128xf32, #tpu.memory_space<hbm>>
      %dma_wait3A_2583 = arith.constant 0 : i32
      %dma_wait3A_2584 = arith.constant 0 : i32
      %dma_wait3A_2585 = tpu.memref_slice %arg8[%dma_wait3A_2574, %dma_wait3A_2575, %dma_wait3A_2583, %dma_wait3A_2584] : memref<2x2x64x128xf32, #tpu.memory_space<vmem>> -> memref<1x1x64x128xf32, #tpu.memory_space<vmem>>
      %dma_wait3A_2586 = tpu.memref_squeeze %dma_wait3A_2585 : memref<1x1x64x128xf32, #tpu.memory_space<vmem>> -> memref<64x128xf32, #tpu.memory_space<vmem>>
      %dma_wait3A_2587 = arith.constant 0 : i32
      %dma_wait3A_2588 = arith.constant 0 : i32
      %dma_wait3A_2589 = tpu.memref_slice %arg3[%dma_wait3A_2587, %dma_wait3A_2588] : memref<64x1000000xf32, #tpu.memory_space<hbm>> -> memref<64x128xf32, #tpu.memory_space<hbm>>
      tpu.wait_dma2 semaphore(%arg11 : memref<!tpu.dma_semaphore, #tpu.memory_space<semaphore_mem>>) src(%dma_wait3A_2589 : memref<64x128xf32, #tpu.memory_space<hbm>>) dst(%dma_wait3A_2586 : memref<64x128xf32, #tpu.memory_space<vmem>>)
      %dma_wait3A_2590 = arith.constant 1 : i32
      %dma_wait3A_2591 = arith.constant 1 : i32
      %dma_wait3A_2592 = arith.constant 0 : i32
      %dma_wait3A_2593 = arith.constant 0 : i32
      %dma_wait3A_2594 = tpu.memref_slice %arg8[%dma_wait3A_2590, %dma_wait3A_2591, %dma_wait3A_2592, %dma_wait3A_2593] : memref<2x2x64x128xf32, #tpu.memory_space<vmem>> -> memref<1x1x64x128xf32, #tpu.memory_space<vmem>>
      %dma_wait3A_2595 = tpu.memref_squeeze %dma_wait3A_2594 : memref<1x1x64x128xf32, #tpu.memory_space<vmem>> -> memref<64x128xf32, #tpu.memory_space<vmem>>
      %dma_wait3A_2596 = arith.constant 0 : i32
      %dma_wait3A_2597 = arith.constant 0 : i32
      %dma_wait3A_2598 = tpu.memref_slice %arg3[%dma_wait3A_2596, %dma_wait3A_2597] : memref<64x1000000xf32, #tpu.memory_space<hbm>> -> memref<64x128xf32, #tpu.memory_space<hbm>>
      %dma_wait3A_2599 = arith.constant 0 : i32
      %dma_wait3A_2600 = arith.constant 0 : i32
      %dma_wait3A_2601 = tpu.memref_slice %arg8[%dma_wait3A_2590, %dma_wait3A_2591, %dma_wait3A_2599, %dma_wait3A_2600] : memref<2x2x64x128xf32, #tpu.memory_space<vmem>> -> memref<1x1x64x128xf32, #tpu.memory_space<vmem>>
      %dma_wait3A_2602 = tpu.memref_squeeze %dma_wait3A_2601 : memref<1x1x64x128xf32, #tpu.memory_space<vmem>> -> memref<64x128xf32, #tpu.memory_space<vmem>>
      %dma_wait3A_2603 = arith.constant 0 : i32
      %dma_wait3A_2604 = arith.constant 0 : i32
      %dma_wait3A_2605 = tpu.memref_slice %arg3[%dma_wait3A_2603, %dma_wait3A_2604] : memref<64x1000000xf32, #tpu.memory_space<hbm>> -> memref<64x128xf32, #tpu.memory_space<hbm>>
      tpu.wait_dma2 semaphore(%arg11 : memref<!tpu.dma_semaphore, #tpu.memory_space<semaphore_mem>>) src(%dma_wait3A_2605 : memref<64x128xf32, #tpu.memory_space<hbm>>) dst(%dma_wait3A_2602 : memref<64x128xf32, #tpu.memory_space<vmem>>)
      %slice3A_2606 = vector.extract_strided_slice %get3A_97 {offsets = [14], sizes = [1], strides = [1]} : vector<16xi32> to vector<1xi32>
      %squeeze3A_2607 = vector.extract %slice3A_2606[0] : i32 from vector<1xi32>
      %add3A_2608 = arith.constant 14 : i32
      %add3A_2609 = arith.addi %mul3A_106, %add3A_2608 : i32
      %and3A_2610 = arith.constant 127 : i32
      %and3A_2611 = arith.andi %squeeze3A_2607, %and3A_2610 : i32
      %add3A_2612 = vector.broadcast %and3A_2611 : i32 to vector<16xi32>
      %add3A_2613 = arith.addi %broadcast_in_dim3A_18, %add3A_2612 : vector<16xi32>
      %gather3A_2614 = arith.constant 1 : i32
      %gather3A_2615 = arith.constant 0 : i32
      %gather3A_2616 = arith.constant 0 : i32
      %gather3A_2617 = arith.constant 0 : i32
      %gather3A_2618 = tpu.memref_slice %arg7[%gather3A_2614, %gather3A_2615, %gather3A_2616, %gather3A_2617] : memref<2x2x64x128xf32, #tpu.memory_space<vmem>> -> memref<1x1x64x128xf32, #tpu.memory_space<vmem>>
      %gather3A_2619 = tpu.memref_squeeze %gather3A_2618 : memref<1x1x64x128xf32, #tpu.memory_space<vmem>> -> memref<64x128xf32, #tpu.memory_space<vmem>>
      %gather3A_2620 = tpu.vector_load_idx %gather3A_2619[%add3A_5, %add3A_2613] : memref<64x128xf32, #tpu.memory_space<vmem>>[vector<16xi32>, vector<16xi32>], vector<16xf32>,
      %gather3A_2621 = arith.constant 1 : i32
      %gather3A_2622 = arith.constant 0 : i32
      %gather3A_2623 = arith.constant 0 : i32
      %gather3A_2624 = arith.constant 0 : i32
      %gather3A_2625 = tpu.memref_slice %arg8[%gather3A_2621, %gather3A_2622, %gather3A_2623, %gather3A_2624] : memref<2x2x64x128xf32, #tpu.memory_space<vmem>> -> memref<1x1x64x128xf32, #tpu.memory_space<vmem>>
      %gather3A_2626 = tpu.memref_squeeze %gather3A_2625 : memref<1x1x64x128xf32, #tpu.memory_space<vmem>> -> memref<64x128xf32, #tpu.memory_space<vmem>>
      %gather3A_2627 = tpu.vector_load_idx %gather3A_2626[%add3A_5, %add3A_2613] : memref<64x128xf32, #tpu.memory_space<vmem>>[vector<16xi32>, vector<16xi32>], vector<16xf32>,
      %swap3A_2628 = arith.index_cast %add3A_2609 : i32 to index
      %swap3A_2629 = arith.constant 0 : index
      %swap3A_2630 = tpu.vector_load %arg9[%swap3A_2628, %swap3A_2629] {strides = array<i32>} : memref<32x256xf32, #tpu.memory_space<vmem>>, vector<16xf32>,
      tpu.vector_store %arg9[%swap3A_2628, %swap3A_2629], %gather3A_2620 {strides = array<i32>} : memref<32x256xf32, #tpu.memory_space<vmem>>, vector<16xf32>,
      %swap3A_2631 = arith.index_cast %add3A_2609 : i32 to index
      %swap3A_2632 = arith.constant 64 : index
      %swap3A_2633 = tpu.vector_load %arg9[%swap3A_2631, %swap3A_2632] {strides = array<i32>} : memref<32x256xf32, #tpu.memory_space<vmem>>, vector<16xf32>,
      tpu.vector_store %arg9[%swap3A_2631, %swap3A_2632], %gather3A_2627 {strides = array<i32>} : memref<32x256xf32, #tpu.memory_space<vmem>>, vector<16xf32>,
      %mul3A_2634 = arith.mulf %gather3A_2627, %gather3A_2627 : vector<16xf32>
      %swap3A_2635 = arith.index_cast %add3A_2609 : i32 to index
      %swap3A_2636 = arith.constant 128 : index
      %swap3A_2637 = tpu.vector_load %arg9[%swap3A_2635, %swap3A_2636] {strides = array<i32>} : memref<32x256xf32, #tpu.memory_space<vmem>>, vector<16xf32>,
      tpu.vector_store %arg9[%swap3A_2635, %swap3A_2636], %mul3A_2634 {strides = array<i32>} : memref<32x256xf32, #tpu.memory_space<vmem>>, vector<16xf32>,
      %gather3A_2638 = arith.constant 1 : i32
      %gather3A_2639 = arith.constant 0 : i32
      %gather3A_2640 = arith.constant 0 : i32
      %gather3A_2641 = arith.constant 0 : i32
      %gather3A_2642 = tpu.memref_slice %arg7[%gather3A_2638, %gather3A_2639, %gather3A_2640, %gather3A_2641] : memref<2x2x64x128xf32, #tpu.memory_space<vmem>> -> memref<1x1x64x128xf32, #tpu.memory_space<vmem>>
      %gather3A_2643 = tpu.memref_squeeze %gather3A_2642 : memref<1x1x64x128xf32, #tpu.memory_space<vmem>> -> memref<64x128xf32, #tpu.memory_space<vmem>>
      %gather3A_2644 = tpu.vector_load_idx %gather3A_2643[%add3A_9, %add3A_2613] : memref<64x128xf32, #tpu.memory_space<vmem>>[vector<16xi32>, vector<16xi32>], vector<16xf32>,
      %gather3A_2645 = arith.constant 1 : i32
      %gather3A_2646 = arith.constant 0 : i32
      %gather3A_2647 = arith.constant 0 : i32
      %gather3A_2648 = arith.constant 0 : i32
      %gather3A_2649 = tpu.memref_slice %arg8[%gather3A_2645, %gather3A_2646, %gather3A_2647, %gather3A_2648] : memref<2x2x64x128xf32, #tpu.memory_space<vmem>> -> memref<1x1x64x128xf32, #tpu.memory_space<vmem>>
      %gather3A_2650 = tpu.memref_squeeze %gather3A_2649 : memref<1x1x64x128xf32, #tpu.memory_space<vmem>> -> memref<64x128xf32, #tpu.memory_space<vmem>>
      %gather3A_2651 = tpu.vector_load_idx %gather3A_2650[%add3A_9, %add3A_2613] : memref<64x128xf32, #tpu.memory_space<vmem>>[vector<16xi32>, vector<16xi32>], vector<16xf32>,
      %swap3A_2652 = arith.index_cast %add3A_2609 : i32 to index
      %swap3A_2653 = arith.constant 16 : index
      %swap3A_2654 = tpu.vector_load %arg9[%swap3A_2652, %swap3A_2653] {strides = array<i32>} : memref<32x256xf32, #tpu.memory_space<vmem>>, vector<16xf32>,
      tpu.vector_store %arg9[%swap3A_2652, %swap3A_2653], %gather3A_2644 {strides = array<i32>} : memref<32x256xf32, #tpu.memory_space<vmem>>, vector<16xf32>,
      %swap3A_2655 = arith.index_cast %add3A_2609 : i32 to index
      %swap3A_2656 = arith.constant 80 : index
      %swap3A_2657 = tpu.vector_load %arg9[%swap3A_2655, %swap3A_2656] {strides = array<i32>} : memref<32x256xf32, #tpu.memory_space<vmem>>, vector<16xf32>,
      tpu.vector_store %arg9[%swap3A_2655, %swap3A_2656], %gather3A_2651 {strides = array<i32>} : memref<32x256xf32, #tpu.memory_space<vmem>>, vector<16xf32>,
      %mul3A_2658 = arith.mulf %gather3A_2651, %gather3A_2651 : vector<16xf32>
      %swap3A_2659 = arith.index_cast %add3A_2609 : i32 to index
      %swap3A_2660 = arith.constant 144 : index
      %swap3A_2661 = tpu.vector_load %arg9[%swap3A_2659, %swap3A_2660] {strides = array<i32>} : memref<32x256xf32, #tpu.memory_space<vmem>>, vector<16xf32>,
      tpu.vector_store %arg9[%swap3A_2659, %swap3A_2660], %mul3A_2658 {strides = array<i32>} : memref<32x256xf32, #tpu.memory_space<vmem>>, vector<16xf32>,
      %gather3A_2662 = arith.constant 1 : i32
      %gather3A_2663 = arith.constant 0 : i32
      %gather3A_2664 = arith.constant 0 : i32
      %gather3A_2665 = arith.constant 0 : i32
      %gather3A_2666 = tpu.memref_slice %arg7[%gather3A_2662, %gather3A_2663, %gather3A_2664, %gather3A_2665] : memref<2x2x64x128xf32, #tpu.memory_space<vmem>> -> memref<1x1x64x128xf32, #tpu.memory_space<vmem>>
      %gather3A_2667 = tpu.memref_squeeze %gather3A_2666 : memref<1x1x64x128xf32, #tpu.memory_space<vmem>> -> memref<64x128xf32, #tpu.memory_space<vmem>>
      %gather3A_2668 = tpu.vector_load_idx %gather3A_2667[%add3A_13, %add3A_2613] : memref<64x128xf32, #tpu.memory_space<vmem>>[vector<16xi32>, vector<16xi32>], vector<16xf32>,
      %gather3A_2669 = arith.constant 1 : i32
      %gather3A_2670 = arith.constant 0 : i32
      %gather3A_2671 = arith.constant 0 : i32
      %gather3A_2672 = arith.constant 0 : i32
      %gather3A_2673 = tpu.memref_slice %arg8[%gather3A_2669, %gather3A_2670, %gather3A_2671, %gather3A_2672] : memref<2x2x64x128xf32, #tpu.memory_space<vmem>> -> memref<1x1x64x128xf32, #tpu.memory_space<vmem>>
      %gather3A_2674 = tpu.memref_squeeze %gather3A_2673 : memref<1x1x64x128xf32, #tpu.memory_space<vmem>> -> memref<64x128xf32, #tpu.memory_space<vmem>>
      %gather3A_2675 = tpu.vector_load_idx %gather3A_2674[%add3A_13, %add3A_2613] : memref<64x128xf32, #tpu.memory_space<vmem>>[vector<16xi32>, vector<16xi32>], vector<16xf32>,
      %swap3A_2676 = arith.index_cast %add3A_2609 : i32 to index
      %swap3A_2677 = arith.constant 32 : index
      %swap3A_2678 = tpu.vector_load %arg9[%swap3A_2676, %swap3A_2677] {strides = array<i32>} : memref<32x256xf32, #tpu.memory_space<vmem>>, vector<16xf32>,
      tpu.vector_store %arg9[%swap3A_2676, %swap3A_2677], %gather3A_2668 {strides = array<i32>} : memref<32x256xf32, #tpu.memory_space<vmem>>, vector<16xf32>,
      %swap3A_2679 = arith.index_cast %add3A_2609 : i32 to index
      %swap3A_2680 = arith.constant 96 : index
      %swap3A_2681 = tpu.vector_load %arg9[%swap3A_2679, %swap3A_2680] {strides = array<i32>} : memref<32x256xf32, #tpu.memory_space<vmem>>, vector<16xf32>,
      tpu.vector_store %arg9[%swap3A_2679, %swap3A_2680], %gather3A_2675 {strides = array<i32>} : memref<32x256xf32, #tpu.memory_space<vmem>>, vector<16xf32>,
      %mul3A_2682 = arith.mulf %gather3A_2675, %gather3A_2675 : vector<16xf32>
      %swap3A_2683 = arith.index_cast %add3A_2609 : i32 to index
      %swap3A_2684 = arith.constant 160 : index
      %swap3A_2685 = tpu.vector_load %arg9[%swap3A_2683, %swap3A_2684] {strides = array<i32>} : memref<32x256xf32, #tpu.memory_space<vmem>>, vector<16xf32>,
      tpu.vector_store %arg9[%swap3A_2683, %swap3A_2684], %mul3A_2682 {strides = array<i32>} : memref<32x256xf32, #tpu.memory_space<vmem>>, vector<16xf32>,
      %gather3A_2686 = arith.constant 1 : i32
      %gather3A_2687 = arith.constant 0 : i32
      %gather3A_2688 = arith.constant 0 : i32
      %gather3A_2689 = arith.constant 0 : i32
      %gather3A_2690 = tpu.memref_slice %arg7[%gather3A_2686, %gather3A_2687, %gather3A_2688, %gather3A_2689] : memref<2x2x64x128xf32, #tpu.memory_space<vmem>> -> memref<1x1x64x128xf32, #tpu.memory_space<vmem>>
      %gather3A_2691 = tpu.memref_squeeze %gather3A_2690 : memref<1x1x64x128xf32, #tpu.memory_space<vmem>> -> memref<64x128xf32, #tpu.memory_space<vmem>>
      %gather3A_2692 = tpu.vector_load_idx %gather3A_2691[%add3A_17, %add3A_2613] : memref<64x128xf32, #tpu.memory_space<vmem>>[vector<16xi32>, vector<16xi32>], vector<16xf32>,
      %gather3A_2693 = arith.constant 1 : i32
      %gather3A_2694 = arith.constant 0 : i32
      %gather3A_2695 = arith.constant 0 : i32
      %gather3A_2696 = arith.constant 0 : i32
      %gather3A_2697 = tpu.memref_slice %arg8[%gather3A_2693, %gather3A_2694, %gather3A_2695, %gather3A_2696] : memref<2x2x64x128xf32, #tpu.memory_space<vmem>> -> memref<1x1x64x128xf32, #tpu.memory_space<vmem>>
      %gather3A_2698 = tpu.memref_squeeze %gather3A_2697 : memref<1x1x64x128xf32, #tpu.memory_space<vmem>> -> memref<64x128xf32, #tpu.memory_space<vmem>>
      %gather3A_2699 = tpu.vector_load_idx %gather3A_2698[%add3A_17, %add3A_2613] : memref<64x128xf32, #tpu.memory_space<vmem>>[vector<16xi32>, vector<16xi32>], vector<16xf32>,
      %swap3A_2700 = arith.index_cast %add3A_2609 : i32 to index
      %swap3A_2701 = arith.constant 48 : index
      %swap3A_2702 = tpu.vector_load %arg9[%swap3A_2700, %swap3A_2701] {strides = array<i32>} : memref<32x256xf32, #tpu.memory_space<vmem>>, vector<16xf32>,
      tpu.vector_store %arg9[%swap3A_2700, %swap3A_2701], %gather3A_2692 {strides = array<i32>} : memref<32x256xf32, #tpu.memory_space<vmem>>, vector<16xf32>,
      %swap3A_2703 = arith.index_cast %add3A_2609 : i32 to index
      %swap3A_2704 = arith.constant 112 : index
      %swap3A_2705 = tpu.vector_load %arg9[%swap3A_2703, %swap3A_2704] {strides = array<i32>} : memref<32x256xf32, #tpu.memory_space<vmem>>, vector<16xf32>,
      tpu.vector_store %arg9[%swap3A_2703, %swap3A_2704], %gather3A_2699 {strides = array<i32>} : memref<32x256xf32, #tpu.memory_space<vmem>>, vector<16xf32>,
      %mul3A_2706 = arith.mulf %gather3A_2699, %gather3A_2699 : vector<16xf32>
      %swap3A_2707 = arith.index_cast %add3A_2609 : i32 to index
      %swap3A_2708 = arith.constant 176 : index
      %swap3A_2709 = tpu.vector_load %arg9[%swap3A_2707, %swap3A_2708] {strides = array<i32>} : memref<32x256xf32, #tpu.memory_space<vmem>>, vector<16xf32>,
      tpu.vector_store %arg9[%swap3A_2707, %swap3A_2708], %mul3A_2706 {strides = array<i32>} : memref<32x256xf32, #tpu.memory_space<vmem>>, vector<16xf32>,
      %slice3A_2710 = vector.extract_strided_slice %get3A_97 {offsets = [15], sizes = [1], strides = [1]} : vector<16xi32> to vector<1xi32>
      %squeeze3A_2711 = vector.extract %slice3A_2710[0] : i32 from vector<1xi32>
      %add3A_2712 = arith.constant 14 : i32
      %add3A_2713 = arith.addi %mul3A_106, %add3A_2712 : i32
      %add3A_2714 = arith.constant 1 : i32
      %add3A_2715 = arith.addi %add3A_2713, %add3A_2714 : i32
      %and3A_2716 = arith.constant 127 : i32
      %and3A_2717 = arith.andi %squeeze3A_2711, %and3A_2716 : i32
      %add3A_2718 = vector.broadcast %and3A_2717 : i32 to vector<16xi32>
      %add3A_2719 = arith.addi %broadcast_in_dim3A_18, %add3A_2718 : vector<16xi32>
      %gather3A_2720 = arith.constant 1 : i32
      %gather3A_2721 = arith.constant 1 : i32
      %gather3A_2722 = arith.constant 0 : i32
      %gather3A_2723 = arith.constant 0 : i32
      %gather3A_2724 = tpu.memref_slice %arg7[%gather3A_2720, %gather3A_2721, %gather3A_2722, %gather3A_2723] : memref<2x2x64x128xf32, #tpu.memory_space<vmem>> -> memref<1x1x64x128xf32, #tpu.memory_space<vmem>>
      %gather3A_2725 = tpu.memref_squeeze %gather3A_2724 : memref<1x1x64x128xf32, #tpu.memory_space<vmem>> -> memref<64x128xf32, #tpu.memory_space<vmem>>
      %gather3A_2726 = tpu.vector_load_idx %gather3A_2725[%add3A_5, %add3A_2719] : memref<64x128xf32, #tpu.memory_space<vmem>>[vector<16xi32>, vector<16xi32>], vector<16xf32>,
      %gather3A_2727 = arith.constant 1 : i32
      %gather3A_2728 = arith.constant 1 : i32
      %gather3A_2729 = arith.constant 0 : i32
      %gather3A_2730 = arith.constant 0 : i32
      %gather3A_2731 = tpu.memref_slice %arg8[%gather3A_2727, %gather3A_2728, %gather3A_2729, %gather3A_2730] : memref<2x2x64x128xf32, #tpu.memory_space<vmem>> -> memref<1x1x64x128xf32, #tpu.memory_space<vmem>>
      %gather3A_2732 = tpu.memref_squeeze %gather3A_2731 : memref<1x1x64x128xf32, #tpu.memory_space<vmem>> -> memref<64x128xf32, #tpu.memory_space<vmem>>
      %gather3A_2733 = tpu.vector_load_idx %gather3A_2732[%add3A_5, %add3A_2719] : memref<64x128xf32, #tpu.memory_space<vmem>>[vector<16xi32>, vector<16xi32>], vector<16xf32>,
      %swap3A_2734 = arith.index_cast %add3A_2715 : i32 to index
      %swap3A_2735 = arith.constant 0 : index
      %swap3A_2736 = tpu.vector_load %arg9[%swap3A_2734, %swap3A_2735] {strides = array<i32>} : memref<32x256xf32, #tpu.memory_space<vmem>>, vector<16xf32>,
      tpu.vector_store %arg9[%swap3A_2734, %swap3A_2735], %gather3A_2726 {strides = array<i32>} : memref<32x256xf32, #tpu.memory_space<vmem>>, vector<16xf32>,
      %swap3A_2737 = arith.index_cast %add3A_2715 : i32 to index
      %swap3A_2738 = arith.constant 64 : index
      %swap3A_2739 = tpu.vector_load %arg9[%swap3A_2737, %swap3A_2738] {strides = array<i32>} : memref<32x256xf32, #tpu.memory_space<vmem>>, vector<16xf32>,
      tpu.vector_store %arg9[%swap3A_2737, %swap3A_2738], %gather3A_2733 {strides = array<i32>} : memref<32x256xf32, #tpu.memory_space<vmem>>, vector<16xf32>,
      %mul3A_2740 = arith.mulf %gather3A_2733, %gather3A_2733 : vector<16xf32>
      %swap3A_2741 = arith.index_cast %add3A_2715 : i32 to index
      %swap3A_2742 = arith.constant 128 : index
      %swap3A_2743 = tpu.vector_load %arg9[%swap3A_2741, %swap3A_2742] {strides = array<i32>} : memref<32x256xf32, #tpu.memory_space<vmem>>, vector<16xf32>,
      tpu.vector_store %arg9[%swap3A_2741, %swap3A_2742], %mul3A_2740 {strides = array<i32>} : memref<32x256xf32, #tpu.memory_space<vmem>>, vector<16xf32>,
      %gather3A_2744 = arith.constant 1 : i32
      %gather3A_2745 = arith.constant 1 : i32
      %gather3A_2746 = arith.constant 0 : i32
      %gather3A_2747 = arith.constant 0 : i32
      %gather3A_2748 = tpu.memref_slice %arg7[%gather3A_2744, %gather3A_2745, %gather3A_2746, %gather3A_2747] : memref<2x2x64x128xf32, #tpu.memory_space<vmem>> -> memref<1x1x64x128xf32, #tpu.memory_space<vmem>>
      %gather3A_2749 = tpu.memref_squeeze %gather3A_2748 : memref<1x1x64x128xf32, #tpu.memory_space<vmem>> -> memref<64x128xf32, #tpu.memory_space<vmem>>
      %gather3A_2750 = tpu.vector_load_idx %gather3A_2749[%add3A_9, %add3A_2719] : memref<64x128xf32, #tpu.memory_space<vmem>>[vector<16xi32>, vector<16xi32>], vector<16xf32>,
      %gather3A_2751 = arith.constant 1 : i32
      %gather3A_2752 = arith.constant 1 : i32
      %gather3A_2753 = arith.constant 0 : i32
      %gather3A_2754 = arith.constant 0 : i32
      %gather3A_2755 = tpu.memref_slice %arg8[%gather3A_2751, %gather3A_2752, %gather3A_2753, %gather3A_2754] : memref<2x2x64x128xf32, #tpu.memory_space<vmem>> -> memref<1x1x64x128xf32, #tpu.memory_space<vmem>>
      %gather3A_2756 = tpu.memref_squeeze %gather3A_2755 : memref<1x1x64x128xf32, #tpu.memory_space<vmem>> -> memref<64x128xf32, #tpu.memory_space<vmem>>
      %gather3A_2757 = tpu.vector_load_idx %gather3A_2756[%add3A_9, %add3A_2719] : memref<64x128xf32, #tpu.memory_space<vmem>>[vector<16xi32>, vector<16xi32>], vector<16xf32>,
      %swap3A_2758 = arith.index_cast %add3A_2715 : i32 to index
      %swap3A_2759 = arith.constant 16 : index
      %swap3A_2760 = tpu.vector_load %arg9[%swap3A_2758, %swap3A_2759] {strides = array<i32>} : memref<32x256xf32, #tpu.memory_space<vmem>>, vector<16xf32>,
      tpu.vector_store %arg9[%swap3A_2758, %swap3A_2759], %gather3A_2750 {strides = array<i32>} : memref<32x256xf32, #tpu.memory_space<vmem>>, vector<16xf32>,
      %swap3A_2761 = arith.index_cast %add3A_2715 : i32 to index
      %swap3A_2762 = arith.constant 80 : index
      %swap3A_2763 = tpu.vector_load %arg9[%swap3A_2761, %swap3A_2762] {strides = array<i32>} : memref<32x256xf32, #tpu.memory_space<vmem>>, vector<16xf32>,
      tpu.vector_store %arg9[%swap3A_2761, %swap3A_2762], %gather3A_2757 {strides = array<i32>} : memref<32x256xf32, #tpu.memory_space<vmem>>, vector<16xf32>,
      %mul3A_2764 = arith.mulf %gather3A_2757, %gather3A_2757 : vector<16xf32>
      %swap3A_2765 = arith.index_cast %add3A_2715 : i32 to index
      %swap3A_2766 = arith.constant 144 : index
      %swap3A_2767 = tpu.vector_load %arg9[%swap3A_2765, %swap3A_2766] {strides = array<i32>} : memref<32x256xf32, #tpu.memory_space<vmem>>, vector<16xf32>,
      tpu.vector_store %arg9[%swap3A_2765, %swap3A_2766], %mul3A_2764 {strides = array<i32>} : memref<32x256xf32, #tpu.memory_space<vmem>>, vector<16xf32>,
      %gather3A_2768 = arith.constant 1 : i32
      %gather3A_2769 = arith.constant 1 : i32
      %gather3A_2770 = arith.constant 0 : i32
      %gather3A_2771 = arith.constant 0 : i32
      %gather3A_2772 = tpu.memref_slice %arg7[%gather3A_2768, %gather3A_2769, %gather3A_2770, %gather3A_2771] : memref<2x2x64x128xf32, #tpu.memory_space<vmem>> -> memref<1x1x64x128xf32, #tpu.memory_space<vmem>>
      %gather3A_2773 = tpu.memref_squeeze %gather3A_2772 : memref<1x1x64x128xf32, #tpu.memory_space<vmem>> -> memref<64x128xf32, #tpu.memory_space<vmem>>
      %gather3A_2774 = tpu.vector_load_idx %gather3A_2773[%add3A_13, %add3A_2719] : memref<64x128xf32, #tpu.memory_space<vmem>>[vector<16xi32>, vector<16xi32>], vector<16xf32>,
      %gather3A_2775 = arith.constant 1 : i32
      %gather3A_2776 = arith.constant 1 : i32
      %gather3A_2777 = arith.constant 0 : i32
      %gather3A_2778 = arith.constant 0 : i32
      %gather3A_2779 = tpu.memref_slice %arg8[%gather3A_2775, %gather3A_2776, %gather3A_2777, %gather3A_2778] : memref<2x2x64x128xf32, #tpu.memory_space<vmem>> -> memref<1x1x64x128xf32, #tpu.memory_space<vmem>>
      %gather3A_2780 = tpu.memref_squeeze %gather3A_2779 : memref<1x1x64x128xf32, #tpu.memory_space<vmem>> -> memref<64x128xf32, #tpu.memory_space<vmem>>
      %gather3A_2781 = tpu.vector_load_idx %gather3A_2780[%add3A_13, %add3A_2719] : memref<64x128xf32, #tpu.memory_space<vmem>>[vector<16xi32>, vector<16xi32>], vector<16xf32>,
      %swap3A_2782 = arith.index_cast %add3A_2715 : i32 to index
      %swap3A_2783 = arith.constant 32 : index
      %swap3A_2784 = tpu.vector_load %arg9[%swap3A_2782, %swap3A_2783] {strides = array<i32>} : memref<32x256xf32, #tpu.memory_space<vmem>>, vector<16xf32>,
      tpu.vector_store %arg9[%swap3A_2782, %swap3A_2783], %gather3A_2774 {strides = array<i32>} : memref<32x256xf32, #tpu.memory_space<vmem>>, vector<16xf32>,
      %swap3A_2785 = arith.index_cast %add3A_2715 : i32 to index
      %swap3A_2786 = arith.constant 96 : index
      %swap3A_2787 = tpu.vector_load %arg9[%swap3A_2785, %swap3A_2786] {strides = array<i32>} : memref<32x256xf32, #tpu.memory_space<vmem>>, vector<16xf32>,
      tpu.vector_store %arg9[%swap3A_2785, %swap3A_2786], %gather3A_2781 {strides = array<i32>} : memref<32x256xf32, #tpu.memory_space<vmem>>, vector<16xf32>,
      %mul3A_2788 = arith.mulf %gather3A_2781, %gather3A_2781 : vector<16xf32>
      %swap3A_2789 = arith.index_cast %add3A_2715 : i32 to index
      %swap3A_2790 = arith.constant 160 : index
      %swap3A_2791 = tpu.vector_load %arg9[%swap3A_2789, %swap3A_2790] {strides = array<i32>} : memref<32x256xf32, #tpu.memory_space<vmem>>, vector<16xf32>,
      tpu.vector_store %arg9[%swap3A_2789, %swap3A_2790], %mul3A_2788 {strides = array<i32>} : memref<32x256xf32, #tpu.memory_space<vmem>>, vector<16xf32>,
      %gather3A_2792 = arith.constant 1 : i32
      %gather3A_2793 = arith.constant 1 : i32
      %gather3A_2794 = arith.constant 0 : i32
      %gather3A_2795 = arith.constant 0 : i32
      %gather3A_2796 = tpu.memref_slice %arg7[%gather3A_2792, %gather3A_2793, %gather3A_2794, %gather3A_2795] : memref<2x2x64x128xf32, #tpu.memory_space<vmem>> -> memref<1x1x64x128xf32, #tpu.memory_space<vmem>>
      %gather3A_2797 = tpu.memref_squeeze %gather3A_2796 : memref<1x1x64x128xf32, #tpu.memory_space<vmem>> -> memref<64x128xf32, #tpu.memory_space<vmem>>
      %gather3A_2798 = tpu.vector_load_idx %gather3A_2797[%add3A_17, %add3A_2719] : memref<64x128xf32, #tpu.memory_space<vmem>>[vector<16xi32>, vector<16xi32>], vector<16xf32>,
      %gather3A_2799 = arith.constant 1 : i32
      %gather3A_2800 = arith.constant 1 : i32
      %gather3A_2801 = arith.constant 0 : i32
      %gather3A_2802 = arith.constant 0 : i32
      %gather3A_2803 = tpu.memref_slice %arg8[%gather3A_2799, %gather3A_2800, %gather3A_2801, %gather3A_2802] : memref<2x2x64x128xf32, #tpu.memory_space<vmem>> -> memref<1x1x64x128xf32, #tpu.memory_space<vmem>>
      %gather3A_2804 = tpu.memref_squeeze %gather3A_2803 : memref<1x1x64x128xf32, #tpu.memory_space<vmem>> -> memref<64x128xf32, #tpu.memory_space<vmem>>
      %gather3A_2805 = tpu.vector_load_idx %gather3A_2804[%add3A_17, %add3A_2719] : memref<64x128xf32, #tpu.memory_space<vmem>>[vector<16xi32>, vector<16xi32>], vector<16xf32>,
      %swap3A_2806 = arith.index_cast %add3A_2715 : i32 to index
      %swap3A_2807 = arith.constant 48 : index
      %swap3A_2808 = tpu.vector_load %arg9[%swap3A_2806, %swap3A_2807] {strides = array<i32>} : memref<32x256xf32, #tpu.memory_space<vmem>>, vector<16xf32>,
      tpu.vector_store %arg9[%swap3A_2806, %swap3A_2807], %gather3A_2798 {strides = array<i32>} : memref<32x256xf32, #tpu.memory_space<vmem>>, vector<16xf32>,
      %swap3A_2809 = arith.index_cast %add3A_2715 : i32 to index
      %swap3A_2810 = arith.constant 112 : index
      %swap3A_2811 = tpu.vector_load %arg9[%swap3A_2809, %swap3A_2810] {strides = array<i32>} : memref<32x256xf32, #tpu.memory_space<vmem>>, vector<16xf32>,
      tpu.vector_store %arg9[%swap3A_2809, %swap3A_2810], %gather3A_2805 {strides = array<i32>} : memref<32x256xf32, #tpu.memory_space<vmem>>, vector<16xf32>,
      %mul3A_2812 = arith.mulf %gather3A_2805, %gather3A_2805 : vector<16xf32>
      %swap3A_2813 = arith.index_cast %add3A_2715 : i32 to index
      %swap3A_2814 = arith.constant 176 : index
      %swap3A_2815 = tpu.vector_load %arg9[%swap3A_2813, %swap3A_2814] {strides = array<i32>} : memref<32x256xf32, #tpu.memory_space<vmem>>, vector<16xf32>,
      tpu.vector_store %arg9[%swap3A_2813, %swap3A_2814], %mul3A_2812 {strides = array<i32>} : memref<32x256xf32, #tpu.memory_space<vmem>>, vector<16xf32>,
      %and3A_2816 = arith.constant 1 : i32
      %and3A_2817 = arith.andi %scan3A_93, %and3A_2816 : i32
      %eq3A = arith.constant 1 : i32
      %eq3A_2818 = arith.cmpi eq, %and3A_2817, %eq3A : i32
      %convert_element_type3A_2819 = arith.extui %eq3A_2818 : i1 to i32
      %cond3A_2820 = arith.constant 0 : i32
      %cond3A_2821 = arith.cmpi ne, %convert_element_type3A_2819, %cond3A_2820 : i32
      scf.if %cond3A_2821 {
        %sub3A = arith.constant 1 : i32
        %sub3A_2822 = arith.subi %scan3A_93, %sub3A : i32
        %mul3A_2823 = arith.constant 16 : i32
        %mul3A_2824 = arith.muli %sub3A_2822, %mul3A_2823 : i32
        %add3A_2825 = arith.addi %mul3A_2, %mul3A_2824 : i32
        %multiple_of3A_2826 = tpu.assume_multiple %add3A_2825, 32 : i32
        %dma_start3A_2827 = arith.constant 0 : i32
        %dma_start3A_2828 = tpu.memref_slice %arg5[%multiple_of3A_2826, %dma_start3A_2827] : memref<16384x256xf32, #tpu.memory_space<hbm>> -> memref<32x256xf32, #tpu.memory_space<hbm>>
        %dma_start3A_2829 = arith.constant 0 : i32
        %dma_start3A_2830 = tpu.memref_slice %arg5[%multiple_of3A_2826, %dma_start3A_2829] : memref<16384x256xf32, #tpu.memory_space<hbm>> -> memref<32x256xf32, #tpu.memory_space<hbm>>
        tpu.enqueue_dma source(%arg9 : memref<32x256xf32, #tpu.memory_space<vmem>>) target(%dma_start3A_2830 : memref<32x256xf32, #tpu.memory_space<hbm>>) target_semaphore(%arg12 : memref<!tpu.dma_semaphore, #tpu.memory_space<semaphore_mem>>)
        %dma_wait3A_2831 = arith.constant 0 : i32
        %dma_wait3A_2832 = tpu.memref_slice %arg5[%multiple_of3A_2826, %dma_wait3A_2831] : memref<16384x256xf32, #tpu.memory_space<hbm>> -> memref<32x256xf32, #tpu.memory_space<hbm>>
        %dma_wait3A_2833 = arith.constant 0 : i32
        %dma_wait3A_2834 = tpu.memref_slice %arg5[%multiple_of3A_2826, %dma_wait3A_2833] : memref<16384x256xf32, #tpu.memory_space<hbm>> -> memref<32x256xf32, #tpu.memory_space<hbm>>
        tpu.wait_dma2 semaphore(%arg12 : memref<!tpu.dma_semaphore, #tpu.memory_space<semaphore_mem>>) src(%arg9 : memref<32x256xf32, #tpu.memory_space<vmem>>) dst(%dma_wait3A_2834 : memref<32x256xf32, #tpu.memory_space<hbm>>)
      } else {
      }
    }
    %scan3A_92 = arith.constant 32 : i32
    return
  }
}

</mosaic_0001>

<sc_bundles>
// kernel: kernel.3.cloned.1.call-start
scs
__scs_entry_jumppad:
0x0: {  	(pc) =	sbr.rel $0x88, $3  }
0x1: {  	(tag) =	ssettag $0x0;
	lr =	simm.s32 $0x1  }
0x2: {  	[smem:$0x3F9E] =	sst lr;
	_ =	strace $0xD0000000  }
0x3: {  	_ = 	snop  }
0x4: {  	_ = 	snop  }
0x5: {  	_ = 	snop  }
0x6: {  	_ = 	snop  }
0x7: {  	_ = 	snop  }
__scs_overlays_trampoline_lowered:
0x8: {  	[smem:$0x3FAD] =	sst s0  }
0x9: {  	[smem:$0x3FAE] =	sst s1  }
0xa: {  	[smem:$0x3FAF] =	sst s2  }
0xb: {  	[smem:$0x3FB0] =	sst s3  }
0xc: {  	[smem:$0x3FB1] =	sst s4  }
0xd: {  	[smem:$0x3FB2] =	sst s5  }
0xe: {  	[smem:$0x3FB3] =	sst s6  }
0xf: {  	[smem:$0x3FB4] =	sst s7  }
0x10: {  	[smem:$0x3FB5] =	sst s8  }
0x11: {  	[smem:$0x3FB6] =	sst s9;
	s0 =	simm.s32 @!p0 $0x0  }
0x12: {  	s1 =	sld [smem:$0x3F9C];
	s0 =	simm.s32 @p0 $0x1  }
0x13: {  	[smem:$0x3FB7] =	sst s0;
	s0 =	simm.s32 @!p1 $0x0  }
0x14: {  	s2 =	sld [smem:$0x3F9B];
	s0 =	simm.s32 @p1 $0x1  }
0x15: {  	[smem:$0x3FB8] =	sst s0;
	s0 =	simm.s32 @!p2 $0x0  }
0x16: {  	s3 =	sld [smem:$0x3FDB];
	s0 =	simm.s32 @p2 $0x1  }
0x17: {  	s4 =	simm.s32 $0x1BF5;
	[smem:$0x3FBA] =	sst s0  }
0x18: {  	s0 =	sld [smem:$0x3F9D];
	_ =	swait.ge [sflag:s4], $0x0  }
0x19: {  	s7 =	sld [smem:$0x3F9E]  }
0x1a: {  	s8 =	sadd.s32 $0xFFFFE003, lr  }
0x1b: {  	s9 =	sadd.s32 $0xFFFFFEF7, lr;
	s5 =	simm.s32 $0xFFFFFFFF;
	p2 =	slt.u32 s8, $0xFFFFF086  }
0x1c: {  	p1 =	slt.u32 s9, $0xF7A;
	s5 =	simm.s32 @!p2 $0x0  }
0x1d: {  	s5 =	simm.s32 @p1 $0x1;
	p0 =	seq.s32 s7, s2  }
0x1e: {  	s7 =	smul.u32 @!p0 $0xF7A, s2;
	p2 =	seq.s32 @!p0 s5, $0x0  }
0x1f: {  	s9 =	smul.u32 $0xF7A, s1;
	s8 =	simm.s32 @!p0 $0x1BF5;
	p2 =	por !p2, p0  }
0x20: {  	[sflag:s8] =	ssyncset.s32 @!p0 $0xFFFFF086;
	s6 =	sadd.s32 @!p0 s3, s7;
	s7 =	simm.s32 @!p0 $0x108  }
0x21: {  	s3 =	sadd.s32 s3, s9;
	s6 =	sadd.s32 @!p0 $0x88, s6;
	s7 =	simm.s32 @p2 $0x1082  }
0x22: {  	[simem:s7], [sflag:s8] =	dma.local @!p0 [hbm:s6], $0xF7A  }
0x23: {  	s9 =	sor.u32 $0xD0000000, s2;
	s6 =	simm.s32 $0x108;
	_ =	swait.ge @!p0 [sflag:s8], $0x0  }
0x24: {  	s3 =	sadd.s32 $0x88, s3;
	s6 =	simm.s32 @!p1 $0x1082;
	[sflag:s4] =	ssyncset.s32 $0xFFFFF086  }
0x25: {  	[simem:s6], [sflag:s4] =	dma.local [hbm:s3], $0xF7A  }
0x26: {  	[smem:$0x3F9E] =	sst s1;
	(tag) =	ssettag s2;
	_ =	strace s9  }
0x27: {  	s1 =	sld [smem:$0x3FAE]  }
0x28: {  	s2 =	sld [smem:$0x3FAF]  }
0x29: {  	s4 =	sld [smem:$0x3FB1]  }
0x2a: {  	p0 =	seq.s32 s5, $0x0;
	s5 =	sld [smem:$0x3FB2]  }
0x2b: {  	s6 =	sld [smem:$0x3FB3]  }
0x2c: {  	s7 =	sld [smem:$0x3FB4]  }
0x2d: {  	s3 =	simm.s32 $0x108;
	s8 =	sld [smem:$0x3FB5]  }
0x2e: {  	s3 =	simm.s32 @!p0 $0x1082;
	s9 =	sld [smem:$0x3FB6]  }
0x2f: {  	lr =	sadd.s32 s0, s3;
	s0 =	sld [smem:$0x3FAD]  }
0x30: {  	s3 =	sld [smem:$0x3FB0]  }
0x31: {  	[smem:$0x3FB9] =	sst s10  }
0x32: {  	s10 =	sld [smem:$0x3FB7];
	_ =	sdelay $0x3  }
0x33: {  	p0 =	seq.s32 s10, $0x1;
	s10 =	sld [smem:$0x3FB9];
	_ =	sdelay $0x3  }
0x34: {  	[smem:$0x3FB9] =	sst s10  }
0x35: {  	s10 =	sld [smem:$0x3FB8];
	_ =	sdelay $0x3  }
0x36: {  	p1 =	seq.s32 s10, $0x1;
	s10 =	sld [smem:$0x3FB9];
	_ =	sdelay $0x3  }
0x37: {  	[smem:$0x3FB9] =	sst s10  }
0x38: {  	s10 =	sld [smem:$0x3FBA]  }
0x39: {  	_ = 	snop;
	(pc) =	sbr.ind lr, $3  }
0x3a: {  	_ = 	snop  }
0x3b: {  	_ = 	snop  }
0x3c: {  	p2 =	seq.s32 s10, $0x1;
	s10 =	sld [smem:$0x3FB9]  }
0x3d: {  	_ =	shalt  }
0x3e: {  	_ =	shalt  }
0x3f: {  	_ =	shalt  }
0x40: {  	_ =	shalt  }
0x41: {  	_ =	shalt  }
0x42: {  	_ =	shalt  }
0x43: {  	_ =	shalt  }
0x44: {  	_ =	shalt  }
0x45: {  	_ =	shalt  }
0x46: {  	_ =	shalt  }
0x47: {  	_ =	shalt  }
0x48: {  	_ =	shalt  }
0x49: {  	_ =	shalt  }
0x4a: {  	_ =	shalt  }
0x4b: {  	_ =	shalt  }
0x4c: {  	_ =	shalt  }
0x4d: {  	_ =	shalt  }
0x4e: {  	_ =	shalt  }
0x4f: {  	_ =	shalt  }
0x50: {  	_ =	shalt  }
0x51: {  	_ =	shalt  }
0x52: {  	_ =	shalt  }
0x53: {  	_ =	shalt  }
0x54: {  	_ =	shalt  }
0x55: {  	_ =	shalt  }
0x56: {  	_ =	shalt  }
0x57: {  	_ =	shalt  }
0x58: {  	_ =	shalt  }
0x59: {  	_ =	shalt  }
0x5a: {  	_ =	shalt  }
0x5b: {  	_ =	shalt  }
0x5c: {  	_ =	shalt  }
0x5d: {  	_ =	shalt  }
0x5e: {  	_ =	shalt  }
0x5f: {  	_ =	shalt  }
0x60: {  	_ =	shalt  }
0x61: {  	_ =	shalt  }
0x62: {  	_ =	shalt  }
0x63: {  	_ =	shalt  }
0x64: {  	_ =	shalt  }
0x65: {  	_ =	shalt  }
0x66: {  	_ =	shalt  }
0x67: {  	_ =	shalt  }
0x68: {  	_ =	shalt  }
0x69: {  	_ =	shalt  }
0x6a: {  	_ =	shalt  }
0x6b: {  	_ =	shalt  }
0x6c: {  	_ =	shalt  }
0x6d: {  	_ =	shalt  }
0x6e: {  	_ =	shalt  }
0x6f: {  	_ =	shalt  }
0x70: {  	_ =	shalt  }
0x71: {  	_ =	shalt  }
0x72: {  	_ =	shalt  }
0x73: {  	_ =	shalt  }
0x74: {  	_ =	shalt  }
0x75: {  	_ =	shalt  }
0x76: {  	_ =	shalt  }
0x77: {  	_ =	shalt  }
0x78: {  	_ =	shalt  }
0x79: {  	_ =	shalt  }
0x7a: {  	_ =	shalt  }
0x7b: {  	_ =	shalt  }
0x7c: {  	_ =	shalt  }
0x7d: {  	_ =	shalt  }
0x7e: {  	_ =	shalt  }
0x7f: {  	_ =	shalt  }
0x80: {  	_ =	shalt  }
0x81: {  	_ =	shalt  }
0x82: {  	_ =	shalt  }
0x83: {  	_ =	shalt  }
0x84: {  	_ =	shalt  }
0x85: {  	_ =	shalt  }
0x86: {  	_ =	shalt  }
0x87: {  	_ =	shalt  }
.Lfunc_end0:
.L_simem_size_0:
called_computation_lowered:
.L_overlay_start_0:
0x88: {  	s2 =	sld [smem:$0x3FD9]  }
0x89: {  	s3 =	sld [smem:$0x3FFE];
	_ =	sdelay $0x1  }
0x8a: {  	s1 =	srdreg.scid  }
0x8b: {  	s0 =	sand.u32 $0x1, s1  }
0x8c: {  	s17 =	sshll.u32 s0, $0xA;
	s2 =	sadd.s32 s3, s2  }
0x8d: {  	s2 =	sadd.s32 s2, s17  }
0x8e: {  	[smem:$0x3FC5] =	sst s2  }
0x8f: {  	_ = 	snop  }
0x90: {  	s2 =	sld [smem:$0x3FC9]  }
0x91: {  	s18 =	sld [smem:$0x3FC8]  }
0x92: {  	s4 =	sld [smem:$0x3FC7];
	(tm) =	ssettm $0x1  }
0x93: {  	s5 =	sld [smem:$0x3FFB];
	_ =	sdelay $0x3  }
0x94: {  	_ =	strace s5  }
0x95: {  	s5 =	sld [smem:$0x3FFC];
	_ =	sdelay $0x3  }
0x96: {  	_ =	strace s5  }
0x97: {  	s5 =	sld [smem:$0x3FFD];
	_ =	sdelay $0x3  }
0x98: {  	_ =	strace s5  }
0x99: {  	_ =	strace $0x8FFFFFFF  }
0x9a: {  	s19 =	sld [smem:$0x3FDB];
	_ =	sdelay $0x1  }
0x9b: {  	s6 =	simm.s32 $_scs_section_size  }
0x9c: {  	s7 =	simm.s32 $_size__tile_overlayer_lowered;
	s8 =	simm.s32 $_tile_overlayer_lowered  }
0x9d: {  	s22 =	simm.s32 $0x1BFF;
	s21 =	sshll.u32 s8, $0x1;
	s5 =	sadd.s32 s6, s19  }
0x9e: {  	s9 =	simm.s32 $0x0;
	s20 =	sshll.u32 s7, $0x1;
	s7 =	sadd.s32 s21, s5  }
0x9f: {  	[timem:s9], [sflag:s22] =	dma.local [hbm:s7], s20  }
0xa0: {  	_ =	swait.ge [sflag:s22], s20  }
0xa1: {  	s6 =	ssub.s32 $0x0, s20;
	[sflag:s22] =	ssyncset.done $0x0  }
0xa2: {  	[sflag:s22] =	ssyncadd.s32 s6;
	_ =	sdelay $0x1  }
0xa3: {  	s23 =	simm.s32 $0x1B8B  }
0xa4: {  	_ =	swait.ge [sflag:s23], $0x1  }
0xa5: {  	[sflag:s23] =	ssyncset.done $0x0  }
0xa6: {  	s25 =	simm.s32 $0x1B8E;
	s24 =	sld [smem:$0x3FFE];
	[sflag:s23] =	ssyncadd.s32 $0xFFFFFFFF  }
0xa7: {  	s26 =	simm.s32 $execute0_lowered;
	[smem:$0x3FD2] =	sst s25  }
0xa8: {  	s7 =	sshll.u32 s26, $0x1;
	_ =	strace $0x80000046;
	[dreg:$0x1] =	wrdreg $0xFFFFFFFF  }
0xa9: {  	s28 =	simm.s32 $_size_execute0_lowered;
	s5 =	sadd.s32 s5, s7;
	[dreg:$0x0] =	wrdreg $0x0  }
0xaa: {  	s7 =	sshll.u32 s28, $0x1;
	[dreg:$0x2] =	wrdreg s5  }
0xab: {  	[dreg:$0x3] =	wrdreg s7  }
0xac: {  	[dreg:$0x4] =	wrdreg $0xC0  }
0xad: {  	_ =	task [dreg:s9], $0x5FFFF  }
0xae: {  	[dreg:$0x1] =	wrdreg $0xFFFFFFFF  }
0xaf: {  	[dreg:$0x0] =	wrdreg $0x60  }
0xb0: {  	[dreg:$0x2] =	wrdreg s2  }
0xb1: {  	[dreg:$0x3] =	wrdreg s18  }
0xb2: {  	[dreg:$0x4] =	wrdreg s4  }
0xb3: {  	[dreg:$0x5] =	wrdreg s24  }
0xb4: {  	[dreg:$0x6] =	wrdreg $0x9  }
0xb5: {  	_ =	task.clear_ibuf [dreg:s9], $0x7FFFF;
	_ =	strace $0x90000046  }
0xb6: {  	s29 =	simm.s32 $0x9;
	_ =	strace $0x80000048  }
0xb7: {  	_ =	swait.ge [sflag:s29], $0x1  }
0xb8: {  	[sflag:s29] =	ssyncadd.s32 $0xFFFFFFFF  }
0xb9: {  	_ =	strace $0x90000048  }
0xba: {  	_ =	sfence  }
0xbb: {  	s30 =	sld [smem:$0x0];
	_ =	sdelay $0x2  }
0xbc: {  	s31 =	sshll.u32 s1, $0xD;
	s1 =	sshrl.u32 s1, $0x2  }
0xbd: {  	s3 =	sand.u32 $0x4000, s31;
	s1 =	sadd.s32 s1, s30  }
0xbe: {  	s0 =	sor.u32 s3, s0;
	s1 =	sshll.u32 s1, $0x11  }
0xbf: {  	s0 =	sor.u32 s1, s0  }
0xc0: {  	s0 =	sadd.s32 $0x8F2B, s0  }
0xc1: {  	[sflag:s0] =	ssyncadd.remote.s32 $0x1  }
0xc2: {  	_ =	sfence.sel $0xFFFF  }
0xc3: {  	[dreg:$0x0] =	wrdreg $0xFFFFFFFF;
	(pc) =	sbr.abs _section_cstart, $3  }
0xc4: {  	[dreg:$0x1] =	wrdreg $0xFFFFFFFF  }
0xc5: {  	_ =	task.clear_ibuf [dreg:s9], $0x2FFFF;
	_ =	strace $0x9FFFFFFF  }
0xc6: {  	(tm) =	ssettm $0x7FFFFFFF  }
0xc7: {  	_ =	shalt  }
tec
execute0_lowered:
.L_overlay_start_1:
0x0: {  	(tag) =	ssettag $0x1  }
0x1: {  	s5 =	rddreg [dreg:$0x0]  }
0x2: {  	s1 =	rddreg [dreg:$0x1]  }
0x3: {  	s2 =	rddreg [dreg:$0x2]  }
0x4: {  	s6 =	rddreg [dreg:$0x3];
	s0 =	simm.s32 $0x0  }
0x5: {  	s29 =	stileid.u32;
	s7 =	srdreg.scid;
	s12 =	simm.s32 $0x8280  }
0x6: {  	s13 =	simm.s32 $0x2280;
	s14 =	simm.s32 $0xA280;
	s15 =	simm.s32 $0x4280  }
0x7: {  	s16 =	simm.s32 $0xC280;
	s17 =	simm.s32 $0x6280;
	s18 =	simm.s32 $0xE280  }
0x8: {  	s19 =	simm.s32 $0x1;
	s20 =	simm.s32 $0x2;
	s21 =	simm.s32 $0x0  }
0x9: {  	[smem:$0x7FF] =	sst s0;
	s8 =	sshll.u32 s29, $0xF;
	s7 =	sand.u32 $0x1, s7  }
0xa: {  	s10 =	sshll.u32 s29, $0xA;
	_ =	strace $0x80000047;
	s9 =	ssub.s32 $0x2, s7  }
0xb: {  	s11 =	sshll.u32 s7, $0x9;
	s8 =	sadd.s32 s8, s6;
	s7 =	sshll.u32 s7, $0xE  }
0xc: {  	v0 =	vlaneseq.u32;
	s30 =	sshrl.u32 s9, $0x1;
	s10 =	sor.u32 s11, s10;
	s7 =	sadd.s32 s7, s8  }
0xd: {  	v0 =	vmul.u32 $0x80, v0;
	s8 =	simm.s32 $0x4;
	s11 =	simm.s32 $0x280;
	s6 =	ssub.s32 s9, s30  }
0xe: {  	s31 =	sshrl.u32 s10, $0x3;
	s7 =	sadd.s32 $0x400, s7;
	s9 =	simm.s32 $0x400  }
0xf: {  	v1 =	vor.u32 $0x800, v0;
	v2 =	vor.u32 $0x1000, v0;
	v3 =	vor.u32 $0x1800, v0;
	s10 =	simm.s32 $0x7A1400;
	s5 =	sadd.s32 s5, s31;
	s6 =	smax.u32 s6, $0x1  }
.LBB2_1:
0x10: {  	s0 =	simm.s32 $0x0  }
0x11: {  	[tilespmem:s0], [sflag:$0x4] =	stream.linear.gather [hbm4b:s5+s0], $0x200, $0x38;
	[tilespmem:$0x12280] =	vst v63  }
0x12: {  	_ =	swait.ge [sflag:s8], $0x200  }
0x13: {  	[sflag:s8] =	ssyncset.done $0x0  }
0x14: {  	[sflag:s8] =	ssyncadd.s32 $0xFFFFFE00  }
0x15: {  	v4 =	vld [tilespmem:$0x0];
	_ =	sdelay $0x4  }
0x16: {  	v4 =	vshrl.u32 v4, $0x7  }
0x17: {  	(v2sf) =	vpush v4, $0x0;
	_ =	sdelay $0x4  }
0x18: {  	(v2sf) =	vpush v4, $0x1;
	_ =	sdelay $0x9  }
0x19: {  	s22 =	spop (v2sf)  }
0x1a: {  	s22 =	smin.u32 s22, $0x1E84  }
0x1b: {  	s22 =	sshll.u32 s22, $0x7  }
0x1c: {  	s23 =	sadd.s32 s1, s22  }
0x1d: {  	[tilespmem:s11], [sflag:$0x1] =	stream.strided.gather [hbm4b:s23+s9], $0x2000, s10, s9, $0x38;
	[tilespmem:$0x12280] =	vst v63  }
0x1e: {  	s30 =	spop (v2sf);
	s22 =	sadd.s32 s2, s22  }
0x1f: {  	[tilespmem:s12], [sflag:$0x1] =	stream.strided.gather [hbm4b:s22+s9], $0x2000, s10, s9, $0x38;
	[tilespmem:$0x12280] =	vst v63  }
0x20: {  	s22 =	smin.u32 s30, $0x1E84  }
0x21: {  	s22 =	sshll.u32 s22, $0x7  }
0x22: {  	s31 =	sadd.s32 s1, s22  }
0x23: {  	[tilespmem:s13], [sflag:$0x1] =	stream.strided.gather [hbm4b:s31+s9], $0x2000, s10, s9, $0x38;
	[tilespmem:$0x12280] =	vst v63  }
0x24: {  	s22 =	sadd.s32 s2, s22  }
0x25: {  	[tilespmem:s14], [sflag:$0x1] =	stream.strided.gather [hbm4b:s22+s9], $0x2000, s10, s9, $0x38;
	[tilespmem:$0x12280] =	vst v63  }
0x26: {  	s24 =	simm.s32 $0x0;
	s23 =	smov.u32 s7;
	s22 =	simm.s32 $0x10  }
.LBB2_2:
0x27: {  	v5 =	vld [tilespmem:s22+$0xFFFFFFF0];
	_ =	sdelay $0x4  }
0x28: {  	(v2sf) =	vpush v5, $0x2;
	_ =	sdelay $0x3  }
0x29: {  	(v2sf) =	vpush v5, $0x3;
	_ =	sdelay $0xa  }
0x2a: {  	s30 =	spop (v2sf)  }
0x2b: {  	s25 =	sshrl.u32 s30, $0x7  }
0x2c: {  	s25 =	smin.u32 s25, $0x1E84  }
0x2d: {  	s25 =	sshll.u32 s25, $0x7  }
0x2e: {  	s28 =	spop (v2sf);
	s26 =	sadd.s32 s1, s25  }
0x2f: {  	v4 =	vld [tilespmem:s22+$0x0];
	[tilespmem:s15], [sflag:$0x2] =	stream.strided.gather [hbm4b:s26+s9], $0x2000, s10, s9, $0x38  }
0x30: {  	s3 =	sshrl.u32 s28, $0x7;
	s25 =	sadd.s32 s2, s25  }
0x31: {  	[tilespmem:s16], [sflag:$0x2] =	stream.strided.gather [hbm4b:s25+s9], $0x2000, s10, s9, $0x38;
	[tilespmem:$0x12280] =	vst v63  }
0x32: {  	s25 =	smin.u32 s3, $0x1E84  }
0x33: {  	s25 =	sshll.u32 s25, $0x7  }
0x34: {  	s4 =	sadd.s32 s1, s25  }
0x35: {  	[tilespmem:s17], [sflag:$0x2] =	stream.strided.gather [hbm4b:s4+s9], $0x2000, s10, s9, $0x38;
	[tilespmem:$0x12280] =	vst v63  }
0x36: {  	s25 =	sadd.s32 s2, s25  }
0x37: {  	[tilespmem:s18], [sflag:$0x2] =	stream.strided.gather [hbm4b:s25+s9], $0x2000, s10, s9, $0x38;
	[tilespmem:$0x12280] =	vst v63  }
0x38: {  	_ =	swait.ge [sflag:s19], $0x2000  }
0x39: {  	[sflag:s19] =	ssyncset.done $0x0  }
0x3a: {  	[sflag:s19] =	ssyncadd.s32 $0xFFFFE000  }
0x3b: {  	_ =	swait.ge [sflag:s19], $0x2000  }
0x3c: {  	[sflag:s19] =	ssyncset.done $0x0  }
0x3d: {  	[sflag:s19] =	ssyncadd.s32 $0xFFFFE000  }
0x3e: {  	_ =	swait.ge [sflag:s19], $0x2000  }
0x3f: {  	[sflag:s19] =	ssyncset.done $0x0  }
0x40: {  	[sflag:s19] =	ssyncadd.s32 $0xFFFFE000  }
0x41: {  	_ =	swait.ge [sflag:s19], $0x2000  }
0x42: {  	(v2sf) =	vpush v5, $0x0;
	_ =	sdelay $0xe  }
0x43: {  	s29 =	spop (v2sf)  }
0x44: {  	s29 =	sand.u32 $0x7F, s29  }
0x45: {  	v6 =	vor.u32 s29, v0;
	_ =	sdelay $0x2  }
0x46: {  	[sflag:s19] =	ssyncset.done $0x0  }
0x47: {  	[sflag:s19] =	ssyncadd.s32 $0xFFFFE000  }
0x48: {  	v7 =	vld.idx.msk [tilespmem:v6+s11+$0x0], $0xffff  }
0x49: {  	v6 =	vld.idx.msk [tilespmem:v6+s12+$0x0], $0xffff;
	_ =	sdelay $0x2  }
0x4a: {  	s25 =	sand.u32 $0x1, s24;
	v8 =	vor.u32 s29, v1  }
0x4b: {  	s26 =	sshll.u32 s25, $0xC  }
0x4c: {  	[tilespmem:s26+$0x10280] =	vst v7;
	v56 =	vmul.f32 v6, v6  }
0x4d: {  	[tilespmem:s26+$0x102C0] =	vst v6  }
0x4e: {  	[tilespmem:s26+$0x10680] =	vst v56  }
0x4f: {  	v6 =	vld.idx.msk [tilespmem:v8+s11+$0x0], $0xffff  }
0x50: {  	v7 =	vld.idx.msk [tilespmem:v8+s12+$0x0], $0xffff;
	_ =	sdelay $0x2  }
0x51: {  	v57 =	vor.u32 s29, v2  }
0x52: {  	(v2sf) =	vpush v5, $0x1  }
0x53: {  	[tilespmem:s26+$0x10290] =	vst v6;
	v58 =	vmul.f32 v7, v7  }
0x54: {  	[tilespmem:s26+$0x102D0] =	vst v7  }
0x55: {  	[tilespmem:s26+$0x10690] =	vst v58  }
0x56: {  	v6 =	vld.idx.msk [tilespmem:v57+s11+$0x0], $0xffff  }
0x57: {  	v7 =	vld.idx.msk [tilespmem:v57+s12+$0x0], $0xffff;
	_ =	sdelay $0x2  }
0x58: {  	v59 =	vor.u32 s29, v3;
	_ =	sdelay $0x1  }
0x59: {  	[tilespmem:s26+$0x102A0] =	vst v6;
	v60 =	vmul.f32 v7, v7  }
0x5a: {  	[tilespmem:s26+$0x102E0] =	vst v7  }
0x5b: {  	[tilespmem:s26+$0x106A0] =	vst v60  }
0x5c: {  	v6 =	vld.idx.msk [tilespmem:v59+s11+$0x0], $0xffff  }
0x5d: {  	v7 =	vld.idx.msk [tilespmem:v59+s12+$0x0], $0xffff  }
0x5e: {  	s31 =	spop (v2sf)  }
0x5f: {  	s29 =	sand.u32 $0x7F, s31  }
0x60: {  	v61 =	vor.u32 s29, v0;
	_ =	sdelay $0x1  }
0x61: {  	[tilespmem:s26+$0x102B0] =	vst v6;
	v62 =	vmul.f32 v7, v7  }
0x62: {  	[tilespmem:s26+$0x102F0] =	vst v7  }
0x63: {  	[tilespmem:s26+$0x106B0] =	vst v62  }
0x64: {  	v6 =	vld.idx.msk [tilespmem:v61+s13+$0x0], $0xffff  }
0x65: {  	v7 =	vld.idx.msk [tilespmem:v61+s14+$0x0], $0xffff;
	_ =	sdelay $0x2  }
0x66: {  	v63 =	vor.u32 s29, v1;
	_ =	sdelay $0x1  }
0x67: {  	[tilespmem:s26+$0x10300] =	vst v6;
	v11 =	vmul.f32 v7, v7  }
0x68: {  	[tilespmem:s26+$0x10340] =	vst v7  }
0x69: {  	[tilespmem:s26+$0x10700] =	vst v11  }
0x6a: {  	v6 =	vld.idx.msk [tilespmem:v63+s13+$0x0], $0xffff  }
0x6b: {  	v7 =	vld.idx.msk [tilespmem:v63+s14+$0x0], $0xffff;
	_ =	sdelay $0x2  }
0x6c: {  	v12 =	vor.u32 s29, v2;
	_ =	sdelay $0x1  }
0x6d: {  	(v2sf) =	vpush v5, $0x4;
	[tilespmem:s26+$0x10310] =	vst v6;
	v13 =	vmul.f32 v7, v7  }
0x6e: {  	[tilespmem:s26+$0x10350] =	vst v7  }
0x6f: {  	[tilespmem:s26+$0x10710] =	vst v13  }
0x70: {  	v6 =	vld.idx.msk [tilespmem:v12+s13+$0x0], $0xffff  }
0x71: {  	(v2sf) =	vpush v5, $0x5;
	v7 =	vld.idx.msk [tilespmem:v12+s14+$0x0], $0xffff;
	_ =	sdelay $0x2  }
0x72: {  	v14 =	vor.u32 s29, v3;
	_ =	sdelay $0x1  }
0x73: {  	[tilespmem:s26+$0x10320] =	vst v6;
	v15 =	vmul.f32 v7, v7  }
0x74: {  	[tilespmem:s26+$0x10360] =	vst v7  }
0x75: {  	[tilespmem:s26+$0x10720] =	vst v15  }
0x76: {  	v6 =	vld.idx.msk [tilespmem:v14+s13+$0x0], $0xffff  }
0x77: {  	v7 =	vld.idx.msk [tilespmem:v14+s14+$0x0], $0xffff;
	_ =	sdelay $0x1  }
0x78: {  	s31 =	spop (v2sf)  }
0x79: {  	s0 =	sshrl.u32 s31, $0x7  }
0x7a: {  	s29 =	smin.u32 s0, $0x1E84  }
0x7b: {  	s29 =	sshll.u32 s29, $0x7;
	[tilespmem:s26+$0x10330] =	vst v6;
	v16 =	vmul.f32 v7, v7  }
0x7c: {  	s0 =	sadd.s32 s1, s29;
	s3 =	sadd.s32 s2, s29;
	s29 =	spop (v2sf);
	[tilespmem:s26+$0x10370] =	vst v7  }
0x7d: {  	s4 =	sshrl.u32 s29, $0x7;
	[tilespmem:s26+$0x10730] =	vst v16  }
0x7e: {  	[tilespmem:s11], [sflag:$0x1] =	stream.strided.gather [hbm4b:s0+s9], $0x2000, s10, s9, $0x38;
	[tilespmem:$0x12280] =	vst v63  }
0x7f: {  	s0 =	smin.u32 s4, $0x1E84  }
0x80: {  	s0 =	sshll.u32 s0, $0x7  }
0x81: {  	[tilespmem:s12], [sflag:$0x1] =	stream.strided.gather [hbm4b:s3+s9], $0x2000, s10, s9, $0x38;
	[tilespmem:$0x12280] =	vst v63  }
0x82: {  	s3 =	sadd.s32 s1, s0  }
0x83: {  	[tilespmem:s13], [sflag:$0x1] =	stream.strided.gather [hbm4b:s3+s9], $0x2000, s10, s9, $0x38;
	[tilespmem:$0x12280] =	vst v63  }
0x84: {  	s0 =	sadd.s32 s2, s0  }
0x85: {  	[tilespmem:s14], [sflag:$0x1] =	stream.strided.gather [hbm4b:s0+s9], $0x2000, s10, s9, $0x38;
	[tilespmem:$0x12280] =	vst v63  }
0x86: {  	_ =	swait.ge [sflag:s20], $0x2000  }
0x87: {  	[sflag:s20] =	ssyncset.done $0x0  }
0x88: {  	[sflag:s20] =	ssyncadd.s32 $0xFFFFE000  }
0x89: {  	_ =	swait.ge [sflag:s20], $0x2000  }
0x8a: {  	[sflag:s20] =	ssyncset.done $0x0  }
0x8b: {  	[sflag:s20] =	ssyncadd.s32 $0xFFFFE000  }
0x8c: {  	s30 =	sand.u32 $0x7F, s30;
	_ =	swait.ge [sflag:s20], $0x2000  }
0x8d: {  	v17 =	vor.u32 s30, v0;
	[sflag:s20] =	ssyncset.done $0x0  }
0x8e: {  	[sflag:s20] =	ssyncadd.s32 $0xFFFFE000  }
0x8f: {  	_ =	swait.ge [sflag:s20], $0x2000  }
0x90: {  	[sflag:s20] =	ssyncset.done $0x0  }
0x91: {  	[sflag:s20] =	ssyncadd.s32 $0xFFFFE000  }
0x92: {  	v18 =	vld.idx.msk [tilespmem:v17+s15+$0x0], $0xffff  }
0x93: {  	v6 =	vld.idx.msk [tilespmem:v17+s16+$0x0], $0xffff;
	_ =	sdelay $0x2  }
0x94: {  	v19 =	vor.u32 s30, v1;
	_ =	sdelay $0x1  }
0x95: {  	[tilespmem:s26+$0x10380] =	vst v18;
	v20 =	vmul.f32 v6, v6  }
0x96: {  	[tilespmem:s26+$0x103C0] =	vst v6  }
0x97: {  	[tilespmem:s26+$0x10780] =	vst v20  }
0x98: {  	v6 =	vld.idx.msk [tilespmem:v19+s15+$0x0], $0xffff  }
0x99: {  	v7 =	vld.idx.msk [tilespmem:v19+s16+$0x0], $0xffff;
	_ =	sdelay $0x2  }
0x9a: {  	v21 =	vor.u32 s30, v2;
	_ =	sdelay $0x1  }
0x9b: {  	[tilespmem:s26+$0x10390] =	vst v6;
	v22 =	vmul.f32 v7, v7  }
0x9c: {  	[tilespmem:s26+$0x103D0] =	vst v7  }
0x9d: {  	[tilespmem:s26+$0x10790] =	vst v22  }
0x9e: {  	v6 =	vld.idx.msk [tilespmem:v21+s15+$0x0], $0xffff  }
0x9f: {  	v7 =	vld.idx.msk [tilespmem:v21+s16+$0x0], $0xffff;
	_ =	sdelay $0x2  }
0xa0: {  	v23 =	vor.u32 s30, v3;
	_ =	sdelay $0x1  }
0xa1: {  	[tilespmem:s26+$0x103A0] =	vst v6;
	v24 =	vmul.f32 v7, v7  }
0xa2: {  	[tilespmem:s26+$0x103E0] =	vst v7  }
0xa3: {  	[tilespmem:s26+$0x107A0] =	vst v24  }
0xa4: {  	v6 =	vld.idx.msk [tilespmem:v23+s15+$0x0], $0xffff  }
0xa5: {  	v7 =	vld.idx.msk [tilespmem:v23+s16+$0x0], $0xffff;
	_ =	sdelay $0x1  }
0xa6: {  	s3 =	sand.u32 $0x7F, s28  }
0xa7: {  	v25 =	vor.u32 s3, v0;
	_ =	sdelay $0x1  }
0xa8: {  	[tilespmem:s26+$0x103B0] =	vst v6;
	v26 =	vmul.f32 v7, v7  }
0xa9: {  	[tilespmem:s26+$0x103F0] =	vst v7  }
0xaa: {  	[tilespmem:s26+$0x107B0] =	vst v26  }
0xab: {  	v6 =	vld.idx.msk [tilespmem:v25+s17+$0x0], $0xffff  }
0xac: {  	v7 =	vld.idx.msk [tilespmem:v25+s18+$0x0], $0xffff;
	_ =	sdelay $0x2  }
0xad: {  	v27 =	vor.u32 s3, v1;
	_ =	sdelay $0x1  }
0xae: {  	[tilespmem:s26+$0x10400] =	vst v6;
	v28 =	vmul.f32 v7, v7  }
0xaf: {  	[tilespmem:s26+$0x10440] =	vst v7  }
0xb0: {  	[tilespmem:s26+$0x10800] =	vst v28  }
0xb1: {  	v6 =	vld.idx.msk [tilespmem:v27+s17+$0x0], $0xffff  }
0xb2: {  	v7 =	vld.idx.msk [tilespmem:v27+s18+$0x0], $0xffff;
	_ =	sdelay $0x2  }
0xb3: {  	v29 =	vor.u32 s3, v2;
	_ =	sdelay $0x1  }
0xb4: {  	[tilespmem:s26+$0x10410] =	vst v6;
	v30 =	vmul.f32 v7, v7  }
0xb5: {  	(v2sf) =	vpush v5, $0x6;
	[tilespmem:s26+$0x10450] =	vst v7  }
0xb6: {  	[tilespmem:s26+$0x10810] =	vst v30  }
0xb7: {  	v6 =	vld.idx.msk [tilespmem:v29+s17+$0x0], $0xffff  }
0xb8: {  	v7 =	vld.idx.msk [tilespmem:v29+s18+$0x0], $0xffff;
	_ =	sdelay $0x2  }
0xb9: {  	v31 =	vor.u32 s3, v3;
	(v2sf) =	vpush v5, $0x7;
	_ =	sdelay $0x1  }
0xba: {  	[tilespmem:s26+$0x10420] =	vst v6;
	v32 =	vmul.f32 v7, v7  }
0xbb: {  	[tilespmem:s26+$0x10460] =	vst v7  }
0xbc: {  	[tilespmem:s26+$0x10820] =	vst v32  }
0xbd: {  	v6 =	vld.idx.msk [tilespmem:v31+s17+$0x0], $0xffff  }
0xbe: {  	v7 =	vld.idx.msk [tilespmem:v31+s18+$0x0], $0xffff;
	_ =	sdelay $0x2  }
0xbf: {  	s30 =	spop (v2sf)  }
0xc0: {  	s4 =	sshrl.u32 s30, $0x7  }
0xc1: {  	s0 =	smin.u32 s4, $0x1E84;
	[tilespmem:s26+$0x10430] =	vst v6;
	v33 =	vmul.f32 v7, v7  }
0xc2: {  	s0 =	sshll.u32 s0, $0x7;
	[tilespmem:s26+$0x10470] =	vst v7  }
0xc3: {  	s28 =	sadd.s32 s1, s0;
	[tilespmem:s26+$0x10830] =	vst v33  }
0xc4: {  	[tilespmem:s15], [sflag:$0x2] =	stream.strided.gather [hbm4b:s28+s9], $0x2000, s10, s9, $0x38;
	[tilespmem:$0x12280] =	vst v63  }
0xc5: {  	s28 =	spop (v2sf)  }
0xc6: {  	s0 =	sadd.s32 s2, s0;
	s3 =	sshrl.u32 s28, $0x7  }
0xc7: {  	[tilespmem:s16], [sflag:$0x2] =	stream.strided.gather [hbm4b:s0+s9], $0x2000, s10, s9, $0x38;
	[tilespmem:$0x12280] =	vst v63  }
0xc8: {  	s0 =	smin.u32 s3, $0x1E84  }
0xc9: {  	s0 =	sshll.u32 s0, $0x7  }
0xca: {  	s4 =	sadd.s32 s1, s0  }
0xcb: {  	[tilespmem:s17], [sflag:$0x2] =	stream.strided.gather [hbm4b:s4+s9], $0x2000, s10, s9, $0x38;
	[tilespmem:$0x12280] =	vst v63  }
0xcc: {  	s0 =	sadd.s32 s2, s0  }
0xcd: {  	[tilespmem:s18], [sflag:$0x2] =	stream.strided.gather [hbm4b:s0+s9], $0x2000, s10, s9, $0x38;
	[tilespmem:$0x12280] =	vst v63  }
0xce: {  	_ =	swait.ge [sflag:s19], $0x2000  }
0xcf: {  	[sflag:s19] =	ssyncset.done $0x0  }
0xd0: {  	[sflag:s19] =	ssyncadd.s32 $0xFFFFE000  }
0xd1: {  	_ =	swait.ge [sflag:s19], $0x2000  }
0xd2: {  	[sflag:s19] =	ssyncset.done $0x0  }
0xd3: {  	[sflag:s19] =	ssyncadd.s32 $0xFFFFE000  }
0xd4: {  	s31 =	sand.u32 $0x7F, s31;
	_ =	swait.ge [sflag:s19], $0x2000  }
0xd5: {  	v34 =	vor.u32 s31, v0;
	[sflag:s19] =	ssyncset.done $0x0  }
0xd6: {  	[sflag:s19] =	ssyncadd.s32 $0xFFFFE000  }
0xd7: {  	_ =	swait.ge [sflag:s19], $0x2000  }
0xd8: {  	[sflag:s19] =	ssyncset.done $0x0  }
0xd9: {  	[sflag:s19] =	ssyncadd.s32 $0xFFFFE000  }
0xda: {  	v35 =	vld.idx.msk [tilespmem:v34+s11+$0x0], $0xffff  }
0xdb: {  	v6 =	vld.idx.msk [tilespmem:v34+s12+$0x0], $0xffff;
	_ =	sdelay $0x2  }
0xdc: {  	v36 =	vor.u32 s31, v1;
	_ =	sdelay $0x1  }
0xdd: {  	[tilespmem:s26+$0x10480] =	vst v35;
	v37 =	vmul.f32 v6, v6  }
0xde: {  	[tilespmem:s26+$0x104C0] =	vst v6  }
0xdf: {  	[tilespmem:s26+$0x10880] =	vst v37  }
0xe0: {  	v6 =	vld.idx.msk [tilespmem:v36+s11+$0x0], $0xffff  }
0xe1: {  	v7 =	vld.idx.msk [tilespmem:v36+s12+$0x0], $0xffff;
	_ =	sdelay $0x2  }
0xe2: {  	v38 =	vor.u32 s31, v2;
	_ =	sdelay $0x1  }
0xe3: {  	[tilespmem:s26+$0x10490] =	vst v6;
	v39 =	vmul.f32 v7, v7  }
0xe4: {  	[tilespmem:s26+$0x104D0] =	vst v7  }
0xe5: {  	[tilespmem:s26+$0x10890] =	vst v39  }
0xe6: {  	v6 =	vld.idx.msk [tilespmem:v38+s11+$0x0], $0xffff  }
0xe7: {  	v7 =	vld.idx.msk [tilespmem:v38+s12+$0x0], $0xffff;
	_ =	sdelay $0x2  }
0xe8: {  	v40 =	vor.u32 s31, v3;
	_ =	sdelay $0x1  }
0xe9: {  	[tilespmem:s26+$0x104A0] =	vst v6;
	v41 =	vmul.f32 v7, v7  }
0xea: {  	[tilespmem:s26+$0x104E0] =	vst v7  }
0xeb: {  	[tilespmem:s26+$0x108A0] =	vst v41  }
0xec: {  	v6 =	vld.idx.msk [tilespmem:v40+s11+$0x0], $0xffff  }
0xed: {  	v7 =	vld.idx.msk [tilespmem:v40+s12+$0x0], $0xffff;
	_ =	sdelay $0x1  }
0xee: {  	s3 =	sand.u32 $0x7F, s29  }
0xef: {  	v42 =	vor.u32 s3, v0;
	_ =	sdelay $0x1  }
0xf0: {  	[tilespmem:s26+$0x104B0] =	vst v6;
	v43 =	vmul.f32 v7, v7  }
0xf1: {  	[tilespmem:s26+$0x104F0] =	vst v7  }
0xf2: {  	[tilespmem:s26+$0x108B0] =	vst v43  }
0xf3: {  	v6 =	vld.idx.msk [tilespmem:v42+s13+$0x0], $0xffff  }
0xf4: {  	v7 =	vld.idx.msk [tilespmem:v42+s14+$0x0], $0xffff;
	_ =	sdelay $0x2  }
0xf5: {  	v44 =	vor.u32 s3, v1;
	_ =	sdelay $0x1  }
0xf6: {  	[tilespmem:s26+$0x10500] =	vst v6;
	v45 =	vmul.f32 v7, v7  }
0xf7: {  	[tilespmem:s26+$0x10540] =	vst v7  }
0xf8: {  	[tilespmem:s26+$0x10900] =	vst v45  }
0xf9: {  	v6 =	vld.idx.msk [tilespmem:v44+s13+$0x0], $0xffff  }
0xfa: {  	v7 =	vld.idx.msk [tilespmem:v44+s14+$0x0], $0xffff;
	_ =	sdelay $0x2  }
0xfb: {  	v46 =	vor.u32 s3, v2;
	_ =	sdelay $0x1  }
0xfc: {  	[tilespmem:s26+$0x10510] =	vst v6;
	v47 =	vmul.f32 v7, v7  }
0xfd: {  	(v2sf) =	vpush v5, $0x8;
	[tilespmem:s26+$0x10550] =	vst v7  }
0xfe: {  	[tilespmem:s26+$0x10910] =	vst v47  }
0xff: {  	v6 =	vld.idx.msk [tilespmem:v46+s13+$0x0], $0xffff  }
0x100: {  	v7 =	vld.idx.msk [tilespmem:v46+s14+$0x0], $0xffff;
	_ =	sdelay $0x2  }
0x101: {  	v48 =	vor.u32 s3, v3;
	(v2sf) =	vpush v5, $0x9;
	_ =	sdelay $0x1  }
0x102: {  	[tilespmem:s26+$0x10520] =	vst v6;
	v49 =	vmul.f32 v7, v7  }
0x103: {  	[tilespmem:s26+$0x10560] =	vst v7  }
0x104: {  	[tilespmem:s26+$0x10920] =	vst v49  }
0x105: {  	v6 =	vld.idx.msk [tilespmem:v48+s13+$0x0], $0xffff  }
0x106: {  	v7 =	vld.idx.msk [tilespmem:v48+s14+$0x0], $0xffff;
	_ =	sdelay $0x2  }
0x107: {  	s31 =	spop (v2sf)  }
0x108: {  	s4 =	sshrl.u32 s31, $0x7  }
0x109: {  	s0 =	smin.u32 s4, $0x1E84;
	[tilespmem:s26+$0x10530] =	vst v6;
	v50 =	vmul.f32 v7, v7  }
0x10a: {  	s0 =	sshll.u32 s0, $0x7;
	[tilespmem:s26+$0x10570] =	vst v7  }
0x10b: {  	s29 =	sadd.s32 s1, s0;
	[tilespmem:s26+$0x10930] =	vst v50  }
0x10c: {  	[tilespmem:s11], [sflag:$0x1] =	stream.strided.gather [hbm4b:s29+s9], $0x2000, s10, s9, $0x38;
	[tilespmem:$0x12280] =	vst v63  }
0x10d: {  	s29 =	spop (v2sf)  }
0x10e: {  	s0 =	sadd.s32 s2, s0;
	s3 =	sshrl.u32 s29, $0x7  }
0x10f: {  	[tilespmem:s12], [sflag:$0x1] =	stream.strided.gather [hbm4b:s0+s9], $0x2000, s10, s9, $0x38;
	[tilespmem:$0x12280] =	vst v63  }
0x110: {  	s0 =	smin.u32 s3, $0x1E84  }
0x111: {  	s0 =	sshll.u32 s0, $0x7  }
0x112: {  	s4 =	sadd.s32 s1, s0  }
0x113: {  	[tilespmem:s13], [sflag:$0x1] =	stream.strided.gather [hbm4b:s4+s9], $0x2000, s10, s9, $0x38;
	[tilespmem:$0x12280] =	vst v63  }
0x114: {  	s0 =	sadd.s32 s2, s0  }
0x115: {  	[tilespmem:s14], [sflag:$0x1] =	stream.strided.gather [hbm4b:s0+s9], $0x2000, s10, s9, $0x38;
	[tilespmem:$0x12280] =	vst v63  }
0x116: {  	_ =	swait.ge [sflag:s20], $0x2000  }
0x117: {  	[sflag:s20] =	ssyncset.done $0x0  }
0x118: {  	[sflag:s20] =	ssyncadd.s32 $0xFFFFE000  }
0x119: {  	_ =	swait.ge [sflag:s20], $0x2000  }
0x11a: {  	[sflag:s20] =	ssyncset.done $0x0  }
0x11b: {  	[sflag:s20] =	ssyncadd.s32 $0xFFFFE000  }
0x11c: {  	s30 =	sand.u32 $0x7F, s30;
	_ =	swait.ge [sflag:s20], $0x2000  }
0x11d: {  	v51 =	vor.u32 s30, v0;
	[sflag:s20] =	ssyncset.done $0x0  }
0x11e: {  	[sflag:s20] =	ssyncadd.s32 $0xFFFFE000  }
0x11f: {  	_ =	swait.ge [sflag:s20], $0x2000  }
0x120: {  	[sflag:s20] =	ssyncset.done $0x0  }
0x121: {  	[sflag:s20] =	ssyncadd.s32 $0xFFFFE000  }
0x122: {  	v52 =	vld.idx.msk [tilespmem:v51+s15+$0x0], $0xffff  }
0x123: {  	v6 =	vld.idx.msk [tilespmem:v51+s16+$0x0], $0xffff;
	_ =	sdelay $0x2  }
0x124: {  	v53 =	vor.u32 s30, v1;
	_ =	sdelay $0x1  }
0x125: {  	[tilespmem:s26+$0x10580] =	vst v52;
	v54 =	vmul.f32 v6, v6  }
0x126: {  	[tilespmem:s26+$0x105C0] =	vst v6  }
0x127: {  	[tilespmem:s26+$0x10980] =	vst v54  }
0x128: {  	v6 =	vld.idx.msk [tilespmem:v53+s15+$0x0], $0xffff  }
0x129: {  	v7 =	vld.idx.msk [tilespmem:v53+s16+$0x0], $0xffff;
	_ =	sdelay $0x2  }
0x12a: {  	v55 =	vor.u32 s30, v2;
	_ =	sdelay $0x1  }
0x12b: {  	[tilespmem:s26+$0x10590] =	vst v6;
	v56 =	vmul.f32 v7, v7  }
0x12c: {  	[tilespmem:s26+$0x105D0] =	vst v7  }
0x12d: {  	[tilespmem:s26+$0x10990] =	vst v56  }
0x12e: {  	v6 =	vld.idx.msk [tilespmem:v55+s15+$0x0], $0xffff  }
0x12f: {  	v7 =	vld.idx.msk [tilespmem:v55+s16+$0x0], $0xffff;
	_ =	sdelay $0x2  }
0x130: {  	v57 =	vor.u32 s30, v3;
	_ =	sdelay $0x1  }
0x131: {  	[tilespmem:s26+$0x105A0] =	vst v6;
	v58 =	vmul.f32 v7, v7  }
0x132: {  	[tilespmem:s26+$0x105E0] =	vst v7  }
0x133: {  	[tilespmem:s26+$0x109A0] =	vst v58  }
0x134: {  	v6 =	vld.idx.msk [tilespmem:v57+s15+$0x0], $0xffff  }
0x135: {  	v7 =	vld.idx.msk [tilespmem:v57+s16+$0x0], $0xffff;
	_ =	sdelay $0x1  }
0x136: {  	s3 =	sand.u32 $0x7F, s28  }
0x137: {  	v59 =	vor.u32 s3, v0;
	_ =	sdelay $0x1  }
0x138: {  	[tilespmem:s26+$0x105B0] =	vst v6;
	v60 =	vmul.f32 v7, v7  }
0x139: {  	[tilespmem:s26+$0x105F0] =	vst v7  }
0x13a: {  	[tilespmem:s26+$0x109B0] =	vst v60  }
0x13b: {  	v6 =	vld.idx.msk [tilespmem:v59+s17+$0x0], $0xffff  }
0x13c: {  	v7 =	vld.idx.msk [tilespmem:v59+s18+$0x0], $0xffff;
	_ =	sdelay $0x2  }
0x13d: {  	v61 =	vor.u32 s3, v1;
	_ =	sdelay $0x1  }
0x13e: {  	[tilespmem:s26+$0x10600] =	vst v6;
	v62 =	vmul.f32 v7, v7  }
0x13f: {  	[tilespmem:s26+$0x10640] =	vst v7  }
0x140: {  	[tilespmem:s26+$0x10A00] =	vst v62  }
0x141: {  	v6 =	vld.idx.msk [tilespmem:v61+s17+$0x0], $0xffff  }
0x142: {  	v7 =	vld.idx.msk [tilespmem:v61+s18+$0x0], $0xffff;
	_ =	sdelay $0x2  }
0x143: {  	v63 =	vor.u32 s3, v2;
	_ =	sdelay $0x1  }
0x144: {  	[tilespmem:s26+$0x10610] =	vst v6;
	v12 =	vmul.f32 v7, v7  }
0x145: {  	(v2sf) =	vpush v5, $0xA;
	[tilespmem:s26+$0x10650] =	vst v7  }
0x146: {  	[tilespmem:s26+$0x10A10] =	vst v12  }
0x147: {  	v6 =	vld.idx.msk [tilespmem:v63+s17+$0x0], $0xffff  }
0x148: {  	v7 =	vld.idx.msk [tilespmem:v63+s18+$0x0], $0xffff;
	_ =	sdelay $0x2  }
0x149: {  	v13 =	vor.u32 s3, v3;
	(v2sf) =	vpush v5, $0xB;
	_ =	sdelay $0x1  }
0x14a: {  	[tilespmem:s26+$0x10620] =	vst v6;
	v14 =	vmul.f32 v7, v7  }
0x14b: {  	[tilespmem:s26+$0x10660] =	vst v7  }
0x14c: {  	[tilespmem:s26+$0x10A20] =	vst v14  }
0x14d: {  	v6 =	vld.idx.msk [tilespmem:v13+s17+$0x0], $0xffff  }
0x14e: {  	v7 =	vld.idx.msk [tilespmem:v13+s18+$0x0], $0xffff;
	_ =	sdelay $0x2  }
0x14f: {  	s30 =	spop (v2sf)  }
0x150: {  	s4 =	sshrl.u32 s30, $0x7  }
0x151: {  	s0 =	smin.u32 s4, $0x1E84;
	[tilespmem:s26+$0x10630] =	vst v6;
	v15 =	vmul.f32 v7, v7  }
0x152: {  	s0 =	sshll.u32 s0, $0x7;
	[tilespmem:s26+$0x10670] =	vst v7  }
0x153: {  	s28 =	sadd.s32 s1, s0;
	[tilespmem:s26+$0x10A30] =	vst v15  }
0x154: {  	[tilespmem:s15], [sflag:$0x2] =	stream.strided.gather [hbm4b:s28+s9], $0x2000, s10, s9, $0x38;
	[tilespmem:$0x12280] =	vst v63  }
0x155: {  	s28 =	spop (v2sf)  }
0x156: {  	s0 =	sadd.s32 s2, s0;
	s3 =	sshrl.u32 s28, $0x7  }
0x157: {  	[tilespmem:s16], [sflag:$0x2] =	stream.strided.gather [hbm4b:s0+s9], $0x2000, s10, s9, $0x38;
	[tilespmem:$0x12280] =	vst v63  }
0x158: {  	s0 =	smin.u32 s3, $0x1E84  }
0x159: {  	s0 =	sshll.u32 s0, $0x7  }
0x15a: {  	s4 =	sadd.s32 s1, s0  }
0x15b: {  	[tilespmem:s17], [sflag:$0x2] =	stream.strided.gather [hbm4b:s4+s9], $0x2000, s10, s9, $0x38;
	[tilespmem:$0x12280] =	vst v63  }
0x15c: {  	s0 =	sadd.s32 s2, s0  }
0x15d: {  	[tilespmem:s18], [sflag:$0x2] =	stream.strided.gather [hbm4b:s0+s9], $0x2000, s10, s9, $0x38;
	[tilespmem:$0x12280] =	vst v63  }
0x15e: {  	_ =	swait.ge [sflag:s19], $0x2000  }
0x15f: {  	[sflag:s19] =	ssyncset.done $0x0  }
0x160: {  	[sflag:s19] =	ssyncadd.s32 $0xFFFFE000  }
0x161: {  	_ =	swait.ge [sflag:s19], $0x2000  }
0x162: {  	[sflag:s19] =	ssyncset.done $0x0  }
0x163: {  	[sflag:s19] =	ssyncadd.s32 $0xFFFFE000  }
0x164: {  	s31 =	sand.u32 $0x7F, s31;
	_ =	swait.ge [sflag:s19], $0x2000  }
0x165: {  	v16 =	vor.u32 s31, v0;
	[sflag:s19] =	ssyncset.done $0x0  }
0x166: {  	[sflag:s19] =	ssyncadd.s32 $0xFFFFE000  }
0x167: {  	_ =	swait.ge [sflag:s19], $0x2000  }
0x168: {  	[sflag:s19] =	ssyncset.done $0x0  }
0x169: {  	[sflag:s19] =	ssyncadd.s32 $0xFFFFE000  }
0x16a: {  	v17 =	vld.idx.msk [tilespmem:v16+s11+$0x0], $0xffff  }
0x16b: {  	v6 =	vld.idx.msk [tilespmem:v16+s12+$0x0], $0xffff;
	_ =	sdelay $0x2  }
0x16c: {  	v18 =	vor.u32 s31, v1;
	_ =	sdelay $0x1  }
0x16d: {  	[tilespmem:s26+$0x10A80] =	vst v17;
	v19 =	vmul.f32 v6, v6  }
0x16e: {  	[tilespmem:s26+$0x10AC0] =	vst v6  }
0x16f: {  	[tilespmem:s26+$0x10E80] =	vst v19  }
0x170: {  	v6 =	vld.idx.msk [tilespmem:v18+s11+$0x0], $0xffff  }
0x171: {  	v7 =	vld.idx.msk [tilespmem:v18+s12+$0x0], $0xffff;
	_ =	sdelay $0x2  }
0x172: {  	v20 =	vor.u32 s31, v2;
	_ =	sdelay $0x1  }
0x173: {  	[tilespmem:s26+$0x10A90] =	vst v6;
	v21 =	vmul.f32 v7, v7  }
0x174: {  	[tilespmem:s26+$0x10AD0] =	vst v7  }
0x175: {  	[tilespmem:s26+$0x10E90] =	vst v21  }
0x176: {  	v6 =	vld.idx.msk [tilespmem:v20+s11+$0x0], $0xffff  }
0x177: {  	v7 =	vld.idx.msk [tilespmem:v20+s12+$0x0], $0xffff;
	_ =	sdelay $0x2  }
0x178: {  	v22 =	vor.u32 s31, v3;
	_ =	sdelay $0x1  }
0x179: {  	[tilespmem:s26+$0x10AA0] =	vst v6;
	v23 =	vmul.f32 v7, v7  }
0x17a: {  	[tilespmem:s26+$0x10AE0] =	vst v7  }
0x17b: {  	[tilespmem:s26+$0x10EA0] =	vst v23  }
0x17c: {  	v6 =	vld.idx.msk [tilespmem:v22+s11+$0x0], $0xffff  }
0x17d: {  	v7 =	vld.idx.msk [tilespmem:v22+s12+$0x0], $0xffff;
	_ =	sdelay $0x1  }
0x17e: {  	s3 =	sand.u32 $0x7F, s29  }
0x17f: {  	v24 =	vor.u32 s3, v0;
	_ =	sdelay $0x1  }
0x180: {  	[tilespmem:s26+$0x10AB0] =	vst v6;
	v25 =	vmul.f32 v7, v7  }
0x181: {  	[tilespmem:s26+$0x10AF0] =	vst v7  }
0x182: {  	[tilespmem:s26+$0x10EB0] =	vst v25  }
0x183: {  	v6 =	vld.idx.msk [tilespmem:v24+s13+$0x0], $0xffff  }
0x184: {  	v7 =	vld.idx.msk [tilespmem:v24+s14+$0x0], $0xffff;
	_ =	sdelay $0x2  }
0x185: {  	v26 =	vor.u32 s3, v1;
	_ =	sdelay $0x1  }
0x186: {  	[tilespmem:s26+$0x10B00] =	vst v6;
	v27 =	vmul.f32 v7, v7  }
0x187: {  	[tilespmem:s26+$0x10B40] =	vst v7  }
0x188: {  	[tilespmem:s26+$0x10F00] =	vst v27  }
0x189: {  	v6 =	vld.idx.msk [tilespmem:v26+s13+$0x0], $0xffff  }
0x18a: {  	v7 =	vld.idx.msk [tilespmem:v26+s14+$0x0], $0xffff;
	_ =	sdelay $0x2  }
0x18b: {  	v28 =	vor.u32 s3, v2;
	_ =	sdelay $0x1  }
0x18c: {  	[tilespmem:s26+$0x10B10] =	vst v6;
	v29 =	vmul.f32 v7, v7  }
0x18d: {  	(v2sf) =	vpush v5, $0xC;
	[tilespmem:s26+$0x10B50] =	vst v7  }
0x18e: {  	[tilespmem:s26+$0x10F10] =	vst v29  }
0x18f: {  	v6 =	vld.idx.msk [tilespmem:v28+s13+$0x0], $0xffff  }
0x190: {  	v7 =	vld.idx.msk [tilespmem:v28+s14+$0x0], $0xffff;
	_ =	sdelay $0x2  }
0x191: {  	v30 =	vor.u32 s3, v3;
	(v2sf) =	vpush v5, $0xD;
	_ =	sdelay $0x1  }
0x192: {  	[tilespmem:s26+$0x10B20] =	vst v6;
	v31 =	vmul.f32 v7, v7  }
0x193: {  	[tilespmem:s26+$0x10B60] =	vst v7  }
0x194: {  	[tilespmem:s26+$0x10F20] =	vst v31  }
0x195: {  	v6 =	vld.idx.msk [tilespmem:v30+s13+$0x0], $0xffff  }
0x196: {  	v7 =	vld.idx.msk [tilespmem:v30+s14+$0x0], $0xffff;
	_ =	sdelay $0x2  }
0x197: {  	s31 =	spop (v2sf)  }
0x198: {  	s4 =	sshrl.u32 s31, $0x7  }
0x199: {  	s0 =	smin.u32 s4, $0x1E84;
	[tilespmem:s26+$0x10B30] =	vst v6;
	v32 =	vmul.f32 v7, v7  }
0x19a: {  	s0 =	sshll.u32 s0, $0x7;
	[tilespmem:s26+$0x10B70] =	vst v7  }
0x19b: {  	s29 =	sadd.s32 s1, s0;
	[tilespmem:s26+$0x10F30] =	vst v32  }
0x19c: {  	[tilespmem:s11], [sflag:$0x1] =	stream.strided.gather [hbm4b:s29+s9], $0x2000, s10, s9, $0x38;
	[tilespmem:$0x12280] =	vst v63  }
0x19d: {  	s29 =	spop (v2sf)  }
0x19e: {  	s0 =	sadd.s32 s2, s0;
	s3 =	sshrl.u32 s29, $0x7  }
0x19f: {  	[tilespmem:s12], [sflag:$0x1] =	stream.strided.gather [hbm4b:s0+s9], $0x2000, s10, s9, $0x38;
	[tilespmem:$0x12280] =	vst v63  }
0x1a0: {  	s0 =	smin.u32 s3, $0x1E84  }
0x1a1: {  	s0 =	sshll.u32 s0, $0x7  }
0x1a2: {  	s4 =	sadd.s32 s1, s0  }
0x1a3: {  	[tilespmem:s13], [sflag:$0x1] =	stream.strided.gather [hbm4b:s4+s9], $0x2000, s10, s9, $0x38;
	[tilespmem:$0x12280] =	vst v63  }
0x1a4: {  	s0 =	sadd.s32 s2, s0  }
0x1a5: {  	[tilespmem:s14], [sflag:$0x1] =	stream.strided.gather [hbm4b:s0+s9], $0x2000, s10, s9, $0x38;
	[tilespmem:$0x12280] =	vst v63  }
0x1a6: {  	_ =	swait.ge [sflag:s20], $0x2000  }
0x1a7: {  	[sflag:s20] =	ssyncset.done $0x0  }
0x1a8: {  	[sflag:s20] =	ssyncadd.s32 $0xFFFFE000  }
0x1a9: {  	_ =	swait.ge [sflag:s20], $0x2000  }
0x1aa: {  	[sflag:s20] =	ssyncset.done $0x0  }
0x1ab: {  	[sflag:s20] =	ssyncadd.s32 $0xFFFFE000  }
0x1ac: {  	s30 =	sand.u32 $0x7F, s30;
	_ =	swait.ge [sflag:s20], $0x2000  }
0x1ad: {  	v33 =	vor.u32 s30, v0;
	[sflag:s20] =	ssyncset.done $0x0  }
0x1ae: {  	[sflag:s20] =	ssyncadd.s32 $0xFFFFE000  }
0x1af: {  	_ =	swait.ge [sflag:s20], $0x2000  }
0x1b0: {  	[sflag:s20] =	ssyncset.done $0x0  }
0x1b1: {  	[sflag:s20] =	ssyncadd.s32 $0xFFFFE000  }
0x1b2: {  	v34 =	vld.idx.msk [tilespmem:v33+s15+$0x0], $0xffff  }
0x1b3: {  	v6 =	vld.idx.msk [tilespmem:v33+s16+$0x0], $0xffff;
	_ =	sdelay $0x2  }
0x1b4: {  	v35 =	vor.u32 s30, v1;
	_ =	sdelay $0x1  }
0x1b5: {  	[tilespmem:s26+$0x10B80] =	vst v34;
	v36 =	vmul.f32 v6, v6  }
0x1b6: {  	[tilespmem:s26+$0x10BC0] =	vst v6  }
0x1b7: {  	[tilespmem:s26+$0x10F80] =	vst v36  }
0x1b8: {  	v6 =	vld.idx.msk [tilespmem:v35+s15+$0x0], $0xffff  }
0x1b9: {  	v7 =	vld.idx.msk [tilespmem:v35+s16+$0x0], $0xffff;
	_ =	sdelay $0x2  }
0x1ba: {  	v37 =	vor.u32 s30, v2;
	_ =	sdelay $0x1  }
0x1bb: {  	[tilespmem:s26+$0x10B90] =	vst v6;
	v38 =	vmul.f32 v7, v7  }
0x1bc: {  	[tilespmem:s26+$0x10BD0] =	vst v7  }
0x1bd: {  	[tilespmem:s26+$0x10F90] =	vst v38  }
0x1be: {  	v6 =	vld.idx.msk [tilespmem:v37+s15+$0x0], $0xffff  }
0x1bf: {  	v7 =	vld.idx.msk [tilespmem:v37+s16+$0x0], $0xffff;
	_ =	sdelay $0x2  }
0x1c0: {  	v39 =	vor.u32 s30, v3;
	_ =	sdelay $0x1  }
0x1c1: {  	[tilespmem:s26+$0x10BA0] =	vst v6;
	v40 =	vmul.f32 v7, v7  }
0x1c2: {  	[tilespmem:s26+$0x10BE0] =	vst v7  }
0x1c3: {  	[tilespmem:s26+$0x10FA0] =	vst v40  }
0x1c4: {  	v6 =	vld.idx.msk [tilespmem:v39+s15+$0x0], $0xffff  }
0x1c5: {  	v7 =	vld.idx.msk [tilespmem:v39+s16+$0x0], $0xffff;
	_ =	sdelay $0x1  }
0x1c6: {  	s3 =	sand.u32 $0x7F, s28  }
0x1c7: {  	v41 =	vor.u32 s3, v0;
	_ =	sdelay $0x1  }
0x1c8: {  	[tilespmem:s26+$0x10BB0] =	vst v6;
	v42 =	vmul.f32 v7, v7  }
0x1c9: {  	[tilespmem:s26+$0x10BF0] =	vst v7  }
0x1ca: {  	[tilespmem:s26+$0x10FB0] =	vst v42  }
0x1cb: {  	v6 =	vld.idx.msk [tilespmem:v41+s17+$0x0], $0xffff  }
0x1cc: {  	v7 =	vld.idx.msk [tilespmem:v41+s18+$0x0], $0xffff;
	_ =	sdelay $0x2  }
0x1cd: {  	v43 =	vor.u32 s3, v1;
	_ =	sdelay $0x1  }
0x1ce: {  	[tilespmem:s26+$0x10C00] =	vst v6;
	v44 =	vmul.f32 v7, v7  }
0x1cf: {  	[tilespmem:s26+$0x10C40] =	vst v7  }
0x1d0: {  	[tilespmem:s26+$0x11000] =	vst v44  }
0x1d1: {  	v6 =	vld.idx.msk [tilespmem:v43+s17+$0x0], $0xffff  }
0x1d2: {  	v7 =	vld.idx.msk [tilespmem:v43+s18+$0x0], $0xffff;
	_ =	sdelay $0x2  }
0x1d3: {  	v45 =	vor.u32 s3, v2;
	_ =	sdelay $0x1  }
0x1d4: {  	[tilespmem:s26+$0x10C10] =	vst v6;
	v46 =	vmul.f32 v7, v7  }
0x1d5: {  	(v2sf) =	vpush v5, $0xE;
	[tilespmem:s26+$0x10C50] =	vst v7  }
0x1d6: {  	[tilespmem:s26+$0x11010] =	vst v46  }
0x1d7: {  	v6 =	vld.idx.msk [tilespmem:v45+s17+$0x0], $0xffff  }
0x1d8: {  	v7 =	vld.idx.msk [tilespmem:v45+s18+$0x0], $0xffff;
	_ =	sdelay $0x2  }
0x1d9: {  	v47 =	vor.u32 s3, v3;
	(v2sf) =	vpush v5, $0xF;
	_ =	sdelay $0x1  }
0x1da: {  	[tilespmem:s26+$0x10C20] =	vst v6;
	v5 =	vmul.f32 v7, v7  }
0x1db: {  	[tilespmem:s26+$0x10C60] =	vst v7  }
0x1dc: {  	[tilespmem:s26+$0x11020] =	vst v5  }
0x1dd: {  	v5 =	vld.idx.msk [tilespmem:v47+s17+$0x0], $0xffff  }
0x1de: {  	v6 =	vld.idx.msk [tilespmem:v47+s18+$0x0], $0xffff;
	_ =	sdelay $0x2  }
0x1df: {  	s30 =	spop (v2sf)  }
0x1e0: {  	s4 =	sshrl.u32 s30, $0x7  }
0x1e1: {  	s0 =	smin.u32 s4, $0x1E84;
	[tilespmem:s26+$0x10C30] =	vst v5;
	v5 =	vmul.f32 v6, v6  }
0x1e2: {  	s0 =	sshll.u32 s0, $0x7;
	[tilespmem:s26+$0x10C70] =	vst v6  }
0x1e3: {  	s28 =	sadd.s32 s1, s0;
	[tilespmem:s26+$0x11030] =	vst v5  }
0x1e4: {  	[tilespmem:s15], [sflag:$0x2] =	stream.strided.gather [hbm4b:s28+s9], $0x2000, s10, s9, $0x38;
	[tilespmem:$0x12280] =	vst v63  }
0x1e5: {  	s28 =	spop (v2sf)  }
0x1e6: {  	s0 =	sadd.s32 s2, s0;
	s3 =	sshrl.u32 s28, $0x7  }
0x1e7: {  	[tilespmem:s16], [sflag:$0x2] =	stream.strided.gather [hbm4b:s0+s9], $0x2000, s10, s9, $0x38;
	[tilespmem:$0x12280] =	vst v63  }
0x1e8: {  	s0 =	smin.u32 s3, $0x1E84  }
0x1e9: {  	s0 =	sshll.u32 s0, $0x7  }
0x1ea: {  	s4 =	sadd.s32 s1, s0  }
0x1eb: {  	[tilespmem:s17], [sflag:$0x2] =	stream.strided.gather [hbm4b:s4+s9], $0x2000, s10, s9, $0x38;
	[tilespmem:$0x12280] =	vst v63  }
0x1ec: {  	s0 =	sadd.s32 s2, s0  }
0x1ed: {  	[tilespmem:s18], [sflag:$0x2] =	stream.strided.gather [hbm4b:s0+s9], $0x2000, s10, s9, $0x38;
	[tilespmem:$0x12280] =	vst v63  }
0x1ee: {  	_ =	swait.ge [sflag:s19], $0x2000  }
0x1ef: {  	[sflag:s19] =	ssyncset.done $0x0  }
0x1f0: {  	[sflag:s19] =	ssyncadd.s32 $0xFFFFE000  }
0x1f1: {  	_ =	swait.ge [sflag:s19], $0x2000  }
0x1f2: {  	[sflag:s19] =	ssyncset.done $0x0  }
0x1f3: {  	[sflag:s19] =	ssyncadd.s32 $0xFFFFE000  }
0x1f4: {  	s4 =	sand.u32 $0x7F, s31;
	_ =	swait.ge [sflag:s19], $0x2000  }
0x1f5: {  	v5 =	vor.u32 s4, v0;
	[sflag:s19] =	ssyncset.done $0x0  }
0x1f6: {  	[sflag:s19] =	ssyncadd.s32 $0xFFFFE000  }
0x1f7: {  	_ =	swait.ge [sflag:s19], $0x2000  }
0x1f8: {  	[sflag:s19] =	ssyncset.done $0x0  }
0x1f9: {  	[sflag:s19] =	ssyncadd.s32 $0xFFFFE000  }
0x1fa: {  	v48 =	vld.idx.msk [tilespmem:v5+s11+$0x0], $0xffff  }
0x1fb: {  	v5 =	vld.idx.msk [tilespmem:v5+s12+$0x0], $0xffff;
	_ =	sdelay $0x2  }
0x1fc: {  	v49 =	vor.u32 s4, v1;
	_ =	sdelay $0x1  }
0x1fd: {  	[tilespmem:s26+$0x10C80] =	vst v48;
	v50 =	vmul.f32 v5, v5  }
0x1fe: {  	[tilespmem:s26+$0x10CC0] =	vst v5  }
0x1ff: {  	[tilespmem:s26+$0x11080] =	vst v50  }
0x200: {  	v5 =	vld.idx.msk [tilespmem:v49+s11+$0x0], $0xffff  }
0x201: {  	v6 =	vld.idx.msk [tilespmem:v49+s12+$0x0], $0xffff;
	_ =	sdelay $0x2  }
0x202: {  	v51 =	vor.u32 s4, v2;
	_ =	sdelay $0x1  }
0x203: {  	[tilespmem:s26+$0x10C90] =	vst v5;
	v5 =	vmul.f32 v6, v6  }
0x204: {  	[tilespmem:s26+$0x10CD0] =	vst v6  }
0x205: {  	[tilespmem:s26+$0x11090] =	vst v5  }
0x206: {  	v5 =	vld.idx.msk [tilespmem:v51+s11+$0x0], $0xffff  }
0x207: {  	v6 =	vld.idx.msk [tilespmem:v51+s12+$0x0], $0xffff;
	_ =	sdelay $0x2  }
0x208: {  	v52 =	vor.u32 s4, v3;
	_ =	sdelay $0x1  }
0x209: {  	[tilespmem:s26+$0x10CA0] =	vst v5;
	v5 =	vmul.f32 v6, v6  }
0x20a: {  	[tilespmem:s26+$0x10CE0] =	vst v6  }
0x20b: {  	[tilespmem:s26+$0x110A0] =	vst v5  }
0x20c: {  	v5 =	vld.idx.msk [tilespmem:v52+s11+$0x0], $0xffff  }
0x20d: {  	v6 =	vld.idx.msk [tilespmem:v52+s12+$0x0], $0xffff;
	_ =	sdelay $0x1  }
0x20e: {  	s29 =	sand.u32 $0x7F, s29  }
0x20f: {  	v53 =	vor.u32 s29, v0;
	_ =	sdelay $0x1  }
0x210: {  	[tilespmem:s26+$0x10CB0] =	vst v5;
	v5 =	vmul.f32 v6, v6  }
0x211: {  	[tilespmem:s26+$0x10CF0] =	vst v6  }
0x212: {  	[tilespmem:s26+$0x110B0] =	vst v5  }
0x213: {  	v5 =	vld.idx.msk [tilespmem:v53+s13+$0x0], $0xffff  }
0x214: {  	v6 =	vld.idx.msk [tilespmem:v53+s14+$0x0], $0xffff;
	_ =	sdelay $0x2  }
0x215: {  	v54 =	vor.u32 s29, v1;
	_ =	sdelay $0x1  }
0x216: {  	[tilespmem:s26+$0x10D00] =	vst v5;
	v5 =	vmul.f32 v6, v6  }
0x217: {  	[tilespmem:s26+$0x10D40] =	vst v6  }
0x218: {  	[tilespmem:s26+$0x11100] =	vst v5  }
0x219: {  	v5 =	vld.idx.msk [tilespmem:v54+s13+$0x0], $0xffff  }
0x21a: {  	v6 =	vld.idx.msk [tilespmem:v54+s14+$0x0], $0xffff;
	_ =	sdelay $0x2  }
0x21b: {  	v55 =	vor.u32 s29, v2;
	_ =	sdelay $0x1  }
0x21c: {  	p0 =	seq.s32 s24, $0x1F;
	[tilespmem:s26+$0x10D10] =	vst v5;
	v5 =	vmul.f32 v6, v6  }
0x21d: {  	v4 =	vshrl.u32 @!p0 v4, $0x7;
	[tilespmem:s26+$0x10D50] =	vst v6  }
0x21e: {  	(v2sf) =	vpush @!p0 v4, $0x0;
	[tilespmem:s26+$0x11110] =	vst v5  }
0x21f: {  	v5 =	vld.idx.msk [tilespmem:v55+s13+$0x0], $0xffff  }
0x220: {  	v6 =	vld.idx.msk [tilespmem:v55+s14+$0x0], $0xffff;
	_ =	sdelay $0x2  }
0x221: {  	v56 =	vor.u32 s29, v3;
	_ =	sdelay $0x1  }
0x222: {  	(v2sf) =	vpush @!p0 v4, $0x1;
	[tilespmem:s26+$0x10D20] =	vst v5;
	v5 =	vmul.f32 v6, v6  }
0x223: {  	[tilespmem:s26+$0x10D60] =	vst v6  }
0x224: {  	[tilespmem:s26+$0x11120] =	vst v5  }
0x225: {  	v4 =	vld.idx.msk [tilespmem:v56+s13+$0x0], $0xffff  }
0x226: {  	v5 =	vld.idx.msk [tilespmem:v56+s14+$0x0], $0xffff;
	_ =	sdelay $0x3  }
0x227: {  	s0 =	spop @!p0 (v2sf)  }
0x228: {  	s0 =	smin.u32 @!p0 s0, $0x1E84;
	[tilespmem:s26+$0x10D30] =	vst v4;
	v4 =	vmul.f32 v5, v5  }
0x229: {  	s29 =	simm.s32 @!p0 $0x400;
	s0 =	sshll.u32 @!p0 s0, $0x7;
	[tilespmem:s26+$0x10D70] =	vst v5  }
0x22a: {  	s31 =	simm.s32 @!p0 $0x7A1400;
	s4 =	simm.s32 @!p0 $0x280;
	s3 =	sadd.s32 @!p0 s1, s0;
	[tilespmem:s26+$0x11130] =	vst v4  }
0x22b: {  	[tilespmem:s4], [sflag:$0x1] =	stream.strided.gather @!p0 [hbm4b:s3+s29], $0x2000, s31, s29, $0x38;
	[tilespmem:$0x12280] =	vst v63  }
0x22c: {  	s0 =	sadd.s32 @!p0 s2, s0;
	s3 =	simm.s32 @!p0 $0x8280  }
0x22d: {  	[tilespmem:s3], [sflag:$0x1] =	stream.strided.gather @!p0 [hbm4b:s0+s29], $0x2000, s31, s29, $0x38;
	[tilespmem:$0x12280] =	vst v63  }
0x22e: {  	s0 =	spop @!p0 (v2sf)  }
0x22f: {  	s0 =	smin.u32 @!p0 s0, $0x1E84  }
0x230: {  	s0 =	sshll.u32 @!p0 s0, $0x7  }
0x231: {  	s4 =	simm.s32 @!p0 $0x2280;
	s3 =	sadd.s32 @!p0 s1, s0  }
0x232: {  	[tilespmem:s4], [sflag:$0x1] =	stream.strided.gather @!p0 [hbm4b:s3+s29], $0x2000, s31, s29, $0x38;
	[tilespmem:$0x12280] =	vst v63  }
0x233: {  	s0 =	sadd.s32 @!p0 s2, s0;
	s3 =	simm.s32 @!p0 $0xA280  }
0x234: {  	[tilespmem:s3], [sflag:$0x1] =	stream.strided.gather @!p0 [hbm4b:s0+s29], $0x2000, s31, s29, $0x38;
	[tilespmem:$0x12280] =	vst v63  }
0x235: {  	_ =	swait.ge [sflag:s20], $0x2000  }
0x236: {  	[sflag:s20] =	ssyncset.done $0x0  }
0x237: {  	[sflag:s20] =	ssyncadd.s32 $0xFFFFE000  }
0x238: {  	_ =	swait.ge [sflag:s20], $0x2000  }
0x239: {  	[sflag:s20] =	ssyncset.done $0x0  }
0x23a: {  	[sflag:s20] =	ssyncadd.s32 $0xFFFFE000  }
0x23b: {  	s30 =	sand.u32 $0x7F, s30;
	_ =	swait.ge [sflag:s20], $0x2000  }
0x23c: {  	v4 =	vor.u32 s30, v0;
	[sflag:s20] =	ssyncset.done $0x0  }
0x23d: {  	[sflag:s20] =	ssyncadd.s32 $0xFFFFE000  }
0x23e: {  	_ =	swait.ge [sflag:s20], $0x2000  }
0x23f: {  	[sflag:s20] =	ssyncset.done $0x0  }
0x240: {  	[sflag:s20] =	ssyncadd.s32 $0xFFFFE000  }
0x241: {  	v5 =	vld.idx.msk [tilespmem:v4+s15+$0x0], $0xffff  }
0x242: {  	v4 =	vld.idx.msk [tilespmem:v4+s16+$0x0], $0xffff;
	_ =	sdelay $0x2  }
0x243: {  	v57 =	vor.u32 s30, v1;
	_ =	sdelay $0x1  }
0x244: {  	[tilespmem:s26+$0x10D80] =	vst v5;
	v5 =	vmul.f32 v4, v4  }
0x245: {  	[tilespmem:s26+$0x10DC0] =	vst v4  }
0x246: {  	[tilespmem:s26+$0x11180] =	vst v5  }
0x247: {  	v4 =	vld.idx.msk [tilespmem:v57+s15+$0x0], $0xffff  }
0x248: {  	v5 =	vld.idx.msk [tilespmem:v57+s16+$0x0], $0xffff;
	_ =	sdelay $0x2  }
0x249: {  	v58 =	vor.u32 s30, v2;
	_ =	sdelay $0x1  }
0x24a: {  	[tilespmem:s26+$0x10D90] =	vst v4;
	v4 =	vmul.f32 v5, v5  }
0x24b: {  	[tilespmem:s26+$0x10DD0] =	vst v5  }
0x24c: {  	[tilespmem:s26+$0x11190] =	vst v4  }
0x24d: {  	v4 =	vld.idx.msk [tilespmem:v58+s15+$0x0], $0xffff  }
0x24e: {  	v5 =	vld.idx.msk [tilespmem:v58+s16+$0x0], $0xffff;
	_ =	sdelay $0x2  }
0x24f: {  	v59 =	vor.u32 s30, v3;
	_ =	sdelay $0x1  }
0x250: {  	[tilespmem:s26+$0x10DA0] =	vst v4;
	v4 =	vmul.f32 v5, v5  }
0x251: {  	[tilespmem:s26+$0x10DE0] =	vst v5  }
0x252: {  	[tilespmem:s26+$0x111A0] =	vst v4  }
0x253: {  	v4 =	vld.idx.msk [tilespmem:v59+s15+$0x0], $0xffff  }
0x254: {  	v5 =	vld.idx.msk [tilespmem:v59+s16+$0x0], $0xffff;
	_ =	sdelay $0x1  }
0x255: {  	s31 =	sand.u32 $0x7F, s28  }
0x256: {  	v60 =	vor.u32 s31, v0;
	_ =	sdelay $0x1  }
0x257: {  	[tilespmem:s26+$0x10DB0] =	vst v4;
	v4 =	vmul.f32 v5, v5  }
0x258: {  	[tilespmem:s26+$0x10DF0] =	vst v5  }
0x259: {  	[tilespmem:s26+$0x111B0] =	vst v4  }
0x25a: {  	v4 =	vld.idx.msk [tilespmem:v60+s17+$0x0], $0xffff  }
0x25b: {  	v5 =	vld.idx.msk [tilespmem:v60+s18+$0x0], $0xffff;
	_ =	sdelay $0x2  }
0x25c: {  	v61 =	vor.u32 s31, v1;
	_ =	sdelay $0x1  }
0x25d: {  	[tilespmem:s26+$0x10E00] =	vst v4;
	v4 =	vmul.f32 v5, v5  }
0x25e: {  	[tilespmem:s26+$0x10E40] =	vst v5  }
0x25f: {  	[tilespmem:s26+$0x11200] =	vst v4  }
0x260: {  	v4 =	vld.idx.msk [tilespmem:v61+s17+$0x0], $0xffff  }
0x261: {  	v5 =	vld.idx.msk [tilespmem:v61+s18+$0x0], $0xffff;
	_ =	sdelay $0x2  }
0x262: {  	v62 =	vor.u32 s31, v2;
	_ =	sdelay $0x1  }
0x263: {  	[tilespmem:s26+$0x10E10] =	vst v4;
	v4 =	vmul.f32 v5, v5  }
0x264: {  	[tilespmem:s26+$0x10E50] =	vst v5  }
0x265: {  	[tilespmem:s26+$0x11210] =	vst v4  }
0x266: {  	v4 =	vld.idx.msk [tilespmem:v62+s17+$0x0], $0xffff  }
0x267: {  	v5 =	vld.idx.msk [tilespmem:v62+s18+$0x0], $0xffff;
	_ =	sdelay $0x2  }
0x268: {  	v63 =	vor.u32 s31, v3;
	_ =	sdelay $0x1  }
0x269: {  	[tilespmem:s26+$0x10E20] =	vst v4;
	v4 =	vmul.f32 v5, v5  }
0x26a: {  	[tilespmem:s26+$0x10E60] =	vst v5  }
0x26b: {  	[tilespmem:s26+$0x11220] =	vst v4  }
0x26c: {  	v4 =	vld.idx.msk [tilespmem:v63+s17+$0x0], $0xffff  }
0x26d: {  	v5 =	vld.idx.msk [tilespmem:v63+s18+$0x0], $0xffff;
	_ =	sdelay $0x4  }
0x26e: {  	[tilespmem:s26+$0x10E30] =	vst v4;
	v4 =	vmul.f32 v5, v5  }
0x26f: {  	s24 =	sadd.s32 $0x1, s24;
	p0 =	seq.s32 s25, $0x0;
	[tilespmem:s26+$0x10E70] =	vst v5  }
0x270: {  	p1 =	sne.s32 s24, $0x20;
	s0 =	simm.s32 @!p0 $0x0;
	s3 =	simm.s32 @!p0 $0x10280;
	[tilespmem:s26+$0x11230] =	vst v4  }
0x271: {  	[hbm4b:s23+s0] =	stream.linear.scatter @!p0 [tilespmem:s3], [sflag:$0x3], $0x2000, $0x38;
	[tilespmem:$0x12280] =	vst v63  }
.Ltmp0:
0x272: {  	_ = 	snop;
	(pc) =	sbr.rel @p1 .LBB2_2-.Ltmp0, $4  }
0x273: {  	s0 =	simm.s32 @!p0 $0x3  }
0x274: {  	_ =	swait.ge @!p0 [sflag:s0], $0x2000  }
0x275: {  	[sflag:s0] =	ssyncset.done @!p0 $0x0  }
0x276: {  	s22 =	sadd.s32 $0x10, s22;
	s23 =	sadd.s32 $0x200, s23;
	[sflag:s0] =	ssyncadd.s32 @!p0 $0xFFFFE000  }
0x277: {  	s21 =	sadd.s32 $0x1, s21  }
0x278: {  	p0 =	sne.s32 s21, s6  }
.Ltmp1:
0x279: {  	_ = 	snop;
	(pc) =	sbr.rel @p0 .LBB2_1-.Ltmp1, $1  }
0x27a: {  	_ =	sdelay $0x3  }
0x27b: {  	_ =	sfence.sel $0x180000  }
0x27c: {  	[bflag:$0x0] =	sbarrier.arrive $0xFFFF  }
0x27d: {  	_ =	strace $0x90000047  }
0x27e: {  	s0 =	stileid.u32;
	[bflag:$0x2] =	sbarrier.arrive $0xFFFF  }
0x27f: {  	p0 =	sne.s32 s0, $0x0;
	s0 =	rddreg [dreg:$0x4]  }
0x280: {  	s0 =	sadd.s32 @!p0 $0x100000, s0  }
0x281: {  	[sflag:s0] =	ssyncadd.tile.s32 @!p0 $0x1;
	_ =	shalt  }
.Lfunc_end2:
_tile_overlayer_lowered:
.L_overlay_start_2:
0x282: {  	(tag) =	ssettag $0x2  }
0x283: {  	s0 =	rddreg [dreg:$0x0];
	s2 =	stileid.u32  }
0x284: {  	s1 =	rddreg [dreg:$0x1];
	p0 =	sne.s32 s2, $0x0  }
0x285: {  	s3 =	rddreg [dreg:$0x2];
	[bflag:$0x3] =	sbarrier.arrive $0xFFFF;
	s2 =	simm.s32 @!p0 $0x1C04  }
0x286: {  	[timem:s3], [sflag:s2] =	dma.local @!p0 [hbm:s0], s1  }
0x287: {  	s0 =	simm.s32 @!p0 $0x4  }
0x288: {  	_ =	swait.ge @!p0 [sflag:s0], s1  }
0x289: {  	s1 =	ssub.s32 @!p0 $0x0, s1;
	[sflag:s0] =	ssyncset.done @!p0 $0x0  }
0x28a: {  	[sflag:s0] =	ssyncadd.s32 @!p0 s1  }
0x28b: {  	[bflag:$0x3] =	sbarrier.arrive $0xFFFF  }
0x28c: {  	_ =	shalt  }

</sc_bundles>
